<compile_context>
chip_gen: v7x
topology: tpu7x:2x2x1
jax: 0.10.2.dev20260603
libtpu: 0.0.44.dev20260713+nightly
codegen_flags: <defaults>
</compile_context>

<pallas_src>
import functools

import jax
import jax.numpy as jnp
from jax import lax
from jax.experimental import pallas as pl
from jax.experimental.pallas import tpu as pltpu
from jax.experimental.pallas import tpu_sc as plsc

N = 10000
E = 320000
D = 128
NC, NS = 2, 16
NW = NC * NS
K = 125
ROWS_PER_TILE = E // K // NW
GROUP = 16
NPAD = 10240
NODES_PER_TILE = NPAD // NS

_mesh = plsc.VectorSubcoreMesh(core_axis_name="c", subcore_axis_name="s")


def _deg_body(edges_hbm, out_hbm, idxv, degloc, tmp, sums, stage):
    c = lax.axis_index("c")
    s = lax.axis_index("s")
    wid = c * NS + s
    pltpu.sync_copy(
        edges_hbm.at[pl.ds(E // K + wid * ROWS_PER_TILE, ROWS_PER_TILE)],
        idxv)

    def zero16(i, carry):
        degloc[pl.ds(i * 16, 16)] = jnp.zeros((16,), jnp.float32)
        return carry

    lax.fori_loop(0, NPAD // 16, zero16, None)

    ones = jnp.ones((16,), jnp.float32)
    tail_mask = lax.iota(jnp.int32, 16) >= jnp.full((16,), (16 - K % 16) % 16,
                                                    jnp.int32)

    def count_row(r, carry):
        for g in range(pl.cdiv(K, 16)):
            last = g == pl.cdiv(K, 16) - 1 and K % 16 != 0
            off = K - 16 if last else g * 16
            vals = idxv[r, pl.ds(off, 16)]
            plsc.addupdate_scatter(degloc, [vals], ones,
                                   mask=tail_mask if last else None)
        return carry

    lax.fori_loop(0, ROWS_PER_TILE, count_row, None)

    pltpu.sync_copy(degloc, stage.at[s])
    plsc.subcore_barrier()
    n0 = s * NODES_PER_TILE
    pltpu.sync_copy(stage.at[:, pl.ds(n0, NODES_PER_TILE)], tmp)

    def sumcol(i, carry):
        acc = tmp[0, pl.ds(i * 16, 16)]
        for w in range(1, NS):
            acc = acc + tmp[w, pl.ds(i * 16, 16)]
        sums[pl.ds(i * 16, 16)] = acc
        return carry

    lax.fori_loop(0, NODES_PER_TILE // 16, sumcol, None)
    pltpu.sync_copy(sums, out_hbm.at[pl.ds(c * NPAD + n0, NODES_PER_TILE)])


def _msg_body(h_hbm, edges_hbm, out_hbm,
              idx_s, idx_d, buf0, buf1, acc, sem0, sem1):
    c = lax.axis_index("c")
    s = lax.axis_index("s")
    wid = c * NS + s
    row0 = s * NODES_PER_TILE
    base = wid * ROWS_PER_TILE

    def load_group(m):
        slot = (m % 2) * GROUP
        pltpu.sync_copy(edges_hbm.at[pl.ds(base + m * GROUP, GROUP)],
                        idx_s.at[pl.ds(slot, GROUP)])
        pltpu.sync_copy(edges_hbm.at[pl.ds(E // K + base + m * GROUP, GROUP)],
                        idx_d.at[pl.ds(slot, GROUP)])

    def start(i, buf, sem):
        pltpu.async_copy(h_hbm.at[idx_s.at[lax.rem(i, 2 * GROUP)]], buf, sem)

    def finish(i, buf, sem):
        pltpu.make_async_copy(h_hbm.at[idx_s.at[lax.rem(i, 2 * GROUP)]],
                              buf, sem).wait()
        pltpu.sync_copy(buf, acc.at[idx_d.at[lax.rem(i, 2 * GROUP)]], add=True)

    def zrow(r, carry):
        for j in range(D // 16):
            buf0[r, pl.ds(j * 16, 16)] = jnp.zeros((16,), jnp.float32)
        return carry

    lax.fori_loop(0, 80, zrow, None)
    for j in range(NODES_PER_TILE // 80):
        pltpu.sync_copy(buf0.at[pl.ds(0, 80)],
                        acc.at[pl.ds(row0 + j * 80, 80)])
    load_group(0)
    plsc.subcore_barrier()
    start(0, buf0, sem0)
    start(1, buf1, sem1)

    n_groups = ROWS_PER_TILE // GROUP
    for g in range(n_groups):
        if g < n_groups - 1:
            load_group(g + 1)

        def inner(j2, carry, g=g):
            i0 = g * GROUP + 2 * j2
            finish(i0, buf0, sem0)
            start(i0 + 2, buf0, sem0)
            finish(i0 + 1, buf1, sem1)
            start(i0 + 3, buf1, sem1)
            return carry

        n_inner = GROUP // 2 - (1 if g == n_groups - 1 else 0)
        lax.fori_loop(0, n_inner, inner, None)
    finish(ROWS_PER_TILE - 2, buf0, sem0)
    finish(ROWS_PER_TILE - 1, buf1, sem1)
    plsc.subcore_barrier()
    pltpu.sync_copy(acc.at[pl.ds(row0, NODES_PER_TILE)],
                    out_hbm.at[pl.ds(c * NPAD + row0, NODES_PER_TILE)])


def _build_deg_kernel():
    return pl.kernel(
        _deg_body,
        out_type=jax.ShapeDtypeStruct((2 * NPAD,), jnp.float32),
        mesh=_mesh,
        scratch_types=[
            pltpu.VMEM((ROWS_PER_TILE, K), jnp.int32),
            pltpu.VMEM((NPAD,), jnp.float32),
            pltpu.VMEM((NS, NODES_PER_TILE), jnp.float32),
            pltpu.VMEM((NODES_PER_TILE,), jnp.float32),
            pltpu.VMEM_SHARED((NS, NPAD), jnp.float32),
        ],
        compiler_params=pltpu.CompilerParams(needs_layout_passes=False),
    )


def _build_msg_kernel():
    return pl.kernel(
        _msg_body,
        out_type=jax.ShapeDtypeStruct((2 * NPAD, D), jnp.float32),
        mesh=_mesh,
        scratch_types=[
            pltpu.VMEM((2 * GROUP, K), jnp.int32),
            pltpu.VMEM((2 * GROUP, K), jnp.int32),
            pltpu.VMEM((K, D), jnp.float32),
            pltpu.VMEM((K, D), jnp.float32),
            pltpu.VMEM_SHARED((NPAD, D), jnp.float32),
            pltpu.SemaphoreType.DMA,
            pltpu.SemaphoreType.DMA,
        ],
    )


_deg_kernel = _build_deg_kernel()
_msg_kernel = _build_msg_kernel()

R = 1000


def _dinv_col(d_ref):
    return lax.rsqrt(d_ref[...] + 1.0)


def _mm1_body(x_ref, w_ref, d_ref, o_ref):
    h = jnp.dot(x_ref[...], w_ref[...], preferred_element_type=jnp.float32)
    o_ref[...] = h * _dinv_col(d_ref)


def _mm2_body(p0_ref, p1_ref, h_ref, d_ref, b_ref, w_ref, o_ref):
    dinv = _dinv_col(d_ref)
    t = jnp.maximum(dinv * (p0_ref[...] + p1_ref[...] + h_ref[...])
                    + b_ref[...], 0.0)
    o_ref[...] = dinv * jnp.dot(t, w_ref[...], preferred_element_type=jnp.float32)


def _fin_body(q0_ref, q1_ref, h_ref, d_ref, b_ref, x0_ref, o_ref):
    dinv = _dinv_col(d_ref)
    x2 = jnp.maximum(dinv * (q0_ref[...] + q1_ref[...] + h_ref[...])
                     + b_ref[...], 0.0)
    o_ref[...] = (x0_ref[...] + x2) * 0.5


_nd_spec = pl.BlockSpec((R, D), lambda i: (i, 0))
_deg_spec = pl.BlockSpec((R, 1), lambda i: (i, 0))
_w_spec = pl.BlockSpec((D, D), lambda i: (0, 0))
_b_spec = pl.BlockSpec((1, D), lambda i: (0, 0))
_out_nd = jax.ShapeDtypeStruct((N, D), jnp.float32)

_mm1 = pl.pallas_call(
    _mm1_body, grid=(N // R,),
    in_specs=[_nd_spec, _w_spec, _deg_spec],
    out_specs=_nd_spec, out_shape=_out_nd)

_mm2 = pl.pallas_call(
    _mm2_body, grid=(N // R,),
    in_specs=[_nd_spec, _nd_spec, _nd_spec, _deg_spec,
              _b_spec, _w_spec],
    out_specs=_nd_spec, out_shape=_out_nd)

_fin = pl.pallas_call(
    _fin_body, grid=(N // R,),
    in_specs=[_nd_spec, _nd_spec, _nd_spec, _deg_spec,
              _b_spec, _nd_spec],
    out_specs=_nd_spec, out_shape=_out_nd)


def kernel(inputs, edges, W1, b1, W2, b2):
    edges2 = edges.astype(jnp.int32).reshape(2 * (E // K), K)
    degp = _deg_kernel(edges2)
    dsum = (degp[:N] + degp[NPAD:NPAD + N]).reshape(N, 1)
    h1 = _mm1(inputs, W1, dsum)
    p = _msg_kernel(h1, edges2)
    h2 = _mm2(p[:N], p[NPAD:NPAD + N], h1, dsum, b1.reshape(1, D), W2)
    q = _msg_kernel(h2, edges2)
    out = _fin(q[:N], q[NPAD:NPAD + N], h2, dsum, b2.reshape(1, D), inputs)
    return out

# --- scband reference (transcript-rebuilt; emitter-appended) ---
"""Pipeline reference for scband-gres-block-46780783788357 (READ-ONLY COPY).

The authoritative reference and input builder live on the scoring server;
editing this copy changes nothing except your own understanding.
"""

import jax, jax.numpy as jnp
import numpy as np

N_NODES = 10000
N_EDGES = 320000
IN_DIM = 128
HIDDEN_DIM = 128


def _gcn_conv(x, src, dst, norm, W, b, n_nodes):
    # x: [N, d_in], W: [d_in, d_out], b: [d_out]
    h = x @ W
    msg = h[src] * norm[:, None]
    out = jnp.zeros((n_nodes, h.shape[1]), dtype=h.dtype).at[dst].add(msg)
    return out + b


def _build_norm(edge_index, n_nodes):
    # add self loops and compute symmetric normalization deg^-1/2 (GCN)
    loop = jnp.arange(n_nodes, dtype=edge_index.dtype)
    src = jnp.concatenate([edge_index[0], loop])
    dst = jnp.concatenate([edge_index[1], loop])
    deg = jnp.zeros((n_nodes,), dtype=jnp.float32).at[dst].add(1.0)
    dinv = jnp.where(deg > 0, jax.lax.rsqrt(deg), 0.0)
    norm = dinv[src] * dinv[dst]
    return src, dst, norm


def setup_inputs(seed: int = 0) -> dict:
    key = jax.random.key(seed)
    k1, k2, k3, k4 = jax.random.split(key, 4)
    inputs = jax.random.normal(k1, (N_NODES, IN_DIM), dtype=jnp.float32)
    edges = jax.random.randint(k2, (2, N_EDGES), 0, N_NODES, dtype=jnp.int64)
    W1 = jax.random.normal(k3, (IN_DIM, HIDDEN_DIM), dtype=jnp.float32) * 0.05
    b1 = jnp.zeros((HIDDEN_DIM,), dtype=jnp.float32)
    W2 = jax.random.normal(k4, (HIDDEN_DIM, IN_DIM), dtype=jnp.float32) * 0.05
    b2 = jnp.zeros((IN_DIM,), dtype=jnp.float32)
    return {"inputs": inputs, "edges": edges, "W1": W1, "b1": b1, "W2": W2, "b2": b2}


def reference(inputs, edges, W1, b1, W2, b2):
    n_nodes = inputs.shape[0]
    src, dst, norm = _build_norm(edges, n_nodes)
    x = jax.nn.relu(_gcn_conv(inputs, src, dst, norm, W1, b1, n_nodes))
    x = jax.nn.relu(_gcn_conv(x, src, dst, norm, W2, b2, n_nodes))
    return (inputs + x) * 0.5

if __name__ == "__main__":
    import jax
    _d = setup_inputs()
    print(jax.jit(kernel)(*tuple(_d.values())))

</pallas_src>

<mosaic_0001>
#map = affine_map<(d0, d1) -> (0, 0)>
module attributes {stable_mosaic.version = 14 : i64} {
  func.func @_msg_body(%arg0: i32, %arg1: i32, %arg2: memref<10000x128xf32, #tpu.memory_space<hbm>>, %arg3: memref<5120x125xi32, #tpu.memory_space<hbm>>, %arg4: memref<20480x128xf32, #tpu.memory_space<hbm>>, %arg5: memref<32x125xi32, #tpu.memory_space<vmem>>, %arg6: memref<32x125xi32, #tpu.memory_space<vmem>>, %arg7: memref<125x128xf32, #tpu.memory_space<vmem>>, %arg8: memref<125x128xf32, #tpu.memory_space<vmem>>, %arg9: memref<10240x128xf32, #tpu.memory_space<vmem_shared>>, %arg10: memref<!tpu.dma_semaphore, #tpu.memory_space<semaphore_mem>>, %arg11: memref<!tpu.dma_semaphore, #tpu.memory_space<semaphore_mem>>) attributes {dimension_semantics = [#tpu.dimension_semantics<core_parallel>, #tpu.dimension_semantics<subcore_parallel>], iteration_bounds = array<i64: 2, 16>, scalar_prefetch = 0 : i64, scratch_operands = 7 : i64, tpu.core_type = #tpu.core_type<sc_vector_subcore>, window_params = [{transform_indices = #map}, {transform_indices = #map}, {transform_indices = #map}]} {
    %mul3A = arith.constant 16 : i32
    %mul3A_0 = arith.muli %arg0, %mul3A : i32
    %add3A = arith.addi %mul3A_0, %arg1 : i32
    %mul3A_1 = arith.constant 640 : i32
    %mul3A_2 = arith.muli %arg1, %mul3A_1 : i32
    %mul3A_3 = arith.constant 80 : i32
    %mul3A_4 = arith.muli %add3A, %mul3A_3 : i32
    %scan3A = arith.constant 0 : i32
    %scan3A_5 = arith.constant 80 : i32
    %scan3A_6 = arith.addi %scan3A, %scan3A_5 : i32
    %scan3A_7 = arith.constant 1 : i32
    scf.for %scan3A_123 = %scan3A to %scan3A_6 step %scan3A_7  : i32 {
      %broadcast_in_dim3A = arith.constant 0.000000e+00 : f32
      %broadcast_in_dim3A_124 = vector.broadcast %broadcast_in_dim3A : f32 to vector<16xf32>
      %swap3A = arith.index_cast %scan3A_123 : i32 to index
      %swap3A_125 = arith.constant 0 : index
      %swap3A_126 = tpu.vector_load %arg7[%swap3A, %swap3A_125] {strides = array<i32>} : memref<125x128xf32, #tpu.memory_space<vmem>>, vector<1x16xf32>,
      %swap3A_127 = vector.shape_cast %swap3A_126 : vector<1x16xf32> to vector<16xf32>
      %swap3A_128 = vector.shape_cast %broadcast_in_dim3A_124 : vector<16xf32> to vector<1x16xf32>
      tpu.vector_store %arg7[%swap3A, %swap3A_125], %swap3A_128 {strides = array<i32>} : memref<125x128xf32, #tpu.memory_space<vmem>>, vector<1x16xf32>,
      %broadcast_in_dim3A_129 = arith.constant 0.000000e+00 : f32
      %broadcast_in_dim3A_130 = vector.broadcast %broadcast_in_dim3A_129 : f32 to vector<16xf32>
      %swap3A_131 = arith.index_cast %scan3A_123 : i32 to index
      %swap3A_132 = arith.constant 16 : index
      %swap3A_133 = tpu.vector_load %arg7[%swap3A_131, %swap3A_132] {strides = array<i32>} : memref<125x128xf32, #tpu.memory_space<vmem>>, vector<1x16xf32>,
      %swap3A_134 = vector.shape_cast %swap3A_133 : vector<1x16xf32> to vector<16xf32>
      %swap3A_135 = vector.shape_cast %broadcast_in_dim3A_130 : vector<16xf32> to vector<1x16xf32>
      tpu.vector_store %arg7[%swap3A_131, %swap3A_132], %swap3A_135 {strides = array<i32>} : memref<125x128xf32, #tpu.memory_space<vmem>>, vector<1x16xf32>,
      %broadcast_in_dim3A_136 = arith.constant 0.000000e+00 : f32
      %broadcast_in_dim3A_137 = vector.broadcast %broadcast_in_dim3A_136 : f32 to vector<16xf32>
      %swap3A_138 = arith.index_cast %scan3A_123 : i32 to index
      %swap3A_139 = arith.constant 32 : index
      %swap3A_140 = tpu.vector_load %arg7[%swap3A_138, %swap3A_139] {strides = array<i32>} : memref<125x128xf32, #tpu.memory_space<vmem>>, vector<1x16xf32>,
      %swap3A_141 = vector.shape_cast %swap3A_140 : vector<1x16xf32> to vector<16xf32>
      %swap3A_142 = vector.shape_cast %broadcast_in_dim3A_137 : vector<16xf32> to vector<1x16xf32>
      tpu.vector_store %arg7[%swap3A_138, %swap3A_139], %swap3A_142 {strides = array<i32>} : memref<125x128xf32, #tpu.memory_space<vmem>>, vector<1x16xf32>,
      %broadcast_in_dim3A_143 = arith.constant 0.000000e+00 : f32
      %broadcast_in_dim3A_144 = vector.broadcast %broadcast_in_dim3A_143 : f32 to vector<16xf32>
      %swap3A_145 = arith.index_cast %scan3A_123 : i32 to index
      %swap3A_146 = arith.constant 48 : index
      %swap3A_147 = tpu.vector_load %arg7[%swap3A_145, %swap3A_146] {strides = array<i32>} : memref<125x128xf32, #tpu.memory_space<vmem>>, vector<1x16xf32>,
      %swap3A_148 = vector.shape_cast %swap3A_147 : vector<1x16xf32> to vector<16xf32>
      %swap3A_149 = vector.shape_cast %broadcast_in_dim3A_144 : vector<16xf32> to vector<1x16xf32>
      tpu.vector_store %arg7[%swap3A_145, %swap3A_146], %swap3A_149 {strides = array<i32>} : memref<125x128xf32, #tpu.memory_space<vmem>>, vector<1x16xf32>,
      %broadcast_in_dim3A_150 = arith.constant 0.000000e+00 : f32
      %broadcast_in_dim3A_151 = vector.broadcast %broadcast_in_dim3A_150 : f32 to vector<16xf32>
      %swap3A_152 = arith.index_cast %scan3A_123 : i32 to index
      %swap3A_153 = arith.constant 64 : index
      %swap3A_154 = tpu.vector_load %arg7[%swap3A_152, %swap3A_153] {strides = array<i32>} : memref<125x128xf32, #tpu.memory_space<vmem>>, vector<1x16xf32>,
      %swap3A_155 = vector.shape_cast %swap3A_154 : vector<1x16xf32> to vector<16xf32>
      %swap3A_156 = vector.shape_cast %broadcast_in_dim3A_151 : vector<16xf32> to vector<1x16xf32>
      tpu.vector_store %arg7[%swap3A_152, %swap3A_153], %swap3A_156 {strides = array<i32>} : memref<125x128xf32, #tpu.memory_space<vmem>>, vector<1x16xf32>,
      %broadcast_in_dim3A_157 = arith.constant 0.000000e+00 : f32
      %broadcast_in_dim3A_158 = vector.broadcast %broadcast_in_dim3A_157 : f32 to vector<16xf32>
      %swap3A_159 = arith.index_cast %scan3A_123 : i32 to index
      %swap3A_160 = arith.constant 80 : index
      %swap3A_161 = tpu.vector_load %arg7[%swap3A_159, %swap3A_160] {strides = array<i32>} : memref<125x128xf32, #tpu.memory_space<vmem>>, vector<1x16xf32>,
      %swap3A_162 = vector.shape_cast %swap3A_161 : vector<1x16xf32> to vector<16xf32>
      %swap3A_163 = vector.shape_cast %broadcast_in_dim3A_158 : vector<16xf32> to vector<1x16xf32>
      tpu.vector_store %arg7[%swap3A_159, %swap3A_160], %swap3A_163 {strides = array<i32>} : memref<125x128xf32, #tpu.memory_space<vmem>>, vector<1x16xf32>,
      %broadcast_in_dim3A_164 = arith.constant 0.000000e+00 : f32
      %broadcast_in_dim3A_165 = vector.broadcast %broadcast_in_dim3A_164 : f32 to vector<16xf32>
      %swap3A_166 = arith.index_cast %scan3A_123 : i32 to index
      %swap3A_167 = arith.constant 96 : index
      %swap3A_168 = tpu.vector_load %arg7[%swap3A_166, %swap3A_167] {strides = array<i32>} : memref<125x128xf32, #tpu.memory_space<vmem>>, vector<1x16xf32>,
      %swap3A_169 = vector.shape_cast %swap3A_168 : vector<1x16xf32> to vector<16xf32>
      %swap3A_170 = vector.shape_cast %broadcast_in_dim3A_165 : vector<16xf32> to vector<1x16xf32>
      tpu.vector_store %arg7[%swap3A_166, %swap3A_167], %swap3A_170 {strides = array<i32>} : memref<125x128xf32, #tpu.memory_space<vmem>>, vector<1x16xf32>,
      %broadcast_in_dim3A_171 = arith.constant 0.000000e+00 : f32
      %broadcast_in_dim3A_172 = vector.broadcast %broadcast_in_dim3A_171 : f32 to vector<16xf32>
      %swap3A_173 = arith.index_cast %scan3A_123 : i32 to index
      %swap3A_174 = arith.constant 112 : index
      %swap3A_175 = tpu.vector_load %arg7[%swap3A_173, %swap3A_174] {strides = array<i32>} : memref<125x128xf32, #tpu.memory_space<vmem>>, vector<1x16xf32>,
      %swap3A_176 = vector.shape_cast %swap3A_175 : vector<1x16xf32> to vector<16xf32>
      %swap3A_177 = vector.shape_cast %broadcast_in_dim3A_172 : vector<16xf32> to vector<1x16xf32>
      tpu.vector_store %arg7[%swap3A_173, %swap3A_174], %swap3A_177 {strides = array<i32>} : memref<125x128xf32, #tpu.memory_space<vmem>>, vector<1x16xf32>,
    }
    %scan3A_8 = arith.constant 80 : i32
    %add3A_9 = arith.constant 0 : i32
    %add3A_10 = arith.addi %mul3A_2, %add3A_9 : i32
    "tpu.region"() ({
      %run_scoped3A = tpu.sem_alloc : memref<!tpu.dma_semaphore, #tpu.memory_space<semaphore_mem>>
      %dma_start3A_123 = arith.constant 0 : i32
      %dma_start3A_124 = arith.constant 0 : i32
      %dma_start3A_125 = tpu.memref_slice %arg7[%dma_start3A_123, %dma_start3A_124] : memref<125x128xf32, #tpu.memory_space<vmem>> -> memref<80x128xf32, #tpu.memory_space<vmem>>
      %dma_start3A_126 = arith.constant 0 : i32
      %dma_start3A_127 = tpu.memref_slice %arg9[%add3A_10, %dma_start3A_126] : memref<10240x128xf32, #tpu.memory_space<vmem_shared>> -> memref<80x128xf32, #tpu.memory_space<vmem_shared>>
      %dma_start3A_128 = arith.constant 0 : i32
      %dma_start3A_129 = tpu.memref_slice %arg9[%add3A_10, %dma_start3A_128] : memref<10240x128xf32, #tpu.memory_space<vmem_shared>> -> memref<80x128xf32, #tpu.memory_space<vmem_shared>>
      %dma_start3A_130 = arith.constant 0 : i32
      %dma_start3A_131 = arith.constant 0 : i32
      %dma_start3A_132 = tpu.memref_slice %arg7[%dma_start3A_130, %dma_start3A_131] : memref<125x128xf32, #tpu.memory_space<vmem>> -> memref<80x128xf32, #tpu.memory_space<vmem>>
      tpu.enqueue_dma source(%dma_start3A_132 : memref<80x128xf32, #tpu.memory_space<vmem>>) target(%dma_start3A_129 : memref<80x128xf32, #tpu.memory_space<vmem_shared>>) target_semaphore(%run_scoped3A : memref<!tpu.dma_semaphore, #tpu.memory_space<semaphore_mem>>)
      %dma_wait3A_133 = arith.constant 0 : i32
      %dma_wait3A_134 = arith.constant 0 : i32
      %dma_wait3A_135 = tpu.memref_slice %arg7[%dma_wait3A_133, %dma_wait3A_134] : memref<125x128xf32, #tpu.memory_space<vmem>> -> memref<80x128xf32, #tpu.memory_space<vmem>>
      %dma_wait3A_136 = arith.constant 0 : i32
      %dma_wait3A_137 = tpu.memref_slice %arg9[%add3A_10, %dma_wait3A_136] : memref<10240x128xf32, #tpu.memory_space<vmem_shared>> -> memref<80x128xf32, #tpu.memory_space<vmem_shared>>
      %dma_wait3A_138 = arith.constant 0 : i32
      %dma_wait3A_139 = tpu.memref_slice %arg9[%add3A_10, %dma_wait3A_138] : memref<10240x128xf32, #tpu.memory_space<vmem_shared>> -> memref<80x128xf32, #tpu.memory_space<vmem_shared>>
      %dma_wait3A_140 = arith.constant 0 : i32
      %dma_wait3A_141 = arith.constant 0 : i32
      %dma_wait3A_142 = tpu.memref_slice %arg7[%dma_wait3A_140, %dma_wait3A_141] : memref<125x128xf32, #tpu.memory_space<vmem>> -> memref<80x128xf32, #tpu.memory_space<vmem>>
      tpu.wait_dma2 semaphore(%run_scoped3A : memref<!tpu.dma_semaphore, #tpu.memory_space<semaphore_mem>>) src(%dma_wait3A_142 : memref<80x128xf32, #tpu.memory_space<vmem>>) dst(%dma_wait3A_139 : memref<80x128xf32, #tpu.memory_space<vmem_shared>>)
      tpu.yield
    }) : () -> ()
    %add3A_11 = arith.constant 80 : i32
    %add3A_12 = arith.addi %mul3A_2, %add3A_11 : i32
    "tpu.region"() ({
      %run_scoped3A = tpu.sem_alloc : memref<!tpu.dma_semaphore, #tpu.memory_space<semaphore_mem>>
      %dma_start3A_123 = arith.constant 0 : i32
      %dma_start3A_124 = arith.constant 0 : i32
      %dma_start3A_125 = tpu.memref_slice %arg7[%dma_start3A_123, %dma_start3A_124] : memref<125x128xf32, #tpu.memory_space<vmem>> -> memref<80x128xf32, #tpu.memory_space<vmem>>
      %dma_start3A_126 = arith.constant 0 : i32
      %dma_start3A_127 = tpu.memref_slice %arg9[%add3A_12, %dma_start3A_126] : memref<10240x128xf32, #tpu.memory_space<vmem_shared>> -> memref<80x128xf32, #tpu.memory_space<vmem_shared>>
      %dma_start3A_128 = arith.constant 0 : i32
      %dma_start3A_129 = tpu.memref_slice %arg9[%add3A_12, %dma_start3A_128] : memref<10240x128xf32, #tpu.memory_space<vmem_shared>> -> memref<80x128xf32, #tpu.memory_space<vmem_shared>>
      %dma_start3A_130 = arith.constant 0 : i32
      %dma_start3A_131 = arith.constant 0 : i32
      %dma_start3A_132 = tpu.memref_slice %arg7[%dma_start3A_130, %dma_start3A_131] : memref<125x128xf32, #tpu.memory_space<vmem>> -> memref<80x128xf32, #tpu.memory_space<vmem>>
      tpu.enqueue_dma source(%dma_start3A_132 : memref<80x128xf32, #tpu.memory_space<vmem>>) target(%dma_start3A_129 : memref<80x128xf32, #tpu.memory_space<vmem_shared>>) target_semaphore(%run_scoped3A : memref<!tpu.dma_semaphore, #tpu.memory_space<semaphore_mem>>)
      %dma_wait3A_133 = arith.constant 0 : i32
      %dma_wait3A_134 = arith.constant 0 : i32
      %dma_wait3A_135 = tpu.memref_slice %arg7[%dma_wait3A_133, %dma_wait3A_134] : memref<125x128xf32, #tpu.memory_space<vmem>> -> memref<80x128xf32, #tpu.memory_space<vmem>>
      %dma_wait3A_136 = arith.constant 0 : i32
      %dma_wait3A_137 = tpu.memref_slice %arg9[%add3A_12, %dma_wait3A_136] : memref<10240x128xf32, #tpu.memory_space<vmem_shared>> -> memref<80x128xf32, #tpu.memory_space<vmem_shared>>
      %dma_wait3A_138 = arith.constant 0 : i32
      %dma_wait3A_139 = tpu.memref_slice %arg9[%add3A_12, %dma_wait3A_138] : memref<10240x128xf32, #tpu.memory_space<vmem_shared>> -> memref<80x128xf32, #tpu.memory_space<vmem_shared>>
      %dma_wait3A_140 = arith.constant 0 : i32
      %dma_wait3A_141 = arith.constant 0 : i32
      %dma_wait3A_142 = tpu.memref_slice %arg7[%dma_wait3A_140, %dma_wait3A_141] : memref<125x128xf32, #tpu.memory_space<vmem>> -> memref<80x128xf32, #tpu.memory_space<vmem>>
      tpu.wait_dma2 semaphore(%run_scoped3A : memref<!tpu.dma_semaphore, #tpu.memory_space<semaphore_mem>>) src(%dma_wait3A_142 : memref<80x128xf32, #tpu.memory_space<vmem>>) dst(%dma_wait3A_139 : memref<80x128xf32, #tpu.memory_space<vmem_shared>>)
      tpu.yield
    }) : () -> ()
    %add3A_13 = arith.constant 160 : i32
    %add3A_14 = arith.addi %mul3A_2, %add3A_13 : i32
    "tpu.region"() ({
      %run_scoped3A = tpu.sem_alloc : memref<!tpu.dma_semaphore, #tpu.memory_space<semaphore_mem>>
      %dma_start3A_123 = arith.constant 0 : i32
      %dma_start3A_124 = arith.constant 0 : i32
      %dma_start3A_125 = tpu.memref_slice %arg7[%dma_start3A_123, %dma_start3A_124] : memref<125x128xf32, #tpu.memory_space<vmem>> -> memref<80x128xf32, #tpu.memory_space<vmem>>
      %dma_start3A_126 = arith.constant 0 : i32
      %dma_start3A_127 = tpu.memref_slice %arg9[%add3A_14, %dma_start3A_126] : memref<10240x128xf32, #tpu.memory_space<vmem_shared>> -> memref<80x128xf32, #tpu.memory_space<vmem_shared>>
      %dma_start3A_128 = arith.constant 0 : i32
      %dma_start3A_129 = tpu.memref_slice %arg9[%add3A_14, %dma_start3A_128] : memref<10240x128xf32, #tpu.memory_space<vmem_shared>> -> memref<80x128xf32, #tpu.memory_space<vmem_shared>>
      %dma_start3A_130 = arith.constant 0 : i32
      %dma_start3A_131 = arith.constant 0 : i32
      %dma_start3A_132 = tpu.memref_slice %arg7[%dma_start3A_130, %dma_start3A_131] : memref<125x128xf32, #tpu.memory_space<vmem>> -> memref<80x128xf32, #tpu.memory_space<vmem>>
      tpu.enqueue_dma source(%dma_start3A_132 : memref<80x128xf32, #tpu.memory_space<vmem>>) target(%dma_start3A_129 : memref<80x128xf32, #tpu.memory_space<vmem_shared>>) target_semaphore(%run_scoped3A : memref<!tpu.dma_semaphore, #tpu.memory_space<semaphore_mem>>)
      %dma_wait3A_133 = arith.constant 0 : i32
      %dma_wait3A_134 = arith.constant 0 : i32
      %dma_wait3A_135 = tpu.memref_slice %arg7[%dma_wait3A_133, %dma_wait3A_134] : memref<125x128xf32, #tpu.memory_space<vmem>> -> memref<80x128xf32, #tpu.memory_space<vmem>>
      %dma_wait3A_136 = arith.constant 0 : i32
      %dma_wait3A_137 = tpu.memref_slice %arg9[%add3A_14, %dma_wait3A_136] : memref<10240x128xf32, #tpu.memory_space<vmem_shared>> -> memref<80x128xf32, #tpu.memory_space<vmem_shared>>
      %dma_wait3A_138 = arith.constant 0 : i32
      %dma_wait3A_139 = tpu.memref_slice %arg9[%add3A_14, %dma_wait3A_138] : memref<10240x128xf32, #tpu.memory_space<vmem_shared>> -> memref<80x128xf32, #tpu.memory_space<vmem_shared>>
      %dma_wait3A_140 = arith.constant 0 : i32
      %dma_wait3A_141 = arith.constant 0 : i32
      %dma_wait3A_142 = tpu.memref_slice %arg7[%dma_wait3A_140, %dma_wait3A_141] : memref<125x128xf32, #tpu.memory_space<vmem>> -> memref<80x128xf32, #tpu.memory_space<vmem>>
      tpu.wait_dma2 semaphore(%run_scoped3A : memref<!tpu.dma_semaphore, #tpu.memory_space<semaphore_mem>>) src(%dma_wait3A_142 : memref<80x128xf32, #tpu.memory_space<vmem>>) dst(%dma_wait3A_139 : memref<80x128xf32, #tpu.memory_space<vmem_shared>>)
      tpu.yield
    }) : () -> ()
    %add3A_15 = arith.constant 240 : i32
    %add3A_16 = arith.addi %mul3A_2, %add3A_15 : i32
    "tpu.region"() ({
      %run_scoped3A = tpu.sem_alloc : memref<!tpu.dma_semaphore, #tpu.memory_space<semaphore_mem>>
      %dma_start3A_123 = arith.constant 0 : i32
      %dma_start3A_124 = arith.constant 0 : i32
      %dma_start3A_125 = tpu.memref_slice %arg7[%dma_start3A_123, %dma_start3A_124] : memref<125x128xf32, #tpu.memory_space<vmem>> -> memref<80x128xf32, #tpu.memory_space<vmem>>
      %dma_start3A_126 = arith.constant 0 : i32
      %dma_start3A_127 = tpu.memref_slice %arg9[%add3A_16, %dma_start3A_126] : memref<10240x128xf32, #tpu.memory_space<vmem_shared>> -> memref<80x128xf32, #tpu.memory_space<vmem_shared>>
      %dma_start3A_128 = arith.constant 0 : i32
      %dma_start3A_129 = tpu.memref_slice %arg9[%add3A_16, %dma_start3A_128] : memref<10240x128xf32, #tpu.memory_space<vmem_shared>> -> memref<80x128xf32, #tpu.memory_space<vmem_shared>>
      %dma_start3A_130 = arith.constant 0 : i32
      %dma_start3A_131 = arith.constant 0 : i32
      %dma_start3A_132 = tpu.memref_slice %arg7[%dma_start3A_130, %dma_start3A_131] : memref<125x128xf32, #tpu.memory_space<vmem>> -> memref<80x128xf32, #tpu.memory_space<vmem>>
      tpu.enqueue_dma source(%dma_start3A_132 : memref<80x128xf32, #tpu.memory_space<vmem>>) target(%dma_start3A_129 : memref<80x128xf32, #tpu.memory_space<vmem_shared>>) target_semaphore(%run_scoped3A : memref<!tpu.dma_semaphore, #tpu.memory_space<semaphore_mem>>)
      %dma_wait3A_133 = arith.constant 0 : i32
      %dma_wait3A_134 = arith.constant 0 : i32
      %dma_wait3A_135 = tpu.memref_slice %arg7[%dma_wait3A_133, %dma_wait3A_134] : memref<125x128xf32, #tpu.memory_space<vmem>> -> memref<80x128xf32, #tpu.memory_space<vmem>>
      %dma_wait3A_136 = arith.constant 0 : i32
      %dma_wait3A_137 = tpu.memref_slice %arg9[%add3A_16, %dma_wait3A_136] : memref<10240x128xf32, #tpu.memory_space<vmem_shared>> -> memref<80x128xf32, #tpu.memory_space<vmem_shared>>
      %dma_wait3A_138 = arith.constant 0 : i32
      %dma_wait3A_139 = tpu.memref_slice %arg9[%add3A_16, %dma_wait3A_138] : memref<10240x128xf32, #tpu.memory_space<vmem_shared>> -> memref<80x128xf32, #tpu.memory_space<vmem_shared>>
      %dma_wait3A_140 = arith.constant 0 : i32
      %dma_wait3A_141 = arith.constant 0 : i32
      %dma_wait3A_142 = tpu.memref_slice %arg7[%dma_wait3A_140, %dma_wait3A_141] : memref<125x128xf32, #tpu.memory_space<vmem>> -> memref<80x128xf32, #tpu.memory_space<vmem>>
      tpu.wait_dma2 semaphore(%run_scoped3A : memref<!tpu.dma_semaphore, #tpu.memory_space<semaphore_mem>>) src(%dma_wait3A_142 : memref<80x128xf32, #tpu.memory_space<vmem>>) dst(%dma_wait3A_139 : memref<80x128xf32, #tpu.memory_space<vmem_shared>>)
      tpu.yield
    }) : () -> ()
    %add3A_17 = arith.constant 320 : i32
    %add3A_18 = arith.addi %mul3A_2, %add3A_17 : i32
    "tpu.region"() ({
      %run_scoped3A = tpu.sem_alloc : memref<!tpu.dma_semaphore, #tpu.memory_space<semaphore_mem>>
      %dma_start3A_123 = arith.constant 0 : i32
      %dma_start3A_124 = arith.constant 0 : i32
      %dma_start3A_125 = tpu.memref_slice %arg7[%dma_start3A_123, %dma_start3A_124] : memref<125x128xf32, #tpu.memory_space<vmem>> -> memref<80x128xf32, #tpu.memory_space<vmem>>
      %dma_start3A_126 = arith.constant 0 : i32
      %dma_start3A_127 = tpu.memref_slice %arg9[%add3A_18, %dma_start3A_126] : memref<10240x128xf32, #tpu.memory_space<vmem_shared>> -> memref<80x128xf32, #tpu.memory_space<vmem_shared>>
      %dma_start3A_128 = arith.constant 0 : i32
      %dma_start3A_129 = tpu.memref_slice %arg9[%add3A_18, %dma_start3A_128] : memref<10240x128xf32, #tpu.memory_space<vmem_shared>> -> memref<80x128xf32, #tpu.memory_space<vmem_shared>>
      %dma_start3A_130 = arith.constant 0 : i32
      %dma_start3A_131 = arith.constant 0 : i32
      %dma_start3A_132 = tpu.memref_slice %arg7[%dma_start3A_130, %dma_start3A_131] : memref<125x128xf32, #tpu.memory_space<vmem>> -> memref<80x128xf32, #tpu.memory_space<vmem>>
      tpu.enqueue_dma source(%dma_start3A_132 : memref<80x128xf32, #tpu.memory_space<vmem>>) target(%dma_start3A_129 : memref<80x128xf32, #tpu.memory_space<vmem_shared>>) target_semaphore(%run_scoped3A : memref<!tpu.dma_semaphore, #tpu.memory_space<semaphore_mem>>)
      %dma_wait3A_133 = arith.constant 0 : i32
      %dma_wait3A_134 = arith.constant 0 : i32
      %dma_wait3A_135 = tpu.memref_slice %arg7[%dma_wait3A_133, %dma_wait3A_134] : memref<125x128xf32, #tpu.memory_space<vmem>> -> memref<80x128xf32, #tpu.memory_space<vmem>>
      %dma_wait3A_136 = arith.constant 0 : i32
      %dma_wait3A_137 = tpu.memref_slice %arg9[%add3A_18, %dma_wait3A_136] : memref<10240x128xf32, #tpu.memory_space<vmem_shared>> -> memref<80x128xf32, #tpu.memory_space<vmem_shared>>
      %dma_wait3A_138 = arith.constant 0 : i32
      %dma_wait3A_139 = tpu.memref_slice %arg9[%add3A_18, %dma_wait3A_138] : memref<10240x128xf32, #tpu.memory_space<vmem_shared>> -> memref<80x128xf32, #tpu.memory_space<vmem_shared>>
      %dma_wait3A_140 = arith.constant 0 : i32
      %dma_wait3A_141 = arith.constant 0 : i32
      %dma_wait3A_142 = tpu.memref_slice %arg7[%dma_wait3A_140, %dma_wait3A_141] : memref<125x128xf32, #tpu.memory_space<vmem>> -> memref<80x128xf32, #tpu.memory_space<vmem>>
      tpu.wait_dma2 semaphore(%run_scoped3A : memref<!tpu.dma_semaphore, #tpu.memory_space<semaphore_mem>>) src(%dma_wait3A_142 : memref<80x128xf32, #tpu.memory_space<vmem>>) dst(%dma_wait3A_139 : memref<80x128xf32, #tpu.memory_space<vmem_shared>>)
      tpu.yield
    }) : () -> ()
    %add3A_19 = arith.constant 400 : i32
    %add3A_20 = arith.addi %mul3A_2, %add3A_19 : i32
    "tpu.region"() ({
      %run_scoped3A = tpu.sem_alloc : memref<!tpu.dma_semaphore, #tpu.memory_space<semaphore_mem>>
      %dma_start3A_123 = arith.constant 0 : i32
      %dma_start3A_124 = arith.constant 0 : i32
      %dma_start3A_125 = tpu.memref_slice %arg7[%dma_start3A_123, %dma_start3A_124] : memref<125x128xf32, #tpu.memory_space<vmem>> -> memref<80x128xf32, #tpu.memory_space<vmem>>
      %dma_start3A_126 = arith.constant 0 : i32
      %dma_start3A_127 = tpu.memref_slice %arg9[%add3A_20, %dma_start3A_126] : memref<10240x128xf32, #tpu.memory_space<vmem_shared>> -> memref<80x128xf32, #tpu.memory_space<vmem_shared>>
      %dma_start3A_128 = arith.constant 0 : i32
      %dma_start3A_129 = tpu.memref_slice %arg9[%add3A_20, %dma_start3A_128] : memref<10240x128xf32, #tpu.memory_space<vmem_shared>> -> memref<80x128xf32, #tpu.memory_space<vmem_shared>>
      %dma_start3A_130 = arith.constant 0 : i32
      %dma_start3A_131 = arith.constant 0 : i32
      %dma_start3A_132 = tpu.memref_slice %arg7[%dma_start3A_130, %dma_start3A_131] : memref<125x128xf32, #tpu.memory_space<vmem>> -> memref<80x128xf32, #tpu.memory_space<vmem>>
      tpu.enqueue_dma source(%dma_start3A_132 : memref<80x128xf32, #tpu.memory_space<vmem>>) target(%dma_start3A_129 : memref<80x128xf32, #tpu.memory_space<vmem_shared>>) target_semaphore(%run_scoped3A : memref<!tpu.dma_semaphore, #tpu.memory_space<semaphore_mem>>)
      %dma_wait3A_133 = arith.constant 0 : i32
      %dma_wait3A_134 = arith.constant 0 : i32
      %dma_wait3A_135 = tpu.memref_slice %arg7[%dma_wait3A_133, %dma_wait3A_134] : memref<125x128xf32, #tpu.memory_space<vmem>> -> memref<80x128xf32, #tpu.memory_space<vmem>>
      %dma_wait3A_136 = arith.constant 0 : i32
      %dma_wait3A_137 = tpu.memref_slice %arg9[%add3A_20, %dma_wait3A_136] : memref<10240x128xf32, #tpu.memory_space<vmem_shared>> -> memref<80x128xf32, #tpu.memory_space<vmem_shared>>
      %dma_wait3A_138 = arith.constant 0 : i32
      %dma_wait3A_139 = tpu.memref_slice %arg9[%add3A_20, %dma_wait3A_138] : memref<10240x128xf32, #tpu.memory_space<vmem_shared>> -> memref<80x128xf32, #tpu.memory_space<vmem_shared>>
      %dma_wait3A_140 = arith.constant 0 : i32
      %dma_wait3A_141 = arith.constant 0 : i32
      %dma_wait3A_142 = tpu.memref_slice %arg7[%dma_wait3A_140, %dma_wait3A_141] : memref<125x128xf32, #tpu.memory_space<vmem>> -> memref<80x128xf32, #tpu.memory_space<vmem>>
      tpu.wait_dma2 semaphore(%run_scoped3A : memref<!tpu.dma_semaphore, #tpu.memory_space<semaphore_mem>>) src(%dma_wait3A_142 : memref<80x128xf32, #tpu.memory_space<vmem>>) dst(%dma_wait3A_139 : memref<80x128xf32, #tpu.memory_space<vmem_shared>>)
      tpu.yield
    }) : () -> ()
    %add3A_21 = arith.constant 480 : i32
    %add3A_22 = arith.addi %mul3A_2, %add3A_21 : i32
    "tpu.region"() ({
      %run_scoped3A = tpu.sem_alloc : memref<!tpu.dma_semaphore, #tpu.memory_space<semaphore_mem>>
      %dma_start3A_123 = arith.constant 0 : i32
      %dma_start3A_124 = arith.constant 0 : i32
      %dma_start3A_125 = tpu.memref_slice %arg7[%dma_start3A_123, %dma_start3A_124] : memref<125x128xf32, #tpu.memory_space<vmem>> -> memref<80x128xf32, #tpu.memory_space<vmem>>
      %dma_start3A_126 = arith.constant 0 : i32
      %dma_start3A_127 = tpu.memref_slice %arg9[%add3A_22, %dma_start3A_126] : memref<10240x128xf32, #tpu.memory_space<vmem_shared>> -> memref<80x128xf32, #tpu.memory_space<vmem_shared>>
      %dma_start3A_128 = arith.constant 0 : i32
      %dma_start3A_129 = tpu.memref_slice %arg9[%add3A_22, %dma_start3A_128] : memref<10240x128xf32, #tpu.memory_space<vmem_shared>> -> memref<80x128xf32, #tpu.memory_space<vmem_shared>>
      %dma_start3A_130 = arith.constant 0 : i32
      %dma_start3A_131 = arith.constant 0 : i32
      %dma_start3A_132 = tpu.memref_slice %arg7[%dma_start3A_130, %dma_start3A_131] : memref<125x128xf32, #tpu.memory_space<vmem>> -> memref<80x128xf32, #tpu.memory_space<vmem>>
      tpu.enqueue_dma source(%dma_start3A_132 : memref<80x128xf32, #tpu.memory_space<vmem>>) target(%dma_start3A_129 : memref<80x128xf32, #tpu.memory_space<vmem_shared>>) target_semaphore(%run_scoped3A : memref<!tpu.dma_semaphore, #tpu.memory_space<semaphore_mem>>)
      %dma_wait3A_133 = arith.constant 0 : i32
      %dma_wait3A_134 = arith.constant 0 : i32
      %dma_wait3A_135 = tpu.memref_slice %arg7[%dma_wait3A_133, %dma_wait3A_134] : memref<125x128xf32, #tpu.memory_space<vmem>> -> memref<80x128xf32, #tpu.memory_space<vmem>>
      %dma_wait3A_136 = arith.constant 0 : i32
      %dma_wait3A_137 = tpu.memref_slice %arg9[%add3A_22, %dma_wait3A_136] : memref<10240x128xf32, #tpu.memory_space<vmem_shared>> -> memref<80x128xf32, #tpu.memory_space<vmem_shared>>
      %dma_wait3A_138 = arith.constant 0 : i32
      %dma_wait3A_139 = tpu.memref_slice %arg9[%add3A_22, %dma_wait3A_138] : memref<10240x128xf32, #tpu.memory_space<vmem_shared>> -> memref<80x128xf32, #tpu.memory_space<vmem_shared>>
      %dma_wait3A_140 = arith.constant 0 : i32
      %dma_wait3A_141 = arith.constant 0 : i32
      %dma_wait3A_142 = tpu.memref_slice %arg7[%dma_wait3A_140, %dma_wait3A_141] : memref<125x128xf32, #tpu.memory_space<vmem>> -> memref<80x128xf32, #tpu.memory_space<vmem>>
      tpu.wait_dma2 semaphore(%run_scoped3A : memref<!tpu.dma_semaphore, #tpu.memory_space<semaphore_mem>>) src(%dma_wait3A_142 : memref<80x128xf32, #tpu.memory_space<vmem>>) dst(%dma_wait3A_139 : memref<80x128xf32, #tpu.memory_space<vmem_shared>>)
      tpu.yield
    }) : () -> ()
    %add3A_23 = arith.constant 560 : i32
    %add3A_24 = arith.addi %mul3A_2, %add3A_23 : i32
    "tpu.region"() ({
      %run_scoped3A = tpu.sem_alloc : memref<!tpu.dma_semaphore, #tpu.memory_space<semaphore_mem>>
      %dma_start3A_123 = arith.constant 0 : i32
      %dma_start3A_124 = arith.constant 0 : i32
      %dma_start3A_125 = tpu.memref_slice %arg7[%dma_start3A_123, %dma_start3A_124] : memref<125x128xf32, #tpu.memory_space<vmem>> -> memref<80x128xf32, #tpu.memory_space<vmem>>
      %dma_start3A_126 = arith.constant 0 : i32
      %dma_start3A_127 = tpu.memref_slice %arg9[%add3A_24, %dma_start3A_126] : memref<10240x128xf32, #tpu.memory_space<vmem_shared>> -> memref<80x128xf32, #tpu.memory_space<vmem_shared>>
      %dma_start3A_128 = arith.constant 0 : i32
      %dma_start3A_129 = tpu.memref_slice %arg9[%add3A_24, %dma_start3A_128] : memref<10240x128xf32, #tpu.memory_space<vmem_shared>> -> memref<80x128xf32, #tpu.memory_space<vmem_shared>>
      %dma_start3A_130 = arith.constant 0 : i32
      %dma_start3A_131 = arith.constant 0 : i32
      %dma_start3A_132 = tpu.memref_slice %arg7[%dma_start3A_130, %dma_start3A_131] : memref<125x128xf32, #tpu.memory_space<vmem>> -> memref<80x128xf32, #tpu.memory_space<vmem>>
      tpu.enqueue_dma source(%dma_start3A_132 : memref<80x128xf32, #tpu.memory_space<vmem>>) target(%dma_start3A_129 : memref<80x128xf32, #tpu.memory_space<vmem_shared>>) target_semaphore(%run_scoped3A : memref<!tpu.dma_semaphore, #tpu.memory_space<semaphore_mem>>)
      %dma_wait3A_133 = arith.constant 0 : i32
      %dma_wait3A_134 = arith.constant 0 : i32
      %dma_wait3A_135 = tpu.memref_slice %arg7[%dma_wait3A_133, %dma_wait3A_134] : memref<125x128xf32, #tpu.memory_space<vmem>> -> memref<80x128xf32, #tpu.memory_space<vmem>>
      %dma_wait3A_136 = arith.constant 0 : i32
      %dma_wait3A_137 = tpu.memref_slice %arg9[%add3A_24, %dma_wait3A_136] : memref<10240x128xf32, #tpu.memory_space<vmem_shared>> -> memref<80x128xf32, #tpu.memory_space<vmem_shared>>
      %dma_wait3A_138 = arith.constant 0 : i32
      %dma_wait3A_139 = tpu.memref_slice %arg9[%add3A_24, %dma_wait3A_138] : memref<10240x128xf32, #tpu.memory_space<vmem_shared>> -> memref<80x128xf32, #tpu.memory_space<vmem_shared>>
      %dma_wait3A_140 = arith.constant 0 : i32
      %dma_wait3A_141 = arith.constant 0 : i32
      %dma_wait3A_142 = tpu.memref_slice %arg7[%dma_wait3A_140, %dma_wait3A_141] : memref<125x128xf32, #tpu.memory_space<vmem>> -> memref<80x128xf32, #tpu.memory_space<vmem>>
      tpu.wait_dma2 semaphore(%run_scoped3A : memref<!tpu.dma_semaphore, #tpu.memory_space<semaphore_mem>>) src(%dma_wait3A_142 : memref<80x128xf32, #tpu.memory_space<vmem>>) dst(%dma_wait3A_139 : memref<80x128xf32, #tpu.memory_space<vmem_shared>>)
      tpu.yield
    }) : () -> ()
    %add3A_25 = arith.constant 0 : i32
    %add3A_26 = arith.addi %mul3A_4, %add3A_25 : i32
    "tpu.region"() ({
      %run_scoped3A = tpu.sem_alloc : memref<!tpu.dma_semaphore, #tpu.memory_space<semaphore_mem>>
      %dma_start3A_123 = arith.constant 0 : i32
      %dma_start3A_124 = arith.constant 0 : i32
      %dma_start3A_125 = tpu.memref_slice %arg5[%dma_start3A_123, %dma_start3A_124] : memref<32x125xi32, #tpu.memory_space<vmem>> -> memref<16x125xi32, #tpu.memory_space<vmem>>
      %dma_start3A_126 = arith.constant 0 : i32
      %dma_start3A_127 = tpu.memref_slice %arg3[%add3A_26, %dma_start3A_126] : memref<5120x125xi32, #tpu.memory_space<hbm>> -> memref<16x125xi32, #tpu.memory_space<hbm>>
      %dma_start3A_128 = arith.constant 0 : i32
      %dma_start3A_129 = arith.constant 0 : i32
      %dma_start3A_130 = tpu.memref_slice %arg5[%dma_start3A_128, %dma_start3A_129] : memref<32x125xi32, #tpu.memory_space<vmem>> -> memref<16x125xi32, #tpu.memory_space<vmem>>
      %dma_start3A_131 = arith.constant 0 : i32
      %dma_start3A_132 = tpu.memref_slice %arg3[%add3A_26, %dma_start3A_131] : memref<5120x125xi32, #tpu.memory_space<hbm>> -> memref<16x125xi32, #tpu.memory_space<hbm>>
      tpu.enqueue_dma source(%dma_start3A_132 : memref<16x125xi32, #tpu.memory_space<hbm>>) target(%dma_start3A_130 : memref<16x125xi32, #tpu.memory_space<vmem>>) target_semaphore(%run_scoped3A : memref<!tpu.dma_semaphore, #tpu.memory_space<semaphore_mem>>)
      %dma_wait3A_133 = arith.constant 0 : i32
      %dma_wait3A_134 = arith.constant 0 : i32
      %dma_wait3A_135 = tpu.memref_slice %arg5[%dma_wait3A_133, %dma_wait3A_134] : memref<32x125xi32, #tpu.memory_space<vmem>> -> memref<16x125xi32, #tpu.memory_space<vmem>>
      %dma_wait3A_136 = arith.constant 0 : i32
      %dma_wait3A_137 = tpu.memref_slice %arg3[%add3A_26, %dma_wait3A_136] : memref<5120x125xi32, #tpu.memory_space<hbm>> -> memref<16x125xi32, #tpu.memory_space<hbm>>
      %dma_wait3A_138 = arith.constant 0 : i32
      %dma_wait3A_139 = arith.constant 0 : i32
      %dma_wait3A_140 = tpu.memref_slice %arg5[%dma_wait3A_138, %dma_wait3A_139] : memref<32x125xi32, #tpu.memory_space<vmem>> -> memref<16x125xi32, #tpu.memory_space<vmem>>
      %dma_wait3A_141 = arith.constant 0 : i32
      %dma_wait3A_142 = tpu.memref_slice %arg3[%add3A_26, %dma_wait3A_141] : memref<5120x125xi32, #tpu.memory_space<hbm>> -> memref<16x125xi32, #tpu.memory_space<hbm>>
      tpu.wait_dma2 semaphore(%run_scoped3A : memref<!tpu.dma_semaphore, #tpu.memory_space<semaphore_mem>>) src(%dma_wait3A_142 : memref<16x125xi32, #tpu.memory_space<hbm>>) dst(%dma_wait3A_140 : memref<16x125xi32, #tpu.memory_space<vmem>>)
      tpu.yield
    }) : () -> ()
    %add3A_27 = arith.constant 2560 : i32
    %add3A_28 = arith.addi %add3A_27, %mul3A_4 : i32
    %add3A_29 = arith.constant 0 : i32
    %add3A_30 = arith.addi %add3A_28, %add3A_29 : i32
    "tpu.region"() ({
      %run_scoped3A = tpu.sem_alloc : memref<!tpu.dma_semaphore, #tpu.memory_space<semaphore_mem>>
      %dma_start3A_123 = arith.constant 0 : i32
      %dma_start3A_124 = arith.constant 0 : i32
      %dma_start3A_125 = tpu.memref_slice %arg6[%dma_start3A_123, %dma_start3A_124] : memref<32x125xi32, #tpu.memory_space<vmem>> -> memref<16x125xi32, #tpu.memory_space<vmem>>
      %dma_start3A_126 = arith.constant 0 : i32
      %dma_start3A_127 = tpu.memref_slice %arg3[%add3A_30, %dma_start3A_126] : memref<5120x125xi32, #tpu.memory_space<hbm>> -> memref<16x125xi32, #tpu.memory_space<hbm>>
      %dma_start3A_128 = arith.constant 0 : i32
      %dma_start3A_129 = arith.constant 0 : i32
      %dma_start3A_130 = tpu.memref_slice %arg6[%dma_start3A_128, %dma_start3A_129] : memref<32x125xi32, #tpu.memory_space<vmem>> -> memref<16x125xi32, #tpu.memory_space<vmem>>
      %dma_start3A_131 = arith.constant 0 : i32
      %dma_start3A_132 = tpu.memref_slice %arg3[%add3A_30, %dma_start3A_131] : memref<5120x125xi32, #tpu.memory_space<hbm>> -> memref<16x125xi32, #tpu.memory_space<hbm>>
      tpu.enqueue_dma source(%dma_start3A_132 : memref<16x125xi32, #tpu.memory_space<hbm>>) target(%dma_start3A_130 : memref<16x125xi32, #tpu.memory_space<vmem>>) target_semaphore(%run_scoped3A : memref<!tpu.dma_semaphore, #tpu.memory_space<semaphore_mem>>)
      %dma_wait3A_133 = arith.constant 0 : i32
      %dma_wait3A_134 = arith.constant 0 : i32
      %dma_wait3A_135 = tpu.memref_slice %arg6[%dma_wait3A_133, %dma_wait3A_134] : memref<32x125xi32, #tpu.memory_space<vmem>> -> memref<16x125xi32, #tpu.memory_space<vmem>>
      %dma_wait3A_136 = arith.constant 0 : i32
      %dma_wait3A_137 = tpu.memref_slice %arg3[%add3A_30, %dma_wait3A_136] : memref<5120x125xi32, #tpu.memory_space<hbm>> -> memref<16x125xi32, #tpu.memory_space<hbm>>
      %dma_wait3A_138 = arith.constant 0 : i32
      %dma_wait3A_139 = arith.constant 0 : i32
      %dma_wait3A_140 = tpu.memref_slice %arg6[%dma_wait3A_138, %dma_wait3A_139] : memref<32x125xi32, #tpu.memory_space<vmem>> -> memref<16x125xi32, #tpu.memory_space<vmem>>
      %dma_wait3A_141 = arith.constant 0 : i32
      %dma_wait3A_142 = tpu.memref_slice %arg3[%add3A_30, %dma_wait3A_141] : memref<5120x125xi32, #tpu.memory_space<hbm>> -> memref<16x125xi32, #tpu.memory_space<hbm>>
      tpu.wait_dma2 semaphore(%run_scoped3A : memref<!tpu.dma_semaphore, #tpu.memory_space<semaphore_mem>>) src(%dma_wait3A_142 : memref<16x125xi32, #tpu.memory_space<hbm>>) dst(%dma_wait3A_140 : memref<16x125xi32, #tpu.memory_space<vmem>>)
      tpu.yield
    }) : () -> ()
    %barrier3A = arith.constant 0 : index
    tpu.barrier barrier_id(%barrier3A)
    %rem3A = arith.constant 0 : i32
    %rem3A_31 = arith.constant 32 : i32
    %rem3A_32 = arith.remsi %rem3A, %rem3A_31 : i32
    %dma_start3A = arith.constant 0 : i32
    %dma_start3A_33 = tpu.memref_slice %arg5[%rem3A_32, %dma_start3A] : memref<32x125xi32, #tpu.memory_space<vmem>> -> memref<1x125xi32, #tpu.memory_space<vmem>>
    %dma_start3A_34 = tpu.memref_squeeze %dma_start3A_33 : memref<1x125xi32, #tpu.memory_space<vmem>> -> memref<125xi32, #tpu.memory_space<vmem>>
    %dma_start3A_35 = arith.constant 0 : i32
    %dma_start3A_36 = arith.constant 0 : i32
    %dma_start3A_37 = tpu.memref_slice %arg2[%dma_start3A_35, %dma_start3A_36] : memref<10000x128xf32, #tpu.memory_space<hbm>> -> memref<10000x128xf32, #tpu.memory_space<hbm>>
    tpu.enqueue_indirect_dma source(%dma_start3A_37 : memref<10000x128xf32, #tpu.memory_space<hbm>>) target(%arg7 : memref<125x128xf32, #tpu.memory_space<vmem>>) offsets(%dma_start3A_34 : memref<125xi32, #tpu.memory_space<vmem>>) semaphore(%arg10 : memref<!tpu.dma_semaphore, #tpu.memory_space<semaphore_mem>>)
    %rem3A_38 = arith.constant 1 : i32
    %rem3A_39 = arith.constant 32 : i32
    %rem3A_40 = arith.remsi %rem3A_38, %rem3A_39 : i32
    %dma_start3A_41 = arith.constant 0 : i32
    %dma_start3A_42 = tpu.memref_slice %arg5[%rem3A_40, %dma_start3A_41] : memref<32x125xi32, #tpu.memory_space<vmem>> -> memref<1x125xi32, #tpu.memory_space<vmem>>
    %dma_start3A_43 = tpu.memref_squeeze %dma_start3A_42 : memref<1x125xi32, #tpu.memory_space<vmem>> -> memref<125xi32, #tpu.memory_space<vmem>>
    %dma_start3A_44 = arith.constant 0 : i32
    %dma_start3A_45 = arith.constant 0 : i32
    %dma_start3A_46 = tpu.memref_slice %arg2[%dma_start3A_44, %dma_start3A_45] : memref<10000x128xf32, #tpu.memory_space<hbm>> -> memref<10000x128xf32, #tpu.memory_space<hbm>>
    tpu.enqueue_indirect_dma source(%dma_start3A_46 : memref<10000x128xf32, #tpu.memory_space<hbm>>) target(%arg8 : memref<125x128xf32, #tpu.memory_space<vmem>>) offsets(%dma_start3A_43 : memref<125xi32, #tpu.memory_space<vmem>>) semaphore(%arg11 : memref<!tpu.dma_semaphore, #tpu.memory_space<semaphore_mem>>)
    %add3A_47 = arith.constant 16 : i32
    %add3A_48 = arith.addi %mul3A_4, %add3A_47 : i32
    "tpu.region"() ({
      %run_scoped3A = tpu.sem_alloc : memref<!tpu.dma_semaphore, #tpu.memory_space<semaphore_mem>>
      %dma_start3A_123 = arith.constant 16 : i32
      %dma_start3A_124 = arith.constant 0 : i32
      %dma_start3A_125 = tpu.memref_slice %arg5[%dma_start3A_123, %dma_start3A_124] : memref<32x125xi32, #tpu.memory_space<vmem>> -> memref<16x125xi32, #tpu.memory_space<vmem>>
      %dma_start3A_126 = arith.constant 0 : i32
      %dma_start3A_127 = tpu.memref_slice %arg3[%add3A_48, %dma_start3A_126] : memref<5120x125xi32, #tpu.memory_space<hbm>> -> memref<16x125xi32, #tpu.memory_space<hbm>>
      %dma_start3A_128 = arith.constant 16 : i32
      %dma_start3A_129 = arith.constant 0 : i32
      %dma_start3A_130 = tpu.memref_slice %arg5[%dma_start3A_128, %dma_start3A_129] : memref<32x125xi32, #tpu.memory_space<vmem>> -> memref<16x125xi32, #tpu.memory_space<vmem>>
      %dma_start3A_131 = arith.constant 0 : i32
      %dma_start3A_132 = tpu.memref_slice %arg3[%add3A_48, %dma_start3A_131] : memref<5120x125xi32, #tpu.memory_space<hbm>> -> memref<16x125xi32, #tpu.memory_space<hbm>>
      tpu.enqueue_dma source(%dma_start3A_132 : memref<16x125xi32, #tpu.memory_space<hbm>>) target(%dma_start3A_130 : memref<16x125xi32, #tpu.memory_space<vmem>>) target_semaphore(%run_scoped3A : memref<!tpu.dma_semaphore, #tpu.memory_space<semaphore_mem>>)
      %dma_wait3A_133 = arith.constant 16 : i32
      %dma_wait3A_134 = arith.constant 0 : i32
      %dma_wait3A_135 = tpu.memref_slice %arg5[%dma_wait3A_133, %dma_wait3A_134] : memref<32x125xi32, #tpu.memory_space<vmem>> -> memref<16x125xi32, #tpu.memory_space<vmem>>
      %dma_wait3A_136 = arith.constant 0 : i32
      %dma_wait3A_137 = tpu.memref_slice %arg3[%add3A_48, %dma_wait3A_136] : memref<5120x125xi32, #tpu.memory_space<hbm>> -> memref<16x125xi32, #tpu.memory_space<hbm>>
      %dma_wait3A_138 = arith.constant 16 : i32
      %dma_wait3A_139 = arith.constant 0 : i32
      %dma_wait3A_140 = tpu.memref_slice %arg5[%dma_wait3A_138, %dma_wait3A_139] : memref<32x125xi32, #tpu.memory_space<vmem>> -> memref<16x125xi32, #tpu.memory_space<vmem>>
      %dma_wait3A_141 = arith.constant 0 : i32
      %dma_wait3A_142 = tpu.memref_slice %arg3[%add3A_48, %dma_wait3A_141] : memref<5120x125xi32, #tpu.memory_space<hbm>> -> memref<16x125xi32, #tpu.memory_space<hbm>>
      tpu.wait_dma2 semaphore(%run_scoped3A : memref<!tpu.dma_semaphore, #tpu.memory_space<semaphore_mem>>) src(%dma_wait3A_142 : memref<16x125xi32, #tpu.memory_space<hbm>>) dst(%dma_wait3A_140 : memref<16x125xi32, #tpu.memory_space<vmem>>)
      tpu.yield
    }) : () -> ()
    %add3A_49 = arith.constant 2560 : i32
    %add3A_50 = arith.addi %add3A_49, %mul3A_4 : i32
    %add3A_51 = arith.constant 16 : i32
    %add3A_52 = arith.addi %add3A_50, %add3A_51 : i32
    "tpu.region"() ({
      %run_scoped3A = tpu.sem_alloc : memref<!tpu.dma_semaphore, #tpu.memory_space<semaphore_mem>>
      %dma_start3A_123 = arith.constant 16 : i32
      %dma_start3A_124 = arith.constant 0 : i32
      %dma_start3A_125 = tpu.memref_slice %arg6[%dma_start3A_123, %dma_start3A_124] : memref<32x125xi32, #tpu.memory_space<vmem>> -> memref<16x125xi32, #tpu.memory_space<vmem>>
      %dma_start3A_126 = arith.constant 0 : i32
      %dma_start3A_127 = tpu.memref_slice %arg3[%add3A_52, %dma_start3A_126] : memref<5120x125xi32, #tpu.memory_space<hbm>> -> memref<16x125xi32, #tpu.memory_space<hbm>>
      %dma_start3A_128 = arith.constant 16 : i32
      %dma_start3A_129 = arith.constant 0 : i32
      %dma_start3A_130 = tpu.memref_slice %arg6[%dma_start3A_128, %dma_start3A_129] : memref<32x125xi32, #tpu.memory_space<vmem>> -> memref<16x125xi32, #tpu.memory_space<vmem>>
      %dma_start3A_131 = arith.constant 0 : i32
      %dma_start3A_132 = tpu.memref_slice %arg3[%add3A_52, %dma_start3A_131] : memref<5120x125xi32, #tpu.memory_space<hbm>> -> memref<16x125xi32, #tpu.memory_space<hbm>>
      tpu.enqueue_dma source(%dma_start3A_132 : memref<16x125xi32, #tpu.memory_space<hbm>>) target(%dma_start3A_130 : memref<16x125xi32, #tpu.memory_space<vmem>>) target_semaphore(%run_scoped3A : memref<!tpu.dma_semaphore, #tpu.memory_space<semaphore_mem>>)
      %dma_wait3A_133 = arith.constant 16 : i32
      %dma_wait3A_134 = arith.constant 0 : i32
      %dma_wait3A_135 = tpu.memref_slice %arg6[%dma_wait3A_133, %dma_wait3A_134] : memref<32x125xi32, #tpu.memory_space<vmem>> -> memref<16x125xi32, #tpu.memory_space<vmem>>
      %dma_wait3A_136 = arith.constant 0 : i32
      %dma_wait3A_137 = tpu.memref_slice %arg3[%add3A_52, %dma_wait3A_136] : memref<5120x125xi32, #tpu.memory_space<hbm>> -> memref<16x125xi32, #tpu.memory_space<hbm>>
      %dma_wait3A_138 = arith.constant 16 : i32
      %dma_wait3A_139 = arith.constant 0 : i32
      %dma_wait3A_140 = tpu.memref_slice %arg6[%dma_wait3A_138, %dma_wait3A_139] : memref<32x125xi32, #tpu.memory_space<vmem>> -> memref<16x125xi32, #tpu.memory_space<vmem>>
      %dma_wait3A_141 = arith.constant 0 : i32
      %dma_wait3A_142 = tpu.memref_slice %arg3[%add3A_52, %dma_wait3A_141] : memref<5120x125xi32, #tpu.memory_space<hbm>> -> memref<16x125xi32, #tpu.memory_space<hbm>>
      tpu.wait_dma2 semaphore(%run_scoped3A : memref<!tpu.dma_semaphore, #tpu.memory_space<semaphore_mem>>) src(%dma_wait3A_142 : memref<16x125xi32, #tpu.memory_space<hbm>>) dst(%dma_wait3A_140 : memref<16x125xi32, #tpu.memory_space<vmem>>)
      tpu.yield
    }) : () -> ()
    %scan3A_53 = arith.constant 0 : i32
    %scan3A_54 = arith.constant 8 : i32
    %scan3A_55 = arith.addi %scan3A_53, %scan3A_54 : i32
    %scan3A_56 = arith.constant 1 : i32
    scf.for %scan3A_123 = %scan3A_53 to %scan3A_55 step %scan3A_56  : i32 {
      %mul3A_124 = arith.constant 2 : i32
      %mul3A_125 = arith.muli %mul3A_124, %scan3A_123 : i32
      %add3A_126 = arith.constant 0 : i32
      %add3A_127 = arith.addi %add3A_126, %mul3A_125 : i32
      %rem3A_128 = arith.constant 32 : i32
      %rem3A_129 = arith.remsi %add3A_127, %rem3A_128 : i32
      %dma_wait3A_130 = arith.constant 0 : i32
      %dma_wait3A_131 = tpu.memref_slice %arg5[%rem3A_129, %dma_wait3A_130] : memref<32x125xi32, #tpu.memory_space<vmem>> -> memref<1x125xi32, #tpu.memory_space<vmem>>
      %dma_wait3A_132 = tpu.memref_squeeze %dma_wait3A_131 : memref<1x125xi32, #tpu.memory_space<vmem>> -> memref<125xi32, #tpu.memory_space<vmem>>
      %dma_wait3A_133 = arith.constant 0 : i32
      %dma_wait3A_134 = arith.constant 0 : i32
      %dma_wait3A_135 = tpu.memref_slice %arg2[%dma_wait3A_133, %dma_wait3A_134] : memref<10000x128xf32, #tpu.memory_space<hbm>> -> memref<10000x128xf32, #tpu.memory_space<hbm>>
      tpu.wait_indirect_dma semaphore(%arg10 : memref<!tpu.dma_semaphore, #tpu.memory_space<semaphore_mem>>) src(%dma_wait3A_135 : memref<10000x128xf32, #tpu.memory_space<hbm>>) dst(%arg7 : memref<125x128xf32, #tpu.memory_space<vmem>>)
      %rem3A_136 = arith.constant 32 : i32
      %rem3A_137 = arith.remsi %add3A_127, %rem3A_136 : i32
      "tpu.region"() ({
        %run_scoped3A = tpu.sem_alloc : memref<!tpu.dma_semaphore, #tpu.memory_space<semaphore_mem>>
        %dma_start3A_170 = arith.constant 0 : i32
        %dma_start3A_171 = tpu.memref_slice %arg6[%rem3A_137, %dma_start3A_170] : memref<32x125xi32, #tpu.memory_space<vmem>> -> memref<1x125xi32, #tpu.memory_space<vmem>>
        %dma_start3A_172 = tpu.memref_squeeze %dma_start3A_171 : memref<1x125xi32, #tpu.memory_space<vmem>> -> memref<125xi32, #tpu.memory_space<vmem>>
        %dma_start3A_173 = arith.constant 0 : i32
        %dma_start3A_174 = arith.constant 0 : i32
        %dma_start3A_175 = tpu.memref_slice %arg9[%dma_start3A_173, %dma_start3A_174] : memref<10240x128xf32, #tpu.memory_space<vmem_shared>> -> memref<10240x128xf32, #tpu.memory_space<vmem_shared>>
        tpu.enqueue_indirect_dma source(%arg7 : memref<125x128xf32, #tpu.memory_space<vmem>>) target(%dma_start3A_175 : memref<10240x128xf32, #tpu.memory_space<vmem_shared>>) offsets(%dma_start3A_172 : memref<125xi32, #tpu.memory_space<vmem>>) semaphore(%run_scoped3A : memref<!tpu.dma_semaphore, #tpu.memory_space<semaphore_mem>>) {add = true}
        %dma_wait3A_176 = arith.constant 0 : i32
        %dma_wait3A_177 = tpu.memref_slice %arg6[%rem3A_137, %dma_wait3A_176] : memref<32x125xi32, #tpu.memory_space<vmem>> -> memref<1x125xi32, #tpu.memory_space<vmem>>
        %dma_wait3A_178 = tpu.memref_squeeze %dma_wait3A_177 : memref<1x125xi32, #tpu.memory_space<vmem>> -> memref<125xi32, #tpu.memory_space<vmem>>
        %dma_wait3A_179 = arith.constant 0 : i32
        %dma_wait3A_180 = arith.constant 0 : i32
        %dma_wait3A_181 = tpu.memref_slice %arg9[%dma_wait3A_179, %dma_wait3A_180] : memref<10240x128xf32, #tpu.memory_space<vmem_shared>> -> memref<10240x128xf32, #tpu.memory_space<vmem_shared>>
        tpu.wait_indirect_dma semaphore(%run_scoped3A : memref<!tpu.dma_semaphore, #tpu.memory_space<semaphore_mem>>) src(%arg7 : memref<125x128xf32, #tpu.memory_space<vmem>>) dst(%dma_wait3A_181 : memref<10240x128xf32, #tpu.memory_space<vmem_shared>>)
        tpu.yield
      }) : () -> ()
      %add3A_138 = arith.constant 2 : i32
      %add3A_139 = arith.addi %add3A_127, %add3A_138 : i32
      %rem3A_140 = arith.constant 32 : i32
      %rem3A_141 = arith.remsi %add3A_139, %rem3A_140 : i32
      %dma_start3A_142 = arith.constant 0 : i32
      %dma_start3A_143 = tpu.memref_slice %arg5[%rem3A_141, %dma_start3A_142] : memref<32x125xi32, #tpu.memory_space<vmem>> -> memref<1x125xi32, #tpu.memory_space<vmem>>
      %dma_start3A_144 = tpu.memref_squeeze %dma_start3A_143 : memref<1x125xi32, #tpu.memory_space<vmem>> -> memref<125xi32, #tpu.memory_space<vmem>>
      %dma_start3A_145 = arith.constant 0 : i32
      %dma_start3A_146 = arith.constant 0 : i32
      %dma_start3A_147 = tpu.memref_slice %arg2[%dma_start3A_145, %dma_start3A_146] : memref<10000x128xf32, #tpu.memory_space<hbm>> -> memref<10000x128xf32, #tpu.memory_space<hbm>>
      tpu.enqueue_indirect_dma source(%dma_start3A_147 : memref<10000x128xf32, #tpu.memory_space<hbm>>) target(%arg7 : memref<125x128xf32, #tpu.memory_space<vmem>>) offsets(%dma_start3A_144 : memref<125xi32, #tpu.memory_space<vmem>>) semaphore(%arg10 : memref<!tpu.dma_semaphore, #tpu.memory_space<semaphore_mem>>)
      %add3A_148 = arith.constant 1 : i32
      %add3A_149 = arith.addi %add3A_127, %add3A_148 : i32
      %rem3A_150 = arith.constant 32 : i32
      %rem3A_151 = arith.remsi %add3A_149, %rem3A_150 : i32
      %dma_wait3A_152 = arith.constant 0 : i32
      %dma_wait3A_153 = tpu.memref_slice %arg5[%rem3A_151, %dma_wait3A_152] : memref<32x125xi32, #tpu.memory_space<vmem>> -> memref<1x125xi32, #tpu.memory_space<vmem>>
      %dma_wait3A_154 = tpu.memref_squeeze %dma_wait3A_153 : memref<1x125xi32, #tpu.memory_space<vmem>> -> memref<125xi32, #tpu.memory_space<vmem>>
      %dma_wait3A_155 = arith.constant 0 : i32
      %dma_wait3A_156 = arith.constant 0 : i32
      %dma_wait3A_157 = tpu.memref_slice %arg2[%dma_wait3A_155, %dma_wait3A_156] : memref<10000x128xf32, #tpu.memory_space<hbm>> -> memref<10000x128xf32, #tpu.memory_space<hbm>>
      tpu.wait_indirect_dma semaphore(%arg11 : memref<!tpu.dma_semaphore, #tpu.memory_space<semaphore_mem>>) src(%dma_wait3A_157 : memref<10000x128xf32, #tpu.memory_space<hbm>>) dst(%arg8 : memref<125x128xf32, #tpu.memory_space<vmem>>)
      %rem3A_158 = arith.constant 32 : i32
      %rem3A_159 = arith.remsi %add3A_149, %rem3A_158 : i32
      "tpu.region"() ({
        %run_scoped3A = tpu.sem_alloc : memref<!tpu.dma_semaphore, #tpu.memory_space<semaphore_mem>>
        %dma_start3A_170 = arith.constant 0 : i32
        %dma_start3A_171 = tpu.memref_slice %arg6[%rem3A_159, %dma_start3A_170] : memref<32x125xi32, #tpu.memory_space<vmem>> -> memref<1x125xi32, #tpu.memory_space<vmem>>
        %dma_start3A_172 = tpu.memref_squeeze %dma_start3A_171 : memref<1x125xi32, #tpu.memory_space<vmem>> -> memref<125xi32, #tpu.memory_space<vmem>>
        %dma_start3A_173 = arith.constant 0 : i32
        %dma_start3A_174 = arith.constant 0 : i32
        %dma_start3A_175 = tpu.memref_slice %arg9[%dma_start3A_173, %dma_start3A_174] : memref<10240x128xf32, #tpu.memory_space<vmem_shared>> -> memref<10240x128xf32, #tpu.memory_space<vmem_shared>>
        tpu.enqueue_indirect_dma source(%arg8 : memref<125x128xf32, #tpu.memory_space<vmem>>) target(%dma_start3A_175 : memref<10240x128xf32, #tpu.memory_space<vmem_shared>>) offsets(%dma_start3A_172 : memref<125xi32, #tpu.memory_space<vmem>>) semaphore(%run_scoped3A : memref<!tpu.dma_semaphore, #tpu.memory_space<semaphore_mem>>) {add = true}
        %dma_wait3A_176 = arith.constant 0 : i32
        %dma_wait3A_177 = tpu.memref_slice %arg6[%rem3A_159, %dma_wait3A_176] : memref<32x125xi32, #tpu.memory_space<vmem>> -> memref<1x125xi32, #tpu.memory_space<vmem>>
        %dma_wait3A_178 = tpu.memref_squeeze %dma_wait3A_177 : memref<1x125xi32, #tpu.memory_space<vmem>> -> memref<125xi32, #tpu.memory_space<vmem>>
        %dma_wait3A_179 = arith.constant 0 : i32
        %dma_wait3A_180 = arith.constant 0 : i32
        %dma_wait3A_181 = tpu.memref_slice %arg9[%dma_wait3A_179, %dma_wait3A_180] : memref<10240x128xf32, #tpu.memory_space<vmem_shared>> -> memref<10240x128xf32, #tpu.memory_space<vmem_shared>>
        tpu.wait_indirect_dma semaphore(%run_scoped3A : memref<!tpu.dma_semaphore, #tpu.memory_space<semaphore_mem>>) src(%arg8 : memref<125x128xf32, #tpu.memory_space<vmem>>) dst(%dma_wait3A_181 : memref<10240x128xf32, #tpu.memory_space<vmem_shared>>)
        tpu.yield
      }) : () -> ()
      %add3A_160 = arith.constant 3 : i32
      %add3A_161 = arith.addi %add3A_127, %add3A_160 : i32
      %rem3A_162 = arith.constant 32 : i32
      %rem3A_163 = arith.remsi %add3A_161, %rem3A_162 : i32
      %dma_start3A_164 = arith.constant 0 : i32
      %dma_start3A_165 = tpu.memref_slice %arg5[%rem3A_163, %dma_start3A_164] : memref<32x125xi32, #tpu.memory_space<vmem>> -> memref<1x125xi32, #tpu.memory_space<vmem>>
      %dma_start3A_166 = tpu.memref_squeeze %dma_start3A_165 : memref<1x125xi32, #tpu.memory_space<vmem>> -> memref<125xi32, #tpu.memory_space<vmem>>
      %dma_start3A_167 = arith.constant 0 : i32
      %dma_start3A_168 = arith.constant 0 : i32
      %dma_start3A_169 = tpu.memref_slice %arg2[%dma_start3A_167, %dma_start3A_168] : memref<10000x128xf32, #tpu.memory_space<hbm>> -> memref<10000x128xf32, #tpu.memory_space<hbm>>
      tpu.enqueue_indirect_dma source(%dma_start3A_169 : memref<10000x128xf32, #tpu.memory_space<hbm>>) target(%arg8 : memref<125x128xf32, #tpu.memory_space<vmem>>) offsets(%dma_start3A_166 : memref<125xi32, #tpu.memory_space<vmem>>) semaphore(%arg11 : memref<!tpu.dma_semaphore, #tpu.memory_space<semaphore_mem>>)
    }
    %scan3A_57 = arith.constant 8 : i32
    %add3A_58 = arith.constant 32 : i32
    %add3A_59 = arith.addi %mul3A_4, %add3A_58 : i32
    "tpu.region"() ({
      %run_scoped3A = tpu.sem_alloc : memref<!tpu.dma_semaphore, #tpu.memory_space<semaphore_mem>>
      %dma_start3A_123 = arith.constant 0 : i32
      %dma_start3A_124 = arith.constant 0 : i32
      %dma_start3A_125 = tpu.memref_slice %arg5[%dma_start3A_123, %dma_start3A_124] : memref<32x125xi32, #tpu.memory_space<vmem>> -> memref<16x125xi32, #tpu.memory_space<vmem>>
      %dma_start3A_126 = arith.constant 0 : i32
      %dma_start3A_127 = tpu.memref_slice %arg3[%add3A_59, %dma_start3A_126] : memref<5120x125xi32, #tpu.memory_space<hbm>> -> memref<16x125xi32, #tpu.memory_space<hbm>>
      %dma_start3A_128 = arith.constant 0 : i32
      %dma_start3A_129 = arith.constant 0 : i32
      %dma_start3A_130 = tpu.memref_slice %arg5[%dma_start3A_128, %dma_start3A_129] : memref<32x125xi32, #tpu.memory_space<vmem>> -> memref<16x125xi32, #tpu.memory_space<vmem>>
      %dma_start3A_131 = arith.constant 0 : i32
      %dma_start3A_132 = tpu.memref_slice %arg3[%add3A_59, %dma_start3A_131] : memref<5120x125xi32, #tpu.memory_space<hbm>> -> memref<16x125xi32, #tpu.memory_space<hbm>>
      tpu.enqueue_dma source(%dma_start3A_132 : memref<16x125xi32, #tpu.memory_space<hbm>>) target(%dma_start3A_130 : memref<16x125xi32, #tpu.memory_space<vmem>>) target_semaphore(%run_scoped3A : memref<!tpu.dma_semaphore, #tpu.memory_space<semaphore_mem>>)
      %dma_wait3A_133 = arith.constant 0 : i32
      %dma_wait3A_134 = arith.constant 0 : i32
      %dma_wait3A_135 = tpu.memref_slice %arg5[%dma_wait3A_133, %dma_wait3A_134] : memref<32x125xi32, #tpu.memory_space<vmem>> -> memref<16x125xi32, #tpu.memory_space<vmem>>
      %dma_wait3A_136 = arith.constant 0 : i32
      %dma_wait3A_137 = tpu.memref_slice %arg3[%add3A_59, %dma_wait3A_136] : memref<5120x125xi32, #tpu.memory_space<hbm>> -> memref<16x125xi32, #tpu.memory_space<hbm>>
      %dma_wait3A_138 = arith.constant 0 : i32
      %dma_wait3A_139 = arith.constant 0 : i32
      %dma_wait3A_140 = tpu.memref_slice %arg5[%dma_wait3A_138, %dma_wait3A_139] : memref<32x125xi32, #tpu.memory_space<vmem>> -> memref<16x125xi32, #tpu.memory_space<vmem>>
      %dma_wait3A_141 = arith.constant 0 : i32
      %dma_wait3A_142 = tpu.memref_slice %arg3[%add3A_59, %dma_wait3A_141] : memref<5120x125xi32, #tpu.memory_space<hbm>> -> memref<16x125xi32, #tpu.memory_space<hbm>>
      tpu.wait_dma2 semaphore(%run_scoped3A : memref<!tpu.dma_semaphore, #tpu.memory_space<semaphore_mem>>) src(%dma_wait3A_142 : memref<16x125xi32, #tpu.memory_space<hbm>>) dst(%dma_wait3A_140 : memref<16x125xi32, #tpu.memory_space<vmem>>)
      tpu.yield
    }) : () -> ()
    %add3A_60 = arith.constant 2560 : i32
    %add3A_61 = arith.addi %add3A_60, %mul3A_4 : i32
    %add3A_62 = arith.constant 32 : i32
    %add3A_63 = arith.addi %add3A_61, %add3A_62 : i32
    "tpu.region"() ({
      %run_scoped3A = tpu.sem_alloc : memref<!tpu.dma_semaphore, #tpu.memory_space<semaphore_mem>>
      %dma_start3A_123 = arith.constant 0 : i32
      %dma_start3A_124 = arith.constant 0 : i32
      %dma_start3A_125 = tpu.memref_slice %arg6[%dma_start3A_123, %dma_start3A_124] : memref<32x125xi32, #tpu.memory_space<vmem>> -> memref<16x125xi32, #tpu.memory_space<vmem>>
      %dma_start3A_126 = arith.constant 0 : i32
      %dma_start3A_127 = tpu.memref_slice %arg3[%add3A_63, %dma_start3A_126] : memref<5120x125xi32, #tpu.memory_space<hbm>> -> memref<16x125xi32, #tpu.memory_space<hbm>>
      %dma_start3A_128 = arith.constant 0 : i32
      %dma_start3A_129 = arith.constant 0 : i32
      %dma_start3A_130 = tpu.memref_slice %arg6[%dma_start3A_128, %dma_start3A_129] : memref<32x125xi32, #tpu.memory_space<vmem>> -> memref<16x125xi32, #tpu.memory_space<vmem>>
      %dma_start3A_131 = arith.constant 0 : i32
      %dma_start3A_132 = tpu.memref_slice %arg3[%add3A_63, %dma_start3A_131] : memref<5120x125xi32, #tpu.memory_space<hbm>> -> memref<16x125xi32, #tpu.memory_space<hbm>>
      tpu.enqueue_dma source(%dma_start3A_132 : memref<16x125xi32, #tpu.memory_space<hbm>>) target(%dma_start3A_130 : memref<16x125xi32, #tpu.memory_space<vmem>>) target_semaphore(%run_scoped3A : memref<!tpu.dma_semaphore, #tpu.memory_space<semaphore_mem>>)
      %dma_wait3A_133 = arith.constant 0 : i32
      %dma_wait3A_134 = arith.constant 0 : i32
      %dma_wait3A_135 = tpu.memref_slice %arg6[%dma_wait3A_133, %dma_wait3A_134] : memref<32x125xi32, #tpu.memory_space<vmem>> -> memref<16x125xi32, #tpu.memory_space<vmem>>
      %dma_wait3A_136 = arith.constant 0 : i32
      %dma_wait3A_137 = tpu.memref_slice %arg3[%add3A_63, %dma_wait3A_136] : memref<5120x125xi32, #tpu.memory_space<hbm>> -> memref<16x125xi32, #tpu.memory_space<hbm>>
      %dma_wait3A_138 = arith.constant 0 : i32
      %dma_wait3A_139 = arith.constant 0 : i32
      %dma_wait3A_140 = tpu.memref_slice %arg6[%dma_wait3A_138, %dma_wait3A_139] : memref<32x125xi32, #tpu.memory_space<vmem>> -> memref<16x125xi32, #tpu.memory_space<vmem>>
      %dma_wait3A_141 = arith.constant 0 : i32
      %dma_wait3A_142 = tpu.memref_slice %arg3[%add3A_63, %dma_wait3A_141] : memref<5120x125xi32, #tpu.memory_space<hbm>> -> memref<16x125xi32, #tpu.memory_space<hbm>>
      tpu.wait_dma2 semaphore(%run_scoped3A : memref<!tpu.dma_semaphore, #tpu.memory_space<semaphore_mem>>) src(%dma_wait3A_142 : memref<16x125xi32, #tpu.memory_space<hbm>>) dst(%dma_wait3A_140 : memref<16x125xi32, #tpu.memory_space<vmem>>)
      tpu.yield
    }) : () -> ()
    %scan3A_64 = arith.constant 0 : i32
    %scan3A_65 = arith.constant 8 : i32
    %scan3A_66 = arith.addi %scan3A_64, %scan3A_65 : i32
    %scan3A_67 = arith.constant 1 : i32
    scf.for %scan3A_123 = %scan3A_64 to %scan3A_66 step %scan3A_67  : i32 {
      %mul3A_124 = arith.constant 2 : i32
      %mul3A_125 = arith.muli %mul3A_124, %scan3A_123 : i32
      %add3A_126 = arith.constant 16 : i32
      %add3A_127 = arith.addi %add3A_126, %mul3A_125 : i32
      %rem3A_128 = arith.constant 32 : i32
      %rem3A_129 = arith.remsi %add3A_127, %rem3A_128 : i32
      %dma_wait3A_130 = arith.constant 0 : i32
      %dma_wait3A_131 = tpu.memref_slice %arg5[%rem3A_129, %dma_wait3A_130] : memref<32x125xi32, #tpu.memory_space<vmem>> -> memref<1x125xi32, #tpu.memory_space<vmem>>
      %dma_wait3A_132 = tpu.memref_squeeze %dma_wait3A_131 : memref<1x125xi32, #tpu.memory_space<vmem>> -> memref<125xi32, #tpu.memory_space<vmem>>
      %dma_wait3A_133 = arith.constant 0 : i32
      %dma_wait3A_134 = arith.constant 0 : i32
      %dma_wait3A_135 = tpu.memref_slice %arg2[%dma_wait3A_133, %dma_wait3A_134] : memref<10000x128xf32, #tpu.memory_space<hbm>> -> memref<10000x128xf32, #tpu.memory_space<hbm>>
      tpu.wait_indirect_dma semaphore(%arg10 : memref<!tpu.dma_semaphore, #tpu.memory_space<semaphore_mem>>) src(%dma_wait3A_135 : memref<10000x128xf32, #tpu.memory_space<hbm>>) dst(%arg7 : memref<125x128xf32, #tpu.memory_space<vmem>>)
      %rem3A_136 = arith.constant 32 : i32
      %rem3A_137 = arith.remsi %add3A_127, %rem3A_136 : i32
      "tpu.region"() ({
        %run_scoped3A = tpu.sem_alloc : memref<!tpu.dma_semaphore, #tpu.memory_space<semaphore_mem>>
        %dma_start3A_170 = arith.constant 0 : i32
        %dma_start3A_171 = tpu.memref_slice %arg6[%rem3A_137, %dma_start3A_170] : memref<32x125xi32, #tpu.memory_space<vmem>> -> memref<1x125xi32, #tpu.memory_space<vmem>>
        %dma_start3A_172 = tpu.memref_squeeze %dma_start3A_171 : memref<1x125xi32, #tpu.memory_space<vmem>> -> memref<125xi32, #tpu.memory_space<vmem>>
        %dma_start3A_173 = arith.constant 0 : i32
        %dma_start3A_174 = arith.constant 0 : i32
        %dma_start3A_175 = tpu.memref_slice %arg9[%dma_start3A_173, %dma_start3A_174] : memref<10240x128xf32, #tpu.memory_space<vmem_shared>> -> memref<10240x128xf32, #tpu.memory_space<vmem_shared>>
        tpu.enqueue_indirect_dma source(%arg7 : memref<125x128xf32, #tpu.memory_space<vmem>>) target(%dma_start3A_175 : memref<10240x128xf32, #tpu.memory_space<vmem_shared>>) offsets(%dma_start3A_172 : memref<125xi32, #tpu.memory_space<vmem>>) semaphore(%run_scoped3A : memref<!tpu.dma_semaphore, #tpu.memory_space<semaphore_mem>>) {add = true}
        %dma_wait3A_176 = arith.constant 0 : i32
        %dma_wait3A_177 = tpu.memref_slice %arg6[%rem3A_137, %dma_wait3A_176] : memref<32x125xi32, #tpu.memory_space<vmem>> -> memref<1x125xi32, #tpu.memory_space<vmem>>
        %dma_wait3A_178 = tpu.memref_squeeze %dma_wait3A_177 : memref<1x125xi32, #tpu.memory_space<vmem>> -> memref<125xi32, #tpu.memory_space<vmem>>
        %dma_wait3A_179 = arith.constant 0 : i32
        %dma_wait3A_180 = arith.constant 0 : i32
        %dma_wait3A_181 = tpu.memref_slice %arg9[%dma_wait3A_179, %dma_wait3A_180] : memref<10240x128xf32, #tpu.memory_space<vmem_shared>> -> memref<10240x128xf32, #tpu.memory_space<vmem_shared>>
        tpu.wait_indirect_dma semaphore(%run_scoped3A : memref<!tpu.dma_semaphore, #tpu.memory_space<semaphore_mem>>) src(%arg7 : memref<125x128xf32, #tpu.memory_space<vmem>>) dst(%dma_wait3A_181 : memref<10240x128xf32, #tpu.memory_space<vmem_shared>>)
        tpu.yield
      }) : () -> ()
      %add3A_138 = arith.constant 2 : i32
      %add3A_139 = arith.addi %add3A_127, %add3A_138 : i32
      %rem3A_140 = arith.constant 32 : i32
      %rem3A_141 = arith.remsi %add3A_139, %rem3A_140 : i32
      %dma_start3A_142 = arith.constant 0 : i32
      %dma_start3A_143 = tpu.memref_slice %arg5[%rem3A_141, %dma_start3A_142] : memref<32x125xi32, #tpu.memory_space<vmem>> -> memref<1x125xi32, #tpu.memory_space<vmem>>
      %dma_start3A_144 = tpu.memref_squeeze %dma_start3A_143 : memref<1x125xi32, #tpu.memory_space<vmem>> -> memref<125xi32, #tpu.memory_space<vmem>>
      %dma_start3A_145 = arith.constant 0 : i32
      %dma_start3A_146 = arith.constant 0 : i32
      %dma_start3A_147 = tpu.memref_slice %arg2[%dma_start3A_145, %dma_start3A_146] : memref<10000x128xf32, #tpu.memory_space<hbm>> -> memref<10000x128xf32, #tpu.memory_space<hbm>>
      tpu.enqueue_indirect_dma source(%dma_start3A_147 : memref<10000x128xf32, #tpu.memory_space<hbm>>) target(%arg7 : memref<125x128xf32, #tpu.memory_space<vmem>>) offsets(%dma_start3A_144 : memref<125xi32, #tpu.memory_space<vmem>>) semaphore(%arg10 : memref<!tpu.dma_semaphore, #tpu.memory_space<semaphore_mem>>)
      %add3A_148 = arith.constant 1 : i32
      %add3A_149 = arith.addi %add3A_127, %add3A_148 : i32
      %rem3A_150 = arith.constant 32 : i32
      %rem3A_151 = arith.remsi %add3A_149, %rem3A_150 : i32
      %dma_wait3A_152 = arith.constant 0 : i32
      %dma_wait3A_153 = tpu.memref_slice %arg5[%rem3A_151, %dma_wait3A_152] : memref<32x125xi32, #tpu.memory_space<vmem>> -> memref<1x125xi32, #tpu.memory_space<vmem>>
      %dma_wait3A_154 = tpu.memref_squeeze %dma_wait3A_153 : memref<1x125xi32, #tpu.memory_space<vmem>> -> memref<125xi32, #tpu.memory_space<vmem>>
      %dma_wait3A_155 = arith.constant 0 : i32
      %dma_wait3A_156 = arith.constant 0 : i32
      %dma_wait3A_157 = tpu.memref_slice %arg2[%dma_wait3A_155, %dma_wait3A_156] : memref<10000x128xf32, #tpu.memory_space<hbm>> -> memref<10000x128xf32, #tpu.memory_space<hbm>>
      tpu.wait_indirect_dma semaphore(%arg11 : memref<!tpu.dma_semaphore, #tpu.memory_space<semaphore_mem>>) src(%dma_wait3A_157 : memref<10000x128xf32, #tpu.memory_space<hbm>>) dst(%arg8 : memref<125x128xf32, #tpu.memory_space<vmem>>)
      %rem3A_158 = arith.constant 32 : i32
      %rem3A_159 = arith.remsi %add3A_149, %rem3A_158 : i32
      "tpu.region"() ({
        %run_scoped3A = tpu.sem_alloc : memref<!tpu.dma_semaphore, #tpu.memory_space<semaphore_mem>>
        %dma_start3A_170 = arith.constant 0 : i32
        %dma_start3A_171 = tpu.memref_slice %arg6[%rem3A_159, %dma_start3A_170] : memref<32x125xi32, #tpu.memory_space<vmem>> -> memref<1x125xi32, #tpu.memory_space<vmem>>
        %dma_start3A_172 = tpu.memref_squeeze %dma_start3A_171 : memref<1x125xi32, #tpu.memory_space<vmem>> -> memref<125xi32, #tpu.memory_space<vmem>>
        %dma_start3A_173 = arith.constant 0 : i32
        %dma_start3A_174 = arith.constant 0 : i32
        %dma_start3A_175 = tpu.memref_slice %arg9[%dma_start3A_173, %dma_start3A_174] : memref<10240x128xf32, #tpu.memory_space<vmem_shared>> -> memref<10240x128xf32, #tpu.memory_space<vmem_shared>>
        tpu.enqueue_indirect_dma source(%arg8 : memref<125x128xf32, #tpu.memory_space<vmem>>) target(%dma_start3A_175 : memref<10240x128xf32, #tpu.memory_space<vmem_shared>>) offsets(%dma_start3A_172 : memref<125xi32, #tpu.memory_space<vmem>>) semaphore(%run_scoped3A : memref<!tpu.dma_semaphore, #tpu.memory_space<semaphore_mem>>) {add = true}
        %dma_wait3A_176 = arith.constant 0 : i32
        %dma_wait3A_177 = tpu.memref_slice %arg6[%rem3A_159, %dma_wait3A_176] : memref<32x125xi32, #tpu.memory_space<vmem>> -> memref<1x125xi32, #tpu.memory_space<vmem>>
        %dma_wait3A_178 = tpu.memref_squeeze %dma_wait3A_177 : memref<1x125xi32, #tpu.memory_space<vmem>> -> memref<125xi32, #tpu.memory_space<vmem>>
        %dma_wait3A_179 = arith.constant 0 : i32
        %dma_wait3A_180 = arith.constant 0 : i32
        %dma_wait3A_181 = tpu.memref_slice %arg9[%dma_wait3A_179, %dma_wait3A_180] : memref<10240x128xf32, #tpu.memory_space<vmem_shared>> -> memref<10240x128xf32, #tpu.memory_space<vmem_shared>>
        tpu.wait_indirect_dma semaphore(%run_scoped3A : memref<!tpu.dma_semaphore, #tpu.memory_space<semaphore_mem>>) src(%arg8 : memref<125x128xf32, #tpu.memory_space<vmem>>) dst(%dma_wait3A_181 : memref<10240x128xf32, #tpu.memory_space<vmem_shared>>)
        tpu.yield
      }) : () -> ()
      %add3A_160 = arith.constant 3 : i32
      %add3A_161 = arith.addi %add3A_127, %add3A_160 : i32
      %rem3A_162 = arith.constant 32 : i32
      %rem3A_163 = arith.remsi %add3A_161, %rem3A_162 : i32
      %dma_start3A_164 = arith.constant 0 : i32
      %dma_start3A_165 = tpu.memref_slice %arg5[%rem3A_163, %dma_start3A_164] : memref<32x125xi32, #tpu.memory_space<vmem>> -> memref<1x125xi32, #tpu.memory_space<vmem>>
      %dma_start3A_166 = tpu.memref_squeeze %dma_start3A_165 : memref<1x125xi32, #tpu.memory_space<vmem>> -> memref<125xi32, #tpu.memory_space<vmem>>
      %dma_start3A_167 = arith.constant 0 : i32
      %dma_start3A_168 = arith.constant 0 : i32
      %dma_start3A_169 = tpu.memref_slice %arg2[%dma_start3A_167, %dma_start3A_168] : memref<10000x128xf32, #tpu.memory_space<hbm>> -> memref<10000x128xf32, #tpu.memory_space<hbm>>
      tpu.enqueue_indirect_dma source(%dma_start3A_169 : memref<10000x128xf32, #tpu.memory_space<hbm>>) target(%arg8 : memref<125x128xf32, #tpu.memory_space<vmem>>) offsets(%dma_start3A_166 : memref<125xi32, #tpu.memory_space<vmem>>) semaphore(%arg11 : memref<!tpu.dma_semaphore, #tpu.memory_space<semaphore_mem>>)
    }
    %scan3A_68 = arith.constant 8 : i32
    %add3A_69 = arith.constant 48 : i32
    %add3A_70 = arith.addi %mul3A_4, %add3A_69 : i32
    "tpu.region"() ({
      %run_scoped3A = tpu.sem_alloc : memref<!tpu.dma_semaphore, #tpu.memory_space<semaphore_mem>>
      %dma_start3A_123 = arith.constant 16 : i32
      %dma_start3A_124 = arith.constant 0 : i32
      %dma_start3A_125 = tpu.memref_slice %arg5[%dma_start3A_123, %dma_start3A_124] : memref<32x125xi32, #tpu.memory_space<vmem>> -> memref<16x125xi32, #tpu.memory_space<vmem>>
      %dma_start3A_126 = arith.constant 0 : i32
      %dma_start3A_127 = tpu.memref_slice %arg3[%add3A_70, %dma_start3A_126] : memref<5120x125xi32, #tpu.memory_space<hbm>> -> memref<16x125xi32, #tpu.memory_space<hbm>>
      %dma_start3A_128 = arith.constant 16 : i32
      %dma_start3A_129 = arith.constant 0 : i32
      %dma_start3A_130 = tpu.memref_slice %arg5[%dma_start3A_128, %dma_start3A_129] : memref<32x125xi32, #tpu.memory_space<vmem>> -> memref<16x125xi32, #tpu.memory_space<vmem>>
      %dma_start3A_131 = arith.constant 0 : i32
      %dma_start3A_132 = tpu.memref_slice %arg3[%add3A_70, %dma_start3A_131] : memref<5120x125xi32, #tpu.memory_space<hbm>> -> memref<16x125xi32, #tpu.memory_space<hbm>>
      tpu.enqueue_dma source(%dma_start3A_132 : memref<16x125xi32, #tpu.memory_space<hbm>>) target(%dma_start3A_130 : memref<16x125xi32, #tpu.memory_space<vmem>>) target_semaphore(%run_scoped3A : memref<!tpu.dma_semaphore, #tpu.memory_space<semaphore_mem>>)
      %dma_wait3A_133 = arith.constant 16 : i32
      %dma_wait3A_134 = arith.constant 0 : i32
      %dma_wait3A_135 = tpu.memref_slice %arg5[%dma_wait3A_133, %dma_wait3A_134] : memref<32x125xi32, #tpu.memory_space<vmem>> -> memref<16x125xi32, #tpu.memory_space<vmem>>
      %dma_wait3A_136 = arith.constant 0 : i32
      %dma_wait3A_137 = tpu.memref_slice %arg3[%add3A_70, %dma_wait3A_136] : memref<5120x125xi32, #tpu.memory_space<hbm>> -> memref<16x125xi32, #tpu.memory_space<hbm>>
      %dma_wait3A_138 = arith.constant 16 : i32
      %dma_wait3A_139 = arith.constant 0 : i32
      %dma_wait3A_140 = tpu.memref_slice %arg5[%dma_wait3A_138, %dma_wait3A_139] : memref<32x125xi32, #tpu.memory_space<vmem>> -> memref<16x125xi32, #tpu.memory_space<vmem>>
      %dma_wait3A_141 = arith.constant 0 : i32
      %dma_wait3A_142 = tpu.memref_slice %arg3[%add3A_70, %dma_wait3A_141] : memref<5120x125xi32, #tpu.memory_space<hbm>> -> memref<16x125xi32, #tpu.memory_space<hbm>>
      tpu.wait_dma2 semaphore(%run_scoped3A : memref<!tpu.dma_semaphore, #tpu.memory_space<semaphore_mem>>) src(%dma_wait3A_142 : memref<16x125xi32, #tpu.memory_space<hbm>>) dst(%dma_wait3A_140 : memref<16x125xi32, #tpu.memory_space<vmem>>)
      tpu.yield
    }) : () -> ()
    %add3A_71 = arith.constant 2560 : i32
    %add3A_72 = arith.addi %add3A_71, %mul3A_4 : i32
    %add3A_73 = arith.constant 48 : i32
    %add3A_74 = arith.addi %add3A_72, %add3A_73 : i32
    "tpu.region"() ({
      %run_scoped3A = tpu.sem_alloc : memref<!tpu.dma_semaphore, #tpu.memory_space<semaphore_mem>>
      %dma_start3A_123 = arith.constant 16 : i32
      %dma_start3A_124 = arith.constant 0 : i32
      %dma_start3A_125 = tpu.memref_slice %arg6[%dma_start3A_123, %dma_start3A_124] : memref<32x125xi32, #tpu.memory_space<vmem>> -> memref<16x125xi32, #tpu.memory_space<vmem>>
      %dma_start3A_126 = arith.constant 0 : i32
      %dma_start3A_127 = tpu.memref_slice %arg3[%add3A_74, %dma_start3A_126] : memref<5120x125xi32, #tpu.memory_space<hbm>> -> memref<16x125xi32, #tpu.memory_space<hbm>>
      %dma_start3A_128 = arith.constant 16 : i32
      %dma_start3A_129 = arith.constant 0 : i32
      %dma_start3A_130 = tpu.memref_slice %arg6[%dma_start3A_128, %dma_start3A_129] : memref<32x125xi32, #tpu.memory_space<vmem>> -> memref<16x125xi32, #tpu.memory_space<vmem>>
      %dma_start3A_131 = arith.constant 0 : i32
      %dma_start3A_132 = tpu.memref_slice %arg3[%add3A_74, %dma_start3A_131] : memref<5120x125xi32, #tpu.memory_space<hbm>> -> memref<16x125xi32, #tpu.memory_space<hbm>>
      tpu.enqueue_dma source(%dma_start3A_132 : memref<16x125xi32, #tpu.memory_space<hbm>>) target(%dma_start3A_130 : memref<16x125xi32, #tpu.memory_space<vmem>>) target_semaphore(%run_scoped3A : memref<!tpu.dma_semaphore, #tpu.memory_space<semaphore_mem>>)
      %dma_wait3A_133 = arith.constant 16 : i32
      %dma_wait3A_134 = arith.constant 0 : i32
      %dma_wait3A_135 = tpu.memref_slice %arg6[%dma_wait3A_133, %dma_wait3A_134] : memref<32x125xi32, #tpu.memory_space<vmem>> -> memref<16x125xi32, #tpu.memory_space<vmem>>
      %dma_wait3A_136 = arith.constant 0 : i32
      %dma_wait3A_137 = tpu.memref_slice %arg3[%add3A_74, %dma_wait3A_136] : memref<5120x125xi32, #tpu.memory_space<hbm>> -> memref<16x125xi32, #tpu.memory_space<hbm>>
      %dma_wait3A_138 = arith.constant 16 : i32
      %dma_wait3A_139 = arith.constant 0 : i32
      %dma_wait3A_140 = tpu.memref_slice %arg6[%dma_wait3A_138, %dma_wait3A_139] : memref<32x125xi32, #tpu.memory_space<vmem>> -> memref<16x125xi32, #tpu.memory_space<vmem>>
      %dma_wait3A_141 = arith.constant 0 : i32
      %dma_wait3A_142 = tpu.memref_slice %arg3[%add3A_74, %dma_wait3A_141] : memref<5120x125xi32, #tpu.memory_space<hbm>> -> memref<16x125xi32, #tpu.memory_space<hbm>>
      tpu.wait_dma2 semaphore(%run_scoped3A : memref<!tpu.dma_semaphore, #tpu.memory_space<semaphore_mem>>) src(%dma_wait3A_142 : memref<16x125xi32, #tpu.memory_space<hbm>>) dst(%dma_wait3A_140 : memref<16x125xi32, #tpu.memory_space<vmem>>)
      tpu.yield
    }) : () -> ()
    %scan3A_75 = arith.constant 0 : i32
    %scan3A_76 = arith.constant 8 : i32
    %scan3A_77 = arith.addi %scan3A_75, %scan3A_76 : i32
    %scan3A_78 = arith.constant 1 : i32
    scf.for %scan3A_123 = %scan3A_75 to %scan3A_77 step %scan3A_78  : i32 {
      %mul3A_124 = arith.constant 2 : i32
      %mul3A_125 = arith.muli %mul3A_124, %scan3A_123 : i32
      %add3A_126 = arith.constant 32 : i32
      %add3A_127 = arith.addi %add3A_126, %mul3A_125 : i32
      %rem3A_128 = arith.constant 32 : i32
      %rem3A_129 = arith.remsi %add3A_127, %rem3A_128 : i32
      %dma_wait3A_130 = arith.constant 0 : i32
      %dma_wait3A_131 = tpu.memref_slice %arg5[%rem3A_129, %dma_wait3A_130] : memref<32x125xi32, #tpu.memory_space<vmem>> -> memref<1x125xi32, #tpu.memory_space<vmem>>
      %dma_wait3A_132 = tpu.memref_squeeze %dma_wait3A_131 : memref<1x125xi32, #tpu.memory_space<vmem>> -> memref<125xi32, #tpu.memory_space<vmem>>
      %dma_wait3A_133 = arith.constant 0 : i32
      %dma_wait3A_134 = arith.constant 0 : i32
      %dma_wait3A_135 = tpu.memref_slice %arg2[%dma_wait3A_133, %dma_wait3A_134] : memref<10000x128xf32, #tpu.memory_space<hbm>> -> memref<10000x128xf32, #tpu.memory_space<hbm>>
      tpu.wait_indirect_dma semaphore(%arg10 : memref<!tpu.dma_semaphore, #tpu.memory_space<semaphore_mem>>) src(%dma_wait3A_135 : memref<10000x128xf32, #tpu.memory_space<hbm>>) dst(%arg7 : memref<125x128xf32, #tpu.memory_space<vmem>>)
      %rem3A_136 = arith.constant 32 : i32
      %rem3A_137 = arith.remsi %add3A_127, %rem3A_136 : i32
      "tpu.region"() ({
        %run_scoped3A = tpu.sem_alloc : memref<!tpu.dma_semaphore, #tpu.memory_space<semaphore_mem>>
        %dma_start3A_170 = arith.constant 0 : i32
        %dma_start3A_171 = tpu.memref_slice %arg6[%rem3A_137, %dma_start3A_170] : memref<32x125xi32, #tpu.memory_space<vmem>> -> memref<1x125xi32, #tpu.memory_space<vmem>>
        %dma_start3A_172 = tpu.memref_squeeze %dma_start3A_171 : memref<1x125xi32, #tpu.memory_space<vmem>> -> memref<125xi32, #tpu.memory_space<vmem>>
        %dma_start3A_173 = arith.constant 0 : i32
        %dma_start3A_174 = arith.constant 0 : i32
        %dma_start3A_175 = tpu.memref_slice %arg9[%dma_start3A_173, %dma_start3A_174] : memref<10240x128xf32, #tpu.memory_space<vmem_shared>> -> memref<10240x128xf32, #tpu.memory_space<vmem_shared>>
        tpu.enqueue_indirect_dma source(%arg7 : memref<125x128xf32, #tpu.memory_space<vmem>>) target(%dma_start3A_175 : memref<10240x128xf32, #tpu.memory_space<vmem_shared>>) offsets(%dma_start3A_172 : memref<125xi32, #tpu.memory_space<vmem>>) semaphore(%run_scoped3A : memref<!tpu.dma_semaphore, #tpu.memory_space<semaphore_mem>>) {add = true}
        %dma_wait3A_176 = arith.constant 0 : i32
        %dma_wait3A_177 = tpu.memref_slice %arg6[%rem3A_137, %dma_wait3A_176] : memref<32x125xi32, #tpu.memory_space<vmem>> -> memref<1x125xi32, #tpu.memory_space<vmem>>
        %dma_wait3A_178 = tpu.memref_squeeze %dma_wait3A_177 : memref<1x125xi32, #tpu.memory_space<vmem>> -> memref<125xi32, #tpu.memory_space<vmem>>
        %dma_wait3A_179 = arith.constant 0 : i32
        %dma_wait3A_180 = arith.constant 0 : i32
        %dma_wait3A_181 = tpu.memref_slice %arg9[%dma_wait3A_179, %dma_wait3A_180] : memref<10240x128xf32, #tpu.memory_space<vmem_shared>> -> memref<10240x128xf32, #tpu.memory_space<vmem_shared>>
        tpu.wait_indirect_dma semaphore(%run_scoped3A : memref<!tpu.dma_semaphore, #tpu.memory_space<semaphore_mem>>) src(%arg7 : memref<125x128xf32, #tpu.memory_space<vmem>>) dst(%dma_wait3A_181 : memref<10240x128xf32, #tpu.memory_space<vmem_shared>>)
        tpu.yield
      }) : () -> ()
      %add3A_138 = arith.constant 2 : i32
      %add3A_139 = arith.addi %add3A_127, %add3A_138 : i32
      %rem3A_140 = arith.constant 32 : i32
      %rem3A_141 = arith.remsi %add3A_139, %rem3A_140 : i32
      %dma_start3A_142 = arith.constant 0 : i32
      %dma_start3A_143 = tpu.memref_slice %arg5[%rem3A_141, %dma_start3A_142] : memref<32x125xi32, #tpu.memory_space<vmem>> -> memref<1x125xi32, #tpu.memory_space<vmem>>
      %dma_start3A_144 = tpu.memref_squeeze %dma_start3A_143 : memref<1x125xi32, #tpu.memory_space<vmem>> -> memref<125xi32, #tpu.memory_space<vmem>>
      %dma_start3A_145 = arith.constant 0 : i32
      %dma_start3A_146 = arith.constant 0 : i32
      %dma_start3A_147 = tpu.memref_slice %arg2[%dma_start3A_145, %dma_start3A_146] : memref<10000x128xf32, #tpu.memory_space<hbm>> -> memref<10000x128xf32, #tpu.memory_space<hbm>>
      tpu.enqueue_indirect_dma source(%dma_start3A_147 : memref<10000x128xf32, #tpu.memory_space<hbm>>) target(%arg7 : memref<125x128xf32, #tpu.memory_space<vmem>>) offsets(%dma_start3A_144 : memref<125xi32, #tpu.memory_space<vmem>>) semaphore(%arg10 : memref<!tpu.dma_semaphore, #tpu.memory_space<semaphore_mem>>)
      %add3A_148 = arith.constant 1 : i32
      %add3A_149 = arith.addi %add3A_127, %add3A_148 : i32
      %rem3A_150 = arith.constant 32 : i32
      %rem3A_151 = arith.remsi %add3A_149, %rem3A_150 : i32
      %dma_wait3A_152 = arith.constant 0 : i32
      %dma_wait3A_153 = tpu.memref_slice %arg5[%rem3A_151, %dma_wait3A_152] : memref<32x125xi32, #tpu.memory_space<vmem>> -> memref<1x125xi32, #tpu.memory_space<vmem>>
      %dma_wait3A_154 = tpu.memref_squeeze %dma_wait3A_153 : memref<1x125xi32, #tpu.memory_space<vmem>> -> memref<125xi32, #tpu.memory_space<vmem>>
      %dma_wait3A_155 = arith.constant 0 : i32
      %dma_wait3A_156 = arith.constant 0 : i32
      %dma_wait3A_157 = tpu.memref_slice %arg2[%dma_wait3A_155, %dma_wait3A_156] : memref<10000x128xf32, #tpu.memory_space<hbm>> -> memref<10000x128xf32, #tpu.memory_space<hbm>>
      tpu.wait_indirect_dma semaphore(%arg11 : memref<!tpu.dma_semaphore, #tpu.memory_space<semaphore_mem>>) src(%dma_wait3A_157 : memref<10000x128xf32, #tpu.memory_space<hbm>>) dst(%arg8 : memref<125x128xf32, #tpu.memory_space<vmem>>)
      %rem3A_158 = arith.constant 32 : i32
      %rem3A_159 = arith.remsi %add3A_149, %rem3A_158 : i32
      "tpu.region"() ({
        %run_scoped3A = tpu.sem_alloc : memref<!tpu.dma_semaphore, #tpu.memory_space<semaphore_mem>>
        %dma_start3A_170 = arith.constant 0 : i32
        %dma_start3A_171 = tpu.memref_slice %arg6[%rem3A_159, %dma_start3A_170] : memref<32x125xi32, #tpu.memory_space<vmem>> -> memref<1x125xi32, #tpu.memory_space<vmem>>
        %dma_start3A_172 = tpu.memref_squeeze %dma_start3A_171 : memref<1x125xi32, #tpu.memory_space<vmem>> -> memref<125xi32, #tpu.memory_space<vmem>>
        %dma_start3A_173 = arith.constant 0 : i32
        %dma_start3A_174 = arith.constant 0 : i32
        %dma_start3A_175 = tpu.memref_slice %arg9[%dma_start3A_173, %dma_start3A_174] : memref<10240x128xf32, #tpu.memory_space<vmem_shared>> -> memref<10240x128xf32, #tpu.memory_space<vmem_shared>>
        tpu.enqueue_indirect_dma source(%arg8 : memref<125x128xf32, #tpu.memory_space<vmem>>) target(%dma_start3A_175 : memref<10240x128xf32, #tpu.memory_space<vmem_shared>>) offsets(%dma_start3A_172 : memref<125xi32, #tpu.memory_space<vmem>>) semaphore(%run_scoped3A : memref<!tpu.dma_semaphore, #tpu.memory_space<semaphore_mem>>) {add = true}
        %dma_wait3A_176 = arith.constant 0 : i32
        %dma_wait3A_177 = tpu.memref_slice %arg6[%rem3A_159, %dma_wait3A_176] : memref<32x125xi32, #tpu.memory_space<vmem>> -> memref<1x125xi32, #tpu.memory_space<vmem>>
        %dma_wait3A_178 = tpu.memref_squeeze %dma_wait3A_177 : memref<1x125xi32, #tpu.memory_space<vmem>> -> memref<125xi32, #tpu.memory_space<vmem>>
        %dma_wait3A_179 = arith.constant 0 : i32
        %dma_wait3A_180 = arith.constant 0 : i32
        %dma_wait3A_181 = tpu.memref_slice %arg9[%dma_wait3A_179, %dma_wait3A_180] : memref<10240x128xf32, #tpu.memory_space<vmem_shared>> -> memref<10240x128xf32, #tpu.memory_space<vmem_shared>>
        tpu.wait_indirect_dma semaphore(%run_scoped3A : memref<!tpu.dma_semaphore, #tpu.memory_space<semaphore_mem>>) src(%arg8 : memref<125x128xf32, #tpu.memory_space<vmem>>) dst(%dma_wait3A_181 : memref<10240x128xf32, #tpu.memory_space<vmem_shared>>)
        tpu.yield
      }) : () -> ()
      %add3A_160 = arith.constant 3 : i32
      %add3A_161 = arith.addi %add3A_127, %add3A_160 : i32
      %rem3A_162 = arith.constant 32 : i32
      %rem3A_163 = arith.remsi %add3A_161, %rem3A_162 : i32
      %dma_start3A_164 = arith.constant 0 : i32
      %dma_start3A_165 = tpu.memref_slice %arg5[%rem3A_163, %dma_start3A_164] : memref<32x125xi32, #tpu.memory_space<vmem>> -> memref<1x125xi32, #tpu.memory_space<vmem>>
      %dma_start3A_166 = tpu.memref_squeeze %dma_start3A_165 : memref<1x125xi32, #tpu.memory_space<vmem>> -> memref<125xi32, #tpu.memory_space<vmem>>
      %dma_start3A_167 = arith.constant 0 : i32
      %dma_start3A_168 = arith.constant 0 : i32
      %dma_start3A_169 = tpu.memref_slice %arg2[%dma_start3A_167, %dma_start3A_168] : memref<10000x128xf32, #tpu.memory_space<hbm>> -> memref<10000x128xf32, #tpu.memory_space<hbm>>
      tpu.enqueue_indirect_dma source(%dma_start3A_169 : memref<10000x128xf32, #tpu.memory_space<hbm>>) target(%arg8 : memref<125x128xf32, #tpu.memory_space<vmem>>) offsets(%dma_start3A_166 : memref<125xi32, #tpu.memory_space<vmem>>) semaphore(%arg11 : memref<!tpu.dma_semaphore, #tpu.memory_space<semaphore_mem>>)
    }
    %scan3A_79 = arith.constant 8 : i32
    %add3A_80 = arith.constant 64 : i32
    %add3A_81 = arith.addi %mul3A_4, %add3A_80 : i32
    "tpu.region"() ({
      %run_scoped3A = tpu.sem_alloc : memref<!tpu.dma_semaphore, #tpu.memory_space<semaphore_mem>>
      %dma_start3A_123 = arith.constant 0 : i32
      %dma_start3A_124 = arith.constant 0 : i32
      %dma_start3A_125 = tpu.memref_slice %arg5[%dma_start3A_123, %dma_start3A_124] : memref<32x125xi32, #tpu.memory_space<vmem>> -> memref<16x125xi32, #tpu.memory_space<vmem>>
      %dma_start3A_126 = arith.constant 0 : i32
      %dma_start3A_127 = tpu.memref_slice %arg3[%add3A_81, %dma_start3A_126] : memref<5120x125xi32, #tpu.memory_space<hbm>> -> memref<16x125xi32, #tpu.memory_space<hbm>>
      %dma_start3A_128 = arith.constant 0 : i32
      %dma_start3A_129 = arith.constant 0 : i32
      %dma_start3A_130 = tpu.memref_slice %arg5[%dma_start3A_128, %dma_start3A_129] : memref<32x125xi32, #tpu.memory_space<vmem>> -> memref<16x125xi32, #tpu.memory_space<vmem>>
      %dma_start3A_131 = arith.constant 0 : i32
      %dma_start3A_132 = tpu.memref_slice %arg3[%add3A_81, %dma_start3A_131] : memref<5120x125xi32, #tpu.memory_space<hbm>> -> memref<16x125xi32, #tpu.memory_space<hbm>>
      tpu.enqueue_dma source(%dma_start3A_132 : memref<16x125xi32, #tpu.memory_space<hbm>>) target(%dma_start3A_130 : memref<16x125xi32, #tpu.memory_space<vmem>>) target_semaphore(%run_scoped3A : memref<!tpu.dma_semaphore, #tpu.memory_space<semaphore_mem>>)
      %dma_wait3A_133 = arith.constant 0 : i32
      %dma_wait3A_134 = arith.constant 0 : i32
      %dma_wait3A_135 = tpu.memref_slice %arg5[%dma_wait3A_133, %dma_wait3A_134] : memref<32x125xi32, #tpu.memory_space<vmem>> -> memref<16x125xi32, #tpu.memory_space<vmem>>
      %dma_wait3A_136 = arith.constant 0 : i32
      %dma_wait3A_137 = tpu.memref_slice %arg3[%add3A_81, %dma_wait3A_136] : memref<5120x125xi32, #tpu.memory_space<hbm>> -> memref<16x125xi32, #tpu.memory_space<hbm>>
      %dma_wait3A_138 = arith.constant 0 : i32
      %dma_wait3A_139 = arith.constant 0 : i32
      %dma_wait3A_140 = tpu.memref_slice %arg5[%dma_wait3A_138, %dma_wait3A_139] : memref<32x125xi32, #tpu.memory_space<vmem>> -> memref<16x125xi32, #tpu.memory_space<vmem>>
      %dma_wait3A_141 = arith.constant 0 : i32
      %dma_wait3A_142 = tpu.memref_slice %arg3[%add3A_81, %dma_wait3A_141] : memref<5120x125xi32, #tpu.memory_space<hbm>> -> memref<16x125xi32, #tpu.memory_space<hbm>>
      tpu.wait_dma2 semaphore(%run_scoped3A : memref<!tpu.dma_semaphore, #tpu.memory_space<semaphore_mem>>) src(%dma_wait3A_142 : memref<16x125xi32, #tpu.memory_space<hbm>>) dst(%dma_wait3A_140 : memref<16x125xi32, #tpu.memory_space<vmem>>)
      tpu.yield
    }) : () -> ()
    %add3A_82 = arith.constant 2560 : i32
    %add3A_83 = arith.addi %add3A_82, %mul3A_4 : i32
    %add3A_84 = arith.constant 64 : i32
    %add3A_85 = arith.addi %add3A_83, %add3A_84 : i32
    "tpu.region"() ({
      %run_scoped3A = tpu.sem_alloc : memref<!tpu.dma_semaphore, #tpu.memory_space<semaphore_mem>>
      %dma_start3A_123 = arith.constant 0 : i32
      %dma_start3A_124 = arith.constant 0 : i32
      %dma_start3A_125 = tpu.memref_slice %arg6[%dma_start3A_123, %dma_start3A_124] : memref<32x125xi32, #tpu.memory_space<vmem>> -> memref<16x125xi32, #tpu.memory_space<vmem>>
      %dma_start3A_126 = arith.constant 0 : i32
      %dma_start3A_127 = tpu.memref_slice %arg3[%add3A_85, %dma_start3A_126] : memref<5120x125xi32, #tpu.memory_space<hbm>> -> memref<16x125xi32, #tpu.memory_space<hbm>>
      %dma_start3A_128 = arith.constant 0 : i32
      %dma_start3A_129 = arith.constant 0 : i32
      %dma_start3A_130 = tpu.memref_slice %arg6[%dma_start3A_128, %dma_start3A_129] : memref<32x125xi32, #tpu.memory_space<vmem>> -> memref<16x125xi32, #tpu.memory_space<vmem>>
      %dma_start3A_131 = arith.constant 0 : i32
      %dma_start3A_132 = tpu.memref_slice %arg3[%add3A_85, %dma_start3A_131] : memref<5120x125xi32, #tpu.memory_space<hbm>> -> memref<16x125xi32, #tpu.memory_space<hbm>>
      tpu.enqueue_dma source(%dma_start3A_132 : memref<16x125xi32, #tpu.memory_space<hbm>>) target(%dma_start3A_130 : memref<16x125xi32, #tpu.memory_space<vmem>>) target_semaphore(%run_scoped3A : memref<!tpu.dma_semaphore, #tpu.memory_space<semaphore_mem>>)
      %dma_wait3A_133 = arith.constant 0 : i32
      %dma_wait3A_134 = arith.constant 0 : i32
      %dma_wait3A_135 = tpu.memref_slice %arg6[%dma_wait3A_133, %dma_wait3A_134] : memref<32x125xi32, #tpu.memory_space<vmem>> -> memref<16x125xi32, #tpu.memory_space<vmem>>
      %dma_wait3A_136 = arith.constant 0 : i32
      %dma_wait3A_137 = tpu.memref_slice %arg3[%add3A_85, %dma_wait3A_136] : memref<5120x125xi32, #tpu.memory_space<hbm>> -> memref<16x125xi32, #tpu.memory_space<hbm>>
      %dma_wait3A_138 = arith.constant 0 : i32
      %dma_wait3A_139 = arith.constant 0 : i32
      %dma_wait3A_140 = tpu.memref_slice %arg6[%dma_wait3A_138, %dma_wait3A_139] : memref<32x125xi32, #tpu.memory_space<vmem>> -> memref<16x125xi32, #tpu.memory_space<vmem>>
      %dma_wait3A_141 = arith.constant 0 : i32
      %dma_wait3A_142 = tpu.memref_slice %arg3[%add3A_85, %dma_wait3A_141] : memref<5120x125xi32, #tpu.memory_space<hbm>> -> memref<16x125xi32, #tpu.memory_space<hbm>>
      tpu.wait_dma2 semaphore(%run_scoped3A : memref<!tpu.dma_semaphore, #tpu.memory_space<semaphore_mem>>) src(%dma_wait3A_142 : memref<16x125xi32, #tpu.memory_space<hbm>>) dst(%dma_wait3A_140 : memref<16x125xi32, #tpu.memory_space<vmem>>)
      tpu.yield
    }) : () -> ()
    %scan3A_86 = arith.constant 0 : i32
    %scan3A_87 = arith.constant 8 : i32
    %scan3A_88 = arith.addi %scan3A_86, %scan3A_87 : i32
    %scan3A_89 = arith.constant 1 : i32
    scf.for %scan3A_123 = %scan3A_86 to %scan3A_88 step %scan3A_89  : i32 {
      %mul3A_124 = arith.constant 2 : i32
      %mul3A_125 = arith.muli %mul3A_124, %scan3A_123 : i32
      %add3A_126 = arith.constant 48 : i32
      %add3A_127 = arith.addi %add3A_126, %mul3A_125 : i32
      %rem3A_128 = arith.constant 32 : i32
      %rem3A_129 = arith.remsi %add3A_127, %rem3A_128 : i32
      %dma_wait3A_130 = arith.constant 0 : i32
      %dma_wait3A_131 = tpu.memref_slice %arg5[%rem3A_129, %dma_wait3A_130] : memref<32x125xi32, #tpu.memory_space<vmem>> -> memref<1x125xi32, #tpu.memory_space<vmem>>
      %dma_wait3A_132 = tpu.memref_squeeze %dma_wait3A_131 : memref<1x125xi32, #tpu.memory_space<vmem>> -> memref<125xi32, #tpu.memory_space<vmem>>
      %dma_wait3A_133 = arith.constant 0 : i32
      %dma_wait3A_134 = arith.constant 0 : i32
      %dma_wait3A_135 = tpu.memref_slice %arg2[%dma_wait3A_133, %dma_wait3A_134] : memref<10000x128xf32, #tpu.memory_space<hbm>> -> memref<10000x128xf32, #tpu.memory_space<hbm>>
      tpu.wait_indirect_dma semaphore(%arg10 : memref<!tpu.dma_semaphore, #tpu.memory_space<semaphore_mem>>) src(%dma_wait3A_135 : memref<10000x128xf32, #tpu.memory_space<hbm>>) dst(%arg7 : memref<125x128xf32, #tpu.memory_space<vmem>>)
      %rem3A_136 = arith.constant 32 : i32
      %rem3A_137 = arith.remsi %add3A_127, %rem3A_136 : i32
      "tpu.region"() ({
        %run_scoped3A = tpu.sem_alloc : memref<!tpu.dma_semaphore, #tpu.memory_space<semaphore_mem>>
        %dma_start3A_170 = arith.constant 0 : i32
        %dma_start3A_171 = tpu.memref_slice %arg6[%rem3A_137, %dma_start3A_170] : memref<32x125xi32, #tpu.memory_space<vmem>> -> memref<1x125xi32, #tpu.memory_space<vmem>>
        %dma_start3A_172 = tpu.memref_squeeze %dma_start3A_171 : memref<1x125xi32, #tpu.memory_space<vmem>> -> memref<125xi32, #tpu.memory_space<vmem>>
        %dma_start3A_173 = arith.constant 0 : i32
        %dma_start3A_174 = arith.constant 0 : i32
        %dma_start3A_175 = tpu.memref_slice %arg9[%dma_start3A_173, %dma_start3A_174] : memref<10240x128xf32, #tpu.memory_space<vmem_shared>> -> memref<10240x128xf32, #tpu.memory_space<vmem_shared>>
        tpu.enqueue_indirect_dma source(%arg7 : memref<125x128xf32, #tpu.memory_space<vmem>>) target(%dma_start3A_175 : memref<10240x128xf32, #tpu.memory_space<vmem_shared>>) offsets(%dma_start3A_172 : memref<125xi32, #tpu.memory_space<vmem>>) semaphore(%run_scoped3A : memref<!tpu.dma_semaphore, #tpu.memory_space<semaphore_mem>>) {add = true}
        %dma_wait3A_176 = arith.constant 0 : i32
        %dma_wait3A_177 = tpu.memref_slice %arg6[%rem3A_137, %dma_wait3A_176] : memref<32x125xi32, #tpu.memory_space<vmem>> -> memref<1x125xi32, #tpu.memory_space<vmem>>
        %dma_wait3A_178 = tpu.memref_squeeze %dma_wait3A_177 : memref<1x125xi32, #tpu.memory_space<vmem>> -> memref<125xi32, #tpu.memory_space<vmem>>
        %dma_wait3A_179 = arith.constant 0 : i32
        %dma_wait3A_180 = arith.constant 0 : i32
        %dma_wait3A_181 = tpu.memref_slice %arg9[%dma_wait3A_179, %dma_wait3A_180] : memref<10240x128xf32, #tpu.memory_space<vmem_shared>> -> memref<10240x128xf32, #tpu.memory_space<vmem_shared>>
        tpu.wait_indirect_dma semaphore(%run_scoped3A : memref<!tpu.dma_semaphore, #tpu.memory_space<semaphore_mem>>) src(%arg7 : memref<125x128xf32, #tpu.memory_space<vmem>>) dst(%dma_wait3A_181 : memref<10240x128xf32, #tpu.memory_space<vmem_shared>>)
        tpu.yield
      }) : () -> ()
      %add3A_138 = arith.constant 2 : i32
      %add3A_139 = arith.addi %add3A_127, %add3A_138 : i32
      %rem3A_140 = arith.constant 32 : i32
      %rem3A_141 = arith.remsi %add3A_139, %rem3A_140 : i32
      %dma_start3A_142 = arith.constant 0 : i32
      %dma_start3A_143 = tpu.memref_slice %arg5[%rem3A_141, %dma_start3A_142] : memref<32x125xi32, #tpu.memory_space<vmem>> -> memref<1x125xi32, #tpu.memory_space<vmem>>
      %dma_start3A_144 = tpu.memref_squeeze %dma_start3A_143 : memref<1x125xi32, #tpu.memory_space<vmem>> -> memref<125xi32, #tpu.memory_space<vmem>>
      %dma_start3A_145 = arith.constant 0 : i32
      %dma_start3A_146 = arith.constant 0 : i32
      %dma_start3A_147 = tpu.memref_slice %arg2[%dma_start3A_145, %dma_start3A_146] : memref<10000x128xf32, #tpu.memory_space<hbm>> -> memref<10000x128xf32, #tpu.memory_space<hbm>>
      tpu.enqueue_indirect_dma source(%dma_start3A_147 : memref<10000x128xf32, #tpu.memory_space<hbm>>) target(%arg7 : memref<125x128xf32, #tpu.memory_space<vmem>>) offsets(%dma_start3A_144 : memref<125xi32, #tpu.memory_space<vmem>>) semaphore(%arg10 : memref<!tpu.dma_semaphore, #tpu.memory_space<semaphore_mem>>)
      %add3A_148 = arith.constant 1 : i32
      %add3A_149 = arith.addi %add3A_127, %add3A_148 : i32
      %rem3A_150 = arith.constant 32 : i32
      %rem3A_151 = arith.remsi %add3A_149, %rem3A_150 : i32
      %dma_wait3A_152 = arith.constant 0 : i32
      %dma_wait3A_153 = tpu.memref_slice %arg5[%rem3A_151, %dma_wait3A_152] : memref<32x125xi32, #tpu.memory_space<vmem>> -> memref<1x125xi32, #tpu.memory_space<vmem>>
      %dma_wait3A_154 = tpu.memref_squeeze %dma_wait3A_153 : memref<1x125xi32, #tpu.memory_space<vmem>> -> memref<125xi32, #tpu.memory_space<vmem>>
      %dma_wait3A_155 = arith.constant 0 : i32
      %dma_wait3A_156 = arith.constant 0 : i32
      %dma_wait3A_157 = tpu.memref_slice %arg2[%dma_wait3A_155, %dma_wait3A_156] : memref<10000x128xf32, #tpu.memory_space<hbm>> -> memref<10000x128xf32, #tpu.memory_space<hbm>>
      tpu.wait_indirect_dma semaphore(%arg11 : memref<!tpu.dma_semaphore, #tpu.memory_space<semaphore_mem>>) src(%dma_wait3A_157 : memref<10000x128xf32, #tpu.memory_space<hbm>>) dst(%arg8 : memref<125x128xf32, #tpu.memory_space<vmem>>)
      %rem3A_158 = arith.constant 32 : i32
      %rem3A_159 = arith.remsi %add3A_149, %rem3A_158 : i32
      "tpu.region"() ({
        %run_scoped3A = tpu.sem_alloc : memref<!tpu.dma_semaphore, #tpu.memory_space<semaphore_mem>>
        %dma_start3A_170 = arith.constant 0 : i32
        %dma_start3A_171 = tpu.memref_slice %arg6[%rem3A_159, %dma_start3A_170] : memref<32x125xi32, #tpu.memory_space<vmem>> -> memref<1x125xi32, #tpu.memory_space<vmem>>
        %dma_start3A_172 = tpu.memref_squeeze %dma_start3A_171 : memref<1x125xi32, #tpu.memory_space<vmem>> -> memref<125xi32, #tpu.memory_space<vmem>>
        %dma_start3A_173 = arith.constant 0 : i32
        %dma_start3A_174 = arith.constant 0 : i32
        %dma_start3A_175 = tpu.memref_slice %arg9[%dma_start3A_173, %dma_start3A_174] : memref<10240x128xf32, #tpu.memory_space<vmem_shared>> -> memref<10240x128xf32, #tpu.memory_space<vmem_shared>>
        tpu.enqueue_indirect_dma source(%arg8 : memref<125x128xf32, #tpu.memory_space<vmem>>) target(%dma_start3A_175 : memref<10240x128xf32, #tpu.memory_space<vmem_shared>>) offsets(%dma_start3A_172 : memref<125xi32, #tpu.memory_space<vmem>>) semaphore(%run_scoped3A : memref<!tpu.dma_semaphore, #tpu.memory_space<semaphore_mem>>) {add = true}
        %dma_wait3A_176 = arith.constant 0 : i32
        %dma_wait3A_177 = tpu.memref_slice %arg6[%rem3A_159, %dma_wait3A_176] : memref<32x125xi32, #tpu.memory_space<vmem>> -> memref<1x125xi32, #tpu.memory_space<vmem>>
        %dma_wait3A_178 = tpu.memref_squeeze %dma_wait3A_177 : memref<1x125xi32, #tpu.memory_space<vmem>> -> memref<125xi32, #tpu.memory_space<vmem>>
        %dma_wait3A_179 = arith.constant 0 : i32
        %dma_wait3A_180 = arith.constant 0 : i32
        %dma_wait3A_181 = tpu.memref_slice %arg9[%dma_wait3A_179, %dma_wait3A_180] : memref<10240x128xf32, #tpu.memory_space<vmem_shared>> -> memref<10240x128xf32, #tpu.memory_space<vmem_shared>>
        tpu.wait_indirect_dma semaphore(%run_scoped3A : memref<!tpu.dma_semaphore, #tpu.memory_space<semaphore_mem>>) src(%arg8 : memref<125x128xf32, #tpu.memory_space<vmem>>) dst(%dma_wait3A_181 : memref<10240x128xf32, #tpu.memory_space<vmem_shared>>)
        tpu.yield
      }) : () -> ()
      %add3A_160 = arith.constant 3 : i32
      %add3A_161 = arith.addi %add3A_127, %add3A_160 : i32
      %rem3A_162 = arith.constant 32 : i32
      %rem3A_163 = arith.remsi %add3A_161, %rem3A_162 : i32
      %dma_start3A_164 = arith.constant 0 : i32
      %dma_start3A_165 = tpu.memref_slice %arg5[%rem3A_163, %dma_start3A_164] : memref<32x125xi32, #tpu.memory_space<vmem>> -> memref<1x125xi32, #tpu.memory_space<vmem>>
      %dma_start3A_166 = tpu.memref_squeeze %dma_start3A_165 : memref<1x125xi32, #tpu.memory_space<vmem>> -> memref<125xi32, #tpu.memory_space<vmem>>
      %dma_start3A_167 = arith.constant 0 : i32
      %dma_start3A_168 = arith.constant 0 : i32
      %dma_start3A_169 = tpu.memref_slice %arg2[%dma_start3A_167, %dma_start3A_168] : memref<10000x128xf32, #tpu.memory_space<hbm>> -> memref<10000x128xf32, #tpu.memory_space<hbm>>
      tpu.enqueue_indirect_dma source(%dma_start3A_169 : memref<10000x128xf32, #tpu.memory_space<hbm>>) target(%arg8 : memref<125x128xf32, #tpu.memory_space<vmem>>) offsets(%dma_start3A_166 : memref<125xi32, #tpu.memory_space<vmem>>) semaphore(%arg11 : memref<!tpu.dma_semaphore, #tpu.memory_space<semaphore_mem>>)
    }
    %scan3A_90 = arith.constant 8 : i32
    %scan3A_91 = arith.constant 0 : i32
    %scan3A_92 = arith.constant 7 : i32
    %scan3A_93 = arith.addi %scan3A_91, %scan3A_92 : i32
    %scan3A_94 = arith.constant 1 : i32
    scf.for %scan3A_123 = %scan3A_91 to %scan3A_93 step %scan3A_94  : i32 {
      %mul3A_124 = arith.constant 2 : i32
      %mul3A_125 = arith.muli %mul3A_124, %scan3A_123 : i32
      %add3A_126 = arith.constant 64 : i32
      %add3A_127 = arith.addi %add3A_126, %mul3A_125 : i32
      %rem3A_128 = arith.constant 32 : i32
      %rem3A_129 = arith.remsi %add3A_127, %rem3A_128 : i32
      %dma_wait3A_130 = arith.constant 0 : i32
      %dma_wait3A_131 = tpu.memref_slice %arg5[%rem3A_129, %dma_wait3A_130] : memref<32x125xi32, #tpu.memory_space<vmem>> -> memref<1x125xi32, #tpu.memory_space<vmem>>
      %dma_wait3A_132 = tpu.memref_squeeze %dma_wait3A_131 : memref<1x125xi32, #tpu.memory_space<vmem>> -> memref<125xi32, #tpu.memory_space<vmem>>
      %dma_wait3A_133 = arith.constant 0 : i32
      %dma_wait3A_134 = arith.constant 0 : i32
      %dma_wait3A_135 = tpu.memref_slice %arg2[%dma_wait3A_133, %dma_wait3A_134] : memref<10000x128xf32, #tpu.memory_space<hbm>> -> memref<10000x128xf32, #tpu.memory_space<hbm>>
      tpu.wait_indirect_dma semaphore(%arg10 : memref<!tpu.dma_semaphore, #tpu.memory_space<semaphore_mem>>) src(%dma_wait3A_135 : memref<10000x128xf32, #tpu.memory_space<hbm>>) dst(%arg7 : memref<125x128xf32, #tpu.memory_space<vmem>>)
      %rem3A_136 = arith.constant 32 : i32
      %rem3A_137 = arith.remsi %add3A_127, %rem3A_136 : i32
      "tpu.region"() ({
        %run_scoped3A = tpu.sem_alloc : memref<!tpu.dma_semaphore, #tpu.memory_space<semaphore_mem>>
        %dma_start3A_170 = arith.constant 0 : i32
        %dma_start3A_171 = tpu.memref_slice %arg6[%rem3A_137, %dma_start3A_170] : memref<32x125xi32, #tpu.memory_space<vmem>> -> memref<1x125xi32, #tpu.memory_space<vmem>>
        %dma_start3A_172 = tpu.memref_squeeze %dma_start3A_171 : memref<1x125xi32, #tpu.memory_space<vmem>> -> memref<125xi32, #tpu.memory_space<vmem>>
        %dma_start3A_173 = arith.constant 0 : i32
        %dma_start3A_174 = arith.constant 0 : i32
        %dma_start3A_175 = tpu.memref_slice %arg9[%dma_start3A_173, %dma_start3A_174] : memref<10240x128xf32, #tpu.memory_space<vmem_shared>> -> memref<10240x128xf32, #tpu.memory_space<vmem_shared>>
        tpu.enqueue_indirect_dma source(%arg7 : memref<125x128xf32, #tpu.memory_space<vmem>>) target(%dma_start3A_175 : memref<10240x128xf32, #tpu.memory_space<vmem_shared>>) offsets(%dma_start3A_172 : memref<125xi32, #tpu.memory_space<vmem>>) semaphore(%run_scoped3A : memref<!tpu.dma_semaphore, #tpu.memory_space<semaphore_mem>>) {add = true}
        %dma_wait3A_176 = arith.constant 0 : i32
        %dma_wait3A_177 = tpu.memref_slice %arg6[%rem3A_137, %dma_wait3A_176] : memref<32x125xi32, #tpu.memory_space<vmem>> -> memref<1x125xi32, #tpu.memory_space<vmem>>
        %dma_wait3A_178 = tpu.memref_squeeze %dma_wait3A_177 : memref<1x125xi32, #tpu.memory_space<vmem>> -> memref<125xi32, #tpu.memory_space<vmem>>
        %dma_wait3A_179 = arith.constant 0 : i32
        %dma_wait3A_180 = arith.constant 0 : i32
        %dma_wait3A_181 = tpu.memref_slice %arg9[%dma_wait3A_179, %dma_wait3A_180] : memref<10240x128xf32, #tpu.memory_space<vmem_shared>> -> memref<10240x128xf32, #tpu.memory_space<vmem_shared>>
        tpu.wait_indirect_dma semaphore(%run_scoped3A : memref<!tpu.dma_semaphore, #tpu.memory_space<semaphore_mem>>) src(%arg7 : memref<125x128xf32, #tpu.memory_space<vmem>>) dst(%dma_wait3A_181 : memref<10240x128xf32, #tpu.memory_space<vmem_shared>>)
        tpu.yield
      }) : () -> ()
      %add3A_138 = arith.constant 2 : i32
      %add3A_139 = arith.addi %add3A_127, %add3A_138 : i32
      %rem3A_140 = arith.constant 32 : i32
      %rem3A_141 = arith.remsi %add3A_139, %rem3A_140 : i32
      %dma_start3A_142 = arith.constant 0 : i32
      %dma_start3A_143 = tpu.memref_slice %arg5[%rem3A_141, %dma_start3A_142] : memref<32x125xi32, #tpu.memory_space<vmem>> -> memref<1x125xi32, #tpu.memory_space<vmem>>
      %dma_start3A_144 = tpu.memref_squeeze %dma_start3A_143 : memref<1x125xi32, #tpu.memory_space<vmem>> -> memref<125xi32, #tpu.memory_space<vmem>>
      %dma_start3A_145 = arith.constant 0 : i32
      %dma_start3A_146 = arith.constant 0 : i32
      %dma_start3A_147 = tpu.memref_slice %arg2[%dma_start3A_145, %dma_start3A_146] : memref<10000x128xf32, #tpu.memory_space<hbm>> -> memref<10000x128xf32, #tpu.memory_space<hbm>>
      tpu.enqueue_indirect_dma source(%dma_start3A_147 : memref<10000x128xf32, #tpu.memory_space<hbm>>) target(%arg7 : memref<125x128xf32, #tpu.memory_space<vmem>>) offsets(%dma_start3A_144 : memref<125xi32, #tpu.memory_space<vmem>>) semaphore(%arg10 : memref<!tpu.dma_semaphore, #tpu.memory_space<semaphore_mem>>)
      %add3A_148 = arith.constant 1 : i32
      %add3A_149 = arith.addi %add3A_127, %add3A_148 : i32
      %rem3A_150 = arith.constant 32 : i32
      %rem3A_151 = arith.remsi %add3A_149, %rem3A_150 : i32
      %dma_wait3A_152 = arith.constant 0 : i32
      %dma_wait3A_153 = tpu.memref_slice %arg5[%rem3A_151, %dma_wait3A_152] : memref<32x125xi32, #tpu.memory_space<vmem>> -> memref<1x125xi32, #tpu.memory_space<vmem>>
      %dma_wait3A_154 = tpu.memref_squeeze %dma_wait3A_153 : memref<1x125xi32, #tpu.memory_space<vmem>> -> memref<125xi32, #tpu.memory_space<vmem>>
      %dma_wait3A_155 = arith.constant 0 : i32
      %dma_wait3A_156 = arith.constant 0 : i32
      %dma_wait3A_157 = tpu.memref_slice %arg2[%dma_wait3A_155, %dma_wait3A_156] : memref<10000x128xf32, #tpu.memory_space<hbm>> -> memref<10000x128xf32, #tpu.memory_space<hbm>>
      tpu.wait_indirect_dma semaphore(%arg11 : memref<!tpu.dma_semaphore, #tpu.memory_space<semaphore_mem>>) src(%dma_wait3A_157 : memref<10000x128xf32, #tpu.memory_space<hbm>>) dst(%arg8 : memref<125x128xf32, #tpu.memory_space<vmem>>)
      %rem3A_158 = arith.constant 32 : i32
      %rem3A_159 = arith.remsi %add3A_149, %rem3A_158 : i32
      "tpu.region"() ({
        %run_scoped3A = tpu.sem_alloc : memref<!tpu.dma_semaphore, #tpu.memory_space<semaphore_mem>>
        %dma_start3A_170 = arith.constant 0 : i32
        %dma_start3A_171 = tpu.memref_slice %arg6[%rem3A_159, %dma_start3A_170] : memref<32x125xi32, #tpu.memory_space<vmem>> -> memref<1x125xi32, #tpu.memory_space<vmem>>
        %dma_start3A_172 = tpu.memref_squeeze %dma_start3A_171 : memref<1x125xi32, #tpu.memory_space<vmem>> -> memref<125xi32, #tpu.memory_space<vmem>>
        %dma_start3A_173 = arith.constant 0 : i32
        %dma_start3A_174 = arith.constant 0 : i32
        %dma_start3A_175 = tpu.memref_slice %arg9[%dma_start3A_173, %dma_start3A_174] : memref<10240x128xf32, #tpu.memory_space<vmem_shared>> -> memref<10240x128xf32, #tpu.memory_space<vmem_shared>>
        tpu.enqueue_indirect_dma source(%arg8 : memref<125x128xf32, #tpu.memory_space<vmem>>) target(%dma_start3A_175 : memref<10240x128xf32, #tpu.memory_space<vmem_shared>>) offsets(%dma_start3A_172 : memref<125xi32, #tpu.memory_space<vmem>>) semaphore(%run_scoped3A : memref<!tpu.dma_semaphore, #tpu.memory_space<semaphore_mem>>) {add = true}
        %dma_wait3A_176 = arith.constant 0 : i32
        %dma_wait3A_177 = tpu.memref_slice %arg6[%rem3A_159, %dma_wait3A_176] : memref<32x125xi32, #tpu.memory_space<vmem>> -> memref<1x125xi32, #tpu.memory_space<vmem>>
        %dma_wait3A_178 = tpu.memref_squeeze %dma_wait3A_177 : memref<1x125xi32, #tpu.memory_space<vmem>> -> memref<125xi32, #tpu.memory_space<vmem>>
        %dma_wait3A_179 = arith.constant 0 : i32
        %dma_wait3A_180 = arith.constant 0 : i32
        %dma_wait3A_181 = tpu.memref_slice %arg9[%dma_wait3A_179, %dma_wait3A_180] : memref<10240x128xf32, #tpu.memory_space<vmem_shared>> -> memref<10240x128xf32, #tpu.memory_space<vmem_shared>>
        tpu.wait_indirect_dma semaphore(%run_scoped3A : memref<!tpu.dma_semaphore, #tpu.memory_space<semaphore_mem>>) src(%arg8 : memref<125x128xf32, #tpu.memory_space<vmem>>) dst(%dma_wait3A_181 : memref<10240x128xf32, #tpu.memory_space<vmem_shared>>)
        tpu.yield
      }) : () -> ()
      %add3A_160 = arith.constant 3 : i32
      %add3A_161 = arith.addi %add3A_127, %add3A_160 : i32
      %rem3A_162 = arith.constant 32 : i32
      %rem3A_163 = arith.remsi %add3A_161, %rem3A_162 : i32
      %dma_start3A_164 = arith.constant 0 : i32
      %dma_start3A_165 = tpu.memref_slice %arg5[%rem3A_163, %dma_start3A_164] : memref<32x125xi32, #tpu.memory_space<vmem>> -> memref<1x125xi32, #tpu.memory_space<vmem>>
      %dma_start3A_166 = tpu.memref_squeeze %dma_start3A_165 : memref<1x125xi32, #tpu.memory_space<vmem>> -> memref<125xi32, #tpu.memory_space<vmem>>
      %dma_start3A_167 = arith.constant 0 : i32
      %dma_start3A_168 = arith.constant 0 : i32
      %dma_start3A_169 = tpu.memref_slice %arg2[%dma_start3A_167, %dma_start3A_168] : memref<10000x128xf32, #tpu.memory_space<hbm>> -> memref<10000x128xf32, #tpu.memory_space<hbm>>
      tpu.enqueue_indirect_dma source(%dma_start3A_169 : memref<10000x128xf32, #tpu.memory_space<hbm>>) target(%arg8 : memref<125x128xf32, #tpu.memory_space<vmem>>) offsets(%dma_start3A_166 : memref<125xi32, #tpu.memory_space<vmem>>) semaphore(%arg11 : memref<!tpu.dma_semaphore, #tpu.memory_space<semaphore_mem>>)
    }
    %scan3A_95 = arith.constant 7 : i32
    %rem3A_96 = arith.constant 78 : i32
    %rem3A_97 = arith.constant 32 : i32
    %rem3A_98 = arith.remsi %rem3A_96, %rem3A_97 : i32
    %dma_wait3A = arith.constant 0 : i32
    %dma_wait3A_99 = tpu.memref_slice %arg5[%rem3A_98, %dma_wait3A] : memref<32x125xi32, #tpu.memory_space<vmem>> -> memref<1x125xi32, #tpu.memory_space<vmem>>
    %dma_wait3A_100 = tpu.memref_squeeze %dma_wait3A_99 : memref<1x125xi32, #tpu.memory_space<vmem>> -> memref<125xi32, #tpu.memory_space<vmem>>
    %dma_wait3A_101 = arith.constant 0 : i32
    %dma_wait3A_102 = arith.constant 0 : i32
    %dma_wait3A_103 = tpu.memref_slice %arg2[%dma_wait3A_101, %dma_wait3A_102] : memref<10000x128xf32, #tpu.memory_space<hbm>> -> memref<10000x128xf32, #tpu.memory_space<hbm>>
    tpu.wait_indirect_dma semaphore(%arg10 : memref<!tpu.dma_semaphore, #tpu.memory_space<semaphore_mem>>) src(%dma_wait3A_103 : memref<10000x128xf32, #tpu.memory_space<hbm>>) dst(%arg7 : memref<125x128xf32, #tpu.memory_space<vmem>>)
    %rem3A_104 = arith.constant 78 : i32
    %rem3A_105 = arith.constant 32 : i32
    %rem3A_106 = arith.remsi %rem3A_104, %rem3A_105 : i32
    "tpu.region"() ({
      %run_scoped3A = tpu.sem_alloc : memref<!tpu.dma_semaphore, #tpu.memory_space<semaphore_mem>>
      %dma_start3A_123 = arith.constant 0 : i32
      %dma_start3A_124 = tpu.memref_slice %arg6[%rem3A_106, %dma_start3A_123] : memref<32x125xi32, #tpu.memory_space<vmem>> -> memref<1x125xi32, #tpu.memory_space<vmem>>
      %dma_start3A_125 = tpu.memref_squeeze %dma_start3A_124 : memref<1x125xi32, #tpu.memory_space<vmem>> -> memref<125xi32, #tpu.memory_space<vmem>>
      %dma_start3A_126 = arith.constant 0 : i32
      %dma_start3A_127 = arith.constant 0 : i32
      %dma_start3A_128 = tpu.memref_slice %arg9[%dma_start3A_126, %dma_start3A_127] : memref<10240x128xf32, #tpu.memory_space<vmem_shared>> -> memref<10240x128xf32, #tpu.memory_space<vmem_shared>>
      tpu.enqueue_indirect_dma source(%arg7 : memref<125x128xf32, #tpu.memory_space<vmem>>) target(%dma_start3A_128 : memref<10240x128xf32, #tpu.memory_space<vmem_shared>>) offsets(%dma_start3A_125 : memref<125xi32, #tpu.memory_space<vmem>>) semaphore(%run_scoped3A : memref<!tpu.dma_semaphore, #tpu.memory_space<semaphore_mem>>) {add = true}
      %dma_wait3A_129 = arith.constant 0 : i32
      %dma_wait3A_130 = tpu.memref_slice %arg6[%rem3A_106, %dma_wait3A_129] : memref<32x125xi32, #tpu.memory_space<vmem>> -> memref<1x125xi32, #tpu.memory_space<vmem>>
      %dma_wait3A_131 = tpu.memref_squeeze %dma_wait3A_130 : memref<1x125xi32, #tpu.memory_space<vmem>> -> memref<125xi32, #tpu.memory_space<vmem>>
      %dma_wait3A_132 = arith.constant 0 : i32
      %dma_wait3A_133 = arith.constant 0 : i32
      %dma_wait3A_134 = tpu.memref_slice %arg9[%dma_wait3A_132, %dma_wait3A_133] : memref<10240x128xf32, #tpu.memory_space<vmem_shared>> -> memref<10240x128xf32, #tpu.memory_space<vmem_shared>>
      tpu.wait_indirect_dma semaphore(%run_scoped3A : memref<!tpu.dma_semaphore, #tpu.memory_space<semaphore_mem>>) src(%arg7 : memref<125x128xf32, #tpu.memory_space<vmem>>) dst(%dma_wait3A_134 : memref<10240x128xf32, #tpu.memory_space<vmem_shared>>)
      tpu.yield
    }) : () -> ()
    %rem3A_107 = arith.constant 79 : i32
    %rem3A_108 = arith.constant 32 : i32
    %rem3A_109 = arith.remsi %rem3A_107, %rem3A_108 : i32
    %dma_wait3A_110 = arith.constant 0 : i32
    %dma_wait3A_111 = tpu.memref_slice %arg5[%rem3A_109, %dma_wait3A_110] : memref<32x125xi32, #tpu.memory_space<vmem>> -> memref<1x125xi32, #tpu.memory_space<vmem>>
    %dma_wait3A_112 = tpu.memref_squeeze %dma_wait3A_111 : memref<1x125xi32, #tpu.memory_space<vmem>> -> memref<125xi32, #tpu.memory_space<vmem>>
    %dma_wait3A_113 = arith.constant 0 : i32
    %dma_wait3A_114 = arith.constant 0 : i32
    %dma_wait3A_115 = tpu.memref_slice %arg2[%dma_wait3A_113, %dma_wait3A_114] : memref<10000x128xf32, #tpu.memory_space<hbm>> -> memref<10000x128xf32, #tpu.memory_space<hbm>>
    tpu.wait_indirect_dma semaphore(%arg11 : memref<!tpu.dma_semaphore, #tpu.memory_space<semaphore_mem>>) src(%dma_wait3A_115 : memref<10000x128xf32, #tpu.memory_space<hbm>>) dst(%arg8 : memref<125x128xf32, #tpu.memory_space<vmem>>)
    %rem3A_116 = arith.constant 79 : i32
    %rem3A_117 = arith.constant 32 : i32
    %rem3A_118 = arith.remsi %rem3A_116, %rem3A_117 : i32
    "tpu.region"() ({
      %run_scoped3A = tpu.sem_alloc : memref<!tpu.dma_semaphore, #tpu.memory_space<semaphore_mem>>
      %dma_start3A_123 = arith.constant 0 : i32
      %dma_start3A_124 = tpu.memref_slice %arg6[%rem3A_118, %dma_start3A_123] : memref<32x125xi32, #tpu.memory_space<vmem>> -> memref<1x125xi32, #tpu.memory_space<vmem>>
      %dma_start3A_125 = tpu.memref_squeeze %dma_start3A_124 : memref<1x125xi32, #tpu.memory_space<vmem>> -> memref<125xi32, #tpu.memory_space<vmem>>
      %dma_start3A_126 = arith.constant 0 : i32
      %dma_start3A_127 = arith.constant 0 : i32
      %dma_start3A_128 = tpu.memref_slice %arg9[%dma_start3A_126, %dma_start3A_127] : memref<10240x128xf32, #tpu.memory_space<vmem_shared>> -> memref<10240x128xf32, #tpu.memory_space<vmem_shared>>
      tpu.enqueue_indirect_dma source(%arg8 : memref<125x128xf32, #tpu.memory_space<vmem>>) target(%dma_start3A_128 : memref<10240x128xf32, #tpu.memory_space<vmem_shared>>) offsets(%dma_start3A_125 : memref<125xi32, #tpu.memory_space<vmem>>) semaphore(%run_scoped3A : memref<!tpu.dma_semaphore, #tpu.memory_space<semaphore_mem>>) {add = true}
      %dma_wait3A_129 = arith.constant 0 : i32
      %dma_wait3A_130 = tpu.memref_slice %arg6[%rem3A_118, %dma_wait3A_129] : memref<32x125xi32, #tpu.memory_space<vmem>> -> memref<1x125xi32, #tpu.memory_space<vmem>>
      %dma_wait3A_131 = tpu.memref_squeeze %dma_wait3A_130 : memref<1x125xi32, #tpu.memory_space<vmem>> -> memref<125xi32, #tpu.memory_space<vmem>>
      %dma_wait3A_132 = arith.constant 0 : i32
      %dma_wait3A_133 = arith.constant 0 : i32
      %dma_wait3A_134 = tpu.memref_slice %arg9[%dma_wait3A_132, %dma_wait3A_133] : memref<10240x128xf32, #tpu.memory_space<vmem_shared>> -> memref<10240x128xf32, #tpu.memory_space<vmem_shared>>
      tpu.wait_indirect_dma semaphore(%run_scoped3A : memref<!tpu.dma_semaphore, #tpu.memory_space<semaphore_mem>>) src(%arg8 : memref<125x128xf32, #tpu.memory_space<vmem>>) dst(%dma_wait3A_134 : memref<10240x128xf32, #tpu.memory_space<vmem_shared>>)
      tpu.yield
    }) : () -> ()
    %barrier3A_119 = arith.constant 0 : index
    tpu.barrier barrier_id(%barrier3A_119)
    %mul3A_120 = arith.constant 10240 : i32
    %mul3A_121 = arith.muli %arg0, %mul3A_120 : i32
    %add3A_122 = arith.addi %mul3A_121, %mul3A_2 : i32
    "tpu.region"() ({
      %run_scoped3A = tpu.sem_alloc : memref<!tpu.dma_semaphore, #tpu.memory_space<semaphore_mem>>
      %dma_start3A_123 = arith.constant 0 : i32
      %dma_start3A_124 = tpu.memref_slice %arg4[%add3A_122, %dma_start3A_123] : memref<20480x128xf32, #tpu.memory_space<hbm>> -> memref<640x128xf32, #tpu.memory_space<hbm>>
      %dma_start3A_125 = arith.constant 0 : i32
      %dma_start3A_126 = tpu.memref_slice %arg9[%mul3A_2, %dma_start3A_125] : memref<10240x128xf32, #tpu.memory_space<vmem_shared>> -> memref<640x128xf32, #tpu.memory_space<vmem_shared>>
      tpu.enqueue_dma source(%dma_start3A_126 : memref<640x128xf32, #tpu.memory_space<vmem_shared>>) target(%dma_start3A_124 : memref<640x128xf32, #tpu.memory_space<hbm>>) target_semaphore(%run_scoped3A : memref<!tpu.dma_semaphore, #tpu.memory_space<semaphore_mem>>)
      %dma_wait3A_127 = arith.constant 0 : i32
      %dma_wait3A_128 = tpu.memref_slice %arg4[%add3A_122, %dma_wait3A_127] : memref<20480x128xf32, #tpu.memory_space<hbm>> -> memref<640x128xf32, #tpu.memory_space<hbm>>
      %dma_wait3A_129 = arith.constant 0 : i32
      %dma_wait3A_130 = tpu.memref_slice %arg9[%mul3A_2, %dma_wait3A_129] : memref<10240x128xf32, #tpu.memory_space<vmem_shared>> -> memref<640x128xf32, #tpu.memory_space<vmem_shared>>
      tpu.wait_dma2 semaphore(%run_scoped3A : memref<!tpu.dma_semaphore, #tpu.memory_space<semaphore_mem>>) src(%dma_wait3A_130 : memref<640x128xf32, #tpu.memory_space<vmem_shared>>) dst(%dma_wait3A_128 : memref<640x128xf32, #tpu.memory_space<hbm>>)
      tpu.yield
    }) : () -> ()
    return
  }
}

#map = affine_map<(d0, d1) -> (0, 0)>
module attributes {stable_mosaic.version = 14 : i64} {
  func.func @_msg_body(%arg0: i32, %arg1: i32, %arg2: memref<10000x128xf32, #tpu.memory_space<hbm>>, %arg3: memref<5120x125xi32, #tpu.memory_space<hbm>>, %arg4: memref<20480x128xf32, #tpu.memory_space<hbm>>, %arg5: memref<32x125xi32, #tpu.memory_space<vmem>>, %arg6: memref<32x125xi32, #tpu.memory_space<vmem>>, %arg7: memref<125x128xf32, #tpu.memory_space<vmem>>, %arg8: memref<125x128xf32, #tpu.memory_space<vmem>>, %arg9: memref<10240x128xf32, #tpu.memory_space<vmem_shared>>, %arg10: memref<!tpu.dma_semaphore, #tpu.memory_space<semaphore_mem>>, %arg11: memref<!tpu.dma_semaphore, #tpu.memory_space<semaphore_mem>>) attributes {dimension_semantics = [#tpu.dimension_semantics<core_parallel>, #tpu.dimension_semantics<subcore_parallel>], iteration_bounds = array<i64: 2, 16>, scalar_prefetch = 0 : i64, scratch_operands = 7 : i64, tpu.core_type = #tpu.core_type<sc_vector_subcore>, window_params = [{transform_indices = #map}, {transform_indices = #map}, {transform_indices = #map}]} {
    %mul3A = arith.constant 16 : i32
    %mul3A_0 = arith.muli %arg0, %mul3A : i32
    %add3A = arith.addi %mul3A_0, %arg1 : i32
    %mul3A_1 = arith.constant 640 : i32
    %mul3A_2 = arith.muli %arg1, %mul3A_1 : i32
    %mul3A_3 = arith.constant 80 : i32
    %mul3A_4 = arith.muli %add3A, %mul3A_3 : i32
    %scan3A = arith.constant 0 : i32
    %scan3A_5 = arith.constant 80 : i32
    %scan3A_6 = arith.addi %scan3A, %scan3A_5 : i32
    %scan3A_7 = arith.constant 1 : i32
    scf.for %scan3A_123 = %scan3A to %scan3A_6 step %scan3A_7  : i32 {
      %broadcast_in_dim3A = arith.constant 0.000000e+00 : f32
      %broadcast_in_dim3A_124 = vector.broadcast %broadcast_in_dim3A : f32 to vector<16xf32>
      %swap3A = arith.index_cast %scan3A_123 : i32 to index
      %swap3A_125 = arith.constant 0 : index
      %swap3A_126 = tpu.vector_load %arg7[%swap3A, %swap3A_125] {strides = array<i32>} : memref<125x128xf32, #tpu.memory_space<vmem>>, vector<1x16xf32>,
      %swap3A_127 = vector.shape_cast %swap3A_126 : vector<1x16xf32> to vector<16xf32>
      %swap3A_128 = vector.shape_cast %broadcast_in_dim3A_124 : vector<16xf32> to vector<1x16xf32>
      tpu.vector_store %arg7[%swap3A, %swap3A_125], %swap3A_128 {strides = array<i32>} : memref<125x128xf32, #tpu.memory_space<vmem>>, vector<1x16xf32>,
      %broadcast_in_dim3A_129 = arith.constant 0.000000e+00 : f32
      %broadcast_in_dim3A_130 = vector.broadcast %broadcast_in_dim3A_129 : f32 to vector<16xf32>
      %swap3A_131 = arith.index_cast %scan3A_123 : i32 to index
      %swap3A_132 = arith.constant 16 : index
      %swap3A_133 = tpu.vector_load %arg7[%swap3A_131, %swap3A_132] {strides = array<i32>} : memref<125x128xf32, #tpu.memory_space<vmem>>, vector<1x16xf32>,
      %swap3A_134 = vector.shape_cast %swap3A_133 : vector<1x16xf32> to vector<16xf32>
      %swap3A_135 = vector.shape_cast %broadcast_in_dim3A_130 : vector<16xf32> to vector<1x16xf32>
      tpu.vector_store %arg7[%swap3A_131, %swap3A_132], %swap3A_135 {strides = array<i32>} : memref<125x128xf32, #tpu.memory_space<vmem>>, vector<1x16xf32>,
      %broadcast_in_dim3A_136 = arith.constant 0.000000e+00 : f32
      %broadcast_in_dim3A_137 = vector.broadcast %broadcast_in_dim3A_136 : f32 to vector<16xf32>
      %swap3A_138 = arith.index_cast %scan3A_123 : i32 to index
      %swap3A_139 = arith.constant 32 : index
      %swap3A_140 = tpu.vector_load %arg7[%swap3A_138, %swap3A_139] {strides = array<i32>} : memref<125x128xf32, #tpu.memory_space<vmem>>, vector<1x16xf32>,
      %swap3A_141 = vector.shape_cast %swap3A_140 : vector<1x16xf32> to vector<16xf32>
      %swap3A_142 = vector.shape_cast %broadcast_in_dim3A_137 : vector<16xf32> to vector<1x16xf32>
      tpu.vector_store %arg7[%swap3A_138, %swap3A_139], %swap3A_142 {strides = array<i32>} : memref<125x128xf32, #tpu.memory_space<vmem>>, vector<1x16xf32>,
      %broadcast_in_dim3A_143 = arith.constant 0.000000e+00 : f32
      %broadcast_in_dim3A_144 = vector.broadcast %broadcast_in_dim3A_143 : f32 to vector<16xf32>
      %swap3A_145 = arith.index_cast %scan3A_123 : i32 to index
      %swap3A_146 = arith.constant 48 : index
      %swap3A_147 = tpu.vector_load %arg7[%swap3A_145, %swap3A_146] {strides = array<i32>} : memref<125x128xf32, #tpu.memory_space<vmem>>, vector<1x16xf32>,
      %swap3A_148 = vector.shape_cast %swap3A_147 : vector<1x16xf32> to vector<16xf32>
      %swap3A_149 = vector.shape_cast %broadcast_in_dim3A_144 : vector<16xf32> to vector<1x16xf32>
      tpu.vector_store %arg7[%swap3A_145, %swap3A_146], %swap3A_149 {strides = array<i32>} : memref<125x128xf32, #tpu.memory_space<vmem>>, vector<1x16xf32>,
      %broadcast_in_dim3A_150 = arith.constant 0.000000e+00 : f32
      %broadcast_in_dim3A_151 = vector.broadcast %broadcast_in_dim3A_150 : f32 to vector<16xf32>
      %swap3A_152 = arith.index_cast %scan3A_123 : i32 to index
      %swap3A_153 = arith.constant 64 : index
      %swap3A_154 = tpu.vector_load %arg7[%swap3A_152, %swap3A_153] {strides = array<i32>} : memref<125x128xf32, #tpu.memory_space<vmem>>, vector<1x16xf32>,
      %swap3A_155 = vector.shape_cast %swap3A_154 : vector<1x16xf32> to vector<16xf32>
      %swap3A_156 = vector.shape_cast %broadcast_in_dim3A_151 : vector<16xf32> to vector<1x16xf32>
      tpu.vector_store %arg7[%swap3A_152, %swap3A_153], %swap3A_156 {strides = array<i32>} : memref<125x128xf32, #tpu.memory_space<vmem>>, vector<1x16xf32>,
      %broadcast_in_dim3A_157 = arith.constant 0.000000e+00 : f32
      %broadcast_in_dim3A_158 = vector.broadcast %broadcast_in_dim3A_157 : f32 to vector<16xf32>
      %swap3A_159 = arith.index_cast %scan3A_123 : i32 to index
      %swap3A_160 = arith.constant 80 : index
      %swap3A_161 = tpu.vector_load %arg7[%swap3A_159, %swap3A_160] {strides = array<i32>} : memref<125x128xf32, #tpu.memory_space<vmem>>, vector<1x16xf32>,
      %swap3A_162 = vector.shape_cast %swap3A_161 : vector<1x16xf32> to vector<16xf32>
      %swap3A_163 = vector.shape_cast %broadcast_in_dim3A_158 : vector<16xf32> to vector<1x16xf32>
      tpu.vector_store %arg7[%swap3A_159, %swap3A_160], %swap3A_163 {strides = array<i32>} : memref<125x128xf32, #tpu.memory_space<vmem>>, vector<1x16xf32>,
      %broadcast_in_dim3A_164 = arith.constant 0.000000e+00 : f32
      %broadcast_in_dim3A_165 = vector.broadcast %broadcast_in_dim3A_164 : f32 to vector<16xf32>
      %swap3A_166 = arith.index_cast %scan3A_123 : i32 to index
      %swap3A_167 = arith.constant 96 : index
      %swap3A_168 = tpu.vector_load %arg7[%swap3A_166, %swap3A_167] {strides = array<i32>} : memref<125x128xf32, #tpu.memory_space<vmem>>, vector<1x16xf32>,
      %swap3A_169 = vector.shape_cast %swap3A_168 : vector<1x16xf32> to vector<16xf32>
      %swap3A_170 = vector.shape_cast %broadcast_in_dim3A_165 : vector<16xf32> to vector<1x16xf32>
      tpu.vector_store %arg7[%swap3A_166, %swap3A_167], %swap3A_170 {strides = array<i32>} : memref<125x128xf32, #tpu.memory_space<vmem>>, vector<1x16xf32>,
      %broadcast_in_dim3A_171 = arith.constant 0.000000e+00 : f32
      %broadcast_in_dim3A_172 = vector.broadcast %broadcast_in_dim3A_171 : f32 to vector<16xf32>
      %swap3A_173 = arith.index_cast %scan3A_123 : i32 to index
      %swap3A_174 = arith.constant 112 : index
      %swap3A_175 = tpu.vector_load %arg7[%swap3A_173, %swap3A_174] {strides = array<i32>} : memref<125x128xf32, #tpu.memory_space<vmem>>, vector<1x16xf32>,
      %swap3A_176 = vector.shape_cast %swap3A_175 : vector<1x16xf32> to vector<16xf32>
      %swap3A_177 = vector.shape_cast %broadcast_in_dim3A_172 : vector<16xf32> to vector<1x16xf32>
      tpu.vector_store %arg7[%swap3A_173, %swap3A_174], %swap3A_177 {strides = array<i32>} : memref<125x128xf32, #tpu.memory_space<vmem>>, vector<1x16xf32>,
    }
    %scan3A_8 = arith.constant 80 : i32
    %add3A_9 = arith.constant 0 : i32
    %add3A_10 = arith.addi %mul3A_2, %add3A_9 : i32
    "tpu.region"() ({
      %run_scoped3A = tpu.sem_alloc : memref<!tpu.dma_semaphore, #tpu.memory_space<semaphore_mem>>
      %dma_start3A_123 = arith.constant 0 : i32
      %dma_start3A_124 = arith.constant 0 : i32
      %dma_start3A_125 = tpu.memref_slice %arg7[%dma_start3A_123, %dma_start3A_124] : memref<125x128xf32, #tpu.memory_space<vmem>> -> memref<80x128xf32, #tpu.memory_space<vmem>>
      %dma_start3A_126 = arith.constant 0 : i32
      %dma_start3A_127 = tpu.memref_slice %arg9[%add3A_10, %dma_start3A_126] : memref<10240x128xf32, #tpu.memory_space<vmem_shared>> -> memref<80x128xf32, #tpu.memory_space<vmem_shared>>
      %dma_start3A_128 = arith.constant 0 : i32
      %dma_start3A_129 = tpu.memref_slice %arg9[%add3A_10, %dma_start3A_128] : memref<10240x128xf32, #tpu.memory_space<vmem_shared>> -> memref<80x128xf32, #tpu.memory_space<vmem_shared>>
      %dma_start3A_130 = arith.constant 0 : i32
      %dma_start3A_131 = arith.constant 0 : i32
      %dma_start3A_132 = tpu.memref_slice %arg7[%dma_start3A_130, %dma_start3A_131] : memref<125x128xf32, #tpu.memory_space<vmem>> -> memref<80x128xf32, #tpu.memory_space<vmem>>
      tpu.enqueue_dma source(%dma_start3A_132 : memref<80x128xf32, #tpu.memory_space<vmem>>) target(%dma_start3A_129 : memref<80x128xf32, #tpu.memory_space<vmem_shared>>) target_semaphore(%run_scoped3A : memref<!tpu.dma_semaphore, #tpu.memory_space<semaphore_mem>>)
      %dma_wait3A_133 = arith.constant 0 : i32
      %dma_wait3A_134 = arith.constant 0 : i32
      %dma_wait3A_135 = tpu.memref_slice %arg7[%dma_wait3A_133, %dma_wait3A_134] : memref<125x128xf32, #tpu.memory_space<vmem>> -> memref<80x128xf32, #tpu.memory_space<vmem>>
      %dma_wait3A_136 = arith.constant 0 : i32
      %dma_wait3A_137 = tpu.memref_slice %arg9[%add3A_10, %dma_wait3A_136] : memref<10240x128xf32, #tpu.memory_space<vmem_shared>> -> memref<80x128xf32, #tpu.memory_space<vmem_shared>>
      %dma_wait3A_138 = arith.constant 0 : i32
      %dma_wait3A_139 = tpu.memref_slice %arg9[%add3A_10, %dma_wait3A_138] : memref<10240x128xf32, #tpu.memory_space<vmem_shared>> -> memref<80x128xf32, #tpu.memory_space<vmem_shared>>
      %dma_wait3A_140 = arith.constant 0 : i32
      %dma_wait3A_141 = arith.constant 0 : i32
      %dma_wait3A_142 = tpu.memref_slice %arg7[%dma_wait3A_140, %dma_wait3A_141] : memref<125x128xf32, #tpu.memory_space<vmem>> -> memref<80x128xf32, #tpu.memory_space<vmem>>
      tpu.wait_dma2 semaphore(%run_scoped3A : memref<!tpu.dma_semaphore, #tpu.memory_space<semaphore_mem>>) src(%dma_wait3A_142 : memref<80x128xf32, #tpu.memory_space<vmem>>) dst(%dma_wait3A_139 : memref<80x128xf32, #tpu.memory_space<vmem_shared>>)
      tpu.yield
    }) : () -> ()
    %add3A_11 = arith.constant 80 : i32
    %add3A_12 = arith.addi %mul3A_2, %add3A_11 : i32
    "tpu.region"() ({
      %run_scoped3A = tpu.sem_alloc : memref<!tpu.dma_semaphore, #tpu.memory_space<semaphore_mem>>
      %dma_start3A_123 = arith.constant 0 : i32
      %dma_start3A_124 = arith.constant 0 : i32
      %dma_start3A_125 = tpu.memref_slice %arg7[%dma_start3A_123, %dma_start3A_124] : memref<125x128xf32, #tpu.memory_space<vmem>> -> memref<80x128xf32, #tpu.memory_space<vmem>>
      %dma_start3A_126 = arith.constant 0 : i32
      %dma_start3A_127 = tpu.memref_slice %arg9[%add3A_12, %dma_start3A_126] : memref<10240x128xf32, #tpu.memory_space<vmem_shared>> -> memref<80x128xf32, #tpu.memory_space<vmem_shared>>
      %dma_start3A_128 = arith.constant 0 : i32
      %dma_start3A_129 = tpu.memref_slice %arg9[%add3A_12, %dma_start3A_128] : memref<10240x128xf32, #tpu.memory_space<vmem_shared>> -> memref<80x128xf32, #tpu.memory_space<vmem_shared>>
      %dma_start3A_130 = arith.constant 0 : i32
      %dma_start3A_131 = arith.constant 0 : i32
      %dma_start3A_132 = tpu.memref_slice %arg7[%dma_start3A_130, %dma_start3A_131] : memref<125x128xf32, #tpu.memory_space<vmem>> -> memref<80x128xf32, #tpu.memory_space<vmem>>
      tpu.enqueue_dma source(%dma_start3A_132 : memref<80x128xf32, #tpu.memory_space<vmem>>) target(%dma_start3A_129 : memref<80x128xf32, #tpu.memory_space<vmem_shared>>) target_semaphore(%run_scoped3A : memref<!tpu.dma_semaphore, #tpu.memory_space<semaphore_mem>>)
      %dma_wait3A_133 = arith.constant 0 : i32
      %dma_wait3A_134 = arith.constant 0 : i32
      %dma_wait3A_135 = tpu.memref_slice %arg7[%dma_wait3A_133, %dma_wait3A_134] : memref<125x128xf32, #tpu.memory_space<vmem>> -> memref<80x128xf32, #tpu.memory_space<vmem>>
      %dma_wait3A_136 = arith.constant 0 : i32
      %dma_wait3A_137 = tpu.memref_slice %arg9[%add3A_12, %dma_wait3A_136] : memref<10240x128xf32, #tpu.memory_space<vmem_shared>> -> memref<80x128xf32, #tpu.memory_space<vmem_shared>>
      %dma_wait3A_138 = arith.constant 0 : i32
      %dma_wait3A_139 = tpu.memref_slice %arg9[%add3A_12, %dma_wait3A_138] : memref<10240x128xf32, #tpu.memory_space<vmem_shared>> -> memref<80x128xf32, #tpu.memory_space<vmem_shared>>
      %dma_wait3A_140 = arith.constant 0 : i32
      %dma_wait3A_141 = arith.constant 0 : i32
      %dma_wait3A_142 = tpu.memref_slice %arg7[%dma_wait3A_140, %dma_wait3A_141] : memref<125x128xf32, #tpu.memory_space<vmem>> -> memref<80x128xf32, #tpu.memory_space<vmem>>
      tpu.wait_dma2 semaphore(%run_scoped3A : memref<!tpu.dma_semaphore, #tpu.memory_space<semaphore_mem>>) src(%dma_wait3A_142 : memref<80x128xf32, #tpu.memory_space<vmem>>) dst(%dma_wait3A_139 : memref<80x128xf32, #tpu.memory_space<vmem_shared>>)
      tpu.yield
    }) : () -> ()
    %add3A_13 = arith.constant 160 : i32
    %add3A_14 = arith.addi %mul3A_2, %add3A_13 : i32
    "tpu.region"() ({
      %run_scoped3A = tpu.sem_alloc : memref<!tpu.dma_semaphore, #tpu.memory_space<semaphore_mem>>
      %dma_start3A_123 = arith.constant 0 : i32
      %dma_start3A_124 = arith.constant 0 : i32
      %dma_start3A_125 = tpu.memref_slice %arg7[%dma_start3A_123, %dma_start3A_124] : memref<125x128xf32, #tpu.memory_space<vmem>> -> memref<80x128xf32, #tpu.memory_space<vmem>>
      %dma_start3A_126 = arith.constant 0 : i32
      %dma_start3A_127 = tpu.memref_slice %arg9[%add3A_14, %dma_start3A_126] : memref<10240x128xf32, #tpu.memory_space<vmem_shared>> -> memref<80x128xf32, #tpu.memory_space<vmem_shared>>
      %dma_start3A_128 = arith.constant 0 : i32
      %dma_start3A_129 = tpu.memref_slice %arg9[%add3A_14, %dma_start3A_128] : memref<10240x128xf32, #tpu.memory_space<vmem_shared>> -> memref<80x128xf32, #tpu.memory_space<vmem_shared>>
      %dma_start3A_130 = arith.constant 0 : i32
      %dma_start3A_131 = arith.constant 0 : i32
      %dma_start3A_132 = tpu.memref_slice %arg7[%dma_start3A_130, %dma_start3A_131] : memref<125x128xf32, #tpu.memory_space<vmem>> -> memref<80x128xf32, #tpu.memory_space<vmem>>
      tpu.enqueue_dma source(%dma_start3A_132 : memref<80x128xf32, #tpu.memory_space<vmem>>) target(%dma_start3A_129 : memref<80x128xf32, #tpu.memory_space<vmem_shared>>) target_semaphore(%run_scoped3A : memref<!tpu.dma_semaphore, #tpu.memory_space<semaphore_mem>>)
      %dma_wait3A_133 = arith.constant 0 : i32
      %dma_wait3A_134 = arith.constant 0 : i32
      %dma_wait3A_135 = tpu.memref_slice %arg7[%dma_wait3A_133, %dma_wait3A_134] : memref<125x128xf32, #tpu.memory_space<vmem>> -> memref<80x128xf32, #tpu.memory_space<vmem>>
      %dma_wait3A_136 = arith.constant 0 : i32
      %dma_wait3A_137 = tpu.memref_slice %arg9[%add3A_14, %dma_wait3A_136] : memref<10240x128xf32, #tpu.memory_space<vmem_shared>> -> memref<80x128xf32, #tpu.memory_space<vmem_shared>>
      %dma_wait3A_138 = arith.constant 0 : i32
      %dma_wait3A_139 = tpu.memref_slice %arg9[%add3A_14, %dma_wait3A_138] : memref<10240x128xf32, #tpu.memory_space<vmem_shared>> -> memref<80x128xf32, #tpu.memory_space<vmem_shared>>
      %dma_wait3A_140 = arith.constant 0 : i32
      %dma_wait3A_141 = arith.constant 0 : i32
      %dma_wait3A_142 = tpu.memref_slice %arg7[%dma_wait3A_140, %dma_wait3A_141] : memref<125x128xf32, #tpu.memory_space<vmem>> -> memref<80x128xf32, #tpu.memory_space<vmem>>
      tpu.wait_dma2 semaphore(%run_scoped3A : memref<!tpu.dma_semaphore, #tpu.memory_space<semaphore_mem>>) src(%dma_wait3A_142 : memref<80x128xf32, #tpu.memory_space<vmem>>) dst(%dma_wait3A_139 : memref<80x128xf32, #tpu.memory_space<vmem_shared>>)
      tpu.yield
    }) : () -> ()
    %add3A_15 = arith.constant 240 : i32
    %add3A_16 = arith.addi %mul3A_2, %add3A_15 : i32
    "tpu.region"() ({
      %run_scoped3A = tpu.sem_alloc : memref<!tpu.dma_semaphore, #tpu.memory_space<semaphore_mem>>
      %dma_start3A_123 = arith.constant 0 : i32
      %dma_start3A_124 = arith.constant 0 : i32
      %dma_start3A_125 = tpu.memref_slice %arg7[%dma_start3A_123, %dma_start3A_124] : memref<125x128xf32, #tpu.memory_space<vmem>> -> memref<80x128xf32, #tpu.memory_space<vmem>>
      %dma_start3A_126 = arith.constant 0 : i32
      %dma_start3A_127 = tpu.memref_slice %arg9[%add3A_16, %dma_start3A_126] : memref<10240x128xf32, #tpu.memory_space<vmem_shared>> -> memref<80x128xf32, #tpu.memory_space<vmem_shared>>
      %dma_start3A_128 = arith.constant 0 : i32
      %dma_start3A_129 = tpu.memref_slice %arg9[%add3A_16, %dma_start3A_128] : memref<10240x128xf32, #tpu.memory_space<vmem_shared>> -> memref<80x128xf32, #tpu.memory_space<vmem_shared>>
      %dma_start3A_130 = arith.constant 0 : i32
      %dma_start3A_131 = arith.constant 0 : i32
      %dma_start3A_132 = tpu.memref_slice %arg7[%dma_start3A_130, %dma_start3A_131] : memref<125x128xf32, #tpu.memory_space<vmem>> -> memref<80x128xf32, #tpu.memory_space<vmem>>
      tpu.enqueue_dma source(%dma_start3A_132 : memref<80x128xf32, #tpu.memory_space<vmem>>) target(%dma_start3A_129 : memref<80x128xf32, #tpu.memory_space<vmem_shared>>) target_semaphore(%run_scoped3A : memref<!tpu.dma_semaphore, #tpu.memory_space<semaphore_mem>>)
      %dma_wait3A_133 = arith.constant 0 : i32
      %dma_wait3A_134 = arith.constant 0 : i32
      %dma_wait3A_135 = tpu.memref_slice %arg7[%dma_wait3A_133, %dma_wait3A_134] : memref<125x128xf32, #tpu.memory_space<vmem>> -> memref<80x128xf32, #tpu.memory_space<vmem>>
      %dma_wait3A_136 = arith.constant 0 : i32
      %dma_wait3A_137 = tpu.memref_slice %arg9[%add3A_16, %dma_wait3A_136] : memref<10240x128xf32, #tpu.memory_space<vmem_shared>> -> memref<80x128xf32, #tpu.memory_space<vmem_shared>>
      %dma_wait3A_138 = arith.constant 0 : i32
      %dma_wait3A_139 = tpu.memref_slice %arg9[%add3A_16, %dma_wait3A_138] : memref<10240x128xf32, #tpu.memory_space<vmem_shared>> -> memref<80x128xf32, #tpu.memory_space<vmem_shared>>
      %dma_wait3A_140 = arith.constant 0 : i32
      %dma_wait3A_141 = arith.constant 0 : i32
      %dma_wait3A_142 = tpu.memref_slice %arg7[%dma_wait3A_140, %dma_wait3A_141] : memref<125x128xf32, #tpu.memory_space<vmem>> -> memref<80x128xf32, #tpu.memory_space<vmem>>
      tpu.wait_dma2 semaphore(%run_scoped3A : memref<!tpu.dma_semaphore, #tpu.memory_space<semaphore_mem>>) src(%dma_wait3A_142 : memref<80x128xf32, #tpu.memory_space<vmem>>) dst(%dma_wait3A_139 : memref<80x128xf32, #tpu.memory_space<vmem_shared>>)
      tpu.yield
    }) : () -> ()
    %add3A_17 = arith.constant 320 : i32
    %add3A_18 = arith.addi %mul3A_2, %add3A_17 : i32
    "tpu.region"() ({
      %run_scoped3A = tpu.sem_alloc : memref<!tpu.dma_semaphore, #tpu.memory_space<semaphore_mem>>
      %dma_start3A_123 = arith.constant 0 : i32
      %dma_start3A_124 = arith.constant 0 : i32
      %dma_start3A_125 = tpu.memref_slice %arg7[%dma_start3A_123, %dma_start3A_124] : memref<125x128xf32, #tpu.memory_space<vmem>> -> memref<80x128xf32, #tpu.memory_space<vmem>>
      %dma_start3A_126 = arith.constant 0 : i32
      %dma_start3A_127 = tpu.memref_slice %arg9[%add3A_18, %dma_start3A_126] : memref<10240x128xf32, #tpu.memory_space<vmem_shared>> -> memref<80x128xf32, #tpu.memory_space<vmem_shared>>
      %dma_start3A_128 = arith.constant 0 : i32
      %dma_start3A_129 = tpu.memref_slice %arg9[%add3A_18, %dma_start3A_128] : memref<10240x128xf32, #tpu.memory_space<vmem_shared>> -> memref<80x128xf32, #tpu.memory_space<vmem_shared>>
      %dma_start3A_130 = arith.constant 0 : i32
      %dma_start3A_131 = arith.constant 0 : i32
      %dma_start3A_132 = tpu.memref_slice %arg7[%dma_start3A_130, %dma_start3A_131] : memref<125x128xf32, #tpu.memory_space<vmem>> -> memref<80x128xf32, #tpu.memory_space<vmem>>
      tpu.enqueue_dma source(%dma_start3A_132 : memref<80x128xf32, #tpu.memory_space<vmem>>) target(%dma_start3A_129 : memref<80x128xf32, #tpu.memory_space<vmem_shared>>) target_semaphore(%run_scoped3A : memref<!tpu.dma_semaphore, #tpu.memory_space<semaphore_mem>>)
      %dma_wait3A_133 = arith.constant 0 : i32
      %dma_wait3A_134 = arith.constant 0 : i32
      %dma_wait3A_135 = tpu.memref_slice %arg7[%dma_wait3A_133, %dma_wait3A_134] : memref<125x128xf32, #tpu.memory_space<vmem>> -> memref<80x128xf32, #tpu.memory_space<vmem>>
      %dma_wait3A_136 = arith.constant 0 : i32
      %dma_wait3A_137 = tpu.memref_slice %arg9[%add3A_18, %dma_wait3A_136] : memref<10240x128xf32, #tpu.memory_space<vmem_shared>> -> memref<80x128xf32, #tpu.memory_space<vmem_shared>>
      %dma_wait3A_138 = arith.constant 0 : i32
      %dma_wait3A_139 = tpu.memref_slice %arg9[%add3A_18, %dma_wait3A_138] : memref<10240x128xf32, #tpu.memory_space<vmem_shared>> -> memref<80x128xf32, #tpu.memory_space<vmem_shared>>
      %dma_wait3A_140 = arith.constant 0 : i32
      %dma_wait3A_141 = arith.constant 0 : i32
      %dma_wait3A_142 = tpu.memref_slice %arg7[%dma_wait3A_140, %dma_wait3A_141] : memref<125x128xf32, #tpu.memory_space<vmem>> -> memref<80x128xf32, #tpu.memory_space<vmem>>
      tpu.wait_dma2 semaphore(%run_scoped3A : memref<!tpu.dma_semaphore, #tpu.memory_space<semaphore_mem>>) src(%dma_wait3A_142 : memref<80x128xf32, #tpu.memory_space<vmem>>) dst(%dma_wait3A_139 : memref<80x128xf32, #tpu.memory_space<vmem_shared>>)
      tpu.yield
    }) : () -> ()
    %add3A_19 = arith.constant 400 : i32
    %add3A_20 = arith.addi %mul3A_2, %add3A_19 : i32
    "tpu.region"() ({
      %run_scoped3A = tpu.sem_alloc : memref<!tpu.dma_semaphore, #tpu.memory_space<semaphore_mem>>
      %dma_start3A_123 = arith.constant 0 : i32
      %dma_start3A_124 = arith.constant 0 : i32
      %dma_start3A_125 = tpu.memref_slice %arg7[%dma_start3A_123, %dma_start3A_124] : memref<125x128xf32, #tpu.memory_space<vmem>> -> memref<80x128xf32, #tpu.memory_space<vmem>>
      %dma_start3A_126 = arith.constant 0 : i32
      %dma_start3A_127 = tpu.memref_slice %arg9[%add3A_20, %dma_start3A_126] : memref<10240x128xf32, #tpu.memory_space<vmem_shared>> -> memref<80x128xf32, #tpu.memory_space<vmem_shared>>
      %dma_start3A_128 = arith.constant 0 : i32
      %dma_start3A_129 = tpu.memref_slice %arg9[%add3A_20, %dma_start3A_128] : memref<10240x128xf32, #tpu.memory_space<vmem_shared>> -> memref<80x128xf32, #tpu.memory_space<vmem_shared>>
      %dma_start3A_130 = arith.constant 0 : i32
      %dma_start3A_131 = arith.constant 0 : i32
      %dma_start3A_132 = tpu.memref_slice %arg7[%dma_start3A_130, %dma_start3A_131] : memref<125x128xf32, #tpu.memory_space<vmem>> -> memref<80x128xf32, #tpu.memory_space<vmem>>
      tpu.enqueue_dma source(%dma_start3A_132 : memref<80x128xf32, #tpu.memory_space<vmem>>) target(%dma_start3A_129 : memref<80x128xf32, #tpu.memory_space<vmem_shared>>) target_semaphore(%run_scoped3A : memref<!tpu.dma_semaphore, #tpu.memory_space<semaphore_mem>>)
      %dma_wait3A_133 = arith.constant 0 : i32
      %dma_wait3A_134 = arith.constant 0 : i32
      %dma_wait3A_135 = tpu.memref_slice %arg7[%dma_wait3A_133, %dma_wait3A_134] : memref<125x128xf32, #tpu.memory_space<vmem>> -> memref<80x128xf32, #tpu.memory_space<vmem>>
      %dma_wait3A_136 = arith.constant 0 : i32
      %dma_wait3A_137 = tpu.memref_slice %arg9[%add3A_20, %dma_wait3A_136] : memref<10240x128xf32, #tpu.memory_space<vmem_shared>> -> memref<80x128xf32, #tpu.memory_space<vmem_shared>>
      %dma_wait3A_138 = arith.constant 0 : i32
      %dma_wait3A_139 = tpu.memref_slice %arg9[%add3A_20, %dma_wait3A_138] : memref<10240x128xf32, #tpu.memory_space<vmem_shared>> -> memref<80x128xf32, #tpu.memory_space<vmem_shared>>
      %dma_wait3A_140 = arith.constant 0 : i32
      %dma_wait3A_141 = arith.constant 0 : i32
      %dma_wait3A_142 = tpu.memref_slice %arg7[%dma_wait3A_140, %dma_wait3A_141] : memref<125x128xf32, #tpu.memory_space<vmem>> -> memref<80x128xf32, #tpu.memory_space<vmem>>
      tpu.wait_dma2 semaphore(%run_scoped3A : memref<!tpu.dma_semaphore, #tpu.memory_space<semaphore_mem>>) src(%dma_wait3A_142 : memref<80x128xf32, #tpu.memory_space<vmem>>) dst(%dma_wait3A_139 : memref<80x128xf32, #tpu.memory_space<vmem_shared>>)
      tpu.yield
    }) : () -> ()
    %add3A_21 = arith.constant 480 : i32
    %add3A_22 = arith.addi %mul3A_2, %add3A_21 : i32
    "tpu.region"() ({
      %run_scoped3A = tpu.sem_alloc : memref<!tpu.dma_semaphore, #tpu.memory_space<semaphore_mem>>
      %dma_start3A_123 = arith.constant 0 : i32
      %dma_start3A_124 = arith.constant 0 : i32
      %dma_start3A_125 = tpu.memref_slice %arg7[%dma_start3A_123, %dma_start3A_124] : memref<125x128xf32, #tpu.memory_space<vmem>> -> memref<80x128xf32, #tpu.memory_space<vmem>>
      %dma_start3A_126 = arith.constant 0 : i32
      %dma_start3A_127 = tpu.memref_slice %arg9[%add3A_22, %dma_start3A_126] : memref<10240x128xf32, #tpu.memory_space<vmem_shared>> -> memref<80x128xf32, #tpu.memory_space<vmem_shared>>
      %dma_start3A_128 = arith.constant 0 : i32
      %dma_start3A_129 = tpu.memref_slice %arg9[%add3A_22, %dma_start3A_128] : memref<10240x128xf32, #tpu.memory_space<vmem_shared>> -> memref<80x128xf32, #tpu.memory_space<vmem_shared>>
      %dma_start3A_130 = arith.constant 0 : i32
      %dma_start3A_131 = arith.constant 0 : i32
      %dma_start3A_132 = tpu.memref_slice %arg7[%dma_start3A_130, %dma_start3A_131] : memref<125x128xf32, #tpu.memory_space<vmem>> -> memref<80x128xf32, #tpu.memory_space<vmem>>
      tpu.enqueue_dma source(%dma_start3A_132 : memref<80x128xf32, #tpu.memory_space<vmem>>) target(%dma_start3A_129 : memref<80x128xf32, #tpu.memory_space<vmem_shared>>) target_semaphore(%run_scoped3A : memref<!tpu.dma_semaphore, #tpu.memory_space<semaphore_mem>>)
      %dma_wait3A_133 = arith.constant 0 : i32
      %dma_wait3A_134 = arith.constant 0 : i32
      %dma_wait3A_135 = tpu.memref_slice %arg7[%dma_wait3A_133, %dma_wait3A_134] : memref<125x128xf32, #tpu.memory_space<vmem>> -> memref<80x128xf32, #tpu.memory_space<vmem>>
      %dma_wait3A_136 = arith.constant 0 : i32
      %dma_wait3A_137 = tpu.memref_slice %arg9[%add3A_22, %dma_wait3A_136] : memref<10240x128xf32, #tpu.memory_space<vmem_shared>> -> memref<80x128xf32, #tpu.memory_space<vmem_shared>>
      %dma_wait3A_138 = arith.constant 0 : i32
      %dma_wait3A_139 = tpu.memref_slice %arg9[%add3A_22, %dma_wait3A_138] : memref<10240x128xf32, #tpu.memory_space<vmem_shared>> -> memref<80x128xf32, #tpu.memory_space<vmem_shared>>
      %dma_wait3A_140 = arith.constant 0 : i32
      %dma_wait3A_141 = arith.constant 0 : i32
      %dma_wait3A_142 = tpu.memref_slice %arg7[%dma_wait3A_140, %dma_wait3A_141] : memref<125x128xf32, #tpu.memory_space<vmem>> -> memref<80x128xf32, #tpu.memory_space<vmem>>
      tpu.wait_dma2 semaphore(%run_scoped3A : memref<!tpu.dma_semaphore, #tpu.memory_space<semaphore_mem>>) src(%dma_wait3A_142 : memref<80x128xf32, #tpu.memory_space<vmem>>) dst(%dma_wait3A_139 : memref<80x128xf32, #tpu.memory_space<vmem_shared>>)
      tpu.yield
    }) : () -> ()
    %add3A_23 = arith.constant 560 : i32
    %add3A_24 = arith.addi %mul3A_2, %add3A_23 : i32
    "tpu.region"() ({
      %run_scoped3A = tpu.sem_alloc : memref<!tpu.dma_semaphore, #tpu.memory_space<semaphore_mem>>
      %dma_start3A_123 = arith.constant 0 : i32
      %dma_start3A_124 = arith.constant 0 : i32
      %dma_start3A_125 = tpu.memref_slice %arg7[%dma_start3A_123, %dma_start3A_124] : memref<125x128xf32, #tpu.memory_space<vmem>> -> memref<80x128xf32, #tpu.memory_space<vmem>>
      %dma_start3A_126 = arith.constant 0 : i32
      %dma_start3A_127 = tpu.memref_slice %arg9[%add3A_24, %dma_start3A_126] : memref<10240x128xf32, #tpu.memory_space<vmem_shared>> -> memref<80x128xf32, #tpu.memory_space<vmem_shared>>
      %dma_start3A_128 = arith.constant 0 : i32
      %dma_start3A_129 = tpu.memref_slice %arg9[%add3A_24, %dma_start3A_128] : memref<10240x128xf32, #tpu.memory_space<vmem_shared>> -> memref<80x128xf32, #tpu.memory_space<vmem_shared>>
      %dma_start3A_130 = arith.constant 0 : i32
      %dma_start3A_131 = arith.constant 0 : i32
      %dma_start3A_132 = tpu.memref_slice %arg7[%dma_start3A_130, %dma_start3A_131] : memref<125x128xf32, #tpu.memory_space<vmem>> -> memref<80x128xf32, #tpu.memory_space<vmem>>
      tpu.enqueue_dma source(%dma_start3A_132 : memref<80x128xf32, #tpu.memory_space<vmem>>) target(%dma_start3A_129 : memref<80x128xf32, #tpu.memory_space<vmem_shared>>) target_semaphore(%run_scoped3A : memref<!tpu.dma_semaphore, #tpu.memory_space<semaphore_mem>>)
      %dma_wait3A_133 = arith.constant 0 : i32
      %dma_wait3A_134 = arith.constant 0 : i32
      %dma_wait3A_135 = tpu.memref_slice %arg7[%dma_wait3A_133, %dma_wait3A_134] : memref<125x128xf32, #tpu.memory_space<vmem>> -> memref<80x128xf32, #tpu.memory_space<vmem>>
      %dma_wait3A_136 = arith.constant 0 : i32
      %dma_wait3A_137 = tpu.memref_slice %arg9[%add3A_24, %dma_wait3A_136] : memref<10240x128xf32, #tpu.memory_space<vmem_shared>> -> memref<80x128xf32, #tpu.memory_space<vmem_shared>>
      %dma_wait3A_138 = arith.constant 0 : i32
      %dma_wait3A_139 = tpu.memref_slice %arg9[%add3A_24, %dma_wait3A_138] : memref<10240x128xf32, #tpu.memory_space<vmem_shared>> -> memref<80x128xf32, #tpu.memory_space<vmem_shared>>
      %dma_wait3A_140 = arith.constant 0 : i32
      %dma_wait3A_141 = arith.constant 0 : i32
      %dma_wait3A_142 = tpu.memref_slice %arg7[%dma_wait3A_140, %dma_wait3A_141] : memref<125x128xf32, #tpu.memory_space<vmem>> -> memref<80x128xf32, #tpu.memory_space<vmem>>
      tpu.wait_dma2 semaphore(%run_scoped3A : memref<!tpu.dma_semaphore, #tpu.memory_space<semaphore_mem>>) src(%dma_wait3A_142 : memref<80x128xf32, #tpu.memory_space<vmem>>) dst(%dma_wait3A_139 : memref<80x128xf32, #tpu.memory_space<vmem_shared>>)
      tpu.yield
    }) : () -> ()
    %add3A_25 = arith.constant 0 : i32
    %add3A_26 = arith.addi %mul3A_4, %add3A_25 : i32
    "tpu.region"() ({
      %run_scoped3A = tpu.sem_alloc : memref<!tpu.dma_semaphore, #tpu.memory_space<semaphore_mem>>
      %dma_start3A_123 = arith.constant 0 : i32
      %dma_start3A_124 = arith.constant 0 : i32
      %dma_start3A_125 = tpu.memref_slice %arg5[%dma_start3A_123, %dma_start3A_124] : memref<32x125xi32, #tpu.memory_space<vmem>> -> memref<16x125xi32, #tpu.memory_space<vmem>>
      %dma_start3A_126 = arith.constant 0 : i32
      %dma_start3A_127 = tpu.memref_slice %arg3[%add3A_26, %dma_start3A_126] : memref<5120x125xi32, #tpu.memory_space<hbm>> -> memref<16x125xi32, #tpu.memory_space<hbm>>
      %dma_start3A_128 = arith.constant 0 : i32
      %dma_start3A_129 = arith.constant 0 : i32
      %dma_start3A_130 = tpu.memref_slice %arg5[%dma_start3A_128, %dma_start3A_129] : memref<32x125xi32, #tpu.memory_space<vmem>> -> memref<16x125xi32, #tpu.memory_space<vmem>>
      %dma_start3A_131 = arith.constant 0 : i32
      %dma_start3A_132 = tpu.memref_slice %arg3[%add3A_26, %dma_start3A_131] : memref<5120x125xi32, #tpu.memory_space<hbm>> -> memref<16x125xi32, #tpu.memory_space<hbm>>
      tpu.enqueue_dma source(%dma_start3A_132 : memref<16x125xi32, #tpu.memory_space<hbm>>) target(%dma_start3A_130 : memref<16x125xi32, #tpu.memory_space<vmem>>) target_semaphore(%run_scoped3A : memref<!tpu.dma_semaphore, #tpu.memory_space<semaphore_mem>>)
      %dma_wait3A_133 = arith.constant 0 : i32
      %dma_wait3A_134 = arith.constant 0 : i32
      %dma_wait3A_135 = tpu.memref_slice %arg5[%dma_wait3A_133, %dma_wait3A_134] : memref<32x125xi32, #tpu.memory_space<vmem>> -> memref<16x125xi32, #tpu.memory_space<vmem>>
      %dma_wait3A_136 = arith.constant 0 : i32
      %dma_wait3A_137 = tpu.memref_slice %arg3[%add3A_26, %dma_wait3A_136] : memref<5120x125xi32, #tpu.memory_space<hbm>> -> memref<16x125xi32, #tpu.memory_space<hbm>>
      %dma_wait3A_138 = arith.constant 0 : i32
      %dma_wait3A_139 = arith.constant 0 : i32
      %dma_wait3A_140 = tpu.memref_slice %arg5[%dma_wait3A_138, %dma_wait3A_139] : memref<32x125xi32, #tpu.memory_space<vmem>> -> memref<16x125xi32, #tpu.memory_space<vmem>>
      %dma_wait3A_141 = arith.constant 0 : i32
      %dma_wait3A_142 = tpu.memref_slice %arg3[%add3A_26, %dma_wait3A_141] : memref<5120x125xi32, #tpu.memory_space<hbm>> -> memref<16x125xi32, #tpu.memory_space<hbm>>
      tpu.wait_dma2 semaphore(%run_scoped3A : memref<!tpu.dma_semaphore, #tpu.memory_space<semaphore_mem>>) src(%dma_wait3A_142 : memref<16x125xi32, #tpu.memory_space<hbm>>) dst(%dma_wait3A_140 : memref<16x125xi32, #tpu.memory_space<vmem>>)
      tpu.yield
    }) : () -> ()
    %add3A_27 = arith.constant 2560 : i32
    %add3A_28 = arith.addi %add3A_27, %mul3A_4 : i32
    %add3A_29 = arith.constant 0 : i32
    %add3A_30 = arith.addi %add3A_28, %add3A_29 : i32
    "tpu.region"() ({
      %run_scoped3A = tpu.sem_alloc : memref<!tpu.dma_semaphore, #tpu.memory_space<semaphore_mem>>
      %dma_start3A_123 = arith.constant 0 : i32
      %dma_start3A_124 = arith.constant 0 : i32
      %dma_start3A_125 = tpu.memref_slice %arg6[%dma_start3A_123, %dma_start3A_124] : memref<32x125xi32, #tpu.memory_space<vmem>> -> memref<16x125xi32, #tpu.memory_space<vmem>>
      %dma_start3A_126 = arith.constant 0 : i32
      %dma_start3A_127 = tpu.memref_slice %arg3[%add3A_30, %dma_start3A_126] : memref<5120x125xi32, #tpu.memory_space<hbm>> -> memref<16x125xi32, #tpu.memory_space<hbm>>
      %dma_start3A_128 = arith.constant 0 : i32
      %dma_start3A_129 = arith.constant 0 : i32
      %dma_start3A_130 = tpu.memref_slice %arg6[%dma_start3A_128, %dma_start3A_129] : memref<32x125xi32, #tpu.memory_space<vmem>> -> memref<16x125xi32, #tpu.memory_space<vmem>>
      %dma_start3A_131 = arith.constant 0 : i32
      %dma_start3A_132 = tpu.memref_slice %arg3[%add3A_30, %dma_start3A_131] : memref<5120x125xi32, #tpu.memory_space<hbm>> -> memref<16x125xi32, #tpu.memory_space<hbm>>
      tpu.enqueue_dma source(%dma_start3A_132 : memref<16x125xi32, #tpu.memory_space<hbm>>) target(%dma_start3A_130 : memref<16x125xi32, #tpu.memory_space<vmem>>) target_semaphore(%run_scoped3A : memref<!tpu.dma_semaphore, #tpu.memory_space<semaphore_mem>>)
      %dma_wait3A_133 = arith.constant 0 : i32
      %dma_wait3A_134 = arith.constant 0 : i32
      %dma_wait3A_135 = tpu.memref_slice %arg6[%dma_wait3A_133, %dma_wait3A_134] : memref<32x125xi32, #tpu.memory_space<vmem>> -> memref<16x125xi32, #tpu.memory_space<vmem>>
      %dma_wait3A_136 = arith.constant 0 : i32
      %dma_wait3A_137 = tpu.memref_slice %arg3[%add3A_30, %dma_wait3A_136] : memref<5120x125xi32, #tpu.memory_space<hbm>> -> memref<16x125xi32, #tpu.memory_space<hbm>>
      %dma_wait3A_138 = arith.constant 0 : i32
      %dma_wait3A_139 = arith.constant 0 : i32
      %dma_wait3A_140 = tpu.memref_slice %arg6[%dma_wait3A_138, %dma_wait3A_139] : memref<32x125xi32, #tpu.memory_space<vmem>> -> memref<16x125xi32, #tpu.memory_space<vmem>>
      %dma_wait3A_141 = arith.constant 0 : i32
      %dma_wait3A_142 = tpu.memref_slice %arg3[%add3A_30, %dma_wait3A_141] : memref<5120x125xi32, #tpu.memory_space<hbm>> -> memref<16x125xi32, #tpu.memory_space<hbm>>
      tpu.wait_dma2 semaphore(%run_scoped3A : memref<!tpu.dma_semaphore, #tpu.memory_space<semaphore_mem>>) src(%dma_wait3A_142 : memref<16x125xi32, #tpu.memory_space<hbm>>) dst(%dma_wait3A_140 : memref<16x125xi32, #tpu.memory_space<vmem>>)
      tpu.yield
    }) : () -> ()
    %barrier3A = arith.constant 0 : index
    tpu.barrier barrier_id(%barrier3A)
    %rem3A = arith.constant 0 : i32
    %rem3A_31 = arith.constant 32 : i32
    %rem3A_32 = arith.remsi %rem3A, %rem3A_31 : i32
    %dma_start3A = arith.constant 0 : i32
    %dma_start3A_33 = tpu.memref_slice %arg5[%rem3A_32, %dma_start3A] : memref<32x125xi32, #tpu.memory_space<vmem>> -> memref<1x125xi32, #tpu.memory_space<vmem>>
    %dma_start3A_34 = tpu.memref_squeeze %dma_start3A_33 : memref<1x125xi32, #tpu.memory_space<vmem>> -> memref<125xi32, #tpu.memory_space<vmem>>
    %dma_start3A_35 = arith.constant 0 : i32
    %dma_start3A_36 = arith.constant 0 : i32
    %dma_start3A_37 = tpu.memref_slice %arg2[%dma_start3A_35, %dma_start3A_36] : memref<10000x128xf32, #tpu.memory_space<hbm>> -> memref<10000x128xf32, #tpu.memory_space<hbm>>
    tpu.enqueue_indirect_dma source(%dma_start3A_37 : memref<10000x128xf32, #tpu.memory_space<hbm>>) target(%arg7 : memref<125x128xf32, #tpu.memory_space<vmem>>) offsets(%dma_start3A_34 : memref<125xi32, #tpu.memory_space<vmem>>) semaphore(%arg10 : memref<!tpu.dma_semaphore, #tpu.memory_space<semaphore_mem>>)
    %rem3A_38 = arith.constant 1 : i32
    %rem3A_39 = arith.constant 32 : i32
    %rem3A_40 = arith.remsi %rem3A_38, %rem3A_39 : i32
    %dma_start3A_41 = arith.constant 0 : i32
    %dma_start3A_42 = tpu.memref_slice %arg5[%rem3A_40, %dma_start3A_41] : memref<32x125xi32, #tpu.memory_space<vmem>> -> memref<1x125xi32, #tpu.memory_space<vmem>>
    %dma_start3A_43 = tpu.memref_squeeze %dma_start3A_42 : memref<1x125xi32, #tpu.memory_space<vmem>> -> memref<125xi32, #tpu.memory_space<vmem>>
    %dma_start3A_44 = arith.constant 0 : i32
    %dma_start3A_45 = arith.constant 0 : i32
    %dma_start3A_46 = tpu.memref_slice %arg2[%dma_start3A_44, %dma_start3A_45] : memref<10000x128xf32, #tpu.memory_space<hbm>> -> memref<10000x128xf32, #tpu.memory_space<hbm>>
    tpu.enqueue_indirect_dma source(%dma_start3A_46 : memref<10000x128xf32, #tpu.memory_space<hbm>>) target(%arg8 : memref<125x128xf32, #tpu.memory_space<vmem>>) offsets(%dma_start3A_43 : memref<125xi32, #tpu.memory_space<vmem>>) semaphore(%arg11 : memref<!tpu.dma_semaphore, #tpu.memory_space<semaphore_mem>>)
    %add3A_47 = arith.constant 16 : i32
    %add3A_48 = arith.addi %mul3A_4, %add3A_47 : i32
    "tpu.region"() ({
      %run_scoped3A = tpu.sem_alloc : memref<!tpu.dma_semaphore, #tpu.memory_space<semaphore_mem>>
      %dma_start3A_123 = arith.constant 16 : i32
      %dma_start3A_124 = arith.constant 0 : i32
      %dma_start3A_125 = tpu.memref_slice %arg5[%dma_start3A_123, %dma_start3A_124] : memref<32x125xi32, #tpu.memory_space<vmem>> -> memref<16x125xi32, #tpu.memory_space<vmem>>
      %dma_start3A_126 = arith.constant 0 : i32
      %dma_start3A_127 = tpu.memref_slice %arg3[%add3A_48, %dma_start3A_126] : memref<5120x125xi32, #tpu.memory_space<hbm>> -> memref<16x125xi32, #tpu.memory_space<hbm>>
      %dma_start3A_128 = arith.constant 16 : i32
      %dma_start3A_129 = arith.constant 0 : i32
      %dma_start3A_130 = tpu.memref_slice %arg5[%dma_start3A_128, %dma_start3A_129] : memref<32x125xi32, #tpu.memory_space<vmem>> -> memref<16x125xi32, #tpu.memory_space<vmem>>
      %dma_start3A_131 = arith.constant 0 : i32
      %dma_start3A_132 = tpu.memref_slice %arg3[%add3A_48, %dma_start3A_131] : memref<5120x125xi32, #tpu.memory_space<hbm>> -> memref<16x125xi32, #tpu.memory_space<hbm>>
      tpu.enqueue_dma source(%dma_start3A_132 : memref<16x125xi32, #tpu.memory_space<hbm>>) target(%dma_start3A_130 : memref<16x125xi32, #tpu.memory_space<vmem>>) target_semaphore(%run_scoped3A : memref<!tpu.dma_semaphore, #tpu.memory_space<semaphore_mem>>)
      %dma_wait3A_133 = arith.constant 16 : i32
      %dma_wait3A_134 = arith.constant 0 : i32
      %dma_wait3A_135 = tpu.memref_slice %arg5[%dma_wait3A_133, %dma_wait3A_134] : memref<32x125xi32, #tpu.memory_space<vmem>> -> memref<16x125xi32, #tpu.memory_space<vmem>>
      %dma_wait3A_136 = arith.constant 0 : i32
      %dma_wait3A_137 = tpu.memref_slice %arg3[%add3A_48, %dma_wait3A_136] : memref<5120x125xi32, #tpu.memory_space<hbm>> -> memref<16x125xi32, #tpu.memory_space<hbm>>
      %dma_wait3A_138 = arith.constant 16 : i32
      %dma_wait3A_139 = arith.constant 0 : i32
      %dma_wait3A_140 = tpu.memref_slice %arg5[%dma_wait3A_138, %dma_wait3A_139] : memref<32x125xi32, #tpu.memory_space<vmem>> -> memref<16x125xi32, #tpu.memory_space<vmem>>
      %dma_wait3A_141 = arith.constant 0 : i32
      %dma_wait3A_142 = tpu.memref_slice %arg3[%add3A_48, %dma_wait3A_141] : memref<5120x125xi32, #tpu.memory_space<hbm>> -> memref<16x125xi32, #tpu.memory_space<hbm>>
      tpu.wait_dma2 semaphore(%run_scoped3A : memref<!tpu.dma_semaphore, #tpu.memory_space<semaphore_mem>>) src(%dma_wait3A_142 : memref<16x125xi32, #tpu.memory_space<hbm>>) dst(%dma_wait3A_140 : memref<16x125xi32, #tpu.memory_space<vmem>>)
      tpu.yield
    }) : () -> ()
    %add3A_49 = arith.constant 2560 : i32
    %add3A_50 = arith.addi %add3A_49, %mul3A_4 : i32
    %add3A_51 = arith.constant 16 : i32
    %add3A_52 = arith.addi %add3A_50, %add3A_51 : i32
    "tpu.region"() ({
      %run_scoped3A = tpu.sem_alloc : memref<!tpu.dma_semaphore, #tpu.memory_space<semaphore_mem>>
      %dma_start3A_123 = arith.constant 16 : i32
      %dma_start3A_124 = arith.constant 0 : i32
      %dma_start3A_125 = tpu.memref_slice %arg6[%dma_start3A_123, %dma_start3A_124] : memref<32x125xi32, #tpu.memory_space<vmem>> -> memref<16x125xi32, #tpu.memory_space<vmem>>
      %dma_start3A_126 = arith.constant 0 : i32
      %dma_start3A_127 = tpu.memref_slice %arg3[%add3A_52, %dma_start3A_126] : memref<5120x125xi32, #tpu.memory_space<hbm>> -> memref<16x125xi32, #tpu.memory_space<hbm>>
      %dma_start3A_128 = arith.constant 16 : i32
      %dma_start3A_129 = arith.constant 0 : i32
      %dma_start3A_130 = tpu.memref_slice %arg6[%dma_start3A_128, %dma_start3A_129] : memref<32x125xi32, #tpu.memory_space<vmem>> -> memref<16x125xi32, #tpu.memory_space<vmem>>
      %dma_start3A_131 = arith.constant 0 : i32
      %dma_start3A_132 = tpu.memref_slice %arg3[%add3A_52, %dma_start3A_131] : memref<5120x125xi32, #tpu.memory_space<hbm>> -> memref<16x125xi32, #tpu.memory_space<hbm>>
      tpu.enqueue_dma source(%dma_start3A_132 : memref<16x125xi32, #tpu.memory_space<hbm>>) target(%dma_start3A_130 : memref<16x125xi32, #tpu.memory_space<vmem>>) target_semaphore(%run_scoped3A : memref<!tpu.dma_semaphore, #tpu.memory_space<semaphore_mem>>)
      %dma_wait3A_133 = arith.constant 16 : i32
      %dma_wait3A_134 = arith.constant 0 : i32
      %dma_wait3A_135 = tpu.memref_slice %arg6[%dma_wait3A_133, %dma_wait3A_134] : memref<32x125xi32, #tpu.memory_space<vmem>> -> memref<16x125xi32, #tpu.memory_space<vmem>>
      %dma_wait3A_136 = arith.constant 0 : i32
      %dma_wait3A_137 = tpu.memref_slice %arg3[%add3A_52, %dma_wait3A_136] : memref<5120x125xi32, #tpu.memory_space<hbm>> -> memref<16x125xi32, #tpu.memory_space<hbm>>
      %dma_wait3A_138 = arith.constant 16 : i32
      %dma_wait3A_139 = arith.constant 0 : i32
      %dma_wait3A_140 = tpu.memref_slice %arg6[%dma_wait3A_138, %dma_wait3A_139] : memref<32x125xi32, #tpu.memory_space<vmem>> -> memref<16x125xi32, #tpu.memory_space<vmem>>
      %dma_wait3A_141 = arith.constant 0 : i32
      %dma_wait3A_142 = tpu.memref_slice %arg3[%add3A_52, %dma_wait3A_141] : memref<5120x125xi32, #tpu.memory_space<hbm>> -> memref<16x125xi32, #tpu.memory_space<hbm>>
      tpu.wait_dma2 semaphore(%run_scoped3A : memref<!tpu.dma_semaphore, #tpu.memory_space<semaphore_mem>>) src(%dma_wait3A_142 : memref<16x125xi32, #tpu.memory_space<hbm>>) dst(%dma_wait3A_140 : memref<16x125xi32, #tpu.memory_space<vmem>>)
      tpu.yield
    }) : () -> ()
    %scan3A_53 = arith.constant 0 : i32
    %scan3A_54 = arith.constant 8 : i32
    %scan3A_55 = arith.addi %scan3A_53, %scan3A_54 : i32
    %scan3A_56 = arith.constant 1 : i32
    scf.for %scan3A_123 = %scan3A_53 to %scan3A_55 step %scan3A_56  : i32 {
      %mul3A_124 = arith.constant 2 : i32
      %mul3A_125 = arith.muli %mul3A_124, %scan3A_123 : i32
      %add3A_126 = arith.constant 0 : i32
      %add3A_127 = arith.addi %add3A_126, %mul3A_125 : i32
      %rem3A_128 = arith.constant 32 : i32
      %rem3A_129 = arith.remsi %add3A_127, %rem3A_128 : i32
      %dma_wait3A_130 = arith.constant 0 : i32
      %dma_wait3A_131 = tpu.memref_slice %arg5[%rem3A_129, %dma_wait3A_130] : memref<32x125xi32, #tpu.memory_space<vmem>> -> memref<1x125xi32, #tpu.memory_space<vmem>>
      %dma_wait3A_132 = tpu.memref_squeeze %dma_wait3A_131 : memref<1x125xi32, #tpu.memory_space<vmem>> -> memref<125xi32, #tpu.memory_space<vmem>>
      %dma_wait3A_133 = arith.constant 0 : i32
      %dma_wait3A_134 = arith.constant 0 : i32
      %dma_wait3A_135 = tpu.memref_slice %arg2[%dma_wait3A_133, %dma_wait3A_134] : memref<10000x128xf32, #tpu.memory_space<hbm>> -> memref<10000x128xf32, #tpu.memory_space<hbm>>
      tpu.wait_indirect_dma semaphore(%arg10 : memref<!tpu.dma_semaphore, #tpu.memory_space<semaphore_mem>>) src(%dma_wait3A_135 : memref<10000x128xf32, #tpu.memory_space<hbm>>) dst(%arg7 : memref<125x128xf32, #tpu.memory_space<vmem>>)
      %rem3A_136 = arith.constant 32 : i32
      %rem3A_137 = arith.remsi %add3A_127, %rem3A_136 : i32
      "tpu.region"() ({
        %run_scoped3A = tpu.sem_alloc : memref<!tpu.dma_semaphore, #tpu.memory_space<semaphore_mem>>
        %dma_start3A_170 = arith.constant 0 : i32
        %dma_start3A_171 = tpu.memref_slice %arg6[%rem3A_137, %dma_start3A_170] : memref<32x125xi32, #tpu.memory_space<vmem>> -> memref<1x125xi32, #tpu.memory_space<vmem>>
        %dma_start3A_172 = tpu.memref_squeeze %dma_start3A_171 : memref<1x125xi32, #tpu.memory_space<vmem>> -> memref<125xi32, #tpu.memory_space<vmem>>
        %dma_start3A_173 = arith.constant 0 : i32
        %dma_start3A_174 = arith.constant 0 : i32
        %dma_start3A_175 = tpu.memref_slice %arg9[%dma_start3A_173, %dma_start3A_174] : memref<10240x128xf32, #tpu.memory_space<vmem_shared>> -> memref<10240x128xf32, #tpu.memory_space<vmem_shared>>
        tpu.enqueue_indirect_dma source(%arg7 : memref<125x128xf32, #tpu.memory_space<vmem>>) target(%dma_start3A_175 : memref<10240x128xf32, #tpu.memory_space<vmem_shared>>) offsets(%dma_start3A_172 : memref<125xi32, #tpu.memory_space<vmem>>) semaphore(%run_scoped3A : memref<!tpu.dma_semaphore, #tpu.memory_space<semaphore_mem>>) {add = true}
        %dma_wait3A_176 = arith.constant 0 : i32
        %dma_wait3A_177 = tpu.memref_slice %arg6[%rem3A_137, %dma_wait3A_176] : memref<32x125xi32, #tpu.memory_space<vmem>> -> memref<1x125xi32, #tpu.memory_space<vmem>>
        %dma_wait3A_178 = tpu.memref_squeeze %dma_wait3A_177 : memref<1x125xi32, #tpu.memory_space<vmem>> -> memref<125xi32, #tpu.memory_space<vmem>>
        %dma_wait3A_179 = arith.constant 0 : i32
        %dma_wait3A_180 = arith.constant 0 : i32
        %dma_wait3A_181 = tpu.memref_slice %arg9[%dma_wait3A_179, %dma_wait3A_180] : memref<10240x128xf32, #tpu.memory_space<vmem_shared>> -> memref<10240x128xf32, #tpu.memory_space<vmem_shared>>
        tpu.wait_indirect_dma semaphore(%run_scoped3A : memref<!tpu.dma_semaphore, #tpu.memory_space<semaphore_mem>>) src(%arg7 : memref<125x128xf32, #tpu.memory_space<vmem>>) dst(%dma_wait3A_181 : memref<10240x128xf32, #tpu.memory_space<vmem_shared>>)
        tpu.yield
      }) : () -> ()
      %add3A_138 = arith.constant 2 : i32
      %add3A_139 = arith.addi %add3A_127, %add3A_138 : i32
      %rem3A_140 = arith.constant 32 : i32
      %rem3A_141 = arith.remsi %add3A_139, %rem3A_140 : i32
      %dma_start3A_142 = arith.constant 0 : i32
      %dma_start3A_143 = tpu.memref_slice %arg5[%rem3A_141, %dma_start3A_142] : memref<32x125xi32, #tpu.memory_space<vmem>> -> memref<1x125xi32, #tpu.memory_space<vmem>>
      %dma_start3A_144 = tpu.memref_squeeze %dma_start3A_143 : memref<1x125xi32, #tpu.memory_space<vmem>> -> memref<125xi32, #tpu.memory_space<vmem>>
      %dma_start3A_145 = arith.constant 0 : i32
      %dma_start3A_146 = arith.constant 0 : i32
      %dma_start3A_147 = tpu.memref_slice %arg2[%dma_start3A_145, %dma_start3A_146] : memref<10000x128xf32, #tpu.memory_space<hbm>> -> memref<10000x128xf32, #tpu.memory_space<hbm>>
      tpu.enqueue_indirect_dma source(%dma_start3A_147 : memref<10000x128xf32, #tpu.memory_space<hbm>>) target(%arg7 : memref<125x128xf32, #tpu.memory_space<vmem>>) offsets(%dma_start3A_144 : memref<125xi32, #tpu.memory_space<vmem>>) semaphore(%arg10 : memref<!tpu.dma_semaphore, #tpu.memory_space<semaphore_mem>>)
      %add3A_148 = arith.constant 1 : i32
      %add3A_149 = arith.addi %add3A_127, %add3A_148 : i32
      %rem3A_150 = arith.constant 32 : i32
      %rem3A_151 = arith.remsi %add3A_149, %rem3A_150 : i32
      %dma_wait3A_152 = arith.constant 0 : i32
      %dma_wait3A_153 = tpu.memref_slice %arg5[%rem3A_151, %dma_wait3A_152] : memref<32x125xi32, #tpu.memory_space<vmem>> -> memref<1x125xi32, #tpu.memory_space<vmem>>
      %dma_wait3A_154 = tpu.memref_squeeze %dma_wait3A_153 : memref<1x125xi32, #tpu.memory_space<vmem>> -> memref<125xi32, #tpu.memory_space<vmem>>
      %dma_wait3A_155 = arith.constant 0 : i32
      %dma_wait3A_156 = arith.constant 0 : i32
      %dma_wait3A_157 = tpu.memref_slice %arg2[%dma_wait3A_155, %dma_wait3A_156] : memref<10000x128xf32, #tpu.memory_space<hbm>> -> memref<10000x128xf32, #tpu.memory_space<hbm>>
      tpu.wait_indirect_dma semaphore(%arg11 : memref<!tpu.dma_semaphore, #tpu.memory_space<semaphore_mem>>) src(%dma_wait3A_157 : memref<10000x128xf32, #tpu.memory_space<hbm>>) dst(%arg8 : memref<125x128xf32, #tpu.memory_space<vmem>>)
      %rem3A_158 = arith.constant 32 : i32
      %rem3A_159 = arith.remsi %add3A_149, %rem3A_158 : i32
      "tpu.region"() ({
        %run_scoped3A = tpu.sem_alloc : memref<!tpu.dma_semaphore, #tpu.memory_space<semaphore_mem>>
        %dma_start3A_170 = arith.constant 0 : i32
        %dma_start3A_171 = tpu.memref_slice %arg6[%rem3A_159, %dma_start3A_170] : memref<32x125xi32, #tpu.memory_space<vmem>> -> memref<1x125xi32, #tpu.memory_space<vmem>>
        %dma_start3A_172 = tpu.memref_squeeze %dma_start3A_171 : memref<1x125xi32, #tpu.memory_space<vmem>> -> memref<125xi32, #tpu.memory_space<vmem>>
        %dma_start3A_173 = arith.constant 0 : i32
        %dma_start3A_174 = arith.constant 0 : i32
        %dma_start3A_175 = tpu.memref_slice %arg9[%dma_start3A_173, %dma_start3A_174] : memref<10240x128xf32, #tpu.memory_space<vmem_shared>> -> memref<10240x128xf32, #tpu.memory_space<vmem_shared>>
        tpu.enqueue_indirect_dma source(%arg8 : memref<125x128xf32, #tpu.memory_space<vmem>>) target(%dma_start3A_175 : memref<10240x128xf32, #tpu.memory_space<vmem_shared>>) offsets(%dma_start3A_172 : memref<125xi32, #tpu.memory_space<vmem>>) semaphore(%run_scoped3A : memref<!tpu.dma_semaphore, #tpu.memory_space<semaphore_mem>>) {add = true}
        %dma_wait3A_176 = arith.constant 0 : i32
        %dma_wait3A_177 = tpu.memref_slice %arg6[%rem3A_159, %dma_wait3A_176] : memref<32x125xi32, #tpu.memory_space<vmem>> -> memref<1x125xi32, #tpu.memory_space<vmem>>
        %dma_wait3A_178 = tpu.memref_squeeze %dma_wait3A_177 : memref<1x125xi32, #tpu.memory_space<vmem>> -> memref<125xi32, #tpu.memory_space<vmem>>
        %dma_wait3A_179 = arith.constant 0 : i32
        %dma_wait3A_180 = arith.constant 0 : i32
        %dma_wait3A_181 = tpu.memref_slice %arg9[%dma_wait3A_179, %dma_wait3A_180] : memref<10240x128xf32, #tpu.memory_space<vmem_shared>> -> memref<10240x128xf32, #tpu.memory_space<vmem_shared>>
        tpu.wait_indirect_dma semaphore(%run_scoped3A : memref<!tpu.dma_semaphore, #tpu.memory_space<semaphore_mem>>) src(%arg8 : memref<125x128xf32, #tpu.memory_space<vmem>>) dst(%dma_wait3A_181 : memref<10240x128xf32, #tpu.memory_space<vmem_shared>>)
        tpu.yield
      }) : () -> ()
      %add3A_160 = arith.constant 3 : i32
      %add3A_161 = arith.addi %add3A_127, %add3A_160 : i32
      %rem3A_162 = arith.constant 32 : i32
      %rem3A_163 = arith.remsi %add3A_161, %rem3A_162 : i32
      %dma_start3A_164 = arith.constant 0 : i32
      %dma_start3A_165 = tpu.memref_slice %arg5[%rem3A_163, %dma_start3A_164] : memref<32x125xi32, #tpu.memory_space<vmem>> -> memref<1x125xi32, #tpu.memory_space<vmem>>
      %dma_start3A_166 = tpu.memref_squeeze %dma_start3A_165 : memref<1x125xi32, #tpu.memory_space<vmem>> -> memref<125xi32, #tpu.memory_space<vmem>>
      %dma_start3A_167 = arith.constant 0 : i32
      %dma_start3A_168 = arith.constant 0 : i32
      %dma_start3A_169 = tpu.memref_slice %arg2[%dma_start3A_167, %dma_start3A_168] : memref<10000x128xf32, #tpu.memory_space<hbm>> -> memref<10000x128xf32, #tpu.memory_space<hbm>>
      tpu.enqueue_indirect_dma source(%dma_start3A_169 : memref<10000x128xf32, #tpu.memory_space<hbm>>) target(%arg8 : memref<125x128xf32, #tpu.memory_space<vmem>>) offsets(%dma_start3A_166 : memref<125xi32, #tpu.memory_space<vmem>>) semaphore(%arg11 : memref<!tpu.dma_semaphore, #tpu.memory_space<semaphore_mem>>)
    }
    %scan3A_57 = arith.constant 8 : i32
    %add3A_58 = arith.constant 32 : i32
    %add3A_59 = arith.addi %mul3A_4, %add3A_58 : i32
    "tpu.region"() ({
      %run_scoped3A = tpu.sem_alloc : memref<!tpu.dma_semaphore, #tpu.memory_space<semaphore_mem>>
      %dma_start3A_123 = arith.constant 0 : i32
      %dma_start3A_124 = arith.constant 0 : i32
      %dma_start3A_125 = tpu.memref_slice %arg5[%dma_start3A_123, %dma_start3A_124] : memref<32x125xi32, #tpu.memory_space<vmem>> -> memref<16x125xi32, #tpu.memory_space<vmem>>
      %dma_start3A_126 = arith.constant 0 : i32
      %dma_start3A_127 = tpu.memref_slice %arg3[%add3A_59, %dma_start3A_126] : memref<5120x125xi32, #tpu.memory_space<hbm>> -> memref<16x125xi32, #tpu.memory_space<hbm>>
      %dma_start3A_128 = arith.constant 0 : i32
      %dma_start3A_129 = arith.constant 0 : i32
      %dma_start3A_130 = tpu.memref_slice %arg5[%dma_start3A_128, %dma_start3A_129] : memref<32x125xi32, #tpu.memory_space<vmem>> -> memref<16x125xi32, #tpu.memory_space<vmem>>
      %dma_start3A_131 = arith.constant 0 : i32
      %dma_start3A_132 = tpu.memref_slice %arg3[%add3A_59, %dma_start3A_131] : memref<5120x125xi32, #tpu.memory_space<hbm>> -> memref<16x125xi32, #tpu.memory_space<hbm>>
      tpu.enqueue_dma source(%dma_start3A_132 : memref<16x125xi32, #tpu.memory_space<hbm>>) target(%dma_start3A_130 : memref<16x125xi32, #tpu.memory_space<vmem>>) target_semaphore(%run_scoped3A : memref<!tpu.dma_semaphore, #tpu.memory_space<semaphore_mem>>)
      %dma_wait3A_133 = arith.constant 0 : i32
      %dma_wait3A_134 = arith.constant 0 : i32
      %dma_wait3A_135 = tpu.memref_slice %arg5[%dma_wait3A_133, %dma_wait3A_134] : memref<32x125xi32, #tpu.memory_space<vmem>> -> memref<16x125xi32, #tpu.memory_space<vmem>>
      %dma_wait3A_136 = arith.constant 0 : i32
      %dma_wait3A_137 = tpu.memref_slice %arg3[%add3A_59, %dma_wait3A_136] : memref<5120x125xi32, #tpu.memory_space<hbm>> -> memref<16x125xi32, #tpu.memory_space<hbm>>
      %dma_wait3A_138 = arith.constant 0 : i32
      %dma_wait3A_139 = arith.constant 0 : i32
      %dma_wait3A_140 = tpu.memref_slice %arg5[%dma_wait3A_138, %dma_wait3A_139] : memref<32x125xi32, #tpu.memory_space<vmem>> -> memref<16x125xi32, #tpu.memory_space<vmem>>
      %dma_wait3A_141 = arith.constant 0 : i32
      %dma_wait3A_142 = tpu.memref_slice %arg3[%add3A_59, %dma_wait3A_141] : memref<5120x125xi32, #tpu.memory_space<hbm>> -> memref<16x125xi32, #tpu.memory_space<hbm>>
      tpu.wait_dma2 semaphore(%run_scoped3A : memref<!tpu.dma_semaphore, #tpu.memory_space<semaphore_mem>>) src(%dma_wait3A_142 : memref<16x125xi32, #tpu.memory_space<hbm>>) dst(%dma_wait3A_140 : memref<16x125xi32, #tpu.memory_space<vmem>>)
      tpu.yield
    }) : () -> ()
    %add3A_60 = arith.constant 2560 : i32
    %add3A_61 = arith.addi %add3A_60, %mul3A_4 : i32
    %add3A_62 = arith.constant 32 : i32
    %add3A_63 = arith.addi %add3A_61, %add3A_62 : i32
    "tpu.region"() ({
      %run_scoped3A = tpu.sem_alloc : memref<!tpu.dma_semaphore, #tpu.memory_space<semaphore_mem>>
      %dma_start3A_123 = arith.constant 0 : i32
      %dma_start3A_124 = arith.constant 0 : i32
      %dma_start3A_125 = tpu.memref_slice %arg6[%dma_start3A_123, %dma_start3A_124] : memref<32x125xi32, #tpu.memory_space<vmem>> -> memref<16x125xi32, #tpu.memory_space<vmem>>
      %dma_start3A_126 = arith.constant 0 : i32
      %dma_start3A_127 = tpu.memref_slice %arg3[%add3A_63, %dma_start3A_126] : memref<5120x125xi32, #tpu.memory_space<hbm>> -> memref<16x125xi32, #tpu.memory_space<hbm>>
      %dma_start3A_128 = arith.constant 0 : i32
      %dma_start3A_129 = arith.constant 0 : i32
      %dma_start3A_130 = tpu.memref_slice %arg6[%dma_start3A_128, %dma_start3A_129] : memref<32x125xi32, #tpu.memory_space<vmem>> -> memref<16x125xi32, #tpu.memory_space<vmem>>
      %dma_start3A_131 = arith.constant 0 : i32
      %dma_start3A_132 = tpu.memref_slice %arg3[%add3A_63, %dma_start3A_131] : memref<5120x125xi32, #tpu.memory_space<hbm>> -> memref<16x125xi32, #tpu.memory_space<hbm>>
      tpu.enqueue_dma source(%dma_start3A_132 : memref<16x125xi32, #tpu.memory_space<hbm>>) target(%dma_start3A_130 : memref<16x125xi32, #tpu.memory_space<vmem>>) target_semaphore(%run_scoped3A : memref<!tpu.dma_semaphore, #tpu.memory_space<semaphore_mem>>)
      %dma_wait3A_133 = arith.constant 0 : i32
      %dma_wait3A_134 = arith.constant 0 : i32
      %dma_wait3A_135 = tpu.memref_slice %arg6[%dma_wait3A_133, %dma_wait3A_134] : memref<32x125xi32, #tpu.memory_space<vmem>> -> memref<16x125xi32, #tpu.memory_space<vmem>>
      %dma_wait3A_136 = arith.constant 0 : i32
      %dma_wait3A_137 = tpu.memref_slice %arg3[%add3A_63, %dma_wait3A_136] : memref<5120x125xi32, #tpu.memory_space<hbm>> -> memref<16x125xi32, #tpu.memory_space<hbm>>
      %dma_wait3A_138 = arith.constant 0 : i32
      %dma_wait3A_139 = arith.constant 0 : i32
      %dma_wait3A_140 = tpu.memref_slice %arg6[%dma_wait3A_138, %dma_wait3A_139] : memref<32x125xi32, #tpu.memory_space<vmem>> -> memref<16x125xi32, #tpu.memory_space<vmem>>
      %dma_wait3A_141 = arith.constant 0 : i32
      %dma_wait3A_142 = tpu.memref_slice %arg3[%add3A_63, %dma_wait3A_141] : memref<5120x125xi32, #tpu.memory_space<hbm>> -> memref<16x125xi32, #tpu.memory_space<hbm>>
      tpu.wait_dma2 semaphore(%run_scoped3A : memref<!tpu.dma_semaphore, #tpu.memory_space<semaphore_mem>>) src(%dma_wait3A_142 : memref<16x125xi32, #tpu.memory_space<hbm>>) dst(%dma_wait3A_140 : memref<16x125xi32, #tpu.memory_space<vmem>>)
      tpu.yield
    }) : () -> ()
    %scan3A_64 = arith.constant 0 : i32
    %scan3A_65 = arith.constant 8 : i32
    %scan3A_66 = arith.addi %scan3A_64, %scan3A_65 : i32
    %scan3A_67 = arith.constant 1 : i32
    scf.for %scan3A_123 = %scan3A_64 to %scan3A_66 step %scan3A_67  : i32 {
      %mul3A_124 = arith.constant 2 : i32
      %mul3A_125 = arith.muli %mul3A_124, %scan3A_123 : i32
      %add3A_126 = arith.constant 16 : i32
      %add3A_127 = arith.addi %add3A_126, %mul3A_125 : i32
      %rem3A_128 = arith.constant 32 : i32
      %rem3A_129 = arith.remsi %add3A_127, %rem3A_128 : i32
      %dma_wait3A_130 = arith.constant 0 : i32
      %dma_wait3A_131 = tpu.memref_slice %arg5[%rem3A_129, %dma_wait3A_130] : memref<32x125xi32, #tpu.memory_space<vmem>> -> memref<1x125xi32, #tpu.memory_space<vmem>>
      %dma_wait3A_132 = tpu.memref_squeeze %dma_wait3A_131 : memref<1x125xi32, #tpu.memory_space<vmem>> -> memref<125xi32, #tpu.memory_space<vmem>>
      %dma_wait3A_133 = arith.constant 0 : i32
      %dma_wait3A_134 = arith.constant 0 : i32
      %dma_wait3A_135 = tpu.memref_slice %arg2[%dma_wait3A_133, %dma_wait3A_134] : memref<10000x128xf32, #tpu.memory_space<hbm>> -> memref<10000x128xf32, #tpu.memory_space<hbm>>
      tpu.wait_indirect_dma semaphore(%arg10 : memref<!tpu.dma_semaphore, #tpu.memory_space<semaphore_mem>>) src(%dma_wait3A_135 : memref<10000x128xf32, #tpu.memory_space<hbm>>) dst(%arg7 : memref<125x128xf32, #tpu.memory_space<vmem>>)
      %rem3A_136 = arith.constant 32 : i32
      %rem3A_137 = arith.remsi %add3A_127, %rem3A_136 : i32
      "tpu.region"() ({
        %run_scoped3A = tpu.sem_alloc : memref<!tpu.dma_semaphore, #tpu.memory_space<semaphore_mem>>
        %dma_start3A_170 = arith.constant 0 : i32
        %dma_start3A_171 = tpu.memref_slice %arg6[%rem3A_137, %dma_start3A_170] : memref<32x125xi32, #tpu.memory_space<vmem>> -> memref<1x125xi32, #tpu.memory_space<vmem>>
        %dma_start3A_172 = tpu.memref_squeeze %dma_start3A_171 : memref<1x125xi32, #tpu.memory_space<vmem>> -> memref<125xi32, #tpu.memory_space<vmem>>
        %dma_start3A_173 = arith.constant 0 : i32
        %dma_start3A_174 = arith.constant 0 : i32
        %dma_start3A_175 = tpu.memref_slice %arg9[%dma_start3A_173, %dma_start3A_174] : memref<10240x128xf32, #tpu.memory_space<vmem_shared>> -> memref<10240x128xf32, #tpu.memory_space<vmem_shared>>
        tpu.enqueue_indirect_dma source(%arg7 : memref<125x128xf32, #tpu.memory_space<vmem>>) target(%dma_start3A_175 : memref<10240x128xf32, #tpu.memory_space<vmem_shared>>) offsets(%dma_start3A_172 : memref<125xi32, #tpu.memory_space<vmem>>) semaphore(%run_scoped3A : memref<!tpu.dma_semaphore, #tpu.memory_space<semaphore_mem>>) {add = true}
        %dma_wait3A_176 = arith.constant 0 : i32
        %dma_wait3A_177 = tpu.memref_slice %arg6[%rem3A_137, %dma_wait3A_176] : memref<32x125xi32, #tpu.memory_space<vmem>> -> memref<1x125xi32, #tpu.memory_space<vmem>>
        %dma_wait3A_178 = tpu.memref_squeeze %dma_wait3A_177 : memref<1x125xi32, #tpu.memory_space<vmem>> -> memref<125xi32, #tpu.memory_space<vmem>>
        %dma_wait3A_179 = arith.constant 0 : i32
        %dma_wait3A_180 = arith.constant 0 : i32
        %dma_wait3A_181 = tpu.memref_slice %arg9[%dma_wait3A_179, %dma_wait3A_180] : memref<10240x128xf32, #tpu.memory_space<vmem_shared>> -> memref<10240x128xf32, #tpu.memory_space<vmem_shared>>
        tpu.wait_indirect_dma semaphore(%run_scoped3A : memref<!tpu.dma_semaphore, #tpu.memory_space<semaphore_mem>>) src(%arg7 : memref<125x128xf32, #tpu.memory_space<vmem>>) dst(%dma_wait3A_181 : memref<10240x128xf32, #tpu.memory_space<vmem_shared>>)
        tpu.yield
      }) : () -> ()
      %add3A_138 = arith.constant 2 : i32
      %add3A_139 = arith.addi %add3A_127, %add3A_138 : i32
      %rem3A_140 = arith.constant 32 : i32
      %rem3A_141 = arith.remsi %add3A_139, %rem3A_140 : i32
      %dma_start3A_142 = arith.constant 0 : i32
      %dma_start3A_143 = tpu.memref_slice %arg5[%rem3A_141, %dma_start3A_142] : memref<32x125xi32, #tpu.memory_space<vmem>> -> memref<1x125xi32, #tpu.memory_space<vmem>>
      %dma_start3A_144 = tpu.memref_squeeze %dma_start3A_143 : memref<1x125xi32, #tpu.memory_space<vmem>> -> memref<125xi32, #tpu.memory_space<vmem>>
      %dma_start3A_145 = arith.constant 0 : i32
      %dma_start3A_146 = arith.constant 0 : i32
      %dma_start3A_147 = tpu.memref_slice %arg2[%dma_start3A_145, %dma_start3A_146] : memref<10000x128xf32, #tpu.memory_space<hbm>> -> memref<10000x128xf32, #tpu.memory_space<hbm>>
      tpu.enqueue_indirect_dma source(%dma_start3A_147 : memref<10000x128xf32, #tpu.memory_space<hbm>>) target(%arg7 : memref<125x128xf32, #tpu.memory_space<vmem>>) offsets(%dma_start3A_144 : memref<125xi32, #tpu.memory_space<vmem>>) semaphore(%arg10 : memref<!tpu.dma_semaphore, #tpu.memory_space<semaphore_mem>>)
      %add3A_148 = arith.constant 1 : i32
      %add3A_149 = arith.addi %add3A_127, %add3A_148 : i32
      %rem3A_150 = arith.constant 32 : i32
      %rem3A_151 = arith.remsi %add3A_149, %rem3A_150 : i32
      %dma_wait3A_152 = arith.constant 0 : i32
      %dma_wait3A_153 = tpu.memref_slice %arg5[%rem3A_151, %dma_wait3A_152] : memref<32x125xi32, #tpu.memory_space<vmem>> -> memref<1x125xi32, #tpu.memory_space<vmem>>
      %dma_wait3A_154 = tpu.memref_squeeze %dma_wait3A_153 : memref<1x125xi32, #tpu.memory_space<vmem>> -> memref<125xi32, #tpu.memory_space<vmem>>
      %dma_wait3A_155 = arith.constant 0 : i32
      %dma_wait3A_156 = arith.constant 0 : i32
      %dma_wait3A_157 = tpu.memref_slice %arg2[%dma_wait3A_155, %dma_wait3A_156] : memref<10000x128xf32, #tpu.memory_space<hbm>> -> memref<10000x128xf32, #tpu.memory_space<hbm>>
      tpu.wait_indirect_dma semaphore(%arg11 : memref<!tpu.dma_semaphore, #tpu.memory_space<semaphore_mem>>) src(%dma_wait3A_157 : memref<10000x128xf32, #tpu.memory_space<hbm>>) dst(%arg8 : memref<125x128xf32, #tpu.memory_space<vmem>>)
      %rem3A_158 = arith.constant 32 : i32
      %rem3A_159 = arith.remsi %add3A_149, %rem3A_158 : i32
      "tpu.region"() ({
        %run_scoped3A = tpu.sem_alloc : memref<!tpu.dma_semaphore, #tpu.memory_space<semaphore_mem>>
        %dma_start3A_170 = arith.constant 0 : i32
        %dma_start3A_171 = tpu.memref_slice %arg6[%rem3A_159, %dma_start3A_170] : memref<32x125xi32, #tpu.memory_space<vmem>> -> memref<1x125xi32, #tpu.memory_space<vmem>>
        %dma_start3A_172 = tpu.memref_squeeze %dma_start3A_171 : memref<1x125xi32, #tpu.memory_space<vmem>> -> memref<125xi32, #tpu.memory_space<vmem>>
        %dma_start3A_173 = arith.constant 0 : i32
        %dma_start3A_174 = arith.constant 0 : i32
        %dma_start3A_175 = tpu.memref_slice %arg9[%dma_start3A_173, %dma_start3A_174] : memref<10240x128xf32, #tpu.memory_space<vmem_shared>> -> memref<10240x128xf32, #tpu.memory_space<vmem_shared>>
        tpu.enqueue_indirect_dma source(%arg8 : memref<125x128xf32, #tpu.memory_space<vmem>>) target(%dma_start3A_175 : memref<10240x128xf32, #tpu.memory_space<vmem_shared>>) offsets(%dma_start3A_172 : memref<125xi32, #tpu.memory_space<vmem>>) semaphore(%run_scoped3A : memref<!tpu.dma_semaphore, #tpu.memory_space<semaphore_mem>>) {add = true}
        %dma_wait3A_176 = arith.constant 0 : i32
        %dma_wait3A_177 = tpu.memref_slice %arg6[%rem3A_159, %dma_wait3A_176] : memref<32x125xi32, #tpu.memory_space<vmem>> -> memref<1x125xi32, #tpu.memory_space<vmem>>
        %dma_wait3A_178 = tpu.memref_squeeze %dma_wait3A_177 : memref<1x125xi32, #tpu.memory_space<vmem>> -> memref<125xi32, #tpu.memory_space<vmem>>
        %dma_wait3A_179 = arith.constant 0 : i32
        %dma_wait3A_180 = arith.constant 0 : i32
        %dma_wait3A_181 = tpu.memref_slice %arg9[%dma_wait3A_179, %dma_wait3A_180] : memref<10240x128xf32, #tpu.memory_space<vmem_shared>> -> memref<10240x128xf32, #tpu.memory_space<vmem_shared>>
        tpu.wait_indirect_dma semaphore(%run_scoped3A : memref<!tpu.dma_semaphore, #tpu.memory_space<semaphore_mem>>) src(%arg8 : memref<125x128xf32, #tpu.memory_space<vmem>>) dst(%dma_wait3A_181 : memref<10240x128xf32, #tpu.memory_space<vmem_shared>>)
        tpu.yield
      }) : () -> ()
      %add3A_160 = arith.constant 3 : i32
      %add3A_161 = arith.addi %add3A_127, %add3A_160 : i32
      %rem3A_162 = arith.constant 32 : i32
      %rem3A_163 = arith.remsi %add3A_161, %rem3A_162 : i32
      %dma_start3A_164 = arith.constant 0 : i32
      %dma_start3A_165 = tpu.memref_slice %arg5[%rem3A_163, %dma_start3A_164] : memref<32x125xi32, #tpu.memory_space<vmem>> -> memref<1x125xi32, #tpu.memory_space<vmem>>
      %dma_start3A_166 = tpu.memref_squeeze %dma_start3A_165 : memref<1x125xi32, #tpu.memory_space<vmem>> -> memref<125xi32, #tpu.memory_space<vmem>>
      %dma_start3A_167 = arith.constant 0 : i32
      %dma_start3A_168 = arith.constant 0 : i32
      %dma_start3A_169 = tpu.memref_slice %arg2[%dma_start3A_167, %dma_start3A_168] : memref<10000x128xf32, #tpu.memory_space<hbm>> -> memref<10000x128xf32, #tpu.memory_space<hbm>>
      tpu.enqueue_indirect_dma source(%dma_start3A_169 : memref<10000x128xf32, #tpu.memory_space<hbm>>) target(%arg8 : memref<125x128xf32, #tpu.memory_space<vmem>>) offsets(%dma_start3A_166 : memref<125xi32, #tpu.memory_space<vmem>>) semaphore(%arg11 : memref<!tpu.dma_semaphore, #tpu.memory_space<semaphore_mem>>)
    }
    %scan3A_68 = arith.constant 8 : i32
    %add3A_69 = arith.constant 48 : i32
    %add3A_70 = arith.addi %mul3A_4, %add3A_69 : i32
    "tpu.region"() ({
      %run_scoped3A = tpu.sem_alloc : memref<!tpu.dma_semaphore, #tpu.memory_space<semaphore_mem>>
      %dma_start3A_123 = arith.constant 16 : i32
      %dma_start3A_124 = arith.constant 0 : i32
      %dma_start3A_125 = tpu.memref_slice %arg5[%dma_start3A_123, %dma_start3A_124] : memref<32x125xi32, #tpu.memory_space<vmem>> -> memref<16x125xi32, #tpu.memory_space<vmem>>
      %dma_start3A_126 = arith.constant 0 : i32
      %dma_start3A_127 = tpu.memref_slice %arg3[%add3A_70, %dma_start3A_126] : memref<5120x125xi32, #tpu.memory_space<hbm>> -> memref<16x125xi32, #tpu.memory_space<hbm>>
      %dma_start3A_128 = arith.constant 16 : i32
      %dma_start3A_129 = arith.constant 0 : i32
      %dma_start3A_130 = tpu.memref_slice %arg5[%dma_start3A_128, %dma_start3A_129] : memref<32x125xi32, #tpu.memory_space<vmem>> -> memref<16x125xi32, #tpu.memory_space<vmem>>
      %dma_start3A_131 = arith.constant 0 : i32
      %dma_start3A_132 = tpu.memref_slice %arg3[%add3A_70, %dma_start3A_131] : memref<5120x125xi32, #tpu.memory_space<hbm>> -> memref<16x125xi32, #tpu.memory_space<hbm>>
      tpu.enqueue_dma source(%dma_start3A_132 : memref<16x125xi32, #tpu.memory_space<hbm>>) target(%dma_start3A_130 : memref<16x125xi32, #tpu.memory_space<vmem>>) target_semaphore(%run_scoped3A : memref<!tpu.dma_semaphore, #tpu.memory_space<semaphore_mem>>)
      %dma_wait3A_133 = arith.constant 16 : i32
      %dma_wait3A_134 = arith.constant 0 : i32
      %dma_wait3A_135 = tpu.memref_slice %arg5[%dma_wait3A_133, %dma_wait3A_134] : memref<32x125xi32, #tpu.memory_space<vmem>> -> memref<16x125xi32, #tpu.memory_space<vmem>>
      %dma_wait3A_136 = arith.constant 0 : i32
      %dma_wait3A_137 = tpu.memref_slice %arg3[%add3A_70, %dma_wait3A_136] : memref<5120x125xi32, #tpu.memory_space<hbm>> -> memref<16x125xi32, #tpu.memory_space<hbm>>
      %dma_wait3A_138 = arith.constant 16 : i32
      %dma_wait3A_139 = arith.constant 0 : i32
      %dma_wait3A_140 = tpu.memref_slice %arg5[%dma_wait3A_138, %dma_wait3A_139] : memref<32x125xi32, #tpu.memory_space<vmem>> -> memref<16x125xi32, #tpu.memory_space<vmem>>
      %dma_wait3A_141 = arith.constant 0 : i32
      %dma_wait3A_142 = tpu.memref_slice %arg3[%add3A_70, %dma_wait3A_141] : memref<5120x125xi32, #tpu.memory_space<hbm>> -> memref<16x125xi32, #tpu.memory_space<hbm>>
      tpu.wait_dma2 semaphore(%run_scoped3A : memref<!tpu.dma_semaphore, #tpu.memory_space<semaphore_mem>>) src(%dma_wait3A_142 : memref<16x125xi32, #tpu.memory_space<hbm>>) dst(%dma_wait3A_140 : memref<16x125xi32, #tpu.memory_space<vmem>>)
      tpu.yield
    }) : () -> ()
    %add3A_71 = arith.constant 2560 : i32
    %add3A_72 = arith.addi %add3A_71, %mul3A_4 : i32
    %add3A_73 = arith.constant 48 : i32
    %add3A_74 = arith.addi %add3A_72, %add3A_73 : i32
    "tpu.region"() ({
      %run_scoped3A = tpu.sem_alloc : memref<!tpu.dma_semaphore, #tpu.memory_space<semaphore_mem>>
      %dma_start3A_123 = arith.constant 16 : i32
      %dma_start3A_124 = arith.constant 0 : i32
      %dma_start3A_125 = tpu.memref_slice %arg6[%dma_start3A_123, %dma_start3A_124] : memref<32x125xi32, #tpu.memory_space<vmem>> -> memref<16x125xi32, #tpu.memory_space<vmem>>
      %dma_start3A_126 = arith.constant 0 : i32
      %dma_start3A_127 = tpu.memref_slice %arg3[%add3A_74, %dma_start3A_126] : memref<5120x125xi32, #tpu.memory_space<hbm>> -> memref<16x125xi32, #tpu.memory_space<hbm>>
      %dma_start3A_128 = arith.constant 16 : i32
      %dma_start3A_129 = arith.constant 0 : i32
      %dma_start3A_130 = tpu.memref_slice %arg6[%dma_start3A_128, %dma_start3A_129] : memref<32x125xi32, #tpu.memory_space<vmem>> -> memref<16x125xi32, #tpu.memory_space<vmem>>
      %dma_start3A_131 = arith.constant 0 : i32
      %dma_start3A_132 = tpu.memref_slice %arg3[%add3A_74, %dma_start3A_131] : memref<5120x125xi32, #tpu.memory_space<hbm>> -> memref<16x125xi32, #tpu.memory_space<hbm>>
      tpu.enqueue_dma source(%dma_start3A_132 : memref<16x125xi32, #tpu.memory_space<hbm>>) target(%dma_start3A_130 : memref<16x125xi32, #tpu.memory_space<vmem>>) target_semaphore(%run_scoped3A : memref<!tpu.dma_semaphore, #tpu.memory_space<semaphore_mem>>)
      %dma_wait3A_133 = arith.constant 16 : i32
      %dma_wait3A_134 = arith.constant 0 : i32
      %dma_wait3A_135 = tpu.memref_slice %arg6[%dma_wait3A_133, %dma_wait3A_134] : memref<32x125xi32, #tpu.memory_space<vmem>> -> memref<16x125xi32, #tpu.memory_space<vmem>>
      %dma_wait3A_136 = arith.constant 0 : i32
      %dma_wait3A_137 = tpu.memref_slice %arg3[%add3A_74, %dma_wait3A_136] : memref<5120x125xi32, #tpu.memory_space<hbm>> -> memref<16x125xi32, #tpu.memory_space<hbm>>
      %dma_wait3A_138 = arith.constant 16 : i32
      %dma_wait3A_139 = arith.constant 0 : i32
      %dma_wait3A_140 = tpu.memref_slice %arg6[%dma_wait3A_138, %dma_wait3A_139] : memref<32x125xi32, #tpu.memory_space<vmem>> -> memref<16x125xi32, #tpu.memory_space<vmem>>
      %dma_wait3A_141 = arith.constant 0 : i32
      %dma_wait3A_142 = tpu.memref_slice %arg3[%add3A_74, %dma_wait3A_141] : memref<5120x125xi32, #tpu.memory_space<hbm>> -> memref<16x125xi32, #tpu.memory_space<hbm>>
      tpu.wait_dma2 semaphore(%run_scoped3A : memref<!tpu.dma_semaphore, #tpu.memory_space<semaphore_mem>>) src(%dma_wait3A_142 : memref<16x125xi32, #tpu.memory_space<hbm>>) dst(%dma_wait3A_140 : memref<16x125xi32, #tpu.memory_space<vmem>>)
      tpu.yield
    }) : () -> ()
    %scan3A_75 = arith.constant 0 : i32
    %scan3A_76 = arith.constant 8 : i32
    %scan3A_77 = arith.addi %scan3A_75, %scan3A_76 : i32
    %scan3A_78 = arith.constant 1 : i32
    scf.for %scan3A_123 = %scan3A_75 to %scan3A_77 step %scan3A_78  : i32 {
      %mul3A_124 = arith.constant 2 : i32
      %mul3A_125 = arith.muli %mul3A_124, %scan3A_123 : i32
      %add3A_126 = arith.constant 32 : i32
      %add3A_127 = arith.addi %add3A_126, %mul3A_125 : i32
      %rem3A_128 = arith.constant 32 : i32
      %rem3A_129 = arith.remsi %add3A_127, %rem3A_128 : i32
      %dma_wait3A_130 = arith.constant 0 : i32
      %dma_wait3A_131 = tpu.memref_slice %arg5[%rem3A_129, %dma_wait3A_130] : memref<32x125xi32, #tpu.memory_space<vmem>> -> memref<1x125xi32, #tpu.memory_space<vmem>>
      %dma_wait3A_132 = tpu.memref_squeeze %dma_wait3A_131 : memref<1x125xi32, #tpu.memory_space<vmem>> -> memref<125xi32, #tpu.memory_space<vmem>>
      %dma_wait3A_133 = arith.constant 0 : i32
      %dma_wait3A_134 = arith.constant 0 : i32
      %dma_wait3A_135 = tpu.memref_slice %arg2[%dma_wait3A_133, %dma_wait3A_134] : memref<10000x128xf32, #tpu.memory_space<hbm>> -> memref<10000x128xf32, #tpu.memory_space<hbm>>
      tpu.wait_indirect_dma semaphore(%arg10 : memref<!tpu.dma_semaphore, #tpu.memory_space<semaphore_mem>>) src(%dma_wait3A_135 : memref<10000x128xf32, #tpu.memory_space<hbm>>) dst(%arg7 : memref<125x128xf32, #tpu.memory_space<vmem>>)
      %rem3A_136 = arith.constant 32 : i32
      %rem3A_137 = arith.remsi %add3A_127, %rem3A_136 : i32
      "tpu.region"() ({
        %run_scoped3A = tpu.sem_alloc : memref<!tpu.dma_semaphore, #tpu.memory_space<semaphore_mem>>
        %dma_start3A_170 = arith.constant 0 : i32
        %dma_start3A_171 = tpu.memref_slice %arg6[%rem3A_137, %dma_start3A_170] : memref<32x125xi32, #tpu.memory_space<vmem>> -> memref<1x125xi32, #tpu.memory_space<vmem>>
        %dma_start3A_172 = tpu.memref_squeeze %dma_start3A_171 : memref<1x125xi32, #tpu.memory_space<vmem>> -> memref<125xi32, #tpu.memory_space<vmem>>
        %dma_start3A_173 = arith.constant 0 : i32
        %dma_start3A_174 = arith.constant 0 : i32
        %dma_start3A_175 = tpu.memref_slice %arg9[%dma_start3A_173, %dma_start3A_174] : memref<10240x128xf32, #tpu.memory_space<vmem_shared>> -> memref<10240x128xf32, #tpu.memory_space<vmem_shared>>
        tpu.enqueue_indirect_dma source(%arg7 : memref<125x128xf32, #tpu.memory_space<vmem>>) target(%dma_start3A_175 : memref<10240x128xf32, #tpu.memory_space<vmem_shared>>) offsets(%dma_start3A_172 : memref<125xi32, #tpu.memory_space<vmem>>) semaphore(%run_scoped3A : memref<!tpu.dma_semaphore, #tpu.memory_space<semaphore_mem>>) {add = true}
        %dma_wait3A_176 = arith.constant 0 : i32
        %dma_wait3A_177 = tpu.memref_slice %arg6[%rem3A_137, %dma_wait3A_176] : memref<32x125xi32, #tpu.memory_space<vmem>> -> memref<1x125xi32, #tpu.memory_space<vmem>>
        %dma_wait3A_178 = tpu.memref_squeeze %dma_wait3A_177 : memref<1x125xi32, #tpu.memory_space<vmem>> -> memref<125xi32, #tpu.memory_space<vmem>>
        %dma_wait3A_179 = arith.constant 0 : i32
        %dma_wait3A_180 = arith.constant 0 : i32
        %dma_wait3A_181 = tpu.memref_slice %arg9[%dma_wait3A_179, %dma_wait3A_180] : memref<10240x128xf32, #tpu.memory_space<vmem_shared>> -> memref<10240x128xf32, #tpu.memory_space<vmem_shared>>
        tpu.wait_indirect_dma semaphore(%run_scoped3A : memref<!tpu.dma_semaphore, #tpu.memory_space<semaphore_mem>>) src(%arg7 : memref<125x128xf32, #tpu.memory_space<vmem>>) dst(%dma_wait3A_181 : memref<10240x128xf32, #tpu.memory_space<vmem_shared>>)
        tpu.yield
      }) : () -> ()
      %add3A_138 = arith.constant 2 : i32
      %add3A_139 = arith.addi %add3A_127, %add3A_138 : i32
      %rem3A_140 = arith.constant 32 : i32
      %rem3A_141 = arith.remsi %add3A_139, %rem3A_140 : i32
      %dma_start3A_142 = arith.constant 0 : i32
      %dma_start3A_143 = tpu.memref_slice %arg5[%rem3A_141, %dma_start3A_142] : memref<32x125xi32, #tpu.memory_space<vmem>> -> memref<1x125xi32, #tpu.memory_space<vmem>>
      %dma_start3A_144 = tpu.memref_squeeze %dma_start3A_143 : memref<1x125xi32, #tpu.memory_space<vmem>> -> memref<125xi32, #tpu.memory_space<vmem>>
      %dma_start3A_145 = arith.constant 0 : i32
      %dma_start3A_146 = arith.constant 0 : i32
      %dma_start3A_147 = tpu.memref_slice %arg2[%dma_start3A_145, %dma_start3A_146] : memref<10000x128xf32, #tpu.memory_space<hbm>> -> memref<10000x128xf32, #tpu.memory_space<hbm>>
      tpu.enqueue_indirect_dma source(%dma_start3A_147 : memref<10000x128xf32, #tpu.memory_space<hbm>>) target(%arg7 : memref<125x128xf32, #tpu.memory_space<vmem>>) offsets(%dma_start3A_144 : memref<125xi32, #tpu.memory_space<vmem>>) semaphore(%arg10 : memref<!tpu.dma_semaphore, #tpu.memory_space<semaphore_mem>>)
      %add3A_148 = arith.constant 1 : i32
      %add3A_149 = arith.addi %add3A_127, %add3A_148 : i32
      %rem3A_150 = arith.constant 32 : i32
      %rem3A_151 = arith.remsi %add3A_149, %rem3A_150 : i32
      %dma_wait3A_152 = arith.constant 0 : i32
      %dma_wait3A_153 = tpu.memref_slice %arg5[%rem3A_151, %dma_wait3A_152] : memref<32x125xi32, #tpu.memory_space<vmem>> -> memref<1x125xi32, #tpu.memory_space<vmem>>
      %dma_wait3A_154 = tpu.memref_squeeze %dma_wait3A_153 : memref<1x125xi32, #tpu.memory_space<vmem>> -> memref<125xi32, #tpu.memory_space<vmem>>
      %dma_wait3A_155 = arith.constant 0 : i32
      %dma_wait3A_156 = arith.constant 0 : i32
      %dma_wait3A_157 = tpu.memref_slice %arg2[%dma_wait3A_155, %dma_wait3A_156] : memref<10000x128xf32, #tpu.memory_space<hbm>> -> memref<10000x128xf32, #tpu.memory_space<hbm>>
      tpu.wait_indirect_dma semaphore(%arg11 : memref<!tpu.dma_semaphore, #tpu.memory_space<semaphore_mem>>) src(%dma_wait3A_157 : memref<10000x128xf32, #tpu.memory_space<hbm>>) dst(%arg8 : memref<125x128xf32, #tpu.memory_space<vmem>>)
      %rem3A_158 = arith.constant 32 : i32
      %rem3A_159 = arith.remsi %add3A_149, %rem3A_158 : i32
      "tpu.region"() ({
        %run_scoped3A = tpu.sem_alloc : memref<!tpu.dma_semaphore, #tpu.memory_space<semaphore_mem>>
        %dma_start3A_170 = arith.constant 0 : i32
        %dma_start3A_171 = tpu.memref_slice %arg6[%rem3A_159, %dma_start3A_170] : memref<32x125xi32, #tpu.memory_space<vmem>> -> memref<1x125xi32, #tpu.memory_space<vmem>>
        %dma_start3A_172 = tpu.memref_squeeze %dma_start3A_171 : memref<1x125xi32, #tpu.memory_space<vmem>> -> memref<125xi32, #tpu.memory_space<vmem>>
        %dma_start3A_173 = arith.constant 0 : i32
        %dma_start3A_174 = arith.constant 0 : i32
        %dma_start3A_175 = tpu.memref_slice %arg9[%dma_start3A_173, %dma_start3A_174] : memref<10240x128xf32, #tpu.memory_space<vmem_shared>> -> memref<10240x128xf32, #tpu.memory_space<vmem_shared>>
        tpu.enqueue_indirect_dma source(%arg8 : memref<125x128xf32, #tpu.memory_space<vmem>>) target(%dma_start3A_175 : memref<10240x128xf32, #tpu.memory_space<vmem_shared>>) offsets(%dma_start3A_172 : memref<125xi32, #tpu.memory_space<vmem>>) semaphore(%run_scoped3A : memref<!tpu.dma_semaphore, #tpu.memory_space<semaphore_mem>>) {add = true}
        %dma_wait3A_176 = arith.constant 0 : i32
        %dma_wait3A_177 = tpu.memref_slice %arg6[%rem3A_159, %dma_wait3A_176] : memref<32x125xi32, #tpu.memory_space<vmem>> -> memref<1x125xi32, #tpu.memory_space<vmem>>
        %dma_wait3A_178 = tpu.memref_squeeze %dma_wait3A_177 : memref<1x125xi32, #tpu.memory_space<vmem>> -> memref<125xi32, #tpu.memory_space<vmem>>
        %dma_wait3A_179 = arith.constant 0 : i32
        %dma_wait3A_180 = arith.constant 0 : i32
        %dma_wait3A_181 = tpu.memref_slice %arg9[%dma_wait3A_179, %dma_wait3A_180] : memref<10240x128xf32, #tpu.memory_space<vmem_shared>> -> memref<10240x128xf32, #tpu.memory_space<vmem_shared>>
        tpu.wait_indirect_dma semaphore(%run_scoped3A : memref<!tpu.dma_semaphore, #tpu.memory_space<semaphore_mem>>) src(%arg8 : memref<125x128xf32, #tpu.memory_space<vmem>>) dst(%dma_wait3A_181 : memref<10240x128xf32, #tpu.memory_space<vmem_shared>>)
        tpu.yield
      }) : () -> ()
      %add3A_160 = arith.constant 3 : i32
      %add3A_161 = arith.addi %add3A_127, %add3A_160 : i32
      %rem3A_162 = arith.constant 32 : i32
      %rem3A_163 = arith.remsi %add3A_161, %rem3A_162 : i32
      %dma_start3A_164 = arith.constant 0 : i32
      %dma_start3A_165 = tpu.memref_slice %arg5[%rem3A_163, %dma_start3A_164] : memref<32x125xi32, #tpu.memory_space<vmem>> -> memref<1x125xi32, #tpu.memory_space<vmem>>
      %dma_start3A_166 = tpu.memref_squeeze %dma_start3A_165 : memref<1x125xi32, #tpu.memory_space<vmem>> -> memref<125xi32, #tpu.memory_space<vmem>>
      %dma_start3A_167 = arith.constant 0 : i32
      %dma_start3A_168 = arith.constant 0 : i32
      %dma_start3A_169 = tpu.memref_slice %arg2[%dma_start3A_167, %dma_start3A_168] : memref<10000x128xf32, #tpu.memory_space<hbm>> -> memref<10000x128xf32, #tpu.memory_space<hbm>>
      tpu.enqueue_indirect_dma source(%dma_start3A_169 : memref<10000x128xf32, #tpu.memory_space<hbm>>) target(%arg8 : memref<125x128xf32, #tpu.memory_space<vmem>>) offsets(%dma_start3A_166 : memref<125xi32, #tpu.memory_space<vmem>>) semaphore(%arg11 : memref<!tpu.dma_semaphore, #tpu.memory_space<semaphore_mem>>)
    }
    %scan3A_79 = arith.constant 8 : i32
    %add3A_80 = arith.constant 64 : i32
    %add3A_81 = arith.addi %mul3A_4, %add3A_80 : i32
    "tpu.region"() ({
      %run_scoped3A = tpu.sem_alloc : memref<!tpu.dma_semaphore, #tpu.memory_space<semaphore_mem>>
      %dma_start3A_123 = arith.constant 0 : i32
      %dma_start3A_124 = arith.constant 0 : i32
      %dma_start3A_125 = tpu.memref_slice %arg5[%dma_start3A_123, %dma_start3A_124] : memref<32x125xi32, #tpu.memory_space<vmem>> -> memref<16x125xi32, #tpu.memory_space<vmem>>
      %dma_start3A_126 = arith.constant 0 : i32
      %dma_start3A_127 = tpu.memref_slice %arg3[%add3A_81, %dma_start3A_126] : memref<5120x125xi32, #tpu.memory_space<hbm>> -> memref<16x125xi32, #tpu.memory_space<hbm>>
      %dma_start3A_128 = arith.constant 0 : i32
      %dma_start3A_129 = arith.constant 0 : i32
      %dma_start3A_130 = tpu.memref_slice %arg5[%dma_start3A_128, %dma_start3A_129] : memref<32x125xi32, #tpu.memory_space<vmem>> -> memref<16x125xi32, #tpu.memory_space<vmem>>
      %dma_start3A_131 = arith.constant 0 : i32
      %dma_start3A_132 = tpu.memref_slice %arg3[%add3A_81, %dma_start3A_131] : memref<5120x125xi32, #tpu.memory_space<hbm>> -> memref<16x125xi32, #tpu.memory_space<hbm>>
      tpu.enqueue_dma source(%dma_start3A_132 : memref<16x125xi32, #tpu.memory_space<hbm>>) target(%dma_start3A_130 : memref<16x125xi32, #tpu.memory_space<vmem>>) target_semaphore(%run_scoped3A : memref<!tpu.dma_semaphore, #tpu.memory_space<semaphore_mem>>)
      %dma_wait3A_133 = arith.constant 0 : i32
      %dma_wait3A_134 = arith.constant 0 : i32
      %dma_wait3A_135 = tpu.memref_slice %arg5[%dma_wait3A_133, %dma_wait3A_134] : memref<32x125xi32, #tpu.memory_space<vmem>> -> memref<16x125xi32, #tpu.memory_space<vmem>>
      %dma_wait3A_136 = arith.constant 0 : i32
      %dma_wait3A_137 = tpu.memref_slice %arg3[%add3A_81, %dma_wait3A_136] : memref<5120x125xi32, #tpu.memory_space<hbm>> -> memref<16x125xi32, #tpu.memory_space<hbm>>
      %dma_wait3A_138 = arith.constant 0 : i32
      %dma_wait3A_139 = arith.constant 0 : i32
      %dma_wait3A_140 = tpu.memref_slice %arg5[%dma_wait3A_138, %dma_wait3A_139] : memref<32x125xi32, #tpu.memory_space<vmem>> -> memref<16x125xi32, #tpu.memory_space<vmem>>
      %dma_wait3A_141 = arith.constant 0 : i32
      %dma_wait3A_142 = tpu.memref_slice %arg3[%add3A_81, %dma_wait3A_141] : memref<5120x125xi32, #tpu.memory_space<hbm>> -> memref<16x125xi32, #tpu.memory_space<hbm>>
      tpu.wait_dma2 semaphore(%run_scoped3A : memref<!tpu.dma_semaphore, #tpu.memory_space<semaphore_mem>>) src(%dma_wait3A_142 : memref<16x125xi32, #tpu.memory_space<hbm>>) dst(%dma_wait3A_140 : memref<16x125xi32, #tpu.memory_space<vmem>>)
      tpu.yield
    }) : () -> ()
    %add3A_82 = arith.constant 2560 : i32
    %add3A_83 = arith.addi %add3A_82, %mul3A_4 : i32
    %add3A_84 = arith.constant 64 : i32
    %add3A_85 = arith.addi %add3A_83, %add3A_84 : i32
    "tpu.region"() ({
      %run_scoped3A = tpu.sem_alloc : memref<!tpu.dma_semaphore, #tpu.memory_space<semaphore_mem>>
      %dma_start3A_123 = arith.constant 0 : i32
      %dma_start3A_124 = arith.constant 0 : i32
      %dma_start3A_125 = tpu.memref_slice %arg6[%dma_start3A_123, %dma_start3A_124] : memref<32x125xi32, #tpu.memory_space<vmem>> -> memref<16x125xi32, #tpu.memory_space<vmem>>
      %dma_start3A_126 = arith.constant 0 : i32
      %dma_start3A_127 = tpu.memref_slice %arg3[%add3A_85, %dma_start3A_126] : memref<5120x125xi32, #tpu.memory_space<hbm>> -> memref<16x125xi32, #tpu.memory_space<hbm>>
      %dma_start3A_128 = arith.constant 0 : i32
      %dma_start3A_129 = arith.constant 0 : i32
      %dma_start3A_130 = tpu.memref_slice %arg6[%dma_start3A_128, %dma_start3A_129] : memref<32x125xi32, #tpu.memory_space<vmem>> -> memref<16x125xi32, #tpu.memory_space<vmem>>
      %dma_start3A_131 = arith.constant 0 : i32
      %dma_start3A_132 = tpu.memref_slice %arg3[%add3A_85, %dma_start3A_131] : memref<5120x125xi32, #tpu.memory_space<hbm>> -> memref<16x125xi32, #tpu.memory_space<hbm>>
      tpu.enqueue_dma source(%dma_start3A_132 : memref<16x125xi32, #tpu.memory_space<hbm>>) target(%dma_start3A_130 : memref<16x125xi32, #tpu.memory_space<vmem>>) target_semaphore(%run_scoped3A : memref<!tpu.dma_semaphore, #tpu.memory_space<semaphore_mem>>)
      %dma_wait3A_133 = arith.constant 0 : i32
      %dma_wait3A_134 = arith.constant 0 : i32
      %dma_wait3A_135 = tpu.memref_slice %arg6[%dma_wait3A_133, %dma_wait3A_134] : memref<32x125xi32, #tpu.memory_space<vmem>> -> memref<16x125xi32, #tpu.memory_space<vmem>>
      %dma_wait3A_136 = arith.constant 0 : i32
      %dma_wait3A_137 = tpu.memref_slice %arg3[%add3A_85, %dma_wait3A_136] : memref<5120x125xi32, #tpu.memory_space<hbm>> -> memref<16x125xi32, #tpu.memory_space<hbm>>
      %dma_wait3A_138 = arith.constant 0 : i32
      %dma_wait3A_139 = arith.constant 0 : i32
      %dma_wait3A_140 = tpu.memref_slice %arg6[%dma_wait3A_138, %dma_wait3A_139] : memref<32x125xi32, #tpu.memory_space<vmem>> -> memref<16x125xi32, #tpu.memory_space<vmem>>
      %dma_wait3A_141 = arith.constant 0 : i32
      %dma_wait3A_142 = tpu.memref_slice %arg3[%add3A_85, %dma_wait3A_141] : memref<5120x125xi32, #tpu.memory_space<hbm>> -> memref<16x125xi32, #tpu.memory_space<hbm>>
      tpu.wait_dma2 semaphore(%run_scoped3A : memref<!tpu.dma_semaphore, #tpu.memory_space<semaphore_mem>>) src(%dma_wait3A_142 : memref<16x125xi32, #tpu.memory_space<hbm>>) dst(%dma_wait3A_140 : memref<16x125xi32, #tpu.memory_space<vmem>>)
      tpu.yield
    }) : () -> ()
    %scan3A_86 = arith.constant 0 : i32
    %scan3A_87 = arith.constant 8 : i32
    %scan3A_88 = arith.addi %scan3A_86, %scan3A_87 : i32
    %scan3A_89 = arith.constant 1 : i32
    scf.for %scan3A_123 = %scan3A_86 to %scan3A_88 step %scan3A_89  : i32 {
      %mul3A_124 = arith.constant 2 : i32
      %mul3A_125 = arith.muli %mul3A_124, %scan3A_123 : i32
      %add3A_126 = arith.constant 48 : i32
      %add3A_127 = arith.addi %add3A_126, %mul3A_125 : i32
      %rem3A_128 = arith.constant 32 : i32
      %rem3A_129 = arith.remsi %add3A_127, %rem3A_128 : i32
      %dma_wait3A_130 = arith.constant 0 : i32
      %dma_wait3A_131 = tpu.memref_slice %arg5[%rem3A_129, %dma_wait3A_130] : memref<32x125xi32, #tpu.memory_space<vmem>> -> memref<1x125xi32, #tpu.memory_space<vmem>>
      %dma_wait3A_132 = tpu.memref_squeeze %dma_wait3A_131 : memref<1x125xi32, #tpu.memory_space<vmem>> -> memref<125xi32, #tpu.memory_space<vmem>>
      %dma_wait3A_133 = arith.constant 0 : i32
      %dma_wait3A_134 = arith.constant 0 : i32
      %dma_wait3A_135 = tpu.memref_slice %arg2[%dma_wait3A_133, %dma_wait3A_134] : memref<10000x128xf32, #tpu.memory_space<hbm>> -> memref<10000x128xf32, #tpu.memory_space<hbm>>
      tpu.wait_indirect_dma semaphore(%arg10 : memref<!tpu.dma_semaphore, #tpu.memory_space<semaphore_mem>>) src(%dma_wait3A_135 : memref<10000x128xf32, #tpu.memory_space<hbm>>) dst(%arg7 : memref<125x128xf32, #tpu.memory_space<vmem>>)
      %rem3A_136 = arith.constant 32 : i32
      %rem3A_137 = arith.remsi %add3A_127, %rem3A_136 : i32
      "tpu.region"() ({
        %run_scoped3A = tpu.sem_alloc : memref<!tpu.dma_semaphore, #tpu.memory_space<semaphore_mem>>
        %dma_start3A_170 = arith.constant 0 : i32
        %dma_start3A_171 = tpu.memref_slice %arg6[%rem3A_137, %dma_start3A_170] : memref<32x125xi32, #tpu.memory_space<vmem>> -> memref<1x125xi32, #tpu.memory_space<vmem>>
        %dma_start3A_172 = tpu.memref_squeeze %dma_start3A_171 : memref<1x125xi32, #tpu.memory_space<vmem>> -> memref<125xi32, #tpu.memory_space<vmem>>
        %dma_start3A_173 = arith.constant 0 : i32
        %dma_start3A_174 = arith.constant 0 : i32
        %dma_start3A_175 = tpu.memref_slice %arg9[%dma_start3A_173, %dma_start3A_174] : memref<10240x128xf32, #tpu.memory_space<vmem_shared>> -> memref<10240x128xf32, #tpu.memory_space<vmem_shared>>
        tpu.enqueue_indirect_dma source(%arg7 : memref<125x128xf32, #tpu.memory_space<vmem>>) target(%dma_start3A_175 : memref<10240x128xf32, #tpu.memory_space<vmem_shared>>) offsets(%dma_start3A_172 : memref<125xi32, #tpu.memory_space<vmem>>) semaphore(%run_scoped3A : memref<!tpu.dma_semaphore, #tpu.memory_space<semaphore_mem>>) {add = true}
        %dma_wait3A_176 = arith.constant 0 : i32
        %dma_wait3A_177 = tpu.memref_slice %arg6[%rem3A_137, %dma_wait3A_176] : memref<32x125xi32, #tpu.memory_space<vmem>> -> memref<1x125xi32, #tpu.memory_space<vmem>>
        %dma_wait3A_178 = tpu.memref_squeeze %dma_wait3A_177 : memref<1x125xi32, #tpu.memory_space<vmem>> -> memref<125xi32, #tpu.memory_space<vmem>>
        %dma_wait3A_179 = arith.constant 0 : i32
        %dma_wait3A_180 = arith.constant 0 : i32
        %dma_wait3A_181 = tpu.memref_slice %arg9[%dma_wait3A_179, %dma_wait3A_180] : memref<10240x128xf32, #tpu.memory_space<vmem_shared>> -> memref<10240x128xf32, #tpu.memory_space<vmem_shared>>
        tpu.wait_indirect_dma semaphore(%run_scoped3A : memref<!tpu.dma_semaphore, #tpu.memory_space<semaphore_mem>>) src(%arg7 : memref<125x128xf32, #tpu.memory_space<vmem>>) dst(%dma_wait3A_181 : memref<10240x128xf32, #tpu.memory_space<vmem_shared>>)
        tpu.yield
      }) : () -> ()
      %add3A_138 = arith.constant 2 : i32
      %add3A_139 = arith.addi %add3A_127, %add3A_138 : i32
      %rem3A_140 = arith.constant 32 : i32
      %rem3A_141 = arith.remsi %add3A_139, %rem3A_140 : i32
      %dma_start3A_142 = arith.constant 0 : i32
      %dma_start3A_143 = tpu.memref_slice %arg5[%rem3A_141, %dma_start3A_142] : memref<32x125xi32, #tpu.memory_space<vmem>> -> memref<1x125xi32, #tpu.memory_space<vmem>>
      %dma_start3A_144 = tpu.memref_squeeze %dma_start3A_143 : memref<1x125xi32, #tpu.memory_space<vmem>> -> memref<125xi32, #tpu.memory_space<vmem>>
      %dma_start3A_145 = arith.constant 0 : i32
      %dma_start3A_146 = arith.constant 0 : i32
      %dma_start3A_147 = tpu.memref_slice %arg2[%dma_start3A_145, %dma_start3A_146] : memref<10000x128xf32, #tpu.memory_space<hbm>> -> memref<10000x128xf32, #tpu.memory_space<hbm>>
      tpu.enqueue_indirect_dma source(%dma_start3A_147 : memref<10000x128xf32, #tpu.memory_space<hbm>>) target(%arg7 : memref<125x128xf32, #tpu.memory_space<vmem>>) offsets(%dma_start3A_144 : memref<125xi32, #tpu.memory_space<vmem>>) semaphore(%arg10 : memref<!tpu.dma_semaphore, #tpu.memory_space<semaphore_mem>>)
      %add3A_148 = arith.constant 1 : i32
      %add3A_149 = arith.addi %add3A_127, %add3A_148 : i32
      %rem3A_150 = arith.constant 32 : i32
      %rem3A_151 = arith.remsi %add3A_149, %rem3A_150 : i32
      %dma_wait3A_152 = arith.constant 0 : i32
      %dma_wait3A_153 = tpu.memref_slice %arg5[%rem3A_151, %dma_wait3A_152] : memref<32x125xi32, #tpu.memory_space<vmem>> -> memref<1x125xi32, #tpu.memory_space<vmem>>
      %dma_wait3A_154 = tpu.memref_squeeze %dma_wait3A_153 : memref<1x125xi32, #tpu.memory_space<vmem>> -> memref<125xi32, #tpu.memory_space<vmem>>
      %dma_wait3A_155 = arith.constant 0 : i32
      %dma_wait3A_156 = arith.constant 0 : i32
      %dma_wait3A_157 = tpu.memref_slice %arg2[%dma_wait3A_155, %dma_wait3A_156] : memref<10000x128xf32, #tpu.memory_space<hbm>> -> memref<10000x128xf32, #tpu.memory_space<hbm>>
      tpu.wait_indirect_dma semaphore(%arg11 : memref<!tpu.dma_semaphore, #tpu.memory_space<semaphore_mem>>) src(%dma_wait3A_157 : memref<10000x128xf32, #tpu.memory_space<hbm>>) dst(%arg8 : memref<125x128xf32, #tpu.memory_space<vmem>>)
      %rem3A_158 = arith.constant 32 : i32
      %rem3A_159 = arith.remsi %add3A_149, %rem3A_158 : i32
      "tpu.region"() ({
        %run_scoped3A = tpu.sem_alloc : memref<!tpu.dma_semaphore, #tpu.memory_space<semaphore_mem>>
        %dma_start3A_170 = arith.constant 0 : i32
        %dma_start3A_171 = tpu.memref_slice %arg6[%rem3A_159, %dma_start3A_170] : memref<32x125xi32, #tpu.memory_space<vmem>> -> memref<1x125xi32, #tpu.memory_space<vmem>>
        %dma_start3A_172 = tpu.memref_squeeze %dma_start3A_171 : memref<1x125xi32, #tpu.memory_space<vmem>> -> memref<125xi32, #tpu.memory_space<vmem>>
        %dma_start3A_173 = arith.constant 0 : i32
        %dma_start3A_174 = arith.constant 0 : i32
        %dma_start3A_175 = tpu.memref_slice %arg9[%dma_start3A_173, %dma_start3A_174] : memref<10240x128xf32, #tpu.memory_space<vmem_shared>> -> memref<10240x128xf32, #tpu.memory_space<vmem_shared>>
        tpu.enqueue_indirect_dma source(%arg8 : memref<125x128xf32, #tpu.memory_space<vmem>>) target(%dma_start3A_175 : memref<10240x128xf32, #tpu.memory_space<vmem_shared>>) offsets(%dma_start3A_172 : memref<125xi32, #tpu.memory_space<vmem>>) semaphore(%run_scoped3A : memref<!tpu.dma_semaphore, #tpu.memory_space<semaphore_mem>>) {add = true}
        %dma_wait3A_176 = arith.constant 0 : i32
        %dma_wait3A_177 = tpu.memref_slice %arg6[%rem3A_159, %dma_wait3A_176] : memref<32x125xi32, #tpu.memory_space<vmem>> -> memref<1x125xi32, #tpu.memory_space<vmem>>
        %dma_wait3A_178 = tpu.memref_squeeze %dma_wait3A_177 : memref<1x125xi32, #tpu.memory_space<vmem>> -> memref<125xi32, #tpu.memory_space<vmem>>
        %dma_wait3A_179 = arith.constant 0 : i32
        %dma_wait3A_180 = arith.constant 0 : i32
        %dma_wait3A_181 = tpu.memref_slice %arg9[%dma_wait3A_179, %dma_wait3A_180] : memref<10240x128xf32, #tpu.memory_space<vmem_shared>> -> memref<10240x128xf32, #tpu.memory_space<vmem_shared>>
        tpu.wait_indirect_dma semaphore(%run_scoped3A : memref<!tpu.dma_semaphore, #tpu.memory_space<semaphore_mem>>) src(%arg8 : memref<125x128xf32, #tpu.memory_space<vmem>>) dst(%dma_wait3A_181 : memref<10240x128xf32, #tpu.memory_space<vmem_shared>>)
        tpu.yield
      }) : () -> ()
      %add3A_160 = arith.constant 3 : i32
      %add3A_161 = arith.addi %add3A_127, %add3A_160 : i32
      %rem3A_162 = arith.constant 32 : i32
      %rem3A_163 = arith.remsi %add3A_161, %rem3A_162 : i32
      %dma_start3A_164 = arith.constant 0 : i32
      %dma_start3A_165 = tpu.memref_slice %arg5[%rem3A_163, %dma_start3A_164] : memref<32x125xi32, #tpu.memory_space<vmem>> -> memref<1x125xi32, #tpu.memory_space<vmem>>
      %dma_start3A_166 = tpu.memref_squeeze %dma_start3A_165 : memref<1x125xi32, #tpu.memory_space<vmem>> -> memref<125xi32, #tpu.memory_space<vmem>>
      %dma_start3A_167 = arith.constant 0 : i32
      %dma_start3A_168 = arith.constant 0 : i32
      %dma_start3A_169 = tpu.memref_slice %arg2[%dma_start3A_167, %dma_start3A_168] : memref<10000x128xf32, #tpu.memory_space<hbm>> -> memref<10000x128xf32, #tpu.memory_space<hbm>>
      tpu.enqueue_indirect_dma source(%dma_start3A_169 : memref<10000x128xf32, #tpu.memory_space<hbm>>) target(%arg8 : memref<125x128xf32, #tpu.memory_space<vmem>>) offsets(%dma_start3A_166 : memref<125xi32, #tpu.memory_space<vmem>>) semaphore(%arg11 : memref<!tpu.dma_semaphore, #tpu.memory_space<semaphore_mem>>)
    }
    %scan3A_90 = arith.constant 8 : i32
    %scan3A_91 = arith.constant 0 : i32
    %scan3A_92 = arith.constant 7 : i32
    %scan3A_93 = arith.addi %scan3A_91, %scan3A_92 : i32
    %scan3A_94 = arith.constant 1 : i32
    scf.for %scan3A_123 = %scan3A_91 to %scan3A_93 step %scan3A_94  : i32 {
      %mul3A_124 = arith.constant 2 : i32
      %mul3A_125 = arith.muli %mul3A_124, %scan3A_123 : i32
      %add3A_126 = arith.constant 64 : i32
      %add3A_127 = arith.addi %add3A_126, %mul3A_125 : i32
      %rem3A_128 = arith.constant 32 : i32
      %rem3A_129 = arith.remsi %add3A_127, %rem3A_128 : i32
      %dma_wait3A_130 = arith.constant 0 : i32
      %dma_wait3A_131 = tpu.memref_slice %arg5[%rem3A_129, %dma_wait3A_130] : memref<32x125xi32, #tpu.memory_space<vmem>> -> memref<1x125xi32, #tpu.memory_space<vmem>>
      %dma_wait3A_132 = tpu.memref_squeeze %dma_wait3A_131 : memref<1x125xi32, #tpu.memory_space<vmem>> -> memref<125xi32, #tpu.memory_space<vmem>>
      %dma_wait3A_133 = arith.constant 0 : i32
      %dma_wait3A_134 = arith.constant 0 : i32
      %dma_wait3A_135 = tpu.memref_slice %arg2[%dma_wait3A_133, %dma_wait3A_134] : memref<10000x128xf32, #tpu.memory_space<hbm>> -> memref<10000x128xf32, #tpu.memory_space<hbm>>
      tpu.wait_indirect_dma semaphore(%arg10 : memref<!tpu.dma_semaphore, #tpu.memory_space<semaphore_mem>>) src(%dma_wait3A_135 : memref<10000x128xf32, #tpu.memory_space<hbm>>) dst(%arg7 : memref<125x128xf32, #tpu.memory_space<vmem>>)
      %rem3A_136 = arith.constant 32 : i32
      %rem3A_137 = arith.remsi %add3A_127, %rem3A_136 : i32
      "tpu.region"() ({
        %run_scoped3A = tpu.sem_alloc : memref<!tpu.dma_semaphore, #tpu.memory_space<semaphore_mem>>
        %dma_start3A_170 = arith.constant 0 : i32
        %dma_start3A_171 = tpu.memref_slice %arg6[%rem3A_137, %dma_start3A_170] : memref<32x125xi32, #tpu.memory_space<vmem>> -> memref<1x125xi32, #tpu.memory_space<vmem>>
        %dma_start3A_172 = tpu.memref_squeeze %dma_start3A_171 : memref<1x125xi32, #tpu.memory_space<vmem>> -> memref<125xi32, #tpu.memory_space<vmem>>
        %dma_start3A_173 = arith.constant 0 : i32
        %dma_start3A_174 = arith.constant 0 : i32
        %dma_start3A_175 = tpu.memref_slice %arg9[%dma_start3A_173, %dma_start3A_174] : memref<10240x128xf32, #tpu.memory_space<vmem_shared>> -> memref<10240x128xf32, #tpu.memory_space<vmem_shared>>
        tpu.enqueue_indirect_dma source(%arg7 : memref<125x128xf32, #tpu.memory_space<vmem>>) target(%dma_start3A_175 : memref<10240x128xf32, #tpu.memory_space<vmem_shared>>) offsets(%dma_start3A_172 : memref<125xi32, #tpu.memory_space<vmem>>) semaphore(%run_scoped3A : memref<!tpu.dma_semaphore, #tpu.memory_space<semaphore_mem>>) {add = true}
        %dma_wait3A_176 = arith.constant 0 : i32
        %dma_wait3A_177 = tpu.memref_slice %arg6[%rem3A_137, %dma_wait3A_176] : memref<32x125xi32, #tpu.memory_space<vmem>> -> memref<1x125xi32, #tpu.memory_space<vmem>>
        %dma_wait3A_178 = tpu.memref_squeeze %dma_wait3A_177 : memref<1x125xi32, #tpu.memory_space<vmem>> -> memref<125xi32, #tpu.memory_space<vmem>>
        %dma_wait3A_179 = arith.constant 0 : i32
        %dma_wait3A_180 = arith.constant 0 : i32
        %dma_wait3A_181 = tpu.memref_slice %arg9[%dma_wait3A_179, %dma_wait3A_180] : memref<10240x128xf32, #tpu.memory_space<vmem_shared>> -> memref<10240x128xf32, #tpu.memory_space<vmem_shared>>
        tpu.wait_indirect_dma semaphore(%run_scoped3A : memref<!tpu.dma_semaphore, #tpu.memory_space<semaphore_mem>>) src(%arg7 : memref<125x128xf32, #tpu.memory_space<vmem>>) dst(%dma_wait3A_181 : memref<10240x128xf32, #tpu.memory_space<vmem_shared>>)
        tpu.yield
      }) : () -> ()
      %add3A_138 = arith.constant 2 : i32
      %add3A_139 = arith.addi %add3A_127, %add3A_138 : i32
      %rem3A_140 = arith.constant 32 : i32
      %rem3A_141 = arith.remsi %add3A_139, %rem3A_140 : i32
      %dma_start3A_142 = arith.constant 0 : i32
      %dma_start3A_143 = tpu.memref_slice %arg5[%rem3A_141, %dma_start3A_142] : memref<32x125xi32, #tpu.memory_space<vmem>> -> memref<1x125xi32, #tpu.memory_space<vmem>>
      %dma_start3A_144 = tpu.memref_squeeze %dma_start3A_143 : memref<1x125xi32, #tpu.memory_space<vmem>> -> memref<125xi32, #tpu.memory_space<vmem>>
      %dma_start3A_145 = arith.constant 0 : i32
      %dma_start3A_146 = arith.constant 0 : i32
      %dma_start3A_147 = tpu.memref_slice %arg2[%dma_start3A_145, %dma_start3A_146] : memref<10000x128xf32, #tpu.memory_space<hbm>> -> memref<10000x128xf32, #tpu.memory_space<hbm>>
      tpu.enqueue_indirect_dma source(%dma_start3A_147 : memref<10000x128xf32, #tpu.memory_space<hbm>>) target(%arg7 : memref<125x128xf32, #tpu.memory_space<vmem>>) offsets(%dma_start3A_144 : memref<125xi32, #tpu.memory_space<vmem>>) semaphore(%arg10 : memref<!tpu.dma_semaphore, #tpu.memory_space<semaphore_mem>>)
      %add3A_148 = arith.constant 1 : i32
      %add3A_149 = arith.addi %add3A_127, %add3A_148 : i32
      %rem3A_150 = arith.constant 32 : i32
      %rem3A_151 = arith.remsi %add3A_149, %rem3A_150 : i32
      %dma_wait3A_152 = arith.constant 0 : i32
      %dma_wait3A_153 = tpu.memref_slice %arg5[%rem3A_151, %dma_wait3A_152] : memref<32x125xi32, #tpu.memory_space<vmem>> -> memref<1x125xi32, #tpu.memory_space<vmem>>
      %dma_wait3A_154 = tpu.memref_squeeze %dma_wait3A_153 : memref<1x125xi32, #tpu.memory_space<vmem>> -> memref<125xi32, #tpu.memory_space<vmem>>
      %dma_wait3A_155 = arith.constant 0 : i32
      %dma_wait3A_156 = arith.constant 0 : i32
      %dma_wait3A_157 = tpu.memref_slice %arg2[%dma_wait3A_155, %dma_wait3A_156] : memref<10000x128xf32, #tpu.memory_space<hbm>> -> memref<10000x128xf32, #tpu.memory_space<hbm>>
      tpu.wait_indirect_dma semaphore(%arg11 : memref<!tpu.dma_semaphore, #tpu.memory_space<semaphore_mem>>) src(%dma_wait3A_157 : memref<10000x128xf32, #tpu.memory_space<hbm>>) dst(%arg8 : memref<125x128xf32, #tpu.memory_space<vmem>>)
      %rem3A_158 = arith.constant 32 : i32
      %rem3A_159 = arith.remsi %add3A_149, %rem3A_158 : i32
      "tpu.region"() ({
        %run_scoped3A = tpu.sem_alloc : memref<!tpu.dma_semaphore, #tpu.memory_space<semaphore_mem>>
        %dma_start3A_170 = arith.constant 0 : i32
        %dma_start3A_171 = tpu.memref_slice %arg6[%rem3A_159, %dma_start3A_170] : memref<32x125xi32, #tpu.memory_space<vmem>> -> memref<1x125xi32, #tpu.memory_space<vmem>>
        %dma_start3A_172 = tpu.memref_squeeze %dma_start3A_171 : memref<1x125xi32, #tpu.memory_space<vmem>> -> memref<125xi32, #tpu.memory_space<vmem>>
        %dma_start3A_173 = arith.constant 0 : i32
        %dma_start3A_174 = arith.constant 0 : i32
        %dma_start3A_175 = tpu.memref_slice %arg9[%dma_start3A_173, %dma_start3A_174] : memref<10240x128xf32, #tpu.memory_space<vmem_shared>> -> memref<10240x128xf32, #tpu.memory_space<vmem_shared>>
        tpu.enqueue_indirect_dma source(%arg8 : memref<125x128xf32, #tpu.memory_space<vmem>>) target(%dma_start3A_175 : memref<10240x128xf32, #tpu.memory_space<vmem_shared>>) offsets(%dma_start3A_172 : memref<125xi32, #tpu.memory_space<vmem>>) semaphore(%run_scoped3A : memref<!tpu.dma_semaphore, #tpu.memory_space<semaphore_mem>>) {add = true}
        %dma_wait3A_176 = arith.constant 0 : i32
        %dma_wait3A_177 = tpu.memref_slice %arg6[%rem3A_159, %dma_wait3A_176] : memref<32x125xi32, #tpu.memory_space<vmem>> -> memref<1x125xi32, #tpu.memory_space<vmem>>
        %dma_wait3A_178 = tpu.memref_squeeze %dma_wait3A_177 : memref<1x125xi32, #tpu.memory_space<vmem>> -> memref<125xi32, #tpu.memory_space<vmem>>
        %dma_wait3A_179 = arith.constant 0 : i32
        %dma_wait3A_180 = arith.constant 0 : i32
        %dma_wait3A_181 = tpu.memref_slice %arg9[%dma_wait3A_179, %dma_wait3A_180] : memref<10240x128xf32, #tpu.memory_space<vmem_shared>> -> memref<10240x128xf32, #tpu.memory_space<vmem_shared>>
        tpu.wait_indirect_dma semaphore(%run_scoped3A : memref<!tpu.dma_semaphore, #tpu.memory_space<semaphore_mem>>) src(%arg8 : memref<125x128xf32, #tpu.memory_space<vmem>>) dst(%dma_wait3A_181 : memref<10240x128xf32, #tpu.memory_space<vmem_shared>>)
        tpu.yield
      }) : () -> ()
      %add3A_160 = arith.constant 3 : i32
      %add3A_161 = arith.addi %add3A_127, %add3A_160 : i32
      %rem3A_162 = arith.constant 32 : i32
      %rem3A_163 = arith.remsi %add3A_161, %rem3A_162 : i32
      %dma_start3A_164 = arith.constant 0 : i32
      %dma_start3A_165 = tpu.memref_slice %arg5[%rem3A_163, %dma_start3A_164] : memref<32x125xi32, #tpu.memory_space<vmem>> -> memref<1x125xi32, #tpu.memory_space<vmem>>
      %dma_start3A_166 = tpu.memref_squeeze %dma_start3A_165 : memref<1x125xi32, #tpu.memory_space<vmem>> -> memref<125xi32, #tpu.memory_space<vmem>>
      %dma_start3A_167 = arith.constant 0 : i32
      %dma_start3A_168 = arith.constant 0 : i32
      %dma_start3A_169 = tpu.memref_slice %arg2[%dma_start3A_167, %dma_start3A_168] : memref<10000x128xf32, #tpu.memory_space<hbm>> -> memref<10000x128xf32, #tpu.memory_space<hbm>>
      tpu.enqueue_indirect_dma source(%dma_start3A_169 : memref<10000x128xf32, #tpu.memory_space<hbm>>) target(%arg8 : memref<125x128xf32, #tpu.memory_space<vmem>>) offsets(%dma_start3A_166 : memref<125xi32, #tpu.memory_space<vmem>>) semaphore(%arg11 : memref<!tpu.dma_semaphore, #tpu.memory_space<semaphore_mem>>)
    }
    %scan3A_95 = arith.constant 7 : i32
    %rem3A_96 = arith.constant 78 : i32
    %rem3A_97 = arith.constant 32 : i32
    %rem3A_98 = arith.remsi %rem3A_96, %rem3A_97 : i32
    %dma_wait3A = arith.constant 0 : i32
    %dma_wait3A_99 = tpu.memref_slice %arg5[%rem3A_98, %dma_wait3A] : memref<32x125xi32, #tpu.memory_space<vmem>> -> memref<1x125xi32, #tpu.memory_space<vmem>>
    %dma_wait3A_100 = tpu.memref_squeeze %dma_wait3A_99 : memref<1x125xi32, #tpu.memory_space<vmem>> -> memref<125xi32, #tpu.memory_space<vmem>>
    %dma_wait3A_101 = arith.constant 0 : i32
    %dma_wait3A_102 = arith.constant 0 : i32
    %dma_wait3A_103 = tpu.memref_slice %arg2[%dma_wait3A_101, %dma_wait3A_102] : memref<10000x128xf32, #tpu.memory_space<hbm>> -> memref<10000x128xf32, #tpu.memory_space<hbm>>
    tpu.wait_indirect_dma semaphore(%arg10 : memref<!tpu.dma_semaphore, #tpu.memory_space<semaphore_mem>>) src(%dma_wait3A_103 : memref<10000x128xf32, #tpu.memory_space<hbm>>) dst(%arg7 : memref<125x128xf32, #tpu.memory_space<vmem>>)
    %rem3A_104 = arith.constant 78 : i32
    %rem3A_105 = arith.constant 32 : i32
    %rem3A_106 = arith.remsi %rem3A_104, %rem3A_105 : i32
    "tpu.region"() ({
      %run_scoped3A = tpu.sem_alloc : memref<!tpu.dma_semaphore, #tpu.memory_space<semaphore_mem>>
      %dma_start3A_123 = arith.constant 0 : i32
      %dma_start3A_124 = tpu.memref_slice %arg6[%rem3A_106, %dma_start3A_123] : memref<32x125xi32, #tpu.memory_space<vmem>> -> memref<1x125xi32, #tpu.memory_space<vmem>>
      %dma_start3A_125 = tpu.memref_squeeze %dma_start3A_124 : memref<1x125xi32, #tpu.memory_space<vmem>> -> memref<125xi32, #tpu.memory_space<vmem>>
      %dma_start3A_126 = arith.constant 0 : i32
      %dma_start3A_127 = arith.constant 0 : i32
      %dma_start3A_128 = tpu.memref_slice %arg9[%dma_start3A_126, %dma_start3A_127] : memref<10240x128xf32, #tpu.memory_space<vmem_shared>> -> memref<10240x128xf32, #tpu.memory_space<vmem_shared>>
      tpu.enqueue_indirect_dma source(%arg7 : memref<125x128xf32, #tpu.memory_space<vmem>>) target(%dma_start3A_128 : memref<10240x128xf32, #tpu.memory_space<vmem_shared>>) offsets(%dma_start3A_125 : memref<125xi32, #tpu.memory_space<vmem>>) semaphore(%run_scoped3A : memref<!tpu.dma_semaphore, #tpu.memory_space<semaphore_mem>>) {add = true}
      %dma_wait3A_129 = arith.constant 0 : i32
      %dma_wait3A_130 = tpu.memref_slice %arg6[%rem3A_106, %dma_wait3A_129] : memref<32x125xi32, #tpu.memory_space<vmem>> -> memref<1x125xi32, #tpu.memory_space<vmem>>
      %dma_wait3A_131 = tpu.memref_squeeze %dma_wait3A_130 : memref<1x125xi32, #tpu.memory_space<vmem>> -> memref<125xi32, #tpu.memory_space<vmem>>
      %dma_wait3A_132 = arith.constant 0 : i32
      %dma_wait3A_133 = arith.constant 0 : i32
      %dma_wait3A_134 = tpu.memref_slice %arg9[%dma_wait3A_132, %dma_wait3A_133] : memref<10240x128xf32, #tpu.memory_space<vmem_shared>> -> memref<10240x128xf32, #tpu.memory_space<vmem_shared>>
      tpu.wait_indirect_dma semaphore(%run_scoped3A : memref<!tpu.dma_semaphore, #tpu.memory_space<semaphore_mem>>) src(%arg7 : memref<125x128xf32, #tpu.memory_space<vmem>>) dst(%dma_wait3A_134 : memref<10240x128xf32, #tpu.memory_space<vmem_shared>>)
      tpu.yield
    }) : () -> ()
    %rem3A_107 = arith.constant 79 : i32
    %rem3A_108 = arith.constant 32 : i32
    %rem3A_109 = arith.remsi %rem3A_107, %rem3A_108 : i32
    %dma_wait3A_110 = arith.constant 0 : i32
    %dma_wait3A_111 = tpu.memref_slice %arg5[%rem3A_109, %dma_wait3A_110] : memref<32x125xi32, #tpu.memory_space<vmem>> -> memref<1x125xi32, #tpu.memory_space<vmem>>
    %dma_wait3A_112 = tpu.memref_squeeze %dma_wait3A_111 : memref<1x125xi32, #tpu.memory_space<vmem>> -> memref<125xi32, #tpu.memory_space<vmem>>
    %dma_wait3A_113 = arith.constant 0 : i32
    %dma_wait3A_114 = arith.constant 0 : i32
    %dma_wait3A_115 = tpu.memref_slice %arg2[%dma_wait3A_113, %dma_wait3A_114] : memref<10000x128xf32, #tpu.memory_space<hbm>> -> memref<10000x128xf32, #tpu.memory_space<hbm>>
    tpu.wait_indirect_dma semaphore(%arg11 : memref<!tpu.dma_semaphore, #tpu.memory_space<semaphore_mem>>) src(%dma_wait3A_115 : memref<10000x128xf32, #tpu.memory_space<hbm>>) dst(%arg8 : memref<125x128xf32, #tpu.memory_space<vmem>>)
    %rem3A_116 = arith.constant 79 : i32
    %rem3A_117 = arith.constant 32 : i32
    %rem3A_118 = arith.remsi %rem3A_116, %rem3A_117 : i32
    "tpu.region"() ({
      %run_scoped3A = tpu.sem_alloc : memref<!tpu.dma_semaphore, #tpu.memory_space<semaphore_mem>>
      %dma_start3A_123 = arith.constant 0 : i32
      %dma_start3A_124 = tpu.memref_slice %arg6[%rem3A_118, %dma_start3A_123] : memref<32x125xi32, #tpu.memory_space<vmem>> -> memref<1x125xi32, #tpu.memory_space<vmem>>
      %dma_start3A_125 = tpu.memref_squeeze %dma_start3A_124 : memref<1x125xi32, #tpu.memory_space<vmem>> -> memref<125xi32, #tpu.memory_space<vmem>>
      %dma_start3A_126 = arith.constant 0 : i32
      %dma_start3A_127 = arith.constant 0 : i32
      %dma_start3A_128 = tpu.memref_slice %arg9[%dma_start3A_126, %dma_start3A_127] : memref<10240x128xf32, #tpu.memory_space<vmem_shared>> -> memref<10240x128xf32, #tpu.memory_space<vmem_shared>>
      tpu.enqueue_indirect_dma source(%arg8 : memref<125x128xf32, #tpu.memory_space<vmem>>) target(%dma_start3A_128 : memref<10240x128xf32, #tpu.memory_space<vmem_shared>>) offsets(%dma_start3A_125 : memref<125xi32, #tpu.memory_space<vmem>>) semaphore(%run_scoped3A : memref<!tpu.dma_semaphore, #tpu.memory_space<semaphore_mem>>) {add = true}
      %dma_wait3A_129 = arith.constant 0 : i32
      %dma_wait3A_130 = tpu.memref_slice %arg6[%rem3A_118, %dma_wait3A_129] : memref<32x125xi32, #tpu.memory_space<vmem>> -> memref<1x125xi32, #tpu.memory_space<vmem>>
      %dma_wait3A_131 = tpu.memref_squeeze %dma_wait3A_130 : memref<1x125xi32, #tpu.memory_space<vmem>> -> memref<125xi32, #tpu.memory_space<vmem>>
      %dma_wait3A_132 = arith.constant 0 : i32
      %dma_wait3A_133 = arith.constant 0 : i32
      %dma_wait3A_134 = tpu.memref_slice %arg9[%dma_wait3A_132, %dma_wait3A_133] : memref<10240x128xf32, #tpu.memory_space<vmem_shared>> -> memref<10240x128xf32, #tpu.memory_space<vmem_shared>>
      tpu.wait_indirect_dma semaphore(%run_scoped3A : memref<!tpu.dma_semaphore, #tpu.memory_space<semaphore_mem>>) src(%arg8 : memref<125x128xf32, #tpu.memory_space<vmem>>) dst(%dma_wait3A_134 : memref<10240x128xf32, #tpu.memory_space<vmem_shared>>)
      tpu.yield
    }) : () -> ()
    %barrier3A_119 = arith.constant 0 : index
    tpu.barrier barrier_id(%barrier3A_119)
    %mul3A_120 = arith.constant 10240 : i32
    %mul3A_121 = arith.muli %arg0, %mul3A_120 : i32
    %add3A_122 = arith.addi %mul3A_121, %mul3A_2 : i32
    "tpu.region"() ({
      %run_scoped3A = tpu.sem_alloc : memref<!tpu.dma_semaphore, #tpu.memory_space<semaphore_mem>>
      %dma_start3A_123 = arith.constant 0 : i32
      %dma_start3A_124 = tpu.memref_slice %arg4[%add3A_122, %dma_start3A_123] : memref<20480x128xf32, #tpu.memory_space<hbm>> -> memref<640x128xf32, #tpu.memory_space<hbm>>
      %dma_start3A_125 = arith.constant 0 : i32
      %dma_start3A_126 = tpu.memref_slice %arg9[%mul3A_2, %dma_start3A_125] : memref<10240x128xf32, #tpu.memory_space<vmem_shared>> -> memref<640x128xf32, #tpu.memory_space<vmem_shared>>
      tpu.enqueue_dma source(%dma_start3A_126 : memref<640x128xf32, #tpu.memory_space<vmem_shared>>) target(%dma_start3A_124 : memref<640x128xf32, #tpu.memory_space<hbm>>) target_semaphore(%run_scoped3A : memref<!tpu.dma_semaphore, #tpu.memory_space<semaphore_mem>>)
      %dma_wait3A_127 = arith.constant 0 : i32
      %dma_wait3A_128 = tpu.memref_slice %arg4[%add3A_122, %dma_wait3A_127] : memref<20480x128xf32, #tpu.memory_space<hbm>> -> memref<640x128xf32, #tpu.memory_space<hbm>>
      %dma_wait3A_129 = arith.constant 0 : i32
      %dma_wait3A_130 = tpu.memref_slice %arg9[%mul3A_2, %dma_wait3A_129] : memref<10240x128xf32, #tpu.memory_space<vmem_shared>> -> memref<640x128xf32, #tpu.memory_space<vmem_shared>>
      tpu.wait_dma2 semaphore(%run_scoped3A : memref<!tpu.dma_semaphore, #tpu.memory_space<semaphore_mem>>) src(%dma_wait3A_130 : memref<640x128xf32, #tpu.memory_space<vmem_shared>>) dst(%dma_wait3A_128 : memref<640x128xf32, #tpu.memory_space<hbm>>)
      tpu.yield
    }) : () -> ()
    return
  }
}

#map = affine_map<(d0, d1) -> (0, 0)>
#map1 = affine_map<(d0, d1) -> (0)>
module attributes {stable_mosaic.version = 14 : i64} {
  func.func @_deg_body(%arg0: i32, %arg1: i32, %arg2: memref<5120x125xi32, #tpu.memory_space<hbm>>, %arg3: memref<20480xf32, #tpu.memory_space<hbm>>, %arg4: memref<80x125xi32, #tpu.memory_space<vmem>>, %arg5: memref<10240xf32, #tpu.memory_space<vmem>>, %arg6: memref<16x640xf32, #tpu.memory_space<vmem>>, %arg7: memref<640xf32, #tpu.memory_space<vmem>>, %arg8: memref<16x10240xf32, #tpu.memory_space<vmem_shared>>) attributes {dimension_semantics = [#tpu.dimension_semantics<core_parallel>, #tpu.dimension_semantics<subcore_parallel>], iteration_bounds = array<i64: 2, 16>, scalar_prefetch = 0 : i64, scratch_operands = 5 : i64, tpu.core_type = #tpu.core_type<sc_vector_subcore>, window_params = [{transform_indices = #map}, {transform_indices = #map1}]} {
    %mul3A = arith.constant 16 : i32
    %mul3A_0 = arith.muli %arg0, %mul3A : i32
    %add3A = arith.addi %mul3A_0, %arg1 : i32
    %mul3A_1 = arith.constant 80 : i32
    %mul3A_2 = arith.muli %add3A, %mul3A_1 : i32
    %add3A_3 = arith.constant 2560 : i32
    %add3A_4 = arith.addi %add3A_3, %mul3A_2 : i32
    "tpu.region"() ({
      %run_scoped3A = tpu.sem_alloc : memref<!tpu.dma_semaphore, #tpu.memory_space<semaphore_mem>>
      %dma_start3A = arith.constant 0 : i32
      %dma_start3A_27 = tpu.memref_slice %arg2[%add3A_4, %dma_start3A] : memref<5120x125xi32, #tpu.memory_space<hbm>> -> memref<80x125xi32, #tpu.memory_space<hbm>>
      %dma_start3A_28 = arith.constant 0 : i32
      %dma_start3A_29 = tpu.memref_slice %arg2[%add3A_4, %dma_start3A_28] : memref<5120x125xi32, #tpu.memory_space<hbm>> -> memref<80x125xi32, #tpu.memory_space<hbm>>
      tpu.enqueue_dma source(%dma_start3A_29 : memref<80x125xi32, #tpu.memory_space<hbm>>) target(%arg4 : memref<80x125xi32, #tpu.memory_space<vmem>>) target_semaphore(%run_scoped3A : memref<!tpu.dma_semaphore, #tpu.memory_space<semaphore_mem>>)
      %dma_wait3A = arith.constant 0 : i32
      %dma_wait3A_30 = tpu.memref_slice %arg2[%add3A_4, %dma_wait3A] : memref<5120x125xi32, #tpu.memory_space<hbm>> -> memref<80x125xi32, #tpu.memory_space<hbm>>
      %dma_wait3A_31 = arith.constant 0 : i32
      %dma_wait3A_32 = tpu.memref_slice %arg2[%add3A_4, %dma_wait3A_31] : memref<5120x125xi32, #tpu.memory_space<hbm>> -> memref<80x125xi32, #tpu.memory_space<hbm>>
      tpu.wait_dma2 semaphore(%run_scoped3A : memref<!tpu.dma_semaphore, #tpu.memory_space<semaphore_mem>>) src(%dma_wait3A_32 : memref<80x125xi32, #tpu.memory_space<hbm>>) dst(%arg4 : memref<80x125xi32, #tpu.memory_space<vmem>>)
      tpu.yield
    }) : () -> ()
    %scan3A = arith.constant 0 : i32
    %scan3A_5 = arith.constant 640 : i32
    %scan3A_6 = arith.addi %scan3A, %scan3A_5 : i32
    %scan3A_7 = arith.constant 1 : i32
    scf.for %scan3A_27 = %scan3A to %scan3A_6 step %scan3A_7  : i32 {
      %broadcast_in_dim3A_28 = arith.constant 0.000000e+00 : f32
      %broadcast_in_dim3A_29 = vector.broadcast %broadcast_in_dim3A_28 : f32 to vector<16xf32>
      %mul3A_30 = arith.constant 16 : i32
      %mul3A_31 = arith.muli %scan3A_27, %mul3A_30 : i32
      %swap3A = arith.index_cast %mul3A_31 : i32 to index
      %swap3A_32 = tpu.vector_load %arg5[%swap3A] {strides = array<i32>} : memref<10240xf32, #tpu.memory_space<vmem>>, vector<16xf32>,
      tpu.vector_store %arg5[%swap3A], %broadcast_in_dim3A_29 {strides = array<i32>} : memref<10240xf32, #tpu.memory_space<vmem>>, vector<16xf32>,
    }
    %scan3A_8 = arith.constant 640 : i32
    %broadcast_in_dim3A = arith.constant 1.000000e+00 : f32
    %broadcast_in_dim3A_9 = vector.broadcast %broadcast_in_dim3A : f32 to vector<16xf32>
    %iota3A = tpu.iota {dimensions = array<i32: 0>} : vector<16xi32>
    %broadcast_in_dim3A_10 = arith.constant 3 : i32
    %broadcast_in_dim3A_11 = vector.broadcast %broadcast_in_dim3A_10 : i32 to vector<16xi32>
    %ge3A = arith.cmpi sge, %iota3A, %broadcast_in_dim3A_11 : vector<16xi32>
    %scan3A_12 = arith.constant 0 : i32
    %scan3A_13 = arith.constant 80 : i32
    %scan3A_14 = arith.addi %scan3A_12, %scan3A_13 : i32
    %scan3A_15 = arith.constant 1 : i32
    scf.for %scan3A_27 = %scan3A_12 to %scan3A_14 step %scan3A_15  : i32 {
      %get3A = arith.index_cast %scan3A_27 : i32 to index
      %get3A_28 = arith.constant 0 : index
      %get3A_29 = tpu.vector_load %arg4[%get3A, %get3A_28] {strides = array<i32>} : memref<80x125xi32, #tpu.memory_space<vmem>>, vector<16xi32>,
      tpu.vector_store_idx %arg5[%get3A_29], %broadcast_in_dim3A_9 {add = true} : memref<10240xf32, #tpu.memory_space<vmem>>[vector<16xi32>], vector<16xf32>,
      %get3A_30 = arith.index_cast %scan3A_27 : i32 to index
      %get3A_31 = arith.constant 16 : index
      %get3A_32 = tpu.vector_load %arg4[%get3A_30, %get3A_31] {strides = array<i32>} : memref<80x125xi32, #tpu.memory_space<vmem>>, vector<16xi32>,
      tpu.vector_store_idx %arg5[%get3A_32], %broadcast_in_dim3A_9 {add = true} : memref<10240xf32, #tpu.memory_space<vmem>>[vector<16xi32>], vector<16xf32>,
      %get3A_33 = arith.index_cast %scan3A_27 : i32 to index
      %get3A_34 = arith.constant 32 : index
      %get3A_35 = tpu.vector_load %arg4[%get3A_33, %get3A_34] {strides = array<i32>} : memref<80x125xi32, #tpu.memory_space<vmem>>, vector<16xi32>,
      tpu.vector_store_idx %arg5[%get3A_35], %broadcast_in_dim3A_9 {add = true} : memref<10240xf32, #tpu.memory_space<vmem>>[vector<16xi32>], vector<16xf32>,
      %get3A_36 = arith.index_cast %scan3A_27 : i32 to index
      %get3A_37 = arith.constant 48 : index
      %get3A_38 = tpu.vector_load %arg4[%get3A_36, %get3A_37] {strides = array<i32>} : memref<80x125xi32, #tpu.memory_space<vmem>>, vector<16xi32>,
      tpu.vector_store_idx %arg5[%get3A_38], %broadcast_in_dim3A_9 {add = true} : memref<10240xf32, #tpu.memory_space<vmem>>[vector<16xi32>], vector<16xf32>,
      %get3A_39 = arith.index_cast %scan3A_27 : i32 to index
      %get3A_40 = arith.constant 64 : index
      %get3A_41 = tpu.vector_load %arg4[%get3A_39, %get3A_40] {strides = array<i32>} : memref<80x125xi32, #tpu.memory_space<vmem>>, vector<16xi32>,
      tpu.vector_store_idx %arg5[%get3A_41], %broadcast_in_dim3A_9 {add = true} : memref<10240xf32, #tpu.memory_space<vmem>>[vector<16xi32>], vector<16xf32>,
      %get3A_42 = arith.index_cast %scan3A_27 : i32 to index
      %get3A_43 = arith.constant 80 : index
      %get3A_44 = tpu.vector_load %arg4[%get3A_42, %get3A_43] {strides = array<i32>} : memref<80x125xi32, #tpu.memory_space<vmem>>, vector<16xi32>,
      tpu.vector_store_idx %arg5[%get3A_44], %broadcast_in_dim3A_9 {add = true} : memref<10240xf32, #tpu.memory_space<vmem>>[vector<16xi32>], vector<16xf32>,
      %get3A_45 = arith.index_cast %scan3A_27 : i32 to index
      %get3A_46 = arith.constant 96 : index
      %get3A_47 = tpu.vector_load %arg4[%get3A_45, %get3A_46] {strides = array<i32>} : memref<80x125xi32, #tpu.memory_space<vmem>>, vector<16xi32>,
      tpu.vector_store_idx %arg5[%get3A_47], %broadcast_in_dim3A_9 {add = true} : memref<10240xf32, #tpu.memory_space<vmem>>[vector<16xi32>], vector<16xf32>,
      %get3A_48 = arith.index_cast %scan3A_27 : i32 to index
      %get3A_49 = arith.constant 109 : index
      %get3A_50 = tpu.vector_load %arg4[%get3A_48, %get3A_49] {strides = array<i32>} : memref<80x125xi32, #tpu.memory_space<vmem>>, vector<16xi32>,
      tpu.vector_store_idx %arg5[%get3A_50], %broadcast_in_dim3A_9 masked %ge3A {add = true} : memref<10240xf32, #tpu.memory_space<vmem>>[vector<16xi32>], vector<16xf32>, vector<16xi1>
    }
    %scan3A_16 = arith.constant 80 : i32
    "tpu.region"() ({
      %run_scoped3A = tpu.sem_alloc : memref<!tpu.dma_semaphore, #tpu.memory_space<semaphore_mem>>
      %dma_start3A = arith.constant 0 : i32
      %dma_start3A_27 = tpu.memref_slice %arg8[%arg1, %dma_start3A] : memref<16x10240xf32, #tpu.memory_space<vmem_shared>> -> memref<1x10240xf32, #tpu.memory_space<vmem_shared>>
      %dma_start3A_28 = tpu.memref_squeeze %dma_start3A_27 : memref<1x10240xf32, #tpu.memory_space<vmem_shared>> -> memref<10240xf32, #tpu.memory_space<vmem_shared>>
      %dma_start3A_29 = arith.constant 0 : i32
      %dma_start3A_30 = tpu.memref_slice %arg8[%arg1, %dma_start3A_29] : memref<16x10240xf32, #tpu.memory_space<vmem_shared>> -> memref<1x10240xf32, #tpu.memory_space<vmem_shared>>
      %dma_start3A_31 = tpu.memref_squeeze %dma_start3A_30 : memref<1x10240xf32, #tpu.memory_space<vmem_shared>> -> memref<10240xf32, #tpu.memory_space<vmem_shared>>
      tpu.enqueue_dma source(%arg5 : memref<10240xf32, #tpu.memory_space<vmem>>) target(%dma_start3A_31 : memref<10240xf32, #tpu.memory_space<vmem_shared>>) target_semaphore(%run_scoped3A : memref<!tpu.dma_semaphore, #tpu.memory_space<semaphore_mem>>)
      %dma_wait3A = arith.constant 0 : i32
      %dma_wait3A_32 = tpu.memref_slice %arg8[%arg1, %dma_wait3A] : memref<16x10240xf32, #tpu.memory_space<vmem_shared>> -> memref<1x10240xf32, #tpu.memory_space<vmem_shared>>
      %dma_wait3A_33 = tpu.memref_squeeze %dma_wait3A_32 : memref<1x10240xf32, #tpu.memory_space<vmem_shared>> -> memref<10240xf32, #tpu.memory_space<vmem_shared>>
      %dma_wait3A_34 = arith.constant 0 : i32
      %dma_wait3A_35 = tpu.memref_slice %arg8[%arg1, %dma_wait3A_34] : memref<16x10240xf32, #tpu.memory_space<vmem_shared>> -> memref<1x10240xf32, #tpu.memory_space<vmem_shared>>
      %dma_wait3A_36 = tpu.memref_squeeze %dma_wait3A_35 : memref<1x10240xf32, #tpu.memory_space<vmem_shared>> -> memref<10240xf32, #tpu.memory_space<vmem_shared>>
      tpu.wait_dma2 semaphore(%run_scoped3A : memref<!tpu.dma_semaphore, #tpu.memory_space<semaphore_mem>>) src(%arg5 : memref<10240xf32, #tpu.memory_space<vmem>>) dst(%dma_wait3A_36 : memref<10240xf32, #tpu.memory_space<vmem_shared>>)
      tpu.yield
    }) : () -> ()
    %barrier3A = arith.constant 0 : index
    tpu.barrier barrier_id(%barrier3A)
    %mul3A_17 = arith.constant 640 : i32
    %mul3A_18 = arith.muli %arg1, %mul3A_17 : i32
    "tpu.region"() ({
      %run_scoped3A = tpu.sem_alloc : memref<!tpu.dma_semaphore, #tpu.memory_space<semaphore_mem>>
      %dma_start3A = arith.constant 0 : i32
      %dma_start3A_27 = tpu.memref_slice %arg8[%dma_start3A, %mul3A_18] : memref<16x10240xf32, #tpu.memory_space<vmem_shared>> -> memref<16x640xf32, #tpu.memory_space<vmem_shared>>
      %dma_start3A_28 = arith.constant 0 : i32
      %dma_start3A_29 = tpu.memref_slice %arg8[%dma_start3A_28, %mul3A_18] : memref<16x10240xf32, #tpu.memory_space<vmem_shared>> -> memref<16x640xf32, #tpu.memory_space<vmem_shared>>
      tpu.enqueue_dma source(%dma_start3A_29 : memref<16x640xf32, #tpu.memory_space<vmem_shared>>) target(%arg6 : memref<16x640xf32, #tpu.memory_space<vmem>>) target_semaphore(%run_scoped3A : memref<!tpu.dma_semaphore, #tpu.memory_space<semaphore_mem>>)
      %dma_wait3A = arith.constant 0 : i32
      %dma_wait3A_30 = tpu.memref_slice %arg8[%dma_wait3A, %mul3A_18] : memref<16x10240xf32, #tpu.memory_space<vmem_shared>> -> memref<16x640xf32, #tpu.memory_space<vmem_shared>>
      %dma_wait3A_31 = arith.constant 0 : i32
      %dma_wait3A_32 = tpu.memref_slice %arg8[%dma_wait3A_31, %mul3A_18] : memref<16x10240xf32, #tpu.memory_space<vmem_shared>> -> memref<16x640xf32, #tpu.memory_space<vmem_shared>>
      tpu.wait_dma2 semaphore(%run_scoped3A : memref<!tpu.dma_semaphore, #tpu.memory_space<semaphore_mem>>) src(%dma_wait3A_32 : memref<16x640xf32, #tpu.memory_space<vmem_shared>>) dst(%arg6 : memref<16x640xf32, #tpu.memory_space<vmem>>)
      tpu.yield
    }) : () -> ()
    %scan3A_19 = arith.constant 0 : i32
    %scan3A_20 = arith.constant 40 : i32
    %scan3A_21 = arith.addi %scan3A_19, %scan3A_20 : i32
    %scan3A_22 = arith.constant 1 : i32
    scf.for %scan3A_27 = %scan3A_19 to %scan3A_21 step %scan3A_22  : i32 {
      %mul3A_28 = arith.constant 16 : i32
      %mul3A_29 = arith.muli %scan3A_27, %mul3A_28 : i32
      %get3A = arith.constant 0 : i32
      %get3A_30 = arith.index_cast %get3A : i32 to index
      %get3A_31 = arith.index_cast %mul3A_29 : i32 to index
      %get3A_32 = tpu.vector_load %arg6[%get3A_30, %get3A_31] {strides = array<i32>} : memref<16x640xf32, #tpu.memory_space<vmem>>, vector<16xf32>,
      %mul3A_33 = arith.constant 16 : i32
      %mul3A_34 = arith.muli %scan3A_27, %mul3A_33 : i32
      %get3A_35 = arith.constant 1 : i32
      %get3A_36 = arith.index_cast %get3A_35 : i32 to index
      %get3A_37 = arith.index_cast %mul3A_34 : i32 to index
      %get3A_38 = tpu.vector_load %arg6[%get3A_36, %get3A_37] {strides = array<i32>} : memref<16x640xf32, #tpu.memory_space<vmem>>, vector<16xf32>,
      %add3A_39 = arith.addf %get3A_32, %get3A_38 : vector<16xf32>
      %mul3A_40 = arith.constant 16 : i32
      %mul3A_41 = arith.muli %scan3A_27, %mul3A_40 : i32
      %get3A_42 = arith.constant 2 : i32
      %get3A_43 = arith.index_cast %get3A_42 : i32 to index
      %get3A_44 = arith.index_cast %mul3A_41 : i32 to index
      %get3A_45 = tpu.vector_load %arg6[%get3A_43, %get3A_44] {strides = array<i32>} : memref<16x640xf32, #tpu.memory_space<vmem>>, vector<16xf32>,
      %add3A_46 = arith.addf %add3A_39, %get3A_45 : vector<16xf32>
      %mul3A_47 = arith.constant 16 : i32
      %mul3A_48 = arith.muli %scan3A_27, %mul3A_47 : i32
      %get3A_49 = arith.constant 3 : i32
      %get3A_50 = arith.index_cast %get3A_49 : i32 to index
      %get3A_51 = arith.index_cast %mul3A_48 : i32 to index
      %get3A_52 = tpu.vector_load %arg6[%get3A_50, %get3A_51] {strides = array<i32>} : memref<16x640xf32, #tpu.memory_space<vmem>>, vector<16xf32>,
      %add3A_53 = arith.addf %add3A_46, %get3A_52 : vector<16xf32>
      %mul3A_54 = arith.constant 16 : i32
      %mul3A_55 = arith.muli %scan3A_27, %mul3A_54 : i32
      %get3A_56 = arith.constant 4 : i32
      %get3A_57 = arith.index_cast %get3A_56 : i32 to index
      %get3A_58 = arith.index_cast %mul3A_55 : i32 to index
      %get3A_59 = tpu.vector_load %arg6[%get3A_57, %get3A_58] {strides = array<i32>} : memref<16x640xf32, #tpu.memory_space<vmem>>, vector<16xf32>,
      %add3A_60 = arith.addf %add3A_53, %get3A_59 : vector<16xf32>
      %mul3A_61 = arith.constant 16 : i32
      %mul3A_62 = arith.muli %scan3A_27, %mul3A_61 : i32
      %get3A_63 = arith.constant 5 : i32
      %get3A_64 = arith.index_cast %get3A_63 : i32 to index
      %get3A_65 = arith.index_cast %mul3A_62 : i32 to index
      %get3A_66 = tpu.vector_load %arg6[%get3A_64, %get3A_65] {strides = array<i32>} : memref<16x640xf32, #tpu.memory_space<vmem>>, vector<16xf32>,
      %add3A_67 = arith.addf %add3A_60, %get3A_66 : vector<16xf32>
      %mul3A_68 = arith.constant 16 : i32
      %mul3A_69 = arith.muli %scan3A_27, %mul3A_68 : i32
      %get3A_70 = arith.constant 6 : i32
      %get3A_71 = arith.index_cast %get3A_70 : i32 to index
      %get3A_72 = arith.index_cast %mul3A_69 : i32 to index
      %get3A_73 = tpu.vector_load %arg6[%get3A_71, %get3A_72] {strides = array<i32>} : memref<16x640xf32, #tpu.memory_space<vmem>>, vector<16xf32>,
      %add3A_74 = arith.addf %add3A_67, %get3A_73 : vector<16xf32>
      %mul3A_75 = arith.constant 16 : i32
      %mul3A_76 = arith.muli %scan3A_27, %mul3A_75 : i32
      %get3A_77 = arith.constant 7 : i32
      %get3A_78 = arith.index_cast %get3A_77 : i32 to index
      %get3A_79 = arith.index_cast %mul3A_76 : i32 to index
      %get3A_80 = tpu.vector_load %arg6[%get3A_78, %get3A_79] {strides = array<i32>} : memref<16x640xf32, #tpu.memory_space<vmem>>, vector<16xf32>,
      %add3A_81 = arith.addf %add3A_74, %get3A_80 : vector<16xf32>
      %mul3A_82 = arith.constant 16 : i32
      %mul3A_83 = arith.muli %scan3A_27, %mul3A_82 : i32
      %get3A_84 = arith.constant 8 : i32
      %get3A_85 = arith.index_cast %get3A_84 : i32 to index
      %get3A_86 = arith.index_cast %mul3A_83 : i32 to index
      %get3A_87 = tpu.vector_load %arg6[%get3A_85, %get3A_86] {strides = array<i32>} : memref<16x640xf32, #tpu.memory_space<vmem>>, vector<16xf32>,
      %add3A_88 = arith.addf %add3A_81, %get3A_87 : vector<16xf32>
      %mul3A_89 = arith.constant 16 : i32
      %mul3A_90 = arith.muli %scan3A_27, %mul3A_89 : i32
      %get3A_91 = arith.constant 9 : i32
      %get3A_92 = arith.index_cast %get3A_91 : i32 to index
      %get3A_93 = arith.index_cast %mul3A_90 : i32 to index
      %get3A_94 = tpu.vector_load %arg6[%get3A_92, %get3A_93] {strides = array<i32>} : memref<16x640xf32, #tpu.memory_space<vmem>>, vector<16xf32>,
      %add3A_95 = arith.addf %add3A_88, %get3A_94 : vector<16xf32>
      %mul3A_96 = arith.constant 16 : i32
      %mul3A_97 = arith.muli %scan3A_27, %mul3A_96 : i32
      %get3A_98 = arith.constant 10 : i32
      %get3A_99 = arith.index_cast %get3A_98 : i32 to index
      %get3A_100 = arith.index_cast %mul3A_97 : i32 to index
      %get3A_101 = tpu.vector_load %arg6[%get3A_99, %get3A_100] {strides = array<i32>} : memref<16x640xf32, #tpu.memory_space<vmem>>, vector<16xf32>,
      %add3A_102 = arith.addf %add3A_95, %get3A_101 : vector<16xf32>
      %mul3A_103 = arith.constant 16 : i32
      %mul3A_104 = arith.muli %scan3A_27, %mul3A_103 : i32
      %get3A_105 = arith.constant 11 : i32
      %get3A_106 = arith.index_cast %get3A_105 : i32 to index
      %get3A_107 = arith.index_cast %mul3A_104 : i32 to index
      %get3A_108 = tpu.vector_load %arg6[%get3A_106, %get3A_107] {strides = array<i32>} : memref<16x640xf32, #tpu.memory_space<vmem>>, vector<16xf32>,
      %add3A_109 = arith.addf %add3A_102, %get3A_108 : vector<16xf32>
      %mul3A_110 = arith.constant 16 : i32
      %mul3A_111 = arith.muli %scan3A_27, %mul3A_110 : i32
      %get3A_112 = arith.constant 12 : i32
      %get3A_113 = arith.index_cast %get3A_112 : i32 to index
      %get3A_114 = arith.index_cast %mul3A_111 : i32 to index
      %get3A_115 = tpu.vector_load %arg6[%get3A_113, %get3A_114] {strides = array<i32>} : memref<16x640xf32, #tpu.memory_space<vmem>>, vector<16xf32>,
      %add3A_116 = arith.addf %add3A_109, %get3A_115 : vector<16xf32>
      %mul3A_117 = arith.constant 16 : i32
      %mul3A_118 = arith.muli %scan3A_27, %mul3A_117 : i32
      %get3A_119 = arith.constant 13 : i32
      %get3A_120 = arith.index_cast %get3A_119 : i32 to index
      %get3A_121 = arith.index_cast %mul3A_118 : i32 to index
      %get3A_122 = tpu.vector_load %arg6[%get3A_120, %get3A_121] {strides = array<i32>} : memref<16x640xf32, #tpu.memory_space<vmem>>, vector<16xf32>,
      %add3A_123 = arith.addf %add3A_116, %get3A_122 : vector<16xf32>
      %mul3A_124 = arith.constant 16 : i32
      %mul3A_125 = arith.muli %scan3A_27, %mul3A_124 : i32
      %get3A_126 = arith.constant 14 : i32
      %get3A_127 = arith.index_cast %get3A_126 : i32 to index
      %get3A_128 = arith.index_cast %mul3A_125 : i32 to index
      %get3A_129 = tpu.vector_load %arg6[%get3A_127, %get3A_128] {strides = array<i32>} : memref<16x640xf32, #tpu.memory_space<vmem>>, vector<16xf32>,
      %add3A_130 = arith.addf %add3A_123, %get3A_129 : vector<16xf32>
      %mul3A_131 = arith.constant 16 : i32
      %mul3A_132 = arith.muli %scan3A_27, %mul3A_131 : i32
      %get3A_133 = arith.constant 15 : i32
      %get3A_134 = arith.index_cast %get3A_133 : i32 to index
      %get3A_135 = arith.index_cast %mul3A_132 : i32 to index
      %get3A_136 = tpu.vector_load %arg6[%get3A_134, %get3A_135] {strides = array<i32>} : memref<16x640xf32, #tpu.memory_space<vmem>>, vector<16xf32>,
      %add3A_137 = arith.addf %add3A_130, %get3A_136 : vector<16xf32>
      %mul3A_138 = arith.constant 16 : i32
      %mul3A_139 = arith.muli %scan3A_27, %mul3A_138 : i32
      %swap3A = arith.index_cast %mul3A_139 : i32 to index
      %swap3A_140 = tpu.vector_load %arg7[%swap3A] {strides = array<i32>} : memref<640xf32, #tpu.memory_space<vmem>>, vector<16xf32>,
      tpu.vector_store %arg7[%swap3A], %add3A_137 {strides = array<i32>} : memref<640xf32, #tpu.memory_space<vmem>>, vector<16xf32>,
    }
    %scan3A_23 = arith.constant 40 : i32
    %mul3A_24 = arith.constant 10240 : i32
    %mul3A_25 = arith.muli %arg0, %mul3A_24 : i32
    %add3A_26 = arith.addi %mul3A_25, %mul3A_18 : i32
    "tpu.region"() ({
      %run_scoped3A = tpu.sem_alloc : memref<!tpu.dma_semaphore, #tpu.memory_space<semaphore_mem>>
      %dma_start3A = tpu.memref_slice %arg3[%add3A_26] : memref<20480xf32, #tpu.memory_space<hbm>> -> memref<640xf32, #tpu.memory_space<hbm>>
      %dma_start3A_27 = tpu.memref_slice %arg3[%add3A_26] : memref<20480xf32, #tpu.memory_space<hbm>> -> memref<640xf32, #tpu.memory_space<hbm>>
      tpu.enqueue_dma source(%arg7 : memref<640xf32, #tpu.memory_space<vmem>>) target(%dma_start3A_27 : memref<640xf32, #tpu.memory_space<hbm>>) target_semaphore(%run_scoped3A : memref<!tpu.dma_semaphore, #tpu.memory_space<semaphore_mem>>)
      %dma_wait3A = tpu.memref_slice %arg3[%add3A_26] : memref<20480xf32, #tpu.memory_space<hbm>> -> memref<640xf32, #tpu.memory_space<hbm>>
      %dma_wait3A_28 = tpu.memref_slice %arg3[%add3A_26] : memref<20480xf32, #tpu.memory_space<hbm>> -> memref<640xf32, #tpu.memory_space<hbm>>
      tpu.wait_dma2 semaphore(%run_scoped3A : memref<!tpu.dma_semaphore, #tpu.memory_space<semaphore_mem>>) src(%arg7 : memref<640xf32, #tpu.memory_space<vmem>>) dst(%dma_wait3A_28 : memref<640xf32, #tpu.memory_space<hbm>>)
      tpu.yield
    }) : () -> ()
    return
  }
}

module attributes {stable_mosaic.version = 14 : i64} {
  func.func @_mm1_body(%arg0: i32, %arg1: memref<1000x128xf32, #tpu.memory_space<vmem>>, %arg2: memref<128x128xf32, #tpu.memory_space<vmem>>, %arg3: memref<1000x1xf32, #tpu.memory_space<vmem>>, %arg4: memref<1000x128xf32, #tpu.memory_space<vmem>>) attributes {dimension_semantics = [#tpu.dimension_semantics<arbitrary>], iteration_bounds = array<i64: 10>, scalar_prefetch = 0 : i64, scratch_operands = 0 : i64, tpu.core_type = #tpu.core_type<tc>, window_params = [{transform_indices = @transform_0, window_bounds = array<i64: 1000, 128>}, {pipeline_mode = #tpu.pipeline_mode<synchronous>, transform_indices = @transform_1, window_bounds = array<i64: 128, 128>}, {transform_indices = @transform_2, window_bounds = array<i64: 1000, 1>}, {transform_indices = @transform_3, window_bounds = array<i64: 1000, 128>}]} {
    %get3A = arith.constant 0 : index
    %get3A_0 = arith.constant 0 : index
    %get3A_1 = vector.load %arg1[%get3A, %get3A_0] : memref<1000x128xf32, #tpu.memory_space<vmem>>, vector<1000x128xf32>
    %get3A_2 = arith.constant 0 : index
    %get3A_3 = arith.constant 0 : index
    %get3A_4 = vector.load %arg2[%get3A_2, %get3A_3] : memref<128x128xf32, #tpu.memory_space<vmem>>, vector<128x128xf32>
    %dot_general3A = arith.constant dense<0.000000e+00> : vector<1000x128xf32>
    %dot_general3A_5 = tpu.matmul %get3A_1, %get3A_4, %dot_general3A {dimension_numbers = #tpu.dot_dimension_numbers<[1], [0], [0], [1], [0, 0, 1, 1], [], []>, transpose_lhs_hint = false} : vector<1000x128xf32>, vector<128x128xf32>, vector<1000x128xf32> -> vector<1000x128xf32>
    %get3A_6 = arith.constant 0 : index
    %get3A_7 = arith.constant 0 : index
    %get3A_8 = vector.load %arg3[%get3A_6, %get3A_7] : memref<1000x1xf32, #tpu.memory_space<vmem>>, vector<1000x1xf32>
    %add3A = arith.constant 1.000000e+00 : f32
    %add3A_9 = vector.broadcast %add3A : f32 to vector<1000x1xf32>
    %add3A_10 = arith.addf %get3A_8, %add3A_9 : vector<1000x1xf32>
    %rsqrt3A = math.rsqrt %add3A_10 : vector<1000x1xf32>
    %mul3A = vector.broadcast %rsqrt3A : vector<1000x1xf32> to vector<1000x128xf32>
    %mul3A_11 = arith.mulf %dot_general3A_5, %mul3A : vector<1000x128xf32>
    %swap3A = arith.constant 0 : index
    %swap3A_12 = arith.constant 0 : index
    %swap3A_13 = vector.load %arg4[%swap3A, %swap3A_12] : memref<1000x128xf32, #tpu.memory_space<vmem>>, vector<1000x128xf32>
    tpu.vector_store %arg4[%swap3A, %swap3A_12], %mul3A_11 {strides = array<i32>} : memref<1000x128xf32, #tpu.memory_space<vmem>>, vector<1000x128xf32>,
    return
  }
  func.func @transform_0(%arg0: i32) -> (i32, i32) {
    %c0_i32 = arith.constant 0 : i32
    %c0_i32_0 = arith.constant 0 : i32
    return %arg0, %c0_i32 : i32, i32
  }
  func.func @transform_1(%arg0: i32) -> (i32, i32) {
    %c0_i32 = arith.constant 0 : i32
    %c0_i32_0 = arith.constant 0 : i32
    %c0_i32_1 = arith.constant 0 : i32
    return %c0_i32, %c0_i32_0 : i32, i32
  }
  func.func @transform_2(%arg0: i32) -> (i32, i32) {
    %c0_i32 = arith.constant 0 : i32
    %c0_i32_0 = arith.constant 0 : i32
    return %arg0, %c0_i32 : i32, i32
  }
  func.func @transform_3(%arg0: i32) -> (i32, i32) {
    %c0_i32 = arith.constant 0 : i32
    %c0_i32_0 = arith.constant 0 : i32
    return %arg0, %c0_i32 : i32, i32
  }
}

module attributes {stable_mosaic.version = 14 : i64} {
  func.func @_mm2_body(%arg0: i32, %arg1: memref<1000x128xf32, #tpu.memory_space<vmem>>, %arg2: memref<1000x128xf32, #tpu.memory_space<vmem>>, %arg3: memref<1000x128xf32, #tpu.memory_space<vmem>>, %arg4: memref<1000x1xf32, #tpu.memory_space<vmem>>, %arg5: memref<1x128xf32, #tpu.memory_space<vmem>>, %arg6: memref<128x128xf32, #tpu.memory_space<vmem>>, %arg7: memref<1000x128xf32, #tpu.memory_space<vmem>>) attributes {dimension_semantics = [#tpu.dimension_semantics<arbitrary>], iteration_bounds = array<i64: 10>, scalar_prefetch = 0 : i64, scratch_operands = 0 : i64, tpu.core_type = #tpu.core_type<tc>, window_params = [{transform_indices = @transform_0, window_bounds = array<i64: 1000, 128>}, {transform_indices = @transform_1, window_bounds = array<i64: 1000, 128>}, {transform_indices = @transform_2, window_bounds = array<i64: 1000, 128>}, {transform_indices = @transform_3, window_bounds = array<i64: 1000, 1>}, {pipeline_mode = #tpu.pipeline_mode<synchronous>, transform_indices = @transform_4, window_bounds = array<i64: 1, 128>}, {pipeline_mode = #tpu.pipeline_mode<synchronous>, transform_indices = @transform_5, window_bounds = array<i64: 128, 128>}, {transform_indices = @transform_6, window_bounds = array<i64: 1000, 128>}]} {
    %get3A = arith.constant 0 : index
    %get3A_0 = arith.constant 0 : index
    %get3A_1 = vector.load %arg4[%get3A, %get3A_0] : memref<1000x1xf32, #tpu.memory_space<vmem>>, vector<1000x1xf32>
    %add3A = arith.constant 1.000000e+00 : f32
    %add3A_2 = vector.broadcast %add3A : f32 to vector<1000x1xf32>
    %add3A_3 = arith.addf %get3A_1, %add3A_2 : vector<1000x1xf32>
    %rsqrt3A = math.rsqrt %add3A_3 : vector<1000x1xf32>
    %get3A_4 = arith.constant 0 : index
    %get3A_5 = arith.constant 0 : index
    %get3A_6 = vector.load %arg1[%get3A_4, %get3A_5] : memref<1000x128xf32, #tpu.memory_space<vmem>>, vector<1000x128xf32>
    %get3A_7 = arith.constant 0 : index
    %get3A_8 = arith.constant 0 : index
    %get3A_9 = vector.load %arg2[%get3A_7, %get3A_8] : memref<1000x128xf32, #tpu.memory_space<vmem>>, vector<1000x128xf32>
    %add3A_10 = arith.addf %get3A_6, %get3A_9 : vector<1000x128xf32>
    %get3A_11 = arith.constant 0 : index
    %get3A_12 = arith.constant 0 : index
    %get3A_13 = vector.load %arg3[%get3A_11, %get3A_12] : memref<1000x128xf32, #tpu.memory_space<vmem>>, vector<1000x128xf32>
    %add3A_14 = arith.addf %add3A_10, %get3A_13 : vector<1000x128xf32>
    %mul3A = vector.broadcast %rsqrt3A : vector<1000x1xf32> to vector<1000x128xf32>
    %mul3A_15 = arith.mulf %mul3A, %add3A_14 : vector<1000x128xf32>
    %get3A_16 = arith.constant 0 : index
    %get3A_17 = arith.constant 0 : index
    %get3A_18 = vector.load %arg5[%get3A_16, %get3A_17] : memref<1x128xf32, #tpu.memory_space<vmem>>, vector<1x128xf32>
    %add3A_19 = vector.broadcast %get3A_18 : vector<1x128xf32> to vector<1000x128xf32>
    %add3A_20 = arith.addf %mul3A_15, %add3A_19 : vector<1000x128xf32>
    %max3A = arith.constant 0.000000e+00 : f32
    %max3A_21 = vector.broadcast %max3A : f32 to vector<1000x128xf32>
    %max3A_22 = arith.maximumf %add3A_20, %max3A_21 : vector<1000x128xf32>
    %get3A_23 = arith.constant 0 : index
    %get3A_24 = arith.constant 0 : index
    %get3A_25 = vector.load %arg6[%get3A_23, %get3A_24] : memref<128x128xf32, #tpu.memory_space<vmem>>, vector<128x128xf32>
    %dot_general3A = arith.constant dense<0.000000e+00> : vector<1000x128xf32>
    %dot_general3A_26 = tpu.matmul %max3A_22, %get3A_25, %dot_general3A {dimension_numbers = #tpu.dot_dimension_numbers<[1], [0], [0], [1], [0, 0, 1, 1], [], []>, transpose_lhs_hint = false} : vector<1000x128xf32>, vector<128x128xf32>, vector<1000x128xf32> -> vector<1000x128xf32>
    %mul3A_27 = vector.broadcast %rsqrt3A : vector<1000x1xf32> to vector<1000x128xf32>
    %mul3A_28 = arith.mulf %mul3A_27, %dot_general3A_26 : vector<1000x128xf32>
    %swap3A = arith.constant 0 : index
    %swap3A_29 = arith.constant 0 : index
    %swap3A_30 = vector.load %arg7[%swap3A, %swap3A_29] : memref<1000x128xf32, #tpu.memory_space<vmem>>, vector<1000x128xf32>
    tpu.vector_store %arg7[%swap3A, %swap3A_29], %mul3A_28 {strides = array<i32>} : memref<1000x128xf32, #tpu.memory_space<vmem>>, vector<1000x128xf32>,
    return
  }
  func.func @transform_0(%arg0: i32) -> (i32, i32) {
    %c0_i32 = arith.constant 0 : i32
    %c0_i32_0 = arith.constant 0 : i32
    return %arg0, %c0_i32 : i32, i32
  }
  func.func @transform_1(%arg0: i32) -> (i32, i32) {
    %c0_i32 = arith.constant 0 : i32
    %c0_i32_0 = arith.constant 0 : i32
    return %arg0, %c0_i32 : i32, i32
  }
  func.func @transform_2(%arg0: i32) -> (i32, i32) {
    %c0_i32 = arith.constant 0 : i32
    %c0_i32_0 = arith.constant 0 : i32
    return %arg0, %c0_i32 : i32, i32
  }
  func.func @transform_3(%arg0: i32) -> (i32, i32) {
    %c0_i32 = arith.constant 0 : i32
    %c0_i32_0 = arith.constant 0 : i32
    return %arg0, %c0_i32 : i32, i32
  }
  func.func @transform_4(%arg0: i32) -> (i32, i32) {
    %c0_i32 = arith.constant 0 : i32
    %c0_i32_0 = arith.constant 0 : i32
    %c0_i32_1 = arith.constant 0 : i32
    return %c0_i32, %c0_i32_0 : i32, i32
  }
  func.func @transform_5(%arg0: i32) -> (i32, i32) {
    %c0_i32 = arith.constant 0 : i32
    %c0_i32_0 = arith.constant 0 : i32
    %c0_i32_1 = arith.constant 0 : i32
    return %c0_i32, %c0_i32_0 : i32, i32
  }
  func.func @transform_6(%arg0: i32) -> (i32, i32) {
    %c0_i32 = arith.constant 0 : i32
    %c0_i32_0 = arith.constant 0 : i32
    return %arg0, %c0_i32 : i32, i32
  }
}

module attributes {stable_mosaic.version = 14 : i64} {
  func.func @_fin_body(%arg0: i32, %arg1: memref<1000x128xf32, #tpu.memory_space<vmem>>, %arg2: memref<1000x128xf32, #tpu.memory_space<vmem>>, %arg3: memref<1000x128xf32, #tpu.memory_space<vmem>>, %arg4: memref<1000x1xf32, #tpu.memory_space<vmem>>, %arg5: memref<1x128xf32, #tpu.memory_space<vmem>>, %arg6: memref<1000x128xf32, #tpu.memory_space<vmem>>, %arg7: memref<1000x128xf32, #tpu.memory_space<vmem>>) attributes {dimension_semantics = [#tpu.dimension_semantics<arbitrary>], iteration_bounds = array<i64: 10>, scalar_prefetch = 0 : i64, scratch_operands = 0 : i64, tpu.core_type = #tpu.core_type<tc>, window_params = [{transform_indices = @transform_0, window_bounds = array<i64: 1000, 128>}, {transform_indices = @transform_1, window_bounds = array<i64: 1000, 128>}, {transform_indices = @transform_2, window_bounds = array<i64: 1000, 128>}, {transform_indices = @transform_3, window_bounds = array<i64: 1000, 1>}, {pipeline_mode = #tpu.pipeline_mode<synchronous>, transform_indices = @transform_4, window_bounds = array<i64: 1, 128>}, {transform_indices = @transform_5, window_bounds = array<i64: 1000, 128>}, {transform_indices = @transform_6, window_bounds = array<i64: 1000, 128>}]} {
    %get3A = arith.constant 0 : index
    %get3A_0 = arith.constant 0 : index
    %get3A_1 = vector.load %arg4[%get3A, %get3A_0] : memref<1000x1xf32, #tpu.memory_space<vmem>>, vector<1000x1xf32>
    %add3A = arith.constant 1.000000e+00 : f32
    %add3A_2 = vector.broadcast %add3A : f32 to vector<1000x1xf32>
    %add3A_3 = arith.addf %get3A_1, %add3A_2 : vector<1000x1xf32>
    %rsqrt3A = math.rsqrt %add3A_3 : vector<1000x1xf32>
    %get3A_4 = arith.constant 0 : index
    %get3A_5 = arith.constant 0 : index
    %get3A_6 = vector.load %arg1[%get3A_4, %get3A_5] : memref<1000x128xf32, #tpu.memory_space<vmem>>, vector<1000x128xf32>
    %get3A_7 = arith.constant 0 : index
    %get3A_8 = arith.constant 0 : index
    %get3A_9 = vector.load %arg2[%get3A_7, %get3A_8] : memref<1000x128xf32, #tpu.memory_space<vmem>>, vector<1000x128xf32>
    %add3A_10 = arith.addf %get3A_6, %get3A_9 : vector<1000x128xf32>
    %get3A_11 = arith.constant 0 : index
    %get3A_12 = arith.constant 0 : index
    %get3A_13 = vector.load %arg3[%get3A_11, %get3A_12] : memref<1000x128xf32, #tpu.memory_space<vmem>>, vector<1000x128xf32>
    %add3A_14 = arith.addf %add3A_10, %get3A_13 : vector<1000x128xf32>
    %mul3A = vector.broadcast %rsqrt3A : vector<1000x1xf32> to vector<1000x128xf32>
    %mul3A_15 = arith.mulf %mul3A, %add3A_14 : vector<1000x128xf32>
    %get3A_16 = arith.constant 0 : index
    %get3A_17 = arith.constant 0 : index
    %get3A_18 = vector.load %arg5[%get3A_16, %get3A_17] : memref<1x128xf32, #tpu.memory_space<vmem>>, vector<1x128xf32>
    %add3A_19 = vector.broadcast %get3A_18 : vector<1x128xf32> to vector<1000x128xf32>
    %add3A_20 = arith.addf %mul3A_15, %add3A_19 : vector<1000x128xf32>
    %max3A = arith.constant 0.000000e+00 : f32
    %max3A_21 = vector.broadcast %max3A : f32 to vector<1000x128xf32>
    %max3A_22 = arith.maximumf %add3A_20, %max3A_21 : vector<1000x128xf32>
    %get3A_23 = arith.constant 0 : index
    %get3A_24 = arith.constant 0 : index
    %get3A_25 = vector.load %arg6[%get3A_23, %get3A_24] : memref<1000x128xf32, #tpu.memory_space<vmem>>, vector<1000x128xf32>
    %add3A_26 = arith.addf %get3A_25, %max3A_22 : vector<1000x128xf32>
    %mul3A_27 = arith.constant 5.000000e-01 : f32
    %mul3A_28 = vector.broadcast %mul3A_27 : f32 to vector<1000x128xf32>
    %mul3A_29 = arith.mulf %add3A_26, %mul3A_28 : vector<1000x128xf32>
    %swap3A = arith.constant 0 : index
    %swap3A_30 = arith.constant 0 : index
    %swap3A_31 = vector.load %arg7[%swap3A, %swap3A_30] : memref<1000x128xf32, #tpu.memory_space<vmem>>, vector<1000x128xf32>
    tpu.vector_store %arg7[%swap3A, %swap3A_30], %mul3A_29 {strides = array<i32>} : memref<1000x128xf32, #tpu.memory_space<vmem>>, vector<1000x128xf32>,
    return
  }
  func.func @transform_0(%arg0: i32) -> (i32, i32) {
    %c0_i32 = arith.constant 0 : i32
    %c0_i32_0 = arith.constant 0 : i32
    return %arg0, %c0_i32 : i32, i32
  }
  func.func @transform_1(%arg0: i32) -> (i32, i32) {
    %c0_i32 = arith.constant 0 : i32
    %c0_i32_0 = arith.constant 0 : i32
    return %arg0, %c0_i32 : i32, i32
  }
  func.func @transform_2(%arg0: i32) -> (i32, i32) {
    %c0_i32 = arith.constant 0 : i32
    %c0_i32_0 = arith.constant 0 : i32
    return %arg0, %c0_i32 : i32, i32
  }
  func.func @transform_3(%arg0: i32) -> (i32, i32) {
    %c0_i32 = arith.constant 0 : i32
    %c0_i32_0 = arith.constant 0 : i32
    return %arg0, %c0_i32 : i32, i32
  }
  func.func @transform_4(%arg0: i32) -> (i32, i32) {
    %c0_i32 = arith.constant 0 : i32
    %c0_i32_0 = arith.constant 0 : i32
    %c0_i32_1 = arith.constant 0 : i32
    return %c0_i32, %c0_i32_0 : i32, i32
  }
  func.func @transform_5(%arg0: i32) -> (i32, i32) {
    %c0_i32 = arith.constant 0 : i32
    %c0_i32_0 = arith.constant 0 : i32
    return %arg0, %c0_i32 : i32, i32
  }
  func.func @transform_6(%arg0: i32) -> (i32, i32) {
    %c0_i32 = arith.constant 0 : i32
    %c0_i32_0 = arith.constant 0 : i32
    return %arg0, %c0_i32 : i32, i32
  }
}

</mosaic_0001>

<sc_bundles>
// kernel: kernel.11.cloned.1.call-start
scs
__scs_entry_jumppad:
0x0: {  	(pc) =	sbr.rel $0x88, $3  }
0x1: {  	(tag) =	ssettag $0x0;
	lr =	simm.s32 $0x1  }
0x2: {  	[smem:$0x3F9B] =	sst lr;
	_ =	strace $0xD0000000  }
0x3: {  	_ = 	snop  }
0x4: {  	_ = 	snop  }
0x5: {  	_ = 	snop  }
0x6: {  	_ = 	snop  }
0x7: {  	_ = 	snop  }
__scs_overlays_trampoline_lowered:
0x8: {  	[smem:$0x3FAA] =	sst s0  }
0x9: {  	[smem:$0x3FAB] =	sst s1  }
0xa: {  	[smem:$0x3FAC] =	sst s2  }
0xb: {  	[smem:$0x3FAD] =	sst s3  }
0xc: {  	[smem:$0x3FAE] =	sst s4  }
0xd: {  	[smem:$0x3FAF] =	sst s5  }
0xe: {  	[smem:$0x3FB0] =	sst s6  }
0xf: {  	[smem:$0x3FB1] =	sst s7  }
0x10: {  	[smem:$0x3FB2] =	sst s8  }
0x11: {  	[smem:$0x3FB3] =	sst s9;
	s0 =	simm.s32 @!p0 $0x0  }
0x12: {  	s1 =	sld [smem:$0x3F99];
	s0 =	simm.s32 @p0 $0x1  }
0x13: {  	[smem:$0x3FB4] =	sst s0;
	s0 =	simm.s32 @!p1 $0x0  }
0x14: {  	s2 =	sld [smem:$0x3F98];
	s0 =	simm.s32 @p1 $0x1  }
0x15: {  	[smem:$0x3FB5] =	sst s0;
	s0 =	simm.s32 @!p2 $0x0  }
0x16: {  	s3 =	sld [smem:$0x3FDB];
	s0 =	simm.s32 @p2 $0x1  }
0x17: {  	s4 =	simm.s32 $0x1BF5;
	[smem:$0x3FB7] =	sst s0  }
0x18: {  	s0 =	sld [smem:$0x3F9A];
	_ =	swait.ge [sflag:s4], $0x0  }
0x19: {  	s7 =	sld [smem:$0x3F9B]  }
0x1a: {  	s8 =	sadd.s32 $0xFFFFE003, lr  }
0x1b: {  	s9 =	sadd.s32 $0xFFFFFEF7, lr;
	s5 =	simm.s32 $0xFFFFFFFF;
	p2 =	slt.u32 s8, $0xFFFFF086  }
0x1c: {  	p1 =	slt.u32 s9, $0xF7A;
	s5 =	simm.s32 @!p2 $0x0  }
0x1d: {  	s5 =	simm.s32 @p1 $0x1;
	p0 =	seq.s32 s7, s2  }
0x1e: {  	s7 =	smul.u32 @!p0 $0xF7A, s2;
	p2 =	seq.s32 @!p0 s5, $0x0  }
0x1f: {  	s9 =	smul.u32 $0xF7A, s1;
	s8 =	simm.s32 @!p0 $0x1BF5;
	p2 =	por !p2, p0  }
0x20: {  	[sflag:s8] =	ssyncset.s32 @!p0 $0xFFFFF086;
	s6 =	sadd.s32 @!p0 s3, s7;
	s7 =	simm.s32 @!p0 $0x108  }
0x21: {  	s3 =	sadd.s32 s3, s9;
	s6 =	sadd.s32 @!p0 $0x88, s6;
	s7 =	simm.s32 @p2 $0x1082  }
0x22: {  	[simem:s7], [sflag:s8] =	dma.local @!p0 [hbm:s6], $0xF7A  }
0x23: {  	s9 =	sor.u32 $0xD0000000, s2;
	s6 =	simm.s32 $0x108;
	_ =	swait.ge @!p0 [sflag:s8], $0x0  }
0x24: {  	s3 =	sadd.s32 $0x88, s3;
	s6 =	simm.s32 @!p1 $0x1082;
	[sflag:s4] =	ssyncset.s32 $0xFFFFF086  }
0x25: {  	[simem:s6], [sflag:s4] =	dma.local [hbm:s3], $0xF7A  }
0x26: {  	[smem:$0x3F9B] =	sst s1;
	(tag) =	ssettag s2;
	_ =	strace s9  }
0x27: {  	s1 =	sld [smem:$0x3FAB]  }
0x28: {  	s2 =	sld [smem:$0x3FAC]  }
0x29: {  	s4 =	sld [smem:$0x3FAE]  }
0x2a: {  	p0 =	seq.s32 s5, $0x0;
	s5 =	sld [smem:$0x3FAF]  }
0x2b: {  	s6 =	sld [smem:$0x3FB0]  }
0x2c: {  	s7 =	sld [smem:$0x3FB1]  }
0x2d: {  	s3 =	simm.s32 $0x108;
	s8 =	sld [smem:$0x3FB2]  }
0x2e: {  	s3 =	simm.s32 @!p0 $0x1082;
	s9 =	sld [smem:$0x3FB3]  }
0x2f: {  	lr =	sadd.s32 s0, s3;
	s0 =	sld [smem:$0x3FAA]  }
0x30: {  	s3 =	sld [smem:$0x3FAD]  }
0x31: {  	[smem:$0x3FB6] =	sst s10  }
0x32: {  	s10 =	sld [smem:$0x3FB4];
	_ =	sdelay $0x3  }
0x33: {  	p0 =	seq.s32 s10, $0x1;
	s10 =	sld [smem:$0x3FB6];
	_ =	sdelay $0x3  }
0x34: {  	[smem:$0x3FB6] =	sst s10  }
0x35: {  	s10 =	sld [smem:$0x3FB5];
	_ =	sdelay $0x3  }
0x36: {  	p1 =	seq.s32 s10, $0x1;
	s10 =	sld [smem:$0x3FB6];
	_ =	sdelay $0x3  }
0x37: {  	[smem:$0x3FB6] =	sst s10  }
0x38: {  	s10 =	sld [smem:$0x3FB7]  }
0x39: {  	_ = 	snop;
	(pc) =	sbr.ind lr, $3  }
0x3a: {  	_ = 	snop  }
0x3b: {  	_ = 	snop  }
0x3c: {  	p2 =	seq.s32 s10, $0x1;
	s10 =	sld [smem:$0x3FB6]  }
0x3d: {  	_ =	shalt  }
0x3e: {  	_ =	shalt  }
0x3f: {  	_ =	shalt  }
0x40: {  	_ =	shalt  }
0x41: {  	_ =	shalt  }
0x42: {  	_ =	shalt  }
0x43: {  	_ =	shalt  }
0x44: {  	_ =	shalt  }
0x45: {  	_ =	shalt  }
0x46: {  	_ =	shalt  }
0x47: {  	_ =	shalt  }
0x48: {  	_ =	shalt  }
0x49: {  	_ =	shalt  }
0x4a: {  	_ =	shalt  }
0x4b: {  	_ =	shalt  }
0x4c: {  	_ =	shalt  }
0x4d: {  	_ =	shalt  }
0x4e: {  	_ =	shalt  }
0x4f: {  	_ =	shalt  }
0x50: {  	_ =	shalt  }
0x51: {  	_ =	shalt  }
0x52: {  	_ =	shalt  }
0x53: {  	_ =	shalt  }
0x54: {  	_ =	shalt  }
0x55: {  	_ =	shalt  }
0x56: {  	_ =	shalt  }
0x57: {  	_ =	shalt  }
0x58: {  	_ =	shalt  }
0x59: {  	_ =	shalt  }
0x5a: {  	_ =	shalt  }
0x5b: {  	_ =	shalt  }
0x5c: {  	_ =	shalt  }
0x5d: {  	_ =	shalt  }
0x5e: {  	_ =	shalt  }
0x5f: {  	_ =	shalt  }
0x60: {  	_ =	shalt  }
0x61: {  	_ =	shalt  }
0x62: {  	_ =	shalt  }
0x63: {  	_ =	shalt  }
0x64: {  	_ =	shalt  }
0x65: {  	_ =	shalt  }
0x66: {  	_ =	shalt  }
0x67: {  	_ =	shalt  }
0x68: {  	_ =	shalt  }
0x69: {  	_ =	shalt  }
0x6a: {  	_ =	shalt  }
0x6b: {  	_ =	shalt  }
0x6c: {  	_ =	shalt  }
0x6d: {  	_ =	shalt  }
0x6e: {  	_ =	shalt  }
0x6f: {  	_ =	shalt  }
0x70: {  	_ =	shalt  }
0x71: {  	_ =	shalt  }
0x72: {  	_ =	shalt  }
0x73: {  	_ =	shalt  }
0x74: {  	_ =	shalt  }
0x75: {  	_ =	shalt  }
0x76: {  	_ =	shalt  }
0x77: {  	_ =	shalt  }
0x78: {  	_ =	shalt  }
0x79: {  	_ =	shalt  }
0x7a: {  	_ =	shalt  }
0x7b: {  	_ =	shalt  }
0x7c: {  	_ =	shalt  }
0x7d: {  	_ =	shalt  }
0x7e: {  	_ =	shalt  }
0x7f: {  	_ =	shalt  }
0x80: {  	_ =	shalt  }
0x81: {  	_ =	shalt  }
0x82: {  	_ =	shalt  }
0x83: {  	_ =	shalt  }
0x84: {  	_ =	shalt  }
0x85: {  	_ =	shalt  }
0x86: {  	_ =	shalt  }
0x87: {  	_ =	shalt  }
.Lfunc_end0:
.L_simem_size_0:
called_computation.1_lowered:
.L_overlay_start_0:
0x88: {  	s2 =	sld [smem:$0x3FD9]  }
0x89: {  	s3 =	sld [smem:$0x3FFE];
	_ =	sdelay $0x1  }
0x8a: {  	s1 =	srdreg.scid  }
0x8b: {  	s0 =	sand.u32 $0x1, s1  }
0x8c: {  	s17 =	sshll.u32 s0, $0xA;
	s2 =	sadd.s32 s3, s2  }
0x8d: {  	s2 =	sadd.s32 s2, s17  }
0x8e: {  	[smem:$0x3FC2] =	sst s2  }
0x8f: {  	_ = 	snop  }
0x90: {  	s2 =	sld [smem:$0x3FD0];
	(tm) =	ssettm $0x1  }
0x91: {  	s18 =	sld [smem:$0x3FFB];
	_ =	sdelay $0x3  }
0x92: {  	_ =	strace s18  }
0x93: {  	s3 =	sld [smem:$0x3FFC];
	_ =	sdelay $0x3  }
0x94: {  	_ =	strace s3  }
0x95: {  	s3 =	sld [smem:$0x3FFD];
	_ =	sdelay $0x3  }
0x96: {  	_ =	strace s3  }
0x97: {  	_ =	strace $0x8FFFFFFF  }
0x98: {  	s19 =	sld [smem:$0x3FDB];
	_ =	sdelay $0x1  }
0x99: {  	s4 =	simm.s32 $_scs_section_size  }
0x9a: {  	s5 =	simm.s32 $_size__tile_overlayer_lowered;
	s6 =	simm.s32 $_tile_overlayer_lowered  }
0x9b: {  	s22 =	simm.s32 $0x1BFF;
	s21 =	sshll.u32 s6, $0x1;
	s3 =	sadd.s32 s4, s19  }
0x9c: {  	s7 =	simm.s32 $0x0;
	s20 =	sshll.u32 s5, $0x1;
	s5 =	sadd.s32 s21, s3  }
0x9d: {  	[timem:s7], [sflag:s22] =	dma.local [hbm:s5], s20  }
0x9e: {  	_ =	swait.ge [sflag:s22], s20  }
0x9f: {  	s4 =	ssub.s32 $0x0, s20;
	[sflag:s22] =	ssyncset.done $0x0  }
0xa0: {  	[sflag:s22] =	ssyncadd.s32 s4;
	_ =	sdelay $0x1  }
0xa1: {  	s23 =	simm.s32 $0x1B8B  }
0xa2: {  	_ =	swait.ge [sflag:s23], $0x1  }
0xa3: {  	[sflag:s23] =	ssyncset.done $0x0  }
0xa4: {  	s25 =	simm.s32 $0x1B8E;
	s24 =	sld [smem:$0x3FFE];
	[sflag:s23] =	ssyncadd.s32 $0xFFFFFFFF  }
0xa5: {  	s26 =	simm.s32 $execute0_lowered;
	[smem:$0x3FD2] =	sst s25  }
0xa6: {  	s5 =	sshll.u32 s26, $0x1;
	_ =	strace $0x80000049;
	[dreg:$0x1] =	wrdreg $0xFFFFFFFF  }
0xa7: {  	s28 =	simm.s32 $_size_execute0_lowered;
	s3 =	sadd.s32 s3, s5;
	[dreg:$0x0] =	wrdreg $0x0  }
0xa8: {  	s5 =	sshll.u32 s28, $0x1;
	[dreg:$0x2] =	wrdreg s3  }
0xa9: {  	[dreg:$0x3] =	wrdreg s5  }
0xaa: {  	[dreg:$0x4] =	wrdreg $0xC0  }
0xab: {  	_ =	task [dreg:s7], $0x5FFFF  }
0xac: {  	[dreg:$0x1] =	wrdreg $0xFFFFFFFF  }
0xad: {  	[dreg:$0x0] =	wrdreg $0x60  }
0xae: {  	[dreg:$0x2] =	wrdreg s2  }
0xaf: {  	[dreg:$0x3] =	wrdreg s24  }
0xb0: {  	[dreg:$0x4] =	wrdreg $0xA0000  }
0xb1: {  	[dreg:$0x5] =	wrdreg $0x9  }
0xb2: {  	_ =	task.clear_ibuf [dreg:s7], $0x6FFFF;
	_ =	strace $0x90000049  }
0xb3: {  	s29 =	simm.s32 $0x9;
	_ =	strace $0x8000004B  }
0xb4: {  	_ =	swait.ge [sflag:s29], $0x1  }
0xb5: {  	[sflag:s29] =	ssyncadd.s32 $0xFFFFFFFF  }
0xb6: {  	_ =	strace $0x9000004B  }
0xb7: {  	_ =	sfence  }
0xb8: {  	s30 =	sld [smem:$0x0];
	_ =	sdelay $0x2  }
0xb9: {  	s31 =	sshll.u32 s1, $0xD;
	s1 =	sshrl.u32 s1, $0x2  }
0xba: {  	s3 =	sand.u32 $0x4000, s31;
	s1 =	sadd.s32 s1, s30  }
0xbb: {  	s0 =	sor.u32 s3, s0;
	s1 =	sshll.u32 s1, $0x11  }
0xbc: {  	s0 =	sor.u32 s1, s0  }
0xbd: {  	s0 =	sadd.s32 $0x8F2B, s0  }
0xbe: {  	[sflag:s0] =	ssyncadd.remote.s32 $0x1  }
0xbf: {  	_ =	sfence.sel $0xFFFF  }
0xc0: {  	[dreg:$0x0] =	wrdreg $0xFFFFFFFF;
	(pc) =	sbr.abs _section_cstart, $3  }
0xc1: {  	[dreg:$0x1] =	wrdreg $0xFFFFFFFF  }
0xc2: {  	_ =	task.clear_ibuf [dreg:s7], $0x2FFFF;
	_ =	strace $0x9FFFFFFF  }
0xc3: {  	(tm) =	ssettm $0x7FFFFFFF  }
tec
execute0_lowered:
.L_overlay_start_1:
0x0: {  	(tag) =	ssettag $0x1  }
0x1: {  	s1 =	rddreg [dreg:$0x0]  }
0x2: {  	s0 =	rddreg [dreg:$0x1];
	s2 =	srdreg.scid  }
0x3: {  	s9 =	stileid.u32;
	s3 =	rddreg [dreg:$0x2]  }
0x4: {  	s4 =	simm.s32 $0x0;
	s29 =	simm.s32 $0x7D;
	s5 =	smul.u32 $0x2800, s9  }
0x5: {  	s31 =	simm.s32 $0x6000;
	s2 =	sand.u32 $0x1, s2;
	s25 =	smul.u32 $0x50000, s9  }
0x6: {  	s28 =	simm.s32 $0x1400;
	s30 =	simm.s32 $0x500;
	s6 =	smul.u32 $0x28000, s2  }
0x7: {  	[smem:$0x7FF] =	sst s4;
	s7 =	sadd.s32 $0x3800, s0;
	s26 =	ssub.s32 $0x2, s2  }
0x8: {  	s8 =	sshrl.u32 s26, $0x1;
	s5 =	sadd.s32 s5, s6;
	s6 =	sshrl.u32 s25, $0x2  }
0x9: {  	_ =	strace $0x8000004A;
	s8 =	ssub.s32 s26, s8;
	s10 =	sadd.s32 s6, s3  }
0xa: {  	s2 =	sshll.u32 s2, $0x4;
	s26 =	smax.u32 s8, $0x1;
	[dreg:$0x17] =	wrdreg s10  }
0xb: {  	s2 =	sor.u32 s9, s2;
	s6 =	sadd.s32 $0x2800, s10;
	[dreg:$0x16] =	wrdreg s26  }
0xc: {  	s9 =	simm.s32 $0x1080;
	s11 =	sadd.s32 $0x5000, s10;
	[dreg:$0x4] =	wrdreg s6  }
0xd: {  	s12 =	smul.u32 $0x2800, s2;
	s13 =	sadd.s32 $0x7800, s10;
	[dreg:$0x5] =	wrdreg s11  }
0xe: {  	s2 =	smul.u32 $0x500, s2;
	s14 =	sadd.s32 $0xA000, s10;
	[dreg:$0x6] =	wrdreg s13  }
0xf: {  	s0 =	sadd.s32 s5, s0;
	s15 =	sadd.s32 $0xC800, s10;
	[dreg:$0x7] =	wrdreg s14  }
0x10: {  	s8 =	simm.s32 $0x2;
	s16 =	sadd.s32 $0xF000, s10;
	[dreg:$0x8] =	wrdreg s15  }
0x11: {  	s17 =	sadd.s32 $0x11800, s10;
	s2 =	sadd.s32 s7, s2;
	[dreg:$0x9] =	wrdreg s16  }
0x12: {  	s0 =	sadd.s32 $0x3EA00, s0;
	s6 =	sshrl.u32 s12, $0x3;
	[dreg:$0xa] =	wrdreg s17  }
0x13: {  	s26 =	simm.s32 $0x3;
	[dreg:$0xb] =	wrdreg s2;
	s18 =	sadd.s32 s7, s6  }
0x14: {  	s10 =	simm.s32 $0x180;
	[dreg:$0x15] =	wrdreg s0;
	s6 =	sadd.s32 $0xA000, s18  }
0x15: {  	s11 =	simm.s32 $0x1100;
	s19 =	sadd.s32 $0x100, s18;
	[dreg:$0xc] =	wrdreg s6  }
0x16: {  	s12 =	simm.s32 $0x200;
	s20 =	sadd.s32 $0xA100, s18;
	[dreg:$0xd] =	wrdreg s19  }
0x17: {  	s13 =	simm.s32 $0x1180;
	s21 =	sadd.s32 $0x200, s18;
	[dreg:$0xe] =	wrdreg s20  }
0x18: {  	s14 =	simm.s32 $0x280;
	s22 =	sadd.s32 $0xA200, s18;
	[dreg:$0xf] =	wrdreg s21  }
0x19: {  	s15 =	simm.s32 $0x1200;
	s23 =	sadd.s32 $0x300, s18;
	[dreg:$0x10] =	wrdreg s22  }
0x1a: {  	s16 =	simm.s32 $0x300;
	s24 =	sadd.s32 $0xA300, s18;
	[dreg:$0x11] =	wrdreg s23  }
0x1b: {  	s17 =	simm.s32 $0x1280;
	s25 =	sadd.s32 $0x400, s18;
	[dreg:$0x12] =	wrdreg s24  }
0x1c: {  	s2 =	sadd.s32 $0xA400, s18;
	s18 =	simm.s32 $0x380;
	[dreg:$0x13] =	wrdreg s25  }
0x1d: {  	[dreg:$0x14] =	wrdreg s2;
	s25 =	simm.s32 $0x2000;
	s6 =	simm.s32 $0x1  }
0x1e: {  	v0 =	vimm.f32 $0.0e+00;
	s19 =	simm.s32 $0x0;
	s23 =	simm.s32 $0x1380;
	s24 =	simm.s32 $0x480  }
.LBB2_1:
0x1f: {  	s20 =	simm.s32 $0x0;
	s21 =	simm.s32 $0x200  }
.LBB2_2:
0x20: {  	p0 =	sne.s32 s21, $0x9E00;
	[tilespmem:s20+$0x2070] =	vst v0  }
0x21: {  	[tilespmem:s20+$0x2000] =	vst v0  }
0x22: {  	[tilespmem:s20+$0x2010] =	vst v0  }
.Ltmp0:
0x23: {  	[tilespmem:s20+$0x2020] =	vst v0;
	(pc) =	sbr.rel @p0 .LBB2_2-.Ltmp0, $4  }
0x24: {  	[tilespmem:s20+$0x2030] =	vst v0  }
0x25: {  	[tilespmem:s20+$0x2040] =	vst v0  }
0x26: {  	[tilespmem:s20+$0x2050] =	vst v0  }
0x27: {  	[tilespmem:s20+$0x2060] =	vst v0;
	s20 =	sshra.s32 s21, $0x2;
	s21 =	sadd.s32 $0x200, s21  }
0x28: {  	[tilespmem:s20+$0x2070] =	vst v0  }
0x29: {  	[tilespmem:s20+$0x2000] =	vst v0  }
0x2a: {  	[tilespmem:s20+$0x2010] =	vst v0  }
0x2b: {  	[tilespmem:s20+$0x2020] =	vst v0  }
0x2c: {  	[tilespmem:s20+$0x2030] =	vst v0  }
0x2d: {  	[tilespmem:s20+$0x2040] =	vst v0  }
0x2e: {  	[tilespmem:s20+$0x2050] =	vst v0  }
0x2f: {  	[tilespmem:s20+$0x2060] =	vst v0;
	s0 =	rddreg [dreg:$0x17]  }
0x30: {  	[spmem:s0] =	stream.linear.scatter [tilespmem:s25], [sflag:$0x3], $0x2800, $0x38;
	[tilespmem:$0x1E000] =	vst v63  }
0x31: {  	_ =	swait.ge [sflag:s26], $0x2800  }
0x32: {  	[sflag:s26] =	ssyncset.done $0x0  }
0x33: {  	s22 =	rddreg [dreg:$0x4];
	[sflag:s26] =	ssyncadd.s32 $0xFFFFD800  }
0x34: {  	[spmem:s22] =	stream.linear.scatter [tilespmem:s25], [sflag:$0x3], $0x2800, $0x38;
	[tilespmem:$0x1E000] =	vst v63  }
0x35: {  	_ =	swait.ge [sflag:s26], $0x2800  }
0x36: {  	[sflag:s26] =	ssyncset.done $0x0  }
0x37: {  	s0 =	rddreg [dreg:$0x5];
	[sflag:s26] =	ssyncadd.s32 $0xFFFFD800  }
0x38: {  	[spmem:s0] =	stream.linear.scatter [tilespmem:s25], [sflag:$0x3], $0x2800, $0x38;
	[tilespmem:$0x1E000] =	vst v63  }
0x39: {  	_ =	swait.ge [sflag:s26], $0x2800  }
0x3a: {  	[sflag:s26] =	ssyncset.done $0x0  }
0x3b: {  	s2 =	rddreg [dreg:$0x6];
	[sflag:s26] =	ssyncadd.s32 $0xFFFFD800  }
0x3c: {  	[spmem:s2] =	stream.linear.scatter [tilespmem:s25], [sflag:$0x3], $0x2800, $0x38;
	[tilespmem:$0x1E000] =	vst v63  }
0x3d: {  	_ =	swait.ge [sflag:s26], $0x2800  }
0x3e: {  	[sflag:s26] =	ssyncset.done $0x0  }
0x3f: {  	s5 =	rddreg [dreg:$0x7];
	[sflag:s26] =	ssyncadd.s32 $0xFFFFD800  }
0x40: {  	[spmem:s5] =	stream.linear.scatter [tilespmem:s25], [sflag:$0x3], $0x2800, $0x38;
	[tilespmem:$0x1E000] =	vst v63  }
0x41: {  	_ =	swait.ge [sflag:s26], $0x2800  }
0x42: {  	[sflag:s26] =	ssyncset.done $0x0  }
0x43: {  	s7 =	rddreg [dreg:$0x8];
	[sflag:s26] =	ssyncadd.s32 $0xFFFFD800  }
0x44: {  	[spmem:s7] =	stream.linear.scatter [tilespmem:s25], [sflag:$0x3], $0x2800, $0x38;
	[tilespmem:$0x1E000] =	vst v63  }
0x45: {  	_ =	swait.ge [sflag:s26], $0x2800  }
0x46: {  	[sflag:s26] =	ssyncset.done $0x0  }
0x47: {  	s21 =	rddreg [dreg:$0x9];
	[sflag:s26] =	ssyncadd.s32 $0xFFFFD800  }
0x48: {  	[spmem:s21] =	stream.linear.scatter [tilespmem:s25], [sflag:$0x3], $0x2800, $0x38;
	[tilespmem:$0x1E000] =	vst v63  }
0x49: {  	_ =	swait.ge [sflag:s26], $0x2800  }
0x4a: {  	[sflag:s26] =	ssyncset.done $0x0  }
0x4b: {  	s22 =	rddreg [dreg:$0xa];
	[sflag:s26] =	ssyncadd.s32 $0xFFFFD800  }
0x4c: {  	[spmem:s22] =	stream.linear.scatter [tilespmem:s25], [sflag:$0x3], $0x2800, $0x38;
	[tilespmem:$0x1E000] =	vst v63  }
0x4d: {  	_ =	swait.ge [sflag:s26], $0x2800  }
0x4e: {  	[sflag:s26] =	ssyncset.done $0x0  }
0x4f: {  	s0 =	rddreg [dreg:$0xb];
	[sflag:s26] =	ssyncadd.s32 $0xFFFFD800  }
0x50: {  	[tilespmem:s4], [sflag:$0x3] =	stream.linear.gather [hbm4b:s0+s4], $0x800, $0x38;
	[tilespmem:$0x1E000] =	vst v63  }
0x51: {  	_ =	swait.ge [sflag:s26], $0x800  }
0x52: {  	[sflag:s26] =	ssyncset.done $0x0  }
0x53: {  	s0 =	simm.s32 $0x1000;
	s2 =	rddreg [dreg:$0xc];
	[sflag:s26] =	ssyncadd.s32 $0xFFFFF800  }
0x54: {  	[tilespmem:s0], [sflag:$0x3] =	stream.linear.gather [hbm4b:s2+s4], $0x800, $0x38;
	[tilespmem:$0x1E000] =	vst v63  }
0x55: {  	_ =	swait.ge [sflag:s26], $0x800  }
0x56: {  	[sflag:s26] =	ssyncset.done $0x0  }
0x57: {  	[sflag:s26] =	ssyncadd.s32 $0xFFFFF800  }
0x58: {  	[bflag:$0x0] =	sbarrier.arrive $0xFFFF  }
0x59: {  	[tilespmem:s25], [sflag:$0x1] =	stream.indirect.gather [hbm4b:s1+s29], $0x80, s4, s29, $0xb8;
	[tilespmem:$0x1E000] =	vst v63  }
0x5a: {  	s2 =	simm.s32 $0x80  }
0x5b: {  	[tilespmem:s31], [sflag:$0x2] =	stream.indirect.gather [hbm4b:s1+s29], $0x80, s2, s29, $0xb8;
	[tilespmem:$0x1E000] =	vst v63  }
0x5c: {  	s5 =	rddreg [dreg:$0xd];
	s2 =	simm.s32 $0x800  }
0x5d: {  	[tilespmem:s2], [sflag:$0x3] =	stream.linear.gather [hbm4b:s5+s4], $0x800, $0x38;
	[tilespmem:$0x1E000] =	vst v63  }
0x5e: {  	_ =	swait.ge [sflag:s26], $0x800  }
0x5f: {  	[sflag:s26] =	ssyncset.done $0x0  }
0x60: {  	s5 =	simm.s32 $0x1800;
	s7 =	rddreg [dreg:$0xe];
	[sflag:s26] =	ssyncadd.s32 $0xFFFFF800  }
0x61: {  	[tilespmem:s5], [sflag:$0x3] =	stream.linear.gather [hbm4b:s7+s4], $0x800, $0x38;
	[tilespmem:$0x1E000] =	vst v63  }
0x62: {  	_ =	swait.ge [sflag:s26], $0x800  }
0x63: {  	[sflag:s26] =	ssyncset.done $0x0  }
0x64: {  	[sflag:s26] =	ssyncadd.s32 $0xFFFFF800  }
0x65: {  	_ =	swait.ge [sflag:s6], $0x3E80  }
0x66: {  	[sflag:s6] =	ssyncset.done $0x0  }
0x67: {  	[sflag:s6] =	ssyncadd.s32 $0xFFFFC180  }
0x68: {  	[spmem:s3] =	stream.indirect.scatter.add.f32 [tilespmem:s25], [sflag:$0x3], $0x80, s0, s29, $0xb8;
	[tilespmem:$0x1E000] =	vst v63  }
0x69: {  	_ =	swait.ge [sflag:s26], $0x3E80  }
0x6a: {  	[sflag:s26] =	ssyncset.done $0x0  }
0x6b: {  	s7 =	simm.s32 $0x100;
	[sflag:s26] =	ssyncadd.s32 $0xFFFFC180  }
0x6c: {  	[tilespmem:s25], [sflag:$0x1] =	stream.indirect.gather [hbm4b:s1+s29], $0x80, s7, s29, $0xb8;
	[tilespmem:$0x1E000] =	vst v63  }
0x6d: {  	_ =	swait.ge [sflag:s8], $0x3E80  }
0x6e: {  	[sflag:s8] =	ssyncset.done $0x0  }
0x6f: {  	s21 =	simm.s32 $0x1080;
	[sflag:s8] =	ssyncadd.s32 $0xFFFFC180  }
0x70: {  	[spmem:s3] =	stream.indirect.scatter.add.f32 [tilespmem:s31], [sflag:$0x3], $0x80, s21, s29, $0xb8;
	[tilespmem:$0x1E000] =	vst v63  }
0x71: {  	_ =	swait.ge [sflag:s26], $0x3E80  }
0x72: {  	[sflag:s26] =	ssyncset.done $0x0  }
0x73: {  	s22 =	simm.s32 $0x180;
	[sflag:s26] =	ssyncadd.s32 $0xFFFFC180  }
0x74: {  	[tilespmem:s31], [sflag:$0x2] =	stream.indirect.gather [hbm4b:s1+s29], $0x80, s22, s29, $0xb8;
	[tilespmem:$0x1E000] =	vst v63  }
0x75: {  	_ =	swait.ge [sflag:s6], $0x3E80  }
0x76: {  	[sflag:s6] =	ssyncset.done $0x0  }
0x77: {  	s20 =	simm.s32 $0x1100;
	[sflag:s6] =	ssyncadd.s32 $0xFFFFC180  }
0x78: {  	[spmem:s3] =	stream.indirect.scatter.add.f32 [tilespmem:s25], [sflag:$0x3], $0x80, s20, s29, $0xb8;
	[tilespmem:$0x1E000] =	vst v63  }
0x79: {  	_ =	swait.ge [sflag:s26], $0x3E80  }
0x7a: {  	[sflag:s26] =	ssyncset.done $0x0  }
0x7b: {  	s21 =	simm.s32 $0x200;
	[sflag:s26] =	ssyncadd.s32 $0xFFFFC180  }
0x7c: {  	[tilespmem:s25], [sflag:$0x1] =	stream.indirect.gather [hbm4b:s1+s29], $0x80, s21, s29, $0xb8;
	[tilespmem:$0x1E000] =	vst v63  }
0x7d: {  	_ =	swait.ge [sflag:s8], $0x3E80  }
0x7e: {  	[sflag:s8] =	ssyncset.done $0x0  }
0x7f: {  	s22 =	simm.s32 $0x1180;
	[sflag:s8] =	ssyncadd.s32 $0xFFFFC180  }
0x80: {  	[spmem:s3] =	stream.indirect.scatter.add.f32 [tilespmem:s31], [sflag:$0x3], $0x80, s22, s29, $0xb8;
	[tilespmem:$0x1E000] =	vst v63  }
0x81: {  	_ =	swait.ge [sflag:s26], $0x3E80  }
0x82: {  	[sflag:s26] =	ssyncset.done $0x0  }
0x83: {  	s20 =	simm.s32 $0x280;
	[sflag:s26] =	ssyncadd.s32 $0xFFFFC180  }
0x84: {  	[tilespmem:s31], [sflag:$0x2] =	stream.indirect.gather [hbm4b:s1+s29], $0x80, s20, s29, $0xb8;
	[tilespmem:$0x1E000] =	vst v63  }
0x85: {  	_ =	swait.ge [sflag:s6], $0x3E80  }
0x86: {  	[sflag:s6] =	ssyncset.done $0x0  }
0x87: {  	s21 =	simm.s32 $0x1200;
	[sflag:s6] =	ssyncadd.s32 $0xFFFFC180  }
0x88: {  	[spmem:s3] =	stream.indirect.scatter.add.f32 [tilespmem:s25], [sflag:$0x3], $0x80, s21, s29, $0xb8;
	[tilespmem:$0x1E000] =	vst v63  }
0x89: {  	_ =	swait.ge [sflag:s26], $0x3E80  }
0x8a: {  	[sflag:s26] =	ssyncset.done $0x0  }
0x8b: {  	s22 =	simm.s32 $0x300;
	[sflag:s26] =	ssyncadd.s32 $0xFFFFC180  }
0x8c: {  	[tilespmem:s25], [sflag:$0x1] =	stream.indirect.gather [hbm4b:s1+s29], $0x80, s22, s29, $0xb8;
	[tilespmem:$0x1E000] =	vst v63  }
0x8d: {  	_ =	swait.ge [sflag:s8], $0x3E80  }
0x8e: {  	[sflag:s8] =	ssyncset.done $0x0  }
0x8f: {  	s20 =	simm.s32 $0x1280;
	[sflag:s8] =	ssyncadd.s32 $0xFFFFC180  }
0x90: {  	[spmem:s3] =	stream.indirect.scatter.add.f32 [tilespmem:s31], [sflag:$0x3], $0x80, s20, s29, $0xb8;
	[tilespmem:$0x1E000] =	vst v63  }
0x91: {  	_ =	swait.ge [sflag:s26], $0x3E80  }
0x92: {  	[sflag:s26] =	ssyncset.done $0x0  }
0x93: {  	s21 =	simm.s32 $0x380;
	[sflag:s26] =	ssyncadd.s32 $0xFFFFC180  }
0x94: {  	[tilespmem:s31], [sflag:$0x2] =	stream.indirect.gather [hbm4b:s1+s29], $0x80, s21, s29, $0xb8;
	[tilespmem:$0x1E000] =	vst v63  }
0x95: {  	_ =	swait.ge [sflag:s6], $0x3E80  }
0x96: {  	[sflag:s6] =	ssyncset.done $0x0  }
0x97: {  	s22 =	simm.s32 $0x1300;
	[sflag:s6] =	ssyncadd.s32 $0xFFFFC180  }
0x98: {  	[spmem:s3] =	stream.indirect.scatter.add.f32 [tilespmem:s25], [sflag:$0x3], $0x80, s22, s29, $0xb8;
	[tilespmem:$0x1E000] =	vst v63  }
0x99: {  	_ =	swait.ge [sflag:s26], $0x3E80  }
0x9a: {  	[sflag:s26] =	ssyncset.done $0x0  }
0x9b: {  	s20 =	simm.s32 $0x400;
	[sflag:s26] =	ssyncadd.s32 $0xFFFFC180  }
0x9c: {  	[tilespmem:s25], [sflag:$0x1] =	stream.indirect.gather [hbm4b:s1+s29], $0x80, s20, s29, $0xb8;
	[tilespmem:$0x1E000] =	vst v63  }
0x9d: {  	_ =	swait.ge [sflag:s8], $0x3E80  }
0x9e: {  	[sflag:s8] =	ssyncset.done $0x0  }
0x9f: {  	s21 =	simm.s32 $0x1380;
	[sflag:s8] =	ssyncadd.s32 $0xFFFFC180  }
0xa0: {  	[spmem:s3] =	stream.indirect.scatter.add.f32 [tilespmem:s31], [sflag:$0x3], $0x80, s21, s29, $0xb8;
	[tilespmem:$0x1E000] =	vst v63  }
0xa1: {  	_ =	swait.ge [sflag:s26], $0x3E80  }
0xa2: {  	[sflag:s26] =	ssyncset.done $0x0  }
0xa3: {  	s22 =	simm.s32 $0x480;
	[sflag:s26] =	ssyncadd.s32 $0xFFFFC180  }
0xa4: {  	[tilespmem:s31], [sflag:$0x2] =	stream.indirect.gather [hbm4b:s1+s29], $0x80, s22, s29, $0xb8;
	[tilespmem:$0x1E000] =	vst v63  }
0xa5: {  	_ =	swait.ge [sflag:s6], $0x3E80  }
0xa6: {  	[sflag:s6] =	ssyncset.done $0x0  }
0xa7: {  	s20 =	simm.s32 $0x1400;
	[sflag:s6] =	ssyncadd.s32 $0xFFFFC180  }
0xa8: {  	[spmem:s3] =	stream.indirect.scatter.add.f32 [tilespmem:s25], [sflag:$0x3], $0x80, s20, s29, $0xb8;
	[tilespmem:$0x1E000] =	vst v63  }
0xa9: {  	_ =	swait.ge [sflag:s26], $0x3E80  }
0xaa: {  	[sflag:s26] =	ssyncset.done $0x0  }
0xab: {  	s21 =	simm.s32 $0x500;
	[sflag:s26] =	ssyncadd.s32 $0xFFFFC180  }
0xac: {  	[tilespmem:s25], [sflag:$0x1] =	stream.indirect.gather [hbm4b:s1+s29], $0x80, s21, s29, $0xb8;
	[tilespmem:$0x1E000] =	vst v63  }
0xad: {  	_ =	swait.ge [sflag:s8], $0x3E80  }
0xae: {  	[sflag:s8] =	ssyncset.done $0x0  }
0xaf: {  	s22 =	simm.s32 $0x1480;
	[sflag:s8] =	ssyncadd.s32 $0xFFFFC180  }
0xb0: {  	[spmem:s3] =	stream.indirect.scatter.add.f32 [tilespmem:s31], [sflag:$0x3], $0x80, s22, s29, $0xb8;
	[tilespmem:$0x1E000] =	vst v63  }
0xb1: {  	_ =	swait.ge [sflag:s26], $0x3E80  }
0xb2: {  	[sflag:s26] =	ssyncset.done $0x0  }
0xb3: {  	s20 =	simm.s32 $0x580;
	[sflag:s26] =	ssyncadd.s32 $0xFFFFC180  }
0xb4: {  	[tilespmem:s31], [sflag:$0x2] =	stream.indirect.gather [hbm4b:s1+s29], $0x80, s20, s29, $0xb8;
	[tilespmem:$0x1E000] =	vst v63  }
0xb5: {  	_ =	swait.ge [sflag:s6], $0x3E80  }
0xb6: {  	[sflag:s6] =	ssyncset.done $0x0  }
0xb7: {  	s21 =	simm.s32 $0x1500;
	[sflag:s6] =	ssyncadd.s32 $0xFFFFC180  }
0xb8: {  	[spmem:s3] =	stream.indirect.scatter.add.f32 [tilespmem:s25], [sflag:$0x3], $0x80, s21, s29, $0xb8;
	[tilespmem:$0x1E000] =	vst v63  }
0xb9: {  	_ =	swait.ge [sflag:s26], $0x3E80  }
0xba: {  	[sflag:s26] =	ssyncset.done $0x0  }
0xbb: {  	s22 =	simm.s32 $0x600;
	[sflag:s26] =	ssyncadd.s32 $0xFFFFC180  }
0xbc: {  	[tilespmem:s25], [sflag:$0x1] =	stream.indirect.gather [hbm4b:s1+s29], $0x80, s22, s29, $0xb8;
	[tilespmem:$0x1E000] =	vst v63  }
0xbd: {  	_ =	swait.ge [sflag:s8], $0x3E80  }
0xbe: {  	[sflag:s8] =	ssyncset.done $0x0  }
0xbf: {  	s20 =	simm.s32 $0x1580;
	[sflag:s8] =	ssyncadd.s32 $0xFFFFC180  }
0xc0: {  	[spmem:s3] =	stream.indirect.scatter.add.f32 [tilespmem:s31], [sflag:$0x3], $0x80, s20, s29, $0xb8;
	[tilespmem:$0x1E000] =	vst v63  }
0xc1: {  	_ =	swait.ge [sflag:s26], $0x3E80  }
0xc2: {  	[sflag:s26] =	ssyncset.done $0x0  }
0xc3: {  	s21 =	simm.s32 $0x680;
	[sflag:s26] =	ssyncadd.s32 $0xFFFFC180  }
0xc4: {  	[tilespmem:s31], [sflag:$0x2] =	stream.indirect.gather [hbm4b:s1+s29], $0x80, s21, s29, $0xb8;
	[tilespmem:$0x1E000] =	vst v63  }
0xc5: {  	_ =	swait.ge [sflag:s6], $0x3E80  }
0xc6: {  	[sflag:s6] =	ssyncset.done $0x0  }
0xc7: {  	s22 =	simm.s32 $0x1600;
	[sflag:s6] =	ssyncadd.s32 $0xFFFFC180  }
0xc8: {  	[spmem:s3] =	stream.indirect.scatter.add.f32 [tilespmem:s25], [sflag:$0x3], $0x80, s22, s29, $0xb8;
	[tilespmem:$0x1E000] =	vst v63  }
0xc9: {  	_ =	swait.ge [sflag:s26], $0x3E80  }
0xca: {  	[sflag:s26] =	ssyncset.done $0x0  }
0xcb: {  	s20 =	simm.s32 $0x700;
	[sflag:s26] =	ssyncadd.s32 $0xFFFFC180  }
0xcc: {  	[tilespmem:s25], [sflag:$0x1] =	stream.indirect.gather [hbm4b:s1+s29], $0x80, s20, s29, $0xb8;
	[tilespmem:$0x1E000] =	vst v63  }
0xcd: {  	_ =	swait.ge [sflag:s8], $0x3E80  }
0xce: {  	[sflag:s8] =	ssyncset.done $0x0  }
0xcf: {  	s21 =	simm.s32 $0x1680;
	[sflag:s8] =	ssyncadd.s32 $0xFFFFC180  }
0xd0: {  	[spmem:s3] =	stream.indirect.scatter.add.f32 [tilespmem:s31], [sflag:$0x3], $0x80, s21, s29, $0xb8;
	[tilespmem:$0x1E000] =	vst v63  }
0xd1: {  	_ =	swait.ge [sflag:s26], $0x3E80  }
0xd2: {  	[sflag:s26] =	ssyncset.done $0x0  }
0xd3: {  	s22 =	simm.s32 $0x780;
	[sflag:s26] =	ssyncadd.s32 $0xFFFFC180  }
0xd4: {  	[tilespmem:s31], [sflag:$0x2] =	stream.indirect.gather [hbm4b:s1+s29], $0x80, s22, s29, $0xb8;
	[tilespmem:$0x1E000] =	vst v63  }
0xd5: {  	_ =	swait.ge [sflag:s6], $0x3E80  }
0xd6: {  	[sflag:s6] =	ssyncset.done $0x0  }
0xd7: {  	s20 =	simm.s32 $0x1700;
	[sflag:s6] =	ssyncadd.s32 $0xFFFFC180  }
0xd8: {  	[spmem:s3] =	stream.indirect.scatter.add.f32 [tilespmem:s25], [sflag:$0x3], $0x80, s20, s29, $0xb8;
	[tilespmem:$0x1E000] =	vst v63  }
0xd9: {  	_ =	swait.ge [sflag:s26], $0x3E80  }
0xda: {  	[sflag:s26] =	ssyncset.done $0x0  }
0xdb: {  	[sflag:s26] =	ssyncadd.s32 $0xFFFFC180  }
0xdc: {  	[tilespmem:s25], [sflag:$0x1] =	stream.indirect.gather [hbm4b:s1+s29], $0x80, s2, s29, $0xb8;
	[tilespmem:$0x1E000] =	vst v63  }
0xdd: {  	_ =	swait.ge [sflag:s8], $0x3E80  }
0xde: {  	[sflag:s8] =	ssyncset.done $0x0  }
0xdf: {  	s21 =	simm.s32 $0x1780;
	[sflag:s8] =	ssyncadd.s32 $0xFFFFC180  }
0xe0: {  	[spmem:s3] =	stream.indirect.scatter.add.f32 [tilespmem:s31], [sflag:$0x3], $0x80, s21, s29, $0xb8;
	[tilespmem:$0x1E000] =	vst v63  }
0xe1: {  	_ =	swait.ge [sflag:s26], $0x3E80  }
0xe2: {  	[sflag:s26] =	ssyncset.done $0x0  }
0xe3: {  	s22 =	simm.s32 $0x880;
	[sflag:s26] =	ssyncadd.s32 $0xFFFFC180  }
0xe4: {  	[tilespmem:s31], [sflag:$0x2] =	stream.indirect.gather [hbm4b:s1+s29], $0x80, s22, s29, $0xb8;
	[tilespmem:$0x1E000] =	vst v63  }
0xe5: {  	s7 =	rddreg [dreg:$0xf]  }
0xe6: {  	[tilespmem:s4], [sflag:$0x3] =	stream.linear.gather [hbm4b:s7+s4], $0x800, $0x38;
	[tilespmem:$0x1E000] =	vst v63  }
0xe7: {  	_ =	swait.ge [sflag:s26], $0x800  }
0xe8: {  	[sflag:s26] =	ssyncset.done $0x0  }
0xe9: {  	s21 =	rddreg [dreg:$0x10];
	[sflag:s26] =	ssyncadd.s32 $0xFFFFF800  }
0xea: {  	[tilespmem:s0], [sflag:$0x3] =	stream.linear.gather [hbm4b:s21+s4], $0x800, $0x38;
	[tilespmem:$0x1E000] =	vst v63  }
0xeb: {  	_ =	swait.ge [sflag:s26], $0x800  }
0xec: {  	[sflag:s26] =	ssyncset.done $0x0  }
0xed: {  	[sflag:s26] =	ssyncadd.s32 $0xFFFFF800  }
0xee: {  	_ =	swait.ge [sflag:s6], $0x3E80  }
0xef: {  	[sflag:s6] =	ssyncset.done $0x0  }
0xf0: {  	[sflag:s6] =	ssyncadd.s32 $0xFFFFC180  }
0xf1: {  	[spmem:s3] =	stream.indirect.scatter.add.f32 [tilespmem:s25], [sflag:$0x3], $0x80, s5, s29, $0xb8;
	[tilespmem:$0x1E000] =	vst v63  }
0xf2: {  	_ =	swait.ge [sflag:s26], $0x3E80  }
0xf3: {  	[sflag:s26] =	ssyncset.done $0x0  }
0xf4: {  	s22 =	simm.s32 $0x900;
	[sflag:s26] =	ssyncadd.s32 $0xFFFFC180  }
0xf5: {  	[tilespmem:s25], [sflag:$0x1] =	stream.indirect.gather [hbm4b:s1+s29], $0x80, s22, s29, $0xb8;
	[tilespmem:$0x1E000] =	vst v63  }
0xf6: {  	_ =	swait.ge [sflag:s8], $0x3E80  }
0xf7: {  	[sflag:s8] =	ssyncset.done $0x0  }
0xf8: {  	s20 =	simm.s32 $0x1880;
	[sflag:s8] =	ssyncadd.s32 $0xFFFFC180  }
0xf9: {  	[spmem:s3] =	stream.indirect.scatter.add.f32 [tilespmem:s31], [sflag:$0x3], $0x80, s20, s29, $0xb8;
	[tilespmem:$0x1E000] =	vst v63  }
0xfa: {  	_ =	swait.ge [sflag:s26], $0x3E80  }
0xfb: {  	[sflag:s26] =	ssyncset.done $0x0  }
0xfc: {  	s21 =	simm.s32 $0x980;
	[sflag:s26] =	ssyncadd.s32 $0xFFFFC180  }
0xfd: {  	[tilespmem:s31], [sflag:$0x2] =	stream.indirect.gather [hbm4b:s1+s29], $0x80, s21, s29, $0xb8;
	[tilespmem:$0x1E000] =	vst v63  }
0xfe: {  	_ =	swait.ge [sflag:s6], $0x3E80  }
0xff: {  	[sflag:s6] =	ssyncset.done $0x0  }
0x100: {  	s22 =	simm.s32 $0x1900;
	[sflag:s6] =	ssyncadd.s32 $0xFFFFC180  }
0x101: {  	[spmem:s3] =	stream.indirect.scatter.add.f32 [tilespmem:s25], [sflag:$0x3], $0x80, s22, s29, $0xb8;
	[tilespmem:$0x1E000] =	vst v63  }
0x102: {  	_ =	swait.ge [sflag:s26], $0x3E80  }
0x103: {  	[sflag:s26] =	ssyncset.done $0x0  }
0x104: {  	s20 =	simm.s32 $0xA00;
	[sflag:s26] =	ssyncadd.s32 $0xFFFFC180  }
0x105: {  	[tilespmem:s25], [sflag:$0x1] =	stream.indirect.gather [hbm4b:s1+s29], $0x80, s20, s29, $0xb8;
	[tilespmem:$0x1E000] =	vst v63  }
0x106: {  	_ =	swait.ge [sflag:s8], $0x3E80  }
0x107: {  	[sflag:s8] =	ssyncset.done $0x0  }
0x108: {  	s21 =	simm.s32 $0x1980;
	[sflag:s8] =	ssyncadd.s32 $0xFFFFC180  }
0x109: {  	[spmem:s3] =	stream.indirect.scatter.add.f32 [tilespmem:s31], [sflag:$0x3], $0x80, s21, s29, $0xb8;
	[tilespmem:$0x1E000] =	vst v63  }
0x10a: {  	_ =	swait.ge [sflag:s26], $0x3E80  }
0x10b: {  	[sflag:s26] =	ssyncset.done $0x0  }
0x10c: {  	s22 =	simm.s32 $0xA80;
	[sflag:s26] =	ssyncadd.s32 $0xFFFFC180  }
0x10d: {  	[tilespmem:s31], [sflag:$0x2] =	stream.indirect.gather [hbm4b:s1+s29], $0x80, s22, s29, $0xb8;
	[tilespmem:$0x1E000] =	vst v63  }
0x10e: {  	_ =	swait.ge [sflag:s6], $0x3E80  }
0x10f: {  	[sflag:s6] =	ssyncset.done $0x0  }
0x110: {  	s20 =	simm.s32 $0x1A00;
	[sflag:s6] =	ssyncadd.s32 $0xFFFFC180  }
0x111: {  	[spmem:s3] =	stream.indirect.scatter.add.f32 [tilespmem:s25], [sflag:$0x3], $0x80, s20, s29, $0xb8;
	[tilespmem:$0x1E000] =	vst v63  }
0x112: {  	_ =	swait.ge [sflag:s26], $0x3E80  }
0x113: {  	[sflag:s26] =	ssyncset.done $0x0  }
0x114: {  	s21 =	simm.s32 $0xB00;
	[sflag:s26] =	ssyncadd.s32 $0xFFFFC180  }
0x115: {  	[tilespmem:s25], [sflag:$0x1] =	stream.indirect.gather [hbm4b:s1+s29], $0x80, s21, s29, $0xb8;
	[tilespmem:$0x1E000] =	vst v63  }
0x116: {  	_ =	swait.ge [sflag:s8], $0x3E80  }
0x117: {  	[sflag:s8] =	ssyncset.done $0x0  }
0x118: {  	s22 =	simm.s32 $0x1A80;
	[sflag:s8] =	ssyncadd.s32 $0xFFFFC180  }
0x119: {  	[spmem:s3] =	stream.indirect.scatter.add.f32 [tilespmem:s31], [sflag:$0x3], $0x80, s22, s29, $0xb8;
	[tilespmem:$0x1E000] =	vst v63  }
0x11a: {  	_ =	swait.ge [sflag:s26], $0x3E80  }
0x11b: {  	[sflag:s26] =	ssyncset.done $0x0  }
0x11c: {  	s20 =	simm.s32 $0xB80;
	[sflag:s26] =	ssyncadd.s32 $0xFFFFC180  }
0x11d: {  	[tilespmem:s31], [sflag:$0x2] =	stream.indirect.gather [hbm4b:s1+s29], $0x80, s20, s29, $0xb8;
	[tilespmem:$0x1E000] =	vst v63  }
0x11e: {  	_ =	swait.ge [sflag:s6], $0x3E80  }
0x11f: {  	[sflag:s6] =	ssyncset.done $0x0  }
0x120: {  	s21 =	simm.s32 $0x1B00;
	[sflag:s6] =	ssyncadd.s32 $0xFFFFC180  }
0x121: {  	[spmem:s3] =	stream.indirect.scatter.add.f32 [tilespmem:s25], [sflag:$0x3], $0x80, s21, s29, $0xb8;
	[tilespmem:$0x1E000] =	vst v63  }
0x122: {  	_ =	swait.ge [sflag:s26], $0x3E80  }
0x123: {  	[sflag:s26] =	ssyncset.done $0x0  }
0x124: {  	s22 =	simm.s32 $0xC00;
	[sflag:s26] =	ssyncadd.s32 $0xFFFFC180  }
0x125: {  	[tilespmem:s25], [sflag:$0x1] =	stream.indirect.gather [hbm4b:s1+s29], $0x80, s22, s29, $0xb8;
	[tilespmem:$0x1E000] =	vst v63  }
0x126: {  	_ =	swait.ge [sflag:s8], $0x3E80  }
0x127: {  	[sflag:s8] =	ssyncset.done $0x0  }
0x128: {  	s20 =	simm.s32 $0x1B80;
	[sflag:s8] =	ssyncadd.s32 $0xFFFFC180  }
0x129: {  	[spmem:s3] =	stream.indirect.scatter.add.f32 [tilespmem:s31], [sflag:$0x3], $0x80, s20, s29, $0xb8;
	[tilespmem:$0x1E000] =	vst v63  }
0x12a: {  	_ =	swait.ge [sflag:s26], $0x3E80  }
0x12b: {  	[sflag:s26] =	ssyncset.done $0x0  }
0x12c: {  	s21 =	simm.s32 $0xC80;
	[sflag:s26] =	ssyncadd.s32 $0xFFFFC180  }
0x12d: {  	[tilespmem:s31], [sflag:$0x2] =	stream.indirect.gather [hbm4b:s1+s29], $0x80, s21, s29, $0xb8;
	[tilespmem:$0x1E000] =	vst v63  }
0x12e: {  	_ =	swait.ge [sflag:s6], $0x3E80  }
0x12f: {  	[sflag:s6] =	ssyncset.done $0x0  }
0x130: {  	s22 =	simm.s32 $0x1C00;
	[sflag:s6] =	ssyncadd.s32 $0xFFFFC180  }
0x131: {  	[spmem:s3] =	stream.indirect.scatter.add.f32 [tilespmem:s25], [sflag:$0x3], $0x80, s22, s29, $0xb8;
	[tilespmem:$0x1E000] =	vst v63  }
0x132: {  	_ =	swait.ge [sflag:s26], $0x3E80  }
0x133: {  	[sflag:s26] =	ssyncset.done $0x0  }
0x134: {  	s20 =	simm.s32 $0xD00;
	[sflag:s26] =	ssyncadd.s32 $0xFFFFC180  }
0x135: {  	[tilespmem:s25], [sflag:$0x1] =	stream.indirect.gather [hbm4b:s1+s29], $0x80, s20, s29, $0xb8;
	[tilespmem:$0x1E000] =	vst v63  }
0x136: {  	_ =	swait.ge [sflag:s8], $0x3E80  }
0x137: {  	[sflag:s8] =	ssyncset.done $0x0  }
0x138: {  	s21 =	simm.s32 $0x1C80;
	[sflag:s8] =	ssyncadd.s32 $0xFFFFC180  }
0x139: {  	[spmem:s3] =	stream.indirect.scatter.add.f32 [tilespmem:s31], [sflag:$0x3], $0x80, s21, s29, $0xb8;
	[tilespmem:$0x1E000] =	vst v63  }
0x13a: {  	_ =	swait.ge [sflag:s26], $0x3E80  }
0x13b: {  	[sflag:s26] =	ssyncset.done $0x0  }
0x13c: {  	s22 =	simm.s32 $0xD80;
	[sflag:s26] =	ssyncadd.s32 $0xFFFFC180  }
0x13d: {  	[tilespmem:s31], [sflag:$0x2] =	stream.indirect.gather [hbm4b:s1+s29], $0x80, s22, s29, $0xb8;
	[tilespmem:$0x1E000] =	vst v63  }
0x13e: {  	_ =	swait.ge [sflag:s6], $0x3E80  }
0x13f: {  	[sflag:s6] =	ssyncset.done $0x0  }
0x140: {  	s20 =	simm.s32 $0x1D00;
	[sflag:s6] =	ssyncadd.s32 $0xFFFFC180  }
0x141: {  	[spmem:s3] =	stream.indirect.scatter.add.f32 [tilespmem:s25], [sflag:$0x3], $0x80, s20, s29, $0xb8;
	[tilespmem:$0x1E000] =	vst v63  }
0x142: {  	_ =	swait.ge [sflag:s26], $0x3E80  }
0x143: {  	[sflag:s26] =	ssyncset.done $0x0  }
0x144: {  	s21 =	simm.s32 $0xE00;
	[sflag:s26] =	ssyncadd.s32 $0xFFFFC180  }
0x145: {  	[tilespmem:s25], [sflag:$0x1] =	stream.indirect.gather [hbm4b:s1+s29], $0x80, s21, s29, $0xb8;
	[tilespmem:$0x1E000] =	vst v63  }
0x146: {  	_ =	swait.ge [sflag:s8], $0x3E80  }
0x147: {  	[sflag:s8] =	ssyncset.done $0x0  }
0x148: {  	s22 =	simm.s32 $0x1D80;
	[sflag:s8] =	ssyncadd.s32 $0xFFFFC180  }
0x149: {  	[spmem:s3] =	stream.indirect.scatter.add.f32 [tilespmem:s31], [sflag:$0x3], $0x80, s22, s29, $0xb8;
	[tilespmem:$0x1E000] =	vst v63  }
0x14a: {  	_ =	swait.ge [sflag:s26], $0x3E80  }
0x14b: {  	[sflag:s26] =	ssyncset.done $0x0  }
0x14c: {  	s20 =	simm.s32 $0xE80;
	[sflag:s26] =	ssyncadd.s32 $0xFFFFC180  }
0x14d: {  	[tilespmem:s31], [sflag:$0x2] =	stream.indirect.gather [hbm4b:s1+s29], $0x80, s20, s29, $0xb8;
	[tilespmem:$0x1E000] =	vst v63  }
0x14e: {  	_ =	swait.ge [sflag:s6], $0x3E80  }
0x14f: {  	[sflag:s6] =	ssyncset.done $0x0  }
0x150: {  	s21 =	simm.s32 $0x1E00;
	[sflag:s6] =	ssyncadd.s32 $0xFFFFC180  }
0x151: {  	[spmem:s3] =	stream.indirect.scatter.add.f32 [tilespmem:s25], [sflag:$0x3], $0x80, s21, s29, $0xb8;
	[tilespmem:$0x1E000] =	vst v63  }
0x152: {  	_ =	swait.ge [sflag:s26], $0x3E80  }
0x153: {  	[sflag:s26] =	ssyncset.done $0x0  }
0x154: {  	s22 =	simm.s32 $0xF00;
	[sflag:s26] =	ssyncadd.s32 $0xFFFFC180  }
0x155: {  	[tilespmem:s25], [sflag:$0x1] =	stream.indirect.gather [hbm4b:s1+s29], $0x80, s22, s29, $0xb8;
	[tilespmem:$0x1E000] =	vst v63  }
0x156: {  	_ =	swait.ge [sflag:s8], $0x3E80  }
0x157: {  	[sflag:s8] =	ssyncset.done $0x0  }
0x158: {  	s20 =	simm.s32 $0x1E80;
	[sflag:s8] =	ssyncadd.s32 $0xFFFFC180  }
0x159: {  	[spmem:s3] =	stream.indirect.scatter.add.f32 [tilespmem:s31], [sflag:$0x3], $0x80, s20, s29, $0xb8;
	[tilespmem:$0x1E000] =	vst v63  }
0x15a: {  	_ =	swait.ge [sflag:s26], $0x3E80  }
0x15b: {  	[sflag:s26] =	ssyncset.done $0x0  }
0x15c: {  	s21 =	simm.s32 $0xF80;
	[sflag:s26] =	ssyncadd.s32 $0xFFFFC180  }
0x15d: {  	[tilespmem:s31], [sflag:$0x2] =	stream.indirect.gather [hbm4b:s1+s29], $0x80, s21, s29, $0xb8;
	[tilespmem:$0x1E000] =	vst v63  }
0x15e: {  	_ =	swait.ge [sflag:s6], $0x3E80  }
0x15f: {  	[sflag:s6] =	ssyncset.done $0x0  }
0x160: {  	s22 =	simm.s32 $0x1F00;
	[sflag:s6] =	ssyncadd.s32 $0xFFFFC180  }
0x161: {  	[spmem:s3] =	stream.indirect.scatter.add.f32 [tilespmem:s25], [sflag:$0x3], $0x80, s22, s29, $0xb8;
	[tilespmem:$0x1E000] =	vst v63  }
0x162: {  	_ =	swait.ge [sflag:s26], $0x3E80  }
0x163: {  	[sflag:s26] =	ssyncset.done $0x0  }
0x164: {  	[sflag:s26] =	ssyncadd.s32 $0xFFFFC180  }
0x165: {  	[tilespmem:s25], [sflag:$0x1] =	stream.indirect.gather [hbm4b:s1+s29], $0x80, s4, s29, $0xb8;
	[tilespmem:$0x1E000] =	vst v63  }
0x166: {  	_ =	swait.ge [sflag:s8], $0x3E80  }
0x167: {  	[sflag:s8] =	ssyncset.done $0x0  }
0x168: {  	s20 =	simm.s32 $0x1F80;
	[sflag:s8] =	ssyncadd.s32 $0xFFFFC180  }
0x169: {  	[spmem:s3] =	stream.indirect.scatter.add.f32 [tilespmem:s31], [sflag:$0x3], $0x80, s20, s29, $0xb8;
	[tilespmem:$0x1E000] =	vst v63  }
0x16a: {  	_ =	swait.ge [sflag:s26], $0x3E80  }
0x16b: {  	[sflag:s26] =	ssyncset.done $0x0  }
0x16c: {  	s21 =	simm.s32 $0x80;
	[sflag:s26] =	ssyncadd.s32 $0xFFFFC180  }
0x16d: {  	[tilespmem:s31], [sflag:$0x2] =	stream.indirect.gather [hbm4b:s1+s29], $0x80, s21, s29, $0xb8;
	[tilespmem:$0x1E000] =	vst v63  }
0x16e: {  	s22 =	rddreg [dreg:$0x11]  }
0x16f: {  	[tilespmem:s2], [sflag:$0x3] =	stream.linear.gather [hbm4b:s22+s4], $0x800, $0x38;
	[tilespmem:$0x1E000] =	vst v63  }
0x170: {  	_ =	swait.ge [sflag:s26], $0x800  }
0x171: {  	[sflag:s26] =	ssyncset.done $0x0  }
0x172: {  	s7 =	rddreg [dreg:$0x12];
	[sflag:s26] =	ssyncadd.s32 $0xFFFFF800  }
0x173: {  	[tilespmem:s5], [sflag:$0x3] =	stream.linear.gather [hbm4b:s7+s4], $0x800, $0x38;
	[tilespmem:$0x1E000] =	vst v63  }
0x174: {  	_ =	swait.ge [sflag:s26], $0x800  }
0x175: {  	[sflag:s26] =	ssyncset.done $0x0  }
0x176: {  	[sflag:s26] =	ssyncadd.s32 $0xFFFFF800  }
0x177: {  	_ =	swait.ge [sflag:s6], $0x3E80  }
0x178: {  	[sflag:s6] =	ssyncset.done $0x0  }
0x179: {  	[sflag:s6] =	ssyncadd.s32 $0xFFFFC180  }
0x17a: {  	[spmem:s3] =	stream.indirect.scatter.add.f32 [tilespmem:s25], [sflag:$0x3], $0x80, s0, s29, $0xb8;
	[tilespmem:$0x1E000] =	vst v63  }
0x17b: {  	_ =	swait.ge [sflag:s26], $0x3E80  }
0x17c: {  	[sflag:s26] =	ssyncset.done $0x0  }
0x17d: {  	s7 =	simm.s32 $0x100;
	[sflag:s26] =	ssyncadd.s32 $0xFFFFC180  }
0x17e: {  	[tilespmem:s25], [sflag:$0x1] =	stream.indirect.gather [hbm4b:s1+s29], $0x80, s7, s29, $0xb8;
	[tilespmem:$0x1E000] =	vst v63  }
0x17f: {  	_ =	swait.ge [sflag:s8], $0x3E80  }
0x180: {  	[sflag:s8] =	ssyncset.done $0x0  }
0x181: {  	[sflag:s8] =	ssyncadd.s32 $0xFFFFC180  }
0x182: {  	[spmem:s3] =	stream.indirect.scatter.add.f32 [tilespmem:s31], [sflag:$0x3], $0x80, s9, s29, $0xb8;
	[tilespmem:$0x1E000] =	vst v63  }
0x183: {  	_ =	swait.ge [sflag:s26], $0x3E80  }
0x184: {  	[sflag:s26] =	ssyncset.done $0x0  }
0x185: {  	[sflag:s26] =	ssyncadd.s32 $0xFFFFC180  }
0x186: {  	[tilespmem:s31], [sflag:$0x2] =	stream.indirect.gather [hbm4b:s1+s29], $0x80, s10, s29, $0xb8;
	[tilespmem:$0x1E000] =	vst v63  }
0x187: {  	_ =	swait.ge [sflag:s6], $0x3E80  }
0x188: {  	[sflag:s6] =	ssyncset.done $0x0  }
0x189: {  	[sflag:s6] =	ssyncadd.s32 $0xFFFFC180  }
0x18a: {  	[spmem:s3] =	stream.indirect.scatter.add.f32 [tilespmem:s25], [sflag:$0x3], $0x80, s11, s29, $0xb8;
	[tilespmem:$0x1E000] =	vst v63  }
0x18b: {  	_ =	swait.ge [sflag:s26], $0x3E80  }
0x18c: {  	[sflag:s26] =	ssyncset.done $0x0  }
0x18d: {  	[sflag:s26] =	ssyncadd.s32 $0xFFFFC180  }
0x18e: {  	[tilespmem:s25], [sflag:$0x1] =	stream.indirect.gather [hbm4b:s1+s29], $0x80, s12, s29, $0xb8;
	[tilespmem:$0x1E000] =	vst v63  }
0x18f: {  	_ =	swait.ge [sflag:s8], $0x3E80  }
0x190: {  	[sflag:s8] =	ssyncset.done $0x0  }
0x191: {  	[sflag:s8] =	ssyncadd.s32 $0xFFFFC180  }
0x192: {  	[spmem:s3] =	stream.indirect.scatter.add.f32 [tilespmem:s31], [sflag:$0x3], $0x80, s13, s29, $0xb8;
	[tilespmem:$0x1E000] =	vst v63  }
0x193: {  	_ =	swait.ge [sflag:s26], $0x3E80  }
0x194: {  	[sflag:s26] =	ssyncset.done $0x0  }
0x195: {  	[sflag:s26] =	ssyncadd.s32 $0xFFFFC180  }
0x196: {  	[tilespmem:s31], [sflag:$0x2] =	stream.indirect.gather [hbm4b:s1+s29], $0x80, s14, s29, $0xb8;
	[tilespmem:$0x1E000] =	vst v63  }
0x197: {  	_ =	swait.ge [sflag:s6], $0x3E80  }
0x198: {  	[sflag:s6] =	ssyncset.done $0x0  }
0x199: {  	[sflag:s6] =	ssyncadd.s32 $0xFFFFC180  }
0x19a: {  	[spmem:s3] =	stream.indirect.scatter.add.f32 [tilespmem:s25], [sflag:$0x3], $0x80, s15, s29, $0xb8;
	[tilespmem:$0x1E000] =	vst v63  }
0x19b: {  	_ =	swait.ge [sflag:s26], $0x3E80  }
0x19c: {  	[sflag:s26] =	ssyncset.done $0x0  }
0x19d: {  	[sflag:s26] =	ssyncadd.s32 $0xFFFFC180  }
0x19e: {  	[tilespmem:s25], [sflag:$0x1] =	stream.indirect.gather [hbm4b:s1+s29], $0x80, s16, s29, $0xb8;
	[tilespmem:$0x1E000] =	vst v63  }
0x19f: {  	_ =	swait.ge [sflag:s8], $0x3E80  }
0x1a0: {  	[sflag:s8] =	ssyncset.done $0x0  }
0x1a1: {  	[sflag:s8] =	ssyncadd.s32 $0xFFFFC180  }
0x1a2: {  	[spmem:s3] =	stream.indirect.scatter.add.f32 [tilespmem:s31], [sflag:$0x3], $0x80, s17, s29, $0xb8;
	[tilespmem:$0x1E000] =	vst v63  }
0x1a3: {  	_ =	swait.ge [sflag:s26], $0x3E80  }
0x1a4: {  	[sflag:s26] =	ssyncset.done $0x0  }
0x1a5: {  	[sflag:s26] =	ssyncadd.s32 $0xFFFFC180  }
0x1a6: {  	[tilespmem:s31], [sflag:$0x2] =	stream.indirect.gather [hbm4b:s1+s29], $0x80, s18, s29, $0xb8;
	[tilespmem:$0x1E000] =	vst v63  }
0x1a7: {  	_ =	swait.ge [sflag:s6], $0x3E80  }
0x1a8: {  	[sflag:s6] =	ssyncset.done $0x0  }
0x1a9: {  	s21 =	simm.s32 $0x1300;
	[sflag:s6] =	ssyncadd.s32 $0xFFFFC180  }
0x1aa: {  	[spmem:s3] =	stream.indirect.scatter.add.f32 [tilespmem:s25], [sflag:$0x3], $0x80, s21, s29, $0xb8;
	[tilespmem:$0x1E000] =	vst v63  }
0x1ab: {  	_ =	swait.ge [sflag:s26], $0x3E80  }
0x1ac: {  	[sflag:s26] =	ssyncset.done $0x0  }
0x1ad: {  	s22 =	simm.s32 $0x400;
	[sflag:s26] =	ssyncadd.s32 $0xFFFFC180  }
0x1ae: {  	[tilespmem:s25], [sflag:$0x1] =	stream.indirect.gather [hbm4b:s1+s29], $0x80, s22, s29, $0xb8;
	[tilespmem:$0x1E000] =	vst v63  }
0x1af: {  	_ =	swait.ge [sflag:s8], $0x3E80  }
0x1b0: {  	[sflag:s8] =	ssyncset.done $0x0  }
0x1b1: {  	[sflag:s8] =	ssyncadd.s32 $0xFFFFC180  }
0x1b2: {  	[spmem:s3] =	stream.indirect.scatter.add.f32 [tilespmem:s31], [sflag:$0x3], $0x80, s23, s29, $0xb8;
	[tilespmem:$0x1E000] =	vst v63  }
0x1b3: {  	_ =	swait.ge [sflag:s26], $0x3E80  }
0x1b4: {  	[sflag:s26] =	ssyncset.done $0x0  }
0x1b5: {  	[sflag:s26] =	ssyncadd.s32 $0xFFFFC180  }
0x1b6: {  	[tilespmem:s31], [sflag:$0x2] =	stream.indirect.gather [hbm4b:s1+s29], $0x80, s24, s29, $0xb8;
	[tilespmem:$0x1E000] =	vst v63  }
0x1b7: {  	_ =	swait.ge [sflag:s6], $0x3E80  }
0x1b8: {  	[sflag:s6] =	ssyncset.done $0x0  }
0x1b9: {  	[sflag:s6] =	ssyncadd.s32 $0xFFFFC180  }
0x1ba: {  	[spmem:s3] =	stream.indirect.scatter.add.f32 [tilespmem:s25], [sflag:$0x3], $0x80, s28, s29, $0xb8;
	[tilespmem:$0x1E000] =	vst v63  }
0x1bb: {  	_ =	swait.ge [sflag:s26], $0x3E80  }
0x1bc: {  	[sflag:s26] =	ssyncset.done $0x0  }
0x1bd: {  	[sflag:s26] =	ssyncadd.s32 $0xFFFFC180  }
0x1be: {  	[tilespmem:s25], [sflag:$0x1] =	stream.indirect.gather [hbm4b:s1+s29], $0x80, s30, s29, $0xb8;
	[tilespmem:$0x1E000] =	vst v63  }
0x1bf: {  	_ =	swait.ge [sflag:s8], $0x3E80  }
0x1c0: {  	[sflag:s8] =	ssyncset.done $0x0  }
0x1c1: {  	s20 =	simm.s32 $0x1480;
	[sflag:s8] =	ssyncadd.s32 $0xFFFFC180  }
0x1c2: {  	[spmem:s3] =	stream.indirect.scatter.add.f32 [tilespmem:s31], [sflag:$0x3], $0x80, s20, s29, $0xb8;
	[tilespmem:$0x1E000] =	vst v63  }
0x1c3: {  	_ =	swait.ge [sflag:s26], $0x3E80  }
0x1c4: {  	[sflag:s26] =	ssyncset.done $0x0  }
0x1c5: {  	s20 =	simm.s32 $0x580;
	[sflag:s26] =	ssyncadd.s32 $0xFFFFC180  }
0x1c6: {  	[tilespmem:s31], [sflag:$0x2] =	stream.indirect.gather [hbm4b:s1+s29], $0x80, s20, s29, $0xb8;
	[tilespmem:$0x1E000] =	vst v63  }
0x1c7: {  	_ =	swait.ge [sflag:s6], $0x3E80  }
0x1c8: {  	[sflag:s6] =	ssyncset.done $0x0  }
0x1c9: {  	s20 =	simm.s32 $0x1500;
	[sflag:s6] =	ssyncadd.s32 $0xFFFFC180  }
0x1ca: {  	[spmem:s3] =	stream.indirect.scatter.add.f32 [tilespmem:s25], [sflag:$0x3], $0x80, s20, s29, $0xb8;
	[tilespmem:$0x1E000] =	vst v63  }
0x1cb: {  	_ =	swait.ge [sflag:s26], $0x3E80  }
0x1cc: {  	[sflag:s26] =	ssyncset.done $0x0  }
0x1cd: {  	s20 =	simm.s32 $0x600;
	[sflag:s26] =	ssyncadd.s32 $0xFFFFC180  }
0x1ce: {  	[tilespmem:s25], [sflag:$0x1] =	stream.indirect.gather [hbm4b:s1+s29], $0x80, s20, s29, $0xb8;
	[tilespmem:$0x1E000] =	vst v63  }
0x1cf: {  	_ =	swait.ge [sflag:s8], $0x3E80  }
0x1d0: {  	[sflag:s8] =	ssyncset.done $0x0  }
0x1d1: {  	s20 =	simm.s32 $0x1580;
	[sflag:s8] =	ssyncadd.s32 $0xFFFFC180  }
0x1d2: {  	[spmem:s3] =	stream.indirect.scatter.add.f32 [tilespmem:s31], [sflag:$0x3], $0x80, s20, s29, $0xb8;
	[tilespmem:$0x1E000] =	vst v63  }
0x1d3: {  	_ =	swait.ge [sflag:s26], $0x3E80  }
0x1d4: {  	[sflag:s26] =	ssyncset.done $0x0  }
0x1d5: {  	s20 =	simm.s32 $0x680;
	[sflag:s26] =	ssyncadd.s32 $0xFFFFC180  }
0x1d6: {  	[tilespmem:s31], [sflag:$0x2] =	stream.indirect.gather [hbm4b:s1+s29], $0x80, s20, s29, $0xb8;
	[tilespmem:$0x1E000] =	vst v63  }
0x1d7: {  	_ =	swait.ge [sflag:s6], $0x3E80  }
0x1d8: {  	[sflag:s6] =	ssyncset.done $0x0  }
0x1d9: {  	s20 =	simm.s32 $0x1600;
	[sflag:s6] =	ssyncadd.s32 $0xFFFFC180  }
0x1da: {  	[spmem:s3] =	stream.indirect.scatter.add.f32 [tilespmem:s25], [sflag:$0x3], $0x80, s20, s29, $0xb8;
	[tilespmem:$0x1E000] =	vst v63  }
0x1db: {  	_ =	swait.ge [sflag:s26], $0x3E80  }
0x1dc: {  	[sflag:s26] =	ssyncset.done $0x0  }
0x1dd: {  	s20 =	simm.s32 $0x700;
	[sflag:s26] =	ssyncadd.s32 $0xFFFFC180  }
0x1de: {  	[tilespmem:s25], [sflag:$0x1] =	stream.indirect.gather [hbm4b:s1+s29], $0x80, s20, s29, $0xb8;
	[tilespmem:$0x1E000] =	vst v63  }
0x1df: {  	_ =	swait.ge [sflag:s8], $0x3E80  }
0x1e0: {  	[sflag:s8] =	ssyncset.done $0x0  }
0x1e1: {  	s20 =	simm.s32 $0x1680;
	[sflag:s8] =	ssyncadd.s32 $0xFFFFC180  }
0x1e2: {  	[spmem:s3] =	stream.indirect.scatter.add.f32 [tilespmem:s31], [sflag:$0x3], $0x80, s20, s29, $0xb8;
	[tilespmem:$0x1E000] =	vst v63  }
0x1e3: {  	_ =	swait.ge [sflag:s26], $0x3E80  }
0x1e4: {  	[sflag:s26] =	ssyncset.done $0x0  }
0x1e5: {  	s20 =	simm.s32 $0x780;
	[sflag:s26] =	ssyncadd.s32 $0xFFFFC180  }
0x1e6: {  	[tilespmem:s31], [sflag:$0x2] =	stream.indirect.gather [hbm4b:s1+s29], $0x80, s20, s29, $0xb8;
	[tilespmem:$0x1E000] =	vst v63  }
0x1e7: {  	_ =	swait.ge [sflag:s6], $0x3E80  }
0x1e8: {  	[sflag:s6] =	ssyncset.done $0x0  }
0x1e9: {  	s20 =	simm.s32 $0x1700;
	[sflag:s6] =	ssyncadd.s32 $0xFFFFC180  }
0x1ea: {  	[spmem:s3] =	stream.indirect.scatter.add.f32 [tilespmem:s25], [sflag:$0x3], $0x80, s20, s29, $0xb8;
	[tilespmem:$0x1E000] =	vst v63  }
0x1eb: {  	_ =	swait.ge [sflag:s26], $0x3E80  }
0x1ec: {  	[sflag:s26] =	ssyncset.done $0x0  }
0x1ed: {  	[sflag:s26] =	ssyncadd.s32 $0xFFFFC180  }
0x1ee: {  	[tilespmem:s25], [sflag:$0x1] =	stream.indirect.gather [hbm4b:s1+s29], $0x80, s2, s29, $0xb8;
	[tilespmem:$0x1E000] =	vst v63  }
0x1ef: {  	_ =	swait.ge [sflag:s8], $0x3E80  }
0x1f0: {  	[sflag:s8] =	ssyncset.done $0x0  }
0x1f1: {  	s20 =	simm.s32 $0x1780;
	[sflag:s8] =	ssyncadd.s32 $0xFFFFC180  }
0x1f2: {  	[spmem:s3] =	stream.indirect.scatter.add.f32 [tilespmem:s31], [sflag:$0x3], $0x80, s20, s29, $0xb8;
	[tilespmem:$0x1E000] =	vst v63  }
0x1f3: {  	_ =	swait.ge [sflag:s26], $0x3E80  }
0x1f4: {  	[sflag:s26] =	ssyncset.done $0x0  }
0x1f5: {  	s20 =	simm.s32 $0x880;
	[sflag:s26] =	ssyncadd.s32 $0xFFFFC180  }
0x1f6: {  	[tilespmem:s31], [sflag:$0x2] =	stream.indirect.gather [hbm4b:s1+s29], $0x80, s20, s29, $0xb8;
	[tilespmem:$0x1E000] =	vst v63  }
0x1f7: {  	s20 =	rddreg [dreg:$0x13]  }
0x1f8: {  	[tilespmem:s4], [sflag:$0x3] =	stream.linear.gather [hbm4b:s20+s4], $0x800, $0x38;
	[tilespmem:$0x1E000] =	vst v63  }
0x1f9: {  	_ =	swait.ge [sflag:s26], $0x800  }
0x1fa: {  	[sflag:s26] =	ssyncset.done $0x0  }
0x1fb: {  	s20 =	rddreg [dreg:$0x14];
	[sflag:s26] =	ssyncadd.s32 $0xFFFFF800  }
0x1fc: {  	[tilespmem:s0], [sflag:$0x3] =	stream.linear.gather [hbm4b:s20+s4], $0x800, $0x38;
	[tilespmem:$0x1E000] =	vst v63  }
0x1fd: {  	_ =	swait.ge [sflag:s26], $0x800  }
0x1fe: {  	[sflag:s26] =	ssyncset.done $0x0  }
0x1ff: {  	[sflag:s26] =	ssyncadd.s32 $0xFFFFF800  }
0x200: {  	_ =	swait.ge [sflag:s6], $0x3E80  }
0x201: {  	[sflag:s6] =	ssyncset.done $0x0  }
0x202: {  	[sflag:s6] =	ssyncadd.s32 $0xFFFFC180  }
0x203: {  	[spmem:s3] =	stream.indirect.scatter.add.f32 [tilespmem:s25], [sflag:$0x3], $0x80, s5, s29, $0xb8;
	[tilespmem:$0x1E000] =	vst v63  }
0x204: {  	_ =	swait.ge [sflag:s26], $0x3E80  }
0x205: {  	[sflag:s26] =	ssyncset.done $0x0  }
0x206: {  	s20 =	simm.s32 $0x900;
	[sflag:s26] =	ssyncadd.s32 $0xFFFFC180  }
0x207: {  	[tilespmem:s25], [sflag:$0x1] =	stream.indirect.gather [hbm4b:s1+s29], $0x80, s20, s29, $0xb8;
	[tilespmem:$0x1E000] =	vst v63  }
0x208: {  	_ =	swait.ge [sflag:s8], $0x3E80  }
0x209: {  	[sflag:s8] =	ssyncset.done $0x0  }
0x20a: {  	s20 =	simm.s32 $0x1880;
	[sflag:s8] =	ssyncadd.s32 $0xFFFFC180  }
0x20b: {  	[spmem:s3] =	stream.indirect.scatter.add.f32 [tilespmem:s31], [sflag:$0x3], $0x80, s20, s29, $0xb8;
	[tilespmem:$0x1E000] =	vst v63  }
0x20c: {  	_ =	swait.ge [sflag:s26], $0x3E80  }
0x20d: {  	[sflag:s26] =	ssyncset.done $0x0  }
0x20e: {  	s20 =	simm.s32 $0x980;
	[sflag:s26] =	ssyncadd.s32 $0xFFFFC180  }
0x20f: {  	[tilespmem:s31], [sflag:$0x2] =	stream.indirect.gather [hbm4b:s1+s29], $0x80, s20, s29, $0xb8;
	[tilespmem:$0x1E000] =	vst v63  }
0x210: {  	_ =	swait.ge [sflag:s6], $0x3E80  }
0x211: {  	[sflag:s6] =	ssyncset.done $0x0  }
0x212: {  	s20 =	simm.s32 $0x1900;
	[sflag:s6] =	ssyncadd.s32 $0xFFFFC180  }
0x213: {  	[spmem:s3] =	stream.indirect.scatter.add.f32 [tilespmem:s25], [sflag:$0x3], $0x80, s20, s29, $0xb8;
	[tilespmem:$0x1E000] =	vst v63  }
0x214: {  	_ =	swait.ge [sflag:s26], $0x3E80  }
0x215: {  	[sflag:s26] =	ssyncset.done $0x0  }
0x216: {  	s20 =	simm.s32 $0xA00;
	[sflag:s26] =	ssyncadd.s32 $0xFFFFC180  }
0x217: {  	[tilespmem:s25], [sflag:$0x1] =	stream.indirect.gather [hbm4b:s1+s29], $0x80, s20, s29, $0xb8;
	[tilespmem:$0x1E000] =	vst v63  }
0x218: {  	_ =	swait.ge [sflag:s8], $0x3E80  }
0x219: {  	[sflag:s8] =	ssyncset.done $0x0  }
0x21a: {  	s20 =	simm.s32 $0x1980;
	[sflag:s8] =	ssyncadd.s32 $0xFFFFC180  }
0x21b: {  	[spmem:s3] =	stream.indirect.scatter.add.f32 [tilespmem:s31], [sflag:$0x3], $0x80, s20, s29, $0xb8;
	[tilespmem:$0x1E000] =	vst v63  }
0x21c: {  	_ =	swait.ge [sflag:s26], $0x3E80  }
0x21d: {  	[sflag:s26] =	ssyncset.done $0x0  }
0x21e: {  	s20 =	simm.s32 $0xA80;
	[sflag:s26] =	ssyncadd.s32 $0xFFFFC180  }
0x21f: {  	[tilespmem:s31], [sflag:$0x2] =	stream.indirect.gather [hbm4b:s1+s29], $0x80, s20, s29, $0xb8;
	[tilespmem:$0x1E000] =	vst v63  }
0x220: {  	_ =	swait.ge [sflag:s6], $0x3E80  }
0x221: {  	[sflag:s6] =	ssyncset.done $0x0  }
0x222: {  	s20 =	simm.s32 $0x1A00;
	[sflag:s6] =	ssyncadd.s32 $0xFFFFC180  }
0x223: {  	[spmem:s3] =	stream.indirect.scatter.add.f32 [tilespmem:s25], [sflag:$0x3], $0x80, s20, s29, $0xb8;
	[tilespmem:$0x1E000] =	vst v63  }
0x224: {  	_ =	swait.ge [sflag:s26], $0x3E80  }
0x225: {  	[sflag:s26] =	ssyncset.done $0x0  }
0x226: {  	s20 =	simm.s32 $0xB00;
	[sflag:s26] =	ssyncadd.s32 $0xFFFFC180  }
0x227: {  	[tilespmem:s25], [sflag:$0x1] =	stream.indirect.gather [hbm4b:s1+s29], $0x80, s20, s29, $0xb8;
	[tilespmem:$0x1E000] =	vst v63  }
0x228: {  	_ =	swait.ge [sflag:s8], $0x3E80  }
0x229: {  	[sflag:s8] =	ssyncset.done $0x0  }
0x22a: {  	s20 =	simm.s32 $0x1A80;
	[sflag:s8] =	ssyncadd.s32 $0xFFFFC180  }
0x22b: {  	[spmem:s3] =	stream.indirect.scatter.add.f32 [tilespmem:s31], [sflag:$0x3], $0x80, s20, s29, $0xb8;
	[tilespmem:$0x1E000] =	vst v63  }
0x22c: {  	_ =	swait.ge [sflag:s26], $0x3E80  }
0x22d: {  	[sflag:s26] =	ssyncset.done $0x0  }
0x22e: {  	s20 =	simm.s32 $0xB80;
	[sflag:s26] =	ssyncadd.s32 $0xFFFFC180  }
0x22f: {  	[tilespmem:s31], [sflag:$0x2] =	stream.indirect.gather [hbm4b:s1+s29], $0x80, s20, s29, $0xb8;
	[tilespmem:$0x1E000] =	vst v63  }
0x230: {  	_ =	swait.ge [sflag:s6], $0x3E80  }
0x231: {  	[sflag:s6] =	ssyncset.done $0x0  }
0x232: {  	s20 =	simm.s32 $0x1B00;
	[sflag:s6] =	ssyncadd.s32 $0xFFFFC180  }
0x233: {  	[spmem:s3] =	stream.indirect.scatter.add.f32 [tilespmem:s25], [sflag:$0x3], $0x80, s20, s29, $0xb8;
	[tilespmem:$0x1E000] =	vst v63  }
0x234: {  	_ =	swait.ge [sflag:s26], $0x3E80  }
0x235: {  	[sflag:s26] =	ssyncset.done $0x0  }
0x236: {  	s20 =	simm.s32 $0xC00;
	[sflag:s26] =	ssyncadd.s32 $0xFFFFC180  }
0x237: {  	[tilespmem:s25], [sflag:$0x1] =	stream.indirect.gather [hbm4b:s1+s29], $0x80, s20, s29, $0xb8;
	[tilespmem:$0x1E000] =	vst v63  }
0x238: {  	_ =	swait.ge [sflag:s8], $0x3E80  }
0x239: {  	[sflag:s8] =	ssyncset.done $0x0  }
0x23a: {  	s20 =	simm.s32 $0x1B80;
	[sflag:s8] =	ssyncadd.s32 $0xFFFFC180  }
0x23b: {  	[spmem:s3] =	stream.indirect.scatter.add.f32 [tilespmem:s31], [sflag:$0x3], $0x80, s20, s29, $0xb8;
	[tilespmem:$0x1E000] =	vst v63  }
0x23c: {  	_ =	swait.ge [sflag:s26], $0x3E80  }
0x23d: {  	[sflag:s26] =	ssyncset.done $0x0  }
0x23e: {  	s20 =	simm.s32 $0xC80;
	[sflag:s26] =	ssyncadd.s32 $0xFFFFC180  }
0x23f: {  	[tilespmem:s31], [sflag:$0x2] =	stream.indirect.gather [hbm4b:s1+s29], $0x80, s20, s29, $0xb8;
	[tilespmem:$0x1E000] =	vst v63  }
0x240: {  	_ =	swait.ge [sflag:s6], $0x3E80  }
0x241: {  	[sflag:s6] =	ssyncset.done $0x0  }
0x242: {  	s20 =	simm.s32 $0x1C00;
	[sflag:s6] =	ssyncadd.s32 $0xFFFFC180  }
0x243: {  	[spmem:s3] =	stream.indirect.scatter.add.f32 [tilespmem:s25], [sflag:$0x3], $0x80, s20, s29, $0xb8;
	[tilespmem:$0x1E000] =	vst v63  }
0x244: {  	_ =	swait.ge [sflag:s26], $0x3E80  }
0x245: {  	[sflag:s26] =	ssyncset.done $0x0  }
0x246: {  	s20 =	simm.s32 $0xD00;
	[sflag:s26] =	ssyncadd.s32 $0xFFFFC180  }
0x247: {  	[tilespmem:s25], [sflag:$0x1] =	stream.indirect.gather [hbm4b:s1+s29], $0x80, s20, s29, $0xb8;
	[tilespmem:$0x1E000] =	vst v63  }
0x248: {  	_ =	swait.ge [sflag:s8], $0x3E80  }
0x249: {  	[sflag:s8] =	ssyncset.done $0x0  }
0x24a: {  	s20 =	simm.s32 $0x1C80;
	[sflag:s8] =	ssyncadd.s32 $0xFFFFC180  }
0x24b: {  	[spmem:s3] =	stream.indirect.scatter.add.f32 [tilespmem:s31], [sflag:$0x3], $0x80, s20, s29, $0xb8;
	[tilespmem:$0x1E000] =	vst v63  }
0x24c: {  	_ =	swait.ge [sflag:s26], $0x3E80  }
0x24d: {  	[sflag:s26] =	ssyncset.done $0x0  }
0x24e: {  	s20 =	simm.s32 $0xD80;
	[sflag:s26] =	ssyncadd.s32 $0xFFFFC180  }
0x24f: {  	[tilespmem:s31], [sflag:$0x2] =	stream.indirect.gather [hbm4b:s1+s29], $0x80, s20, s29, $0xb8;
	[tilespmem:$0x1E000] =	vst v63  }
0x250: {  	_ =	swait.ge [sflag:s6], $0x3E80  }
0x251: {  	[sflag:s6] =	ssyncset.done $0x0  }
0x252: {  	s20 =	simm.s32 $0x1D00;
	[sflag:s6] =	ssyncadd.s32 $0xFFFFC180  }
0x253: {  	[spmem:s3] =	stream.indirect.scatter.add.f32 [tilespmem:s25], [sflag:$0x3], $0x80, s20, s29, $0xb8;
	[tilespmem:$0x1E000] =	vst v63  }
0x254: {  	_ =	swait.ge [sflag:s26], $0x3E80  }
0x255: {  	[sflag:s26] =	ssyncset.done $0x0  }
0x256: {  	s20 =	simm.s32 $0xE00;
	[sflag:s26] =	ssyncadd.s32 $0xFFFFC180  }
0x257: {  	[tilespmem:s25], [sflag:$0x1] =	stream.indirect.gather [hbm4b:s1+s29], $0x80, s20, s29, $0xb8;
	[tilespmem:$0x1E000] =	vst v63  }
0x258: {  	_ =	swait.ge [sflag:s8], $0x3E80  }
0x259: {  	[sflag:s8] =	ssyncset.done $0x0  }
0x25a: {  	s20 =	simm.s32 $0x1D80;
	[sflag:s8] =	ssyncadd.s32 $0xFFFFC180  }
0x25b: {  	[spmem:s3] =	stream.indirect.scatter.add.f32 [tilespmem:s31], [sflag:$0x3], $0x80, s20, s29, $0xb8;
	[tilespmem:$0x1E000] =	vst v63  }
0x25c: {  	_ =	swait.ge [sflag:s26], $0x3E80  }
0x25d: {  	[sflag:s26] =	ssyncset.done $0x0  }
0x25e: {  	s20 =	simm.s32 $0xE80;
	[sflag:s26] =	ssyncadd.s32 $0xFFFFC180  }
0x25f: {  	[tilespmem:s31], [sflag:$0x2] =	stream.indirect.gather [hbm4b:s1+s29], $0x80, s20, s29, $0xb8;
	[tilespmem:$0x1E000] =	vst v63  }
0x260: {  	_ =	swait.ge [sflag:s6], $0x3E80  }
0x261: {  	[sflag:s6] =	ssyncset.done $0x0  }
0x262: {  	s20 =	simm.s32 $0x1E00;
	[sflag:s6] =	ssyncadd.s32 $0xFFFFC180  }
0x263: {  	[spmem:s3] =	stream.indirect.scatter.add.f32 [tilespmem:s25], [sflag:$0x3], $0x80, s20, s29, $0xb8;
	[tilespmem:$0x1E000] =	vst v63  }
0x264: {  	_ =	swait.ge [sflag:s26], $0x3E80  }
0x265: {  	[sflag:s26] =	ssyncset.done $0x0  }
0x266: {  	s20 =	simm.s32 $0xF00;
	[sflag:s26] =	ssyncadd.s32 $0xFFFFC180  }
0x267: {  	[tilespmem:s25], [sflag:$0x1] =	stream.indirect.gather [hbm4b:s1+s29], $0x80, s20, s29, $0xb8;
	[tilespmem:$0x1E000] =	vst v63  }
0x268: {  	_ =	swait.ge [sflag:s8], $0x3E80  }
0x269: {  	[sflag:s8] =	ssyncset.done $0x0  }
0x26a: {  	s20 =	simm.s32 $0x1E80;
	[sflag:s8] =	ssyncadd.s32 $0xFFFFC180  }
0x26b: {  	[spmem:s3] =	stream.indirect.scatter.add.f32 [tilespmem:s31], [sflag:$0x3], $0x80, s20, s29, $0xb8;
	[tilespmem:$0x1E000] =	vst v63  }
0x26c: {  	_ =	swait.ge [sflag:s26], $0x3E80  }
0x26d: {  	[sflag:s26] =	ssyncset.done $0x0  }
0x26e: {  	s20 =	simm.s32 $0xF80;
	[sflag:s26] =	ssyncadd.s32 $0xFFFFC180  }
0x26f: {  	[tilespmem:s31], [sflag:$0x2] =	stream.indirect.gather [hbm4b:s1+s29], $0x80, s20, s29, $0xb8;
	[tilespmem:$0x1E000] =	vst v63  }
0x270: {  	_ =	swait.ge [sflag:s6], $0x3E80  }
0x271: {  	[sflag:s6] =	ssyncset.done $0x0  }
0x272: {  	s20 =	simm.s32 $0x1F00;
	[sflag:s6] =	ssyncadd.s32 $0xFFFFC180  }
0x273: {  	[spmem:s3] =	stream.indirect.scatter.add.f32 [tilespmem:s25], [sflag:$0x3], $0x80, s20, s29, $0xb8;
	[tilespmem:$0x1E000] =	vst v63  }
0x274: {  	_ =	swait.ge [sflag:s26], $0x3E80  }
0x275: {  	[sflag:s26] =	ssyncset.done $0x0  }
0x276: {  	[sflag:s26] =	ssyncadd.s32 $0xFFFFC180  }
0x277: {  	[tilespmem:s25], [sflag:$0x1] =	stream.indirect.gather [hbm4b:s1+s29], $0x80, s4, s29, $0xb8;
	[tilespmem:$0x1E000] =	vst v63  }
0x278: {  	_ =	swait.ge [sflag:s8], $0x3E80  }
0x279: {  	[sflag:s8] =	ssyncset.done $0x0  }
0x27a: {  	s20 =	simm.s32 $0x1F80;
	[sflag:s8] =	ssyncadd.s32 $0xFFFFC180  }
0x27b: {  	[spmem:s3] =	stream.indirect.scatter.add.f32 [tilespmem:s31], [sflag:$0x3], $0x80, s20, s29, $0xb8;
	[tilespmem:$0x1E000] =	vst v63  }
0x27c: {  	_ =	swait.ge [sflag:s26], $0x3E80  }
0x27d: {  	[sflag:s26] =	ssyncset.done $0x0  }
0x27e: {  	s20 =	simm.s32 $0x80;
	[sflag:s26] =	ssyncadd.s32 $0xFFFFC180  }
0x27f: {  	[tilespmem:s31], [sflag:$0x2] =	stream.indirect.gather [hbm4b:s1+s29], $0x80, s20, s29, $0xb8;
	[tilespmem:$0x1E000] =	vst v63  }
0x280: {  	_ =	swait.ge [sflag:s6], $0x3E80  }
0x281: {  	[sflag:s6] =	ssyncset.done $0x0  }
0x282: {  	[sflag:s6] =	ssyncadd.s32 $0xFFFFC180  }
0x283: {  	[spmem:s3] =	stream.indirect.scatter.add.f32 [tilespmem:s25], [sflag:$0x3], $0x80, s0, s29, $0xb8;
	[tilespmem:$0x1E000] =	vst v63  }
0x284: {  	_ =	swait.ge [sflag:s26], $0x3E80  }
0x285: {  	[sflag:s26] =	ssyncset.done $0x0  }
0x286: {  	[sflag:s26] =	ssyncadd.s32 $0xFFFFC180  }
0x287: {  	[tilespmem:s25], [sflag:$0x1] =	stream.indirect.gather [hbm4b:s1+s29], $0x80, s7, s29, $0xb8;
	[tilespmem:$0x1E000] =	vst v63  }
0x288: {  	_ =	swait.ge [sflag:s8], $0x3E80  }
0x289: {  	[sflag:s8] =	ssyncset.done $0x0  }
0x28a: {  	[sflag:s8] =	ssyncadd.s32 $0xFFFFC180  }
0x28b: {  	[spmem:s3] =	stream.indirect.scatter.add.f32 [tilespmem:s31], [sflag:$0x3], $0x80, s9, s29, $0xb8;
	[tilespmem:$0x1E000] =	vst v63  }
0x28c: {  	_ =	swait.ge [sflag:s26], $0x3E80  }
0x28d: {  	[sflag:s26] =	ssyncset.done $0x0  }
0x28e: {  	[sflag:s26] =	ssyncadd.s32 $0xFFFFC180  }
0x28f: {  	[tilespmem:s31], [sflag:$0x2] =	stream.indirect.gather [hbm4b:s1+s29], $0x80, s10, s29, $0xb8;
	[tilespmem:$0x1E000] =	vst v63  }
0x290: {  	_ =	swait.ge [sflag:s6], $0x3E80  }
0x291: {  	[sflag:s6] =	ssyncset.done $0x0  }
0x292: {  	[sflag:s6] =	ssyncadd.s32 $0xFFFFC180  }
0x293: {  	[spmem:s3] =	stream.indirect.scatter.add.f32 [tilespmem:s25], [sflag:$0x3], $0x80, s11, s29, $0xb8;
	[tilespmem:$0x1E000] =	vst v63  }
0x294: {  	_ =	swait.ge [sflag:s26], $0x3E80  }
0x295: {  	[sflag:s26] =	ssyncset.done $0x0  }
0x296: {  	[sflag:s26] =	ssyncadd.s32 $0xFFFFC180  }
0x297: {  	[tilespmem:s25], [sflag:$0x1] =	stream.indirect.gather [hbm4b:s1+s29], $0x80, s12, s29, $0xb8;
	[tilespmem:$0x1E000] =	vst v63  }
0x298: {  	_ =	swait.ge [sflag:s8], $0x3E80  }
0x299: {  	[sflag:s8] =	ssyncset.done $0x0  }
0x29a: {  	[sflag:s8] =	ssyncadd.s32 $0xFFFFC180  }
0x29b: {  	[spmem:s3] =	stream.indirect.scatter.add.f32 [tilespmem:s31], [sflag:$0x3], $0x80, s13, s29, $0xb8;
	[tilespmem:$0x1E000] =	vst v63  }
0x29c: {  	_ =	swait.ge [sflag:s26], $0x3E80  }
0x29d: {  	[sflag:s26] =	ssyncset.done $0x0  }
0x29e: {  	[sflag:s26] =	ssyncadd.s32 $0xFFFFC180  }
0x29f: {  	[tilespmem:s31], [sflag:$0x2] =	stream.indirect.gather [hbm4b:s1+s29], $0x80, s14, s29, $0xb8;
	[tilespmem:$0x1E000] =	vst v63  }
0x2a0: {  	_ =	swait.ge [sflag:s6], $0x3E80  }
0x2a1: {  	[sflag:s6] =	ssyncset.done $0x0  }
0x2a2: {  	[sflag:s6] =	ssyncadd.s32 $0xFFFFC180  }
0x2a3: {  	[spmem:s3] =	stream.indirect.scatter.add.f32 [tilespmem:s25], [sflag:$0x3], $0x80, s15, s29, $0xb8;
	[tilespmem:$0x1E000] =	vst v63  }
0x2a4: {  	_ =	swait.ge [sflag:s26], $0x3E80  }
0x2a5: {  	[sflag:s26] =	ssyncset.done $0x0  }
0x2a6: {  	[sflag:s26] =	ssyncadd.s32 $0xFFFFC180  }
0x2a7: {  	[tilespmem:s25], [sflag:$0x1] =	stream.indirect.gather [hbm4b:s1+s29], $0x80, s16, s29, $0xb8;
	[tilespmem:$0x1E000] =	vst v63  }
0x2a8: {  	_ =	swait.ge [sflag:s8], $0x3E80  }
0x2a9: {  	[sflag:s8] =	ssyncset.done $0x0  }
0x2aa: {  	[sflag:s8] =	ssyncadd.s32 $0xFFFFC180  }
0x2ab: {  	[spmem:s3] =	stream.indirect.scatter.add.f32 [tilespmem:s31], [sflag:$0x3], $0x80, s17, s29, $0xb8;
	[tilespmem:$0x1E000] =	vst v63  }
0x2ac: {  	_ =	swait.ge [sflag:s26], $0x3E80  }
0x2ad: {  	[sflag:s26] =	ssyncset.done $0x0  }
0x2ae: {  	[sflag:s26] =	ssyncadd.s32 $0xFFFFC180  }
0x2af: {  	[tilespmem:s31], [sflag:$0x2] =	stream.indirect.gather [hbm4b:s1+s29], $0x80, s18, s29, $0xb8;
	[tilespmem:$0x1E000] =	vst v63  }
0x2b0: {  	_ =	swait.ge [sflag:s6], $0x3E80  }
0x2b1: {  	[sflag:s6] =	ssyncset.done $0x0  }
0x2b2: {  	[sflag:s6] =	ssyncadd.s32 $0xFFFFC180  }
0x2b3: {  	[spmem:s3] =	stream.indirect.scatter.add.f32 [tilespmem:s25], [sflag:$0x3], $0x80, s21, s29, $0xb8;
	[tilespmem:$0x1E000] =	vst v63  }
0x2b4: {  	_ =	swait.ge [sflag:s26], $0x3E80  }
0x2b5: {  	[sflag:s26] =	ssyncset.done $0x0  }
0x2b6: {  	[sflag:s26] =	ssyncadd.s32 $0xFFFFC180  }
0x2b7: {  	[tilespmem:s25], [sflag:$0x1] =	stream.indirect.gather [hbm4b:s1+s29], $0x80, s22, s29, $0xb8;
	[tilespmem:$0x1E000] =	vst v63  }
0x2b8: {  	_ =	swait.ge [sflag:s8], $0x3E80  }
0x2b9: {  	[sflag:s8] =	ssyncset.done $0x0  }
0x2ba: {  	[sflag:s8] =	ssyncadd.s32 $0xFFFFC180  }
0x2bb: {  	[spmem:s3] =	stream.indirect.scatter.add.f32 [tilespmem:s31], [sflag:$0x3], $0x80, s23, s29, $0xb8;
	[tilespmem:$0x1E000] =	vst v63  }
0x2bc: {  	_ =	swait.ge [sflag:s26], $0x3E80  }
0x2bd: {  	[sflag:s26] =	ssyncset.done $0x0  }
0x2be: {  	[sflag:s26] =	ssyncadd.s32 $0xFFFFC180  }
0x2bf: {  	[tilespmem:s31], [sflag:$0x2] =	stream.indirect.gather [hbm4b:s1+s29], $0x80, s24, s29, $0xb8;
	[tilespmem:$0x1E000] =	vst v63  }
0x2c0: {  	_ =	swait.ge [sflag:s6], $0x3E80  }
0x2c1: {  	[sflag:s6] =	ssyncset.done $0x0  }
0x2c2: {  	[sflag:s6] =	ssyncadd.s32 $0xFFFFC180  }
0x2c3: {  	[spmem:s3] =	stream.indirect.scatter.add.f32 [tilespmem:s25], [sflag:$0x3], $0x80, s28, s29, $0xb8;
	[tilespmem:$0x1E000] =	vst v63  }
0x2c4: {  	_ =	swait.ge [sflag:s26], $0x3E80  }
0x2c5: {  	[sflag:s26] =	ssyncset.done $0x0  }
0x2c6: {  	[sflag:s26] =	ssyncadd.s32 $0xFFFFC180  }
0x2c7: {  	[tilespmem:s25], [sflag:$0x1] =	stream.indirect.gather [hbm4b:s1+s29], $0x80, s30, s29, $0xb8;
	[tilespmem:$0x1E000] =	vst v63  }
0x2c8: {  	_ =	swait.ge [sflag:s8], $0x3E80  }
0x2c9: {  	[sflag:s8] =	ssyncset.done $0x0  }
0x2ca: {  	s22 =	simm.s32 $0x1480;
	[sflag:s8] =	ssyncadd.s32 $0xFFFFC180  }
0x2cb: {  	[spmem:s3] =	stream.indirect.scatter.add.f32 [tilespmem:s31], [sflag:$0x3], $0x80, s22, s29, $0xb8;
	[tilespmem:$0x1E000] =	vst v63  }
0x2cc: {  	_ =	swait.ge [sflag:s26], $0x3E80  }
0x2cd: {  	[sflag:s26] =	ssyncset.done $0x0  }
0x2ce: {  	s5 =	simm.s32 $0x580;
	[sflag:s26] =	ssyncadd.s32 $0xFFFFC180  }
0x2cf: {  	[tilespmem:s31], [sflag:$0x2] =	stream.indirect.gather [hbm4b:s1+s29], $0x80, s5, s29, $0xb8;
	[tilespmem:$0x1E000] =	vst v63  }
0x2d0: {  	_ =	swait.ge [sflag:s6], $0x3E80  }
0x2d1: {  	[sflag:s6] =	ssyncset.done $0x0  }
0x2d2: {  	s7 =	simm.s32 $0x1500;
	[sflag:s6] =	ssyncadd.s32 $0xFFFFC180  }
0x2d3: {  	[spmem:s3] =	stream.indirect.scatter.add.f32 [tilespmem:s25], [sflag:$0x3], $0x80, s7, s29, $0xb8;
	[tilespmem:$0x1E000] =	vst v63  }
0x2d4: {  	_ =	swait.ge [sflag:s26], $0x3E80  }
0x2d5: {  	[sflag:s26] =	ssyncset.done $0x0  }
0x2d6: {  	s20 =	simm.s32 $0x600;
	[sflag:s26] =	ssyncadd.s32 $0xFFFFC180  }
0x2d7: {  	[tilespmem:s25], [sflag:$0x1] =	stream.indirect.gather [hbm4b:s1+s29], $0x80, s20, s29, $0xb8;
	[tilespmem:$0x1E000] =	vst v63  }
0x2d8: {  	_ =	swait.ge [sflag:s8], $0x3E80  }
0x2d9: {  	[sflag:s8] =	ssyncset.done $0x0  }
0x2da: {  	s21 =	simm.s32 $0x1580;
	[sflag:s8] =	ssyncadd.s32 $0xFFFFC180  }
0x2db: {  	[spmem:s3] =	stream.indirect.scatter.add.f32 [tilespmem:s31], [sflag:$0x3], $0x80, s21, s29, $0xb8;
	[tilespmem:$0x1E000] =	vst v63  }
0x2dc: {  	_ =	swait.ge [sflag:s26], $0x3E80  }
0x2dd: {  	[sflag:s26] =	ssyncset.done $0x0  }
0x2de: {  	s22 =	simm.s32 $0x680;
	[sflag:s26] =	ssyncadd.s32 $0xFFFFC180  }
0x2df: {  	[tilespmem:s31], [sflag:$0x2] =	stream.indirect.gather [hbm4b:s1+s29], $0x80, s22, s29, $0xb8;
	[tilespmem:$0x1E000] =	vst v63  }
0x2e0: {  	_ =	swait.ge [sflag:s6], $0x3E80  }
0x2e1: {  	[sflag:s6] =	ssyncset.done $0x0  }
0x2e2: {  	s5 =	simm.s32 $0x1600;
	[sflag:s6] =	ssyncadd.s32 $0xFFFFC180  }
0x2e3: {  	[spmem:s3] =	stream.indirect.scatter.add.f32 [tilespmem:s25], [sflag:$0x3], $0x80, s5, s29, $0xb8;
	[tilespmem:$0x1E000] =	vst v63  }
0x2e4: {  	_ =	swait.ge [sflag:s26], $0x3E80  }
0x2e5: {  	[sflag:s26] =	ssyncset.done $0x0  }
0x2e6: {  	s7 =	simm.s32 $0x700;
	[sflag:s26] =	ssyncadd.s32 $0xFFFFC180  }
0x2e7: {  	[tilespmem:s25], [sflag:$0x1] =	stream.indirect.gather [hbm4b:s1+s29], $0x80, s7, s29, $0xb8;
	[tilespmem:$0x1E000] =	vst v63  }
0x2e8: {  	_ =	swait.ge [sflag:s8], $0x3E80  }
0x2e9: {  	[sflag:s8] =	ssyncset.done $0x0  }
0x2ea: {  	s20 =	simm.s32 $0x1680;
	[sflag:s8] =	ssyncadd.s32 $0xFFFFC180  }
0x2eb: {  	[spmem:s3] =	stream.indirect.scatter.add.f32 [tilespmem:s31], [sflag:$0x3], $0x80, s20, s29, $0xb8;
	[tilespmem:$0x1E000] =	vst v63  }
0x2ec: {  	_ =	swait.ge [sflag:s26], $0x3E80  }
0x2ed: {  	[sflag:s26] =	ssyncset.done $0x0  }
0x2ee: {  	s21 =	simm.s32 $0x780;
	[sflag:s26] =	ssyncadd.s32 $0xFFFFC180  }
0x2ef: {  	[tilespmem:s31], [sflag:$0x2] =	stream.indirect.gather [hbm4b:s1+s29], $0x80, s21, s29, $0xb8;
	[tilespmem:$0x1E000] =	vst v63  }
0x2f0: {  	_ =	swait.ge [sflag:s6], $0x3E80  }
0x2f1: {  	[sflag:s6] =	ssyncset.done $0x0  }
0x2f2: {  	s22 =	simm.s32 $0x1700;
	[sflag:s6] =	ssyncadd.s32 $0xFFFFC180  }
0x2f3: {  	[spmem:s3] =	stream.indirect.scatter.add.f32 [tilespmem:s25], [sflag:$0x3], $0x80, s22, s29, $0xb8;
	[tilespmem:$0x1E000] =	vst v63  }
0x2f4: {  	_ =	swait.ge [sflag:s26], $0x3E80  }
0x2f5: {  	[sflag:s26] =	ssyncset.done $0x0  }
0x2f6: {  	[sflag:s26] =	ssyncadd.s32 $0xFFFFC180  }
0x2f7: {  	_ =	swait.ge [sflag:s8], $0x3E80  }
0x2f8: {  	[sflag:s8] =	ssyncset.done $0x0  }
0x2f9: {  	s2 =	simm.s32 $0x1780;
	[sflag:s8] =	ssyncadd.s32 $0xFFFFC180  }
0x2fa: {  	[spmem:s3] =	stream.indirect.scatter.add.f32 [tilespmem:s31], [sflag:$0x3], $0x80, s2, s29, $0xb8;
	[tilespmem:$0x1E000] =	vst v63  }
0x2fb: {  	_ =	swait.ge [sflag:s26], $0x3E80  }
0x2fc: {  	[sflag:s26] =	ssyncset.done $0x0  }
0x2fd: {  	[sflag:s26] =	ssyncadd.s32 $0xFFFFC180  }
0x2fe: {  	s0 =	stileid.u32;
	[bflag:$0x0] =	sbarrier.arrive $0xFFFF  }
0x2ff: {  	s20 =	sshll.u32 s0, $0x6;
	s2 =	rddreg [dreg:$0x17]  }
0x300: {  	s20 =	sor.u32 $0x1C03, s20;
	s7 =	rddreg [dreg:$0x15];
	s5 =	sshrl.u32 s2, $0x3  }
0x301: {  	[hbm:s7], [sflag:s20] =	dma.local [spmem:s5], $0x2800  }
0x302: {  	_ =	swait.ge [sflag:s26], $0x2800  }
0x303: {  	s19 =	sadd.s32 $0x1, s19;
	s22 =	rddreg [dreg:$0x16]  }
0x304: {  	p0 =	sne.s32 s19, s22  }
.Ltmp1:
0x305: {  	_ = 	snop;
	(pc) =	sbr.rel @p0 .LBB2_1-.Ltmp1, $3  }
0x306: {  	_ =	sdelay $0x1  }
0x307: {  	[sflag:s26] =	ssyncset.done $0x0  }
0x308: {  	[sflag:s26] =	ssyncadd.s32 $0xFFFFD800  }
0x309: {  	_ =	sfence.sel $0x180000  }
0x30a: {  	[bflag:$0x0] =	sbarrier.arrive $0xFFFF  }
0x30b: {  	_ =	strace $0x9000004A  }
0x30c: {  	s0 =	stileid.u32;
	[bflag:$0x2] =	sbarrier.arrive $0xFFFF  }
0x30d: {  	p0 =	sne.s32 s0, $0x0;
	s0 =	rddreg [dreg:$0x3]  }
0x30e: {  	s0 =	sadd.s32 @!p0 $0x100000, s0  }
0x30f: {  	[sflag:s0] =	ssyncadd.tile.s32 @!p0 $0x1;
	_ =	shalt  }
.Lfunc_end2:
_tile_overlayer_lowered:
.L_overlay_start_2:
0x310: {  	(tag) =	ssettag $0x2  }
0x311: {  	s0 =	rddreg [dreg:$0x0];
	s2 =	stileid.u32  }
0x312: {  	s1 =	rddreg [dreg:$0x1];
	p0 =	sne.s32 s2, $0x0  }
0x313: {  	s3 =	rddreg [dreg:$0x2];
	[bflag:$0x3] =	sbarrier.arrive $0xFFFF;
	s2 =	simm.s32 @!p0 $0x1C03  }
0x314: {  	[timem:s3], [sflag:s2] =	dma.local @!p0 [hbm:s0], s1  }
0x315: {  	s0 =	simm.s32 @!p0 $0x3  }
0x316: {  	_ =	swait.ge @!p0 [sflag:s0], s1  }
0x317: {  	s1 =	ssub.s32 @!p0 $0x0, s1;
	[sflag:s0] =	ssyncset.done @!p0 $0x0  }
0x318: {  	[sflag:s0] =	ssyncadd.s32 @!p0 s1  }
0x319: {  	[bflag:$0x3] =	sbarrier.arrive $0xFFFF  }
0x31a: {  	_ =	shalt  }

// kernel: kernel.14.cloned.1.call-start
scs
__scs_entry_jumppad:
0x0: {  	(pc) =	sbr.rel $0x88, $3  }
0x1: {  	(tag) =	ssettag $0x0;
	lr =	simm.s32 $0x1  }
0x2: {  	[smem:$0x3F9B] =	sst lr;
	_ =	strace $0xD0000000  }
0x3: {  	_ = 	snop  }
0x4: {  	_ = 	snop  }
0x5: {  	_ = 	snop  }
0x6: {  	_ = 	snop  }
0x7: {  	_ = 	snop  }
__scs_overlays_trampoline_lowered:
0x8: {  	[smem:$0x3FAA] =	sst s0  }
0x9: {  	[smem:$0x3FAB] =	sst s1  }
0xa: {  	[smem:$0x3FAC] =	sst s2  }
0xb: {  	[smem:$0x3FAD] =	sst s3  }
0xc: {  	[smem:$0x3FAE] =	sst s4  }
0xd: {  	[smem:$0x3FAF] =	sst s5  }
0xe: {  	[smem:$0x3FB0] =	sst s6  }
0xf: {  	[smem:$0x3FB1] =	sst s7  }
0x10: {  	[smem:$0x3FB2] =	sst s8  }
0x11: {  	[smem:$0x3FB3] =	sst s9;
	s0 =	simm.s32 @!p0 $0x0  }
0x12: {  	s1 =	sld [smem:$0x3F99];
	s0 =	simm.s32 @p0 $0x1  }
0x13: {  	[smem:$0x3FB4] =	sst s0;
	s0 =	simm.s32 @!p1 $0x0  }
0x14: {  	s2 =	sld [smem:$0x3F98];
	s0 =	simm.s32 @p1 $0x1  }
0x15: {  	[smem:$0x3FB5] =	sst s0;
	s0 =	simm.s32 @!p2 $0x0  }
0x16: {  	s3 =	sld [smem:$0x3FDB];
	s0 =	simm.s32 @p2 $0x1  }
0x17: {  	s4 =	simm.s32 $0x1BF5;
	[smem:$0x3FB7] =	sst s0  }
0x18: {  	s0 =	sld [smem:$0x3F9A];
	_ =	swait.ge [sflag:s4], $0x0  }
0x19: {  	s7 =	sld [smem:$0x3F9B]  }
0x1a: {  	s8 =	sadd.s32 $0xFFFFE003, lr  }
0x1b: {  	s9 =	sadd.s32 $0xFFFFFEF7, lr;
	s5 =	simm.s32 $0xFFFFFFFF;
	p2 =	slt.u32 s8, $0xFFFFF086  }
0x1c: {  	p1 =	slt.u32 s9, $0xF7A;
	s5 =	simm.s32 @!p2 $0x0  }
0x1d: {  	s5 =	simm.s32 @p1 $0x1;
	p0 =	seq.s32 s7, s2  }
0x1e: {  	s7 =	smul.u32 @!p0 $0xF7A, s2;
	p2 =	seq.s32 @!p0 s5, $0x0  }
0x1f: {  	s9 =	smul.u32 $0xF7A, s1;
	s8 =	simm.s32 @!p0 $0x1BF5;
	p2 =	por !p2, p0  }
0x20: {  	[sflag:s8] =	ssyncset.s32 @!p0 $0xFFFFF086;
	s6 =	sadd.s32 @!p0 s3, s7;
	s7 =	simm.s32 @!p0 $0x108  }
0x21: {  	s3 =	sadd.s32 s3, s9;
	s6 =	sadd.s32 @!p0 $0x88, s6;
	s7 =	simm.s32 @p2 $0x1082  }
0x22: {  	[simem:s7], [sflag:s8] =	dma.local @!p0 [hbm:s6], $0xF7A  }
0x23: {  	s9 =	sor.u32 $0xD0000000, s2;
	s6 =	simm.s32 $0x108;
	_ =	swait.ge @!p0 [sflag:s8], $0x0  }
0x24: {  	s3 =	sadd.s32 $0x88, s3;
	s6 =	simm.s32 @!p1 $0x1082;
	[sflag:s4] =	ssyncset.s32 $0xFFFFF086  }
0x25: {  	[simem:s6], [sflag:s4] =	dma.local [hbm:s3], $0xF7A  }
0x26: {  	[smem:$0x3F9B] =	sst s1;
	(tag) =	ssettag s2;
	_ =	strace s9  }
0x27: {  	s1 =	sld [smem:$0x3FAB]  }
0x28: {  	s2 =	sld [smem:$0x3FAC]  }
0x29: {  	s4 =	sld [smem:$0x3FAE]  }
0x2a: {  	p0 =	seq.s32 s5, $0x0;
	s5 =	sld [smem:$0x3FAF]  }
0x2b: {  	s6 =	sld [smem:$0x3FB0]  }
0x2c: {  	s7 =	sld [smem:$0x3FB1]  }
0x2d: {  	s3 =	simm.s32 $0x108;
	s8 =	sld [smem:$0x3FB2]  }
0x2e: {  	s3 =	simm.s32 @!p0 $0x1082;
	s9 =	sld [smem:$0x3FB3]  }
0x2f: {  	lr =	sadd.s32 s0, s3;
	s0 =	sld [smem:$0x3FAA]  }
0x30: {  	s3 =	sld [smem:$0x3FAD]  }
0x31: {  	[smem:$0x3FB6] =	sst s10  }
0x32: {  	s10 =	sld [smem:$0x3FB4];
	_ =	sdelay $0x3  }
0x33: {  	p0 =	seq.s32 s10, $0x1;
	s10 =	sld [smem:$0x3FB6];
	_ =	sdelay $0x3  }
0x34: {  	[smem:$0x3FB6] =	sst s10  }
0x35: {  	s10 =	sld [smem:$0x3FB5];
	_ =	sdelay $0x3  }
0x36: {  	p1 =	seq.s32 s10, $0x1;
	s10 =	sld [smem:$0x3FB6];
	_ =	sdelay $0x3  }
0x37: {  	[smem:$0x3FB6] =	sst s10  }
0x38: {  	s10 =	sld [smem:$0x3FB7]  }
0x39: {  	_ = 	snop;
	(pc) =	sbr.ind lr, $3  }
0x3a: {  	_ = 	snop  }
0x3b: {  	_ = 	snop  }
0x3c: {  	p2 =	seq.s32 s10, $0x1;
	s10 =	sld [smem:$0x3FB6]  }
0x3d: {  	_ =	shalt  }
0x3e: {  	_ =	shalt  }
0x3f: {  	_ =	shalt  }
0x40: {  	_ =	shalt  }
0x41: {  	_ =	shalt  }
0x42: {  	_ =	shalt  }
0x43: {  	_ =	shalt  }
0x44: {  	_ =	shalt  }
0x45: {  	_ =	shalt  }
0x46: {  	_ =	shalt  }
0x47: {  	_ =	shalt  }
0x48: {  	_ =	shalt  }
0x49: {  	_ =	shalt  }
0x4a: {  	_ =	shalt  }
0x4b: {  	_ =	shalt  }
0x4c: {  	_ =	shalt  }
0x4d: {  	_ =	shalt  }
0x4e: {  	_ =	shalt  }
0x4f: {  	_ =	shalt  }
0x50: {  	_ =	shalt  }
0x51: {  	_ =	shalt  }
0x52: {  	_ =	shalt  }
0x53: {  	_ =	shalt  }
0x54: {  	_ =	shalt  }
0x55: {  	_ =	shalt  }
0x56: {  	_ =	shalt  }
0x57: {  	_ =	shalt  }
0x58: {  	_ =	shalt  }
0x59: {  	_ =	shalt  }
0x5a: {  	_ =	shalt  }
0x5b: {  	_ =	shalt  }
0x5c: {  	_ =	shalt  }
0x5d: {  	_ =	shalt  }
0x5e: {  	_ =	shalt  }
0x5f: {  	_ =	shalt  }
0x60: {  	_ =	shalt  }
0x61: {  	_ =	shalt  }
0x62: {  	_ =	shalt  }
0x63: {  	_ =	shalt  }
0x64: {  	_ =	shalt  }
0x65: {  	_ =	shalt  }
0x66: {  	_ =	shalt  }
0x67: {  	_ =	shalt  }
0x68: {  	_ =	shalt  }
0x69: {  	_ =	shalt  }
0x6a: {  	_ =	shalt  }
0x6b: {  	_ =	shalt  }
0x6c: {  	_ =	shalt  }
0x6d: {  	_ =	shalt  }
0x6e: {  	_ =	shalt  }
0x6f: {  	_ =	shalt  }
0x70: {  	_ =	shalt  }
0x71: {  	_ =	shalt  }
0x72: {  	_ =	shalt  }
0x73: {  	_ =	shalt  }
0x74: {  	_ =	shalt  }
0x75: {  	_ =	shalt  }
0x76: {  	_ =	shalt  }
0x77: {  	_ =	shalt  }
0x78: {  	_ =	shalt  }
0x79: {  	_ =	shalt  }
0x7a: {  	_ =	shalt  }
0x7b: {  	_ =	shalt  }
0x7c: {  	_ =	shalt  }
0x7d: {  	_ =	shalt  }
0x7e: {  	_ =	shalt  }
0x7f: {  	_ =	shalt  }
0x80: {  	_ =	shalt  }
0x81: {  	_ =	shalt  }
0x82: {  	_ =	shalt  }
0x83: {  	_ =	shalt  }
0x84: {  	_ =	shalt  }
0x85: {  	_ =	shalt  }
0x86: {  	_ =	shalt  }
0x87: {  	_ =	shalt  }
.Lfunc_end0:
.L_simem_size_0:
called_computation.2_lowered:
.L_overlay_start_0:
0x88: {  	s2 =	sld [smem:$0x3FD9]  }
0x89: {  	s3 =	sld [smem:$0x3FFE];
	_ =	sdelay $0x1  }
0x8a: {  	s1 =	srdreg.scid  }
0x8b: {  	s0 =	sand.u32 $0x1, s1  }
0x8c: {  	s17 =	sshll.u32 s0, $0xA;
	s2 =	sadd.s32 s3, s2  }
0x8d: {  	s2 =	sadd.s32 s2, s17  }
0x8e: {  	[smem:$0x3FC2] =	sst s2  }
0x8f: {  	_ = 	snop  }
0x90: {  	s2 =	sld [smem:$0x3FD0];
	(tm) =	ssettm $0x1  }
0x91: {  	s18 =	sld [smem:$0x3FFB];
	_ =	sdelay $0x3  }
0x92: {  	_ =	strace s18  }
0x93: {  	s3 =	sld [smem:$0x3FFC];
	_ =	sdelay $0x3  }
0x94: {  	_ =	strace s3  }
0x95: {  	s3 =	sld [smem:$0x3FFD];
	_ =	sdelay $0x3  }
0x96: {  	_ =	strace s3  }
0x97: {  	_ =	strace $0x8FFFFFFF  }
0x98: {  	s19 =	sld [smem:$0x3FDB];
	_ =	sdelay $0x1  }
0x99: {  	s4 =	simm.s32 $_scs_section_size  }
0x9a: {  	s5 =	simm.s32 $_size__tile_overlayer_lowered;
	s6 =	simm.s32 $_tile_overlayer_lowered  }
0x9b: {  	s22 =	simm.s32 $0x1BFF;
	s21 =	sshll.u32 s6, $0x1;
	s3 =	sadd.s32 s4, s19  }
0x9c: {  	s7 =	simm.s32 $0x0;
	s20 =	sshll.u32 s5, $0x1;
	s5 =	sadd.s32 s21, s3  }
0x9d: {  	[timem:s7], [sflag:s22] =	dma.local [hbm:s5], s20  }
0x9e: {  	_ =	swait.ge [sflag:s22], s20  }
0x9f: {  	s4 =	ssub.s32 $0x0, s20;
	[sflag:s22] =	ssyncset.done $0x0  }
0xa0: {  	[sflag:s22] =	ssyncadd.s32 s4;
	_ =	sdelay $0x1  }
0xa1: {  	s23 =	simm.s32 $0x1B8B  }
0xa2: {  	_ =	swait.ge [sflag:s23], $0x1  }
0xa3: {  	[sflag:s23] =	ssyncset.done $0x0  }
0xa4: {  	s25 =	simm.s32 $0x1B8E;
	s24 =	sld [smem:$0x3FFE];
	[sflag:s23] =	ssyncadd.s32 $0xFFFFFFFF  }
0xa5: {  	s26 =	simm.s32 $execute0_lowered;
	[smem:$0x3FD2] =	sst s25  }
0xa6: {  	s5 =	sshll.u32 s26, $0x1;
	_ =	strace $0x8000004C;
	[dreg:$0x1] =	wrdreg $0xFFFFFFFF  }
0xa7: {  	s28 =	simm.s32 $_size_execute0_lowered;
	s3 =	sadd.s32 s3, s5;
	[dreg:$0x0] =	wrdreg $0x0  }
0xa8: {  	s5 =	sshll.u32 s28, $0x1;
	[dreg:$0x2] =	wrdreg s3  }
0xa9: {  	[dreg:$0x3] =	wrdreg s5  }
0xaa: {  	[dreg:$0x4] =	wrdreg $0xC0  }
0xab: {  	_ =	task [dreg:s7], $0x5FFFF  }
0xac: {  	[dreg:$0x1] =	wrdreg $0xFFFFFFFF  }
0xad: {  	[dreg:$0x0] =	wrdreg $0x60  }
0xae: {  	[dreg:$0x2] =	wrdreg s2  }
0xaf: {  	[dreg:$0x3] =	wrdreg s24  }
0xb0: {  	[dreg:$0x4] =	wrdreg $0xA0000  }
0xb1: {  	[dreg:$0x5] =	wrdreg $0x9  }
0xb2: {  	_ =	task.clear_ibuf [dreg:s7], $0x6FFFF;
	_ =	strace $0x9000004C  }
0xb3: {  	s29 =	simm.s32 $0x9;
	_ =	strace $0x8000004E  }
0xb4: {  	_ =	swait.ge [sflag:s29], $0x1  }
0xb5: {  	[sflag:s29] =	ssyncadd.s32 $0xFFFFFFFF  }
0xb6: {  	_ =	strace $0x9000004E  }
0xb7: {  	_ =	sfence  }
0xb8: {  	s30 =	sld [smem:$0x0];
	_ =	sdelay $0x2  }
0xb9: {  	s31 =	sshll.u32 s1, $0xD;
	s1 =	sshrl.u32 s1, $0x2  }
0xba: {  	s3 =	sand.u32 $0x4000, s31;
	s1 =	sadd.s32 s1, s30  }
0xbb: {  	s0 =	sor.u32 s3, s0;
	s1 =	sshll.u32 s1, $0x11  }
0xbc: {  	s0 =	sor.u32 s1, s0  }
0xbd: {  	s0 =	sadd.s32 $0x8F2B, s0  }
0xbe: {  	[sflag:s0] =	ssyncadd.remote.s32 $0x1  }
0xbf: {  	_ =	sfence.sel $0xFFFF  }
0xc0: {  	[dreg:$0x0] =	wrdreg $0xFFFFFFFF;
	(pc) =	sbr.abs _section_cstart, $3  }
0xc1: {  	[dreg:$0x1] =	wrdreg $0xFFFFFFFF  }
0xc2: {  	_ =	task.clear_ibuf [dreg:s7], $0x2FFFF;
	_ =	strace $0x9FFFFFFF  }
0xc3: {  	(tm) =	ssettm $0x7FFFFFFF  }
tec
execute0_lowered:
.L_overlay_start_1:
0x0: {  	(tag) =	ssettag $0x1  }
0x1: {  	s1 =	rddreg [dreg:$0x0]  }
0x2: {  	s0 =	rddreg [dreg:$0x1];
	s2 =	srdreg.scid  }
0x3: {  	s9 =	stileid.u32;
	s3 =	rddreg [dreg:$0x2]  }
0x4: {  	s4 =	simm.s32 $0x0;
	s29 =	simm.s32 $0x7D;
	s5 =	smul.u32 $0x2800, s9  }
0x5: {  	s31 =	simm.s32 $0x6000;
	s2 =	sand.u32 $0x1, s2;
	s25 =	smul.u32 $0x50000, s9  }
0x6: {  	s28 =	simm.s32 $0x1400;
	s30 =	simm.s32 $0x500;
	s6 =	smul.u32 $0x28000, s2  }
0x7: {  	[smem:$0x7FF] =	sst s4;
	s7 =	sadd.s32 $0x3800, s0;
	s26 =	ssub.s32 $0x2, s2  }
0x8: {  	s8 =	sshrl.u32 s26, $0x1;
	s5 =	sadd.s32 s5, s6;
	s6 =	sshrl.u32 s25, $0x2  }
0x9: {  	_ =	strace $0x8000004D;
	s8 =	ssub.s32 s26, s8;
	s10 =	sadd.s32 s6, s3  }
0xa: {  	s2 =	sshll.u32 s2, $0x4;
	s26 =	smax.u32 s8, $0x1;
	[dreg:$0x17] =	wrdreg s10  }
0xb: {  	s2 =	sor.u32 s9, s2;
	s6 =	sadd.s32 $0x2800, s10;
	[dreg:$0x16] =	wrdreg s26  }
0xc: {  	s9 =	simm.s32 $0x1080;
	s11 =	sadd.s32 $0x5000, s10;
	[dreg:$0x4] =	wrdreg s6  }
0xd: {  	s12 =	smul.u32 $0x2800, s2;
	s13 =	sadd.s32 $0x7800, s10;
	[dreg:$0x5] =	wrdreg s11  }
0xe: {  	s2 =	smul.u32 $0x500, s2;
	s14 =	sadd.s32 $0xA000, s10;
	[dreg:$0x6] =	wrdreg s13  }
0xf: {  	s0 =	sadd.s32 s5, s0;
	s15 =	sadd.s32 $0xC800, s10;
	[dreg:$0x7] =	wrdreg s14  }
0x10: {  	s8 =	simm.s32 $0x2;
	s16 =	sadd.s32 $0xF000, s10;
	[dreg:$0x8] =	wrdreg s15  }
0x11: {  	s17 =	sadd.s32 $0x11800, s10;
	s2 =	sadd.s32 s7, s2;
	[dreg:$0x9] =	wrdreg s16  }
0x12: {  	s0 =	sadd.s32 $0x3EA00, s0;
	s6 =	sshrl.u32 s12, $0x3;
	[dreg:$0xa] =	wrdreg s17  }
0x13: {  	s26 =	simm.s32 $0x3;
	[dreg:$0xb] =	wrdreg s2;
	s18 =	sadd.s32 s7, s6  }
0x14: {  	s10 =	simm.s32 $0x180;
	[dreg:$0x15] =	wrdreg s0;
	s6 =	sadd.s32 $0xA000, s18  }
0x15: {  	s11 =	simm.s32 $0x1100;
	s19 =	sadd.s32 $0x100, s18;
	[dreg:$0xc] =	wrdreg s6  }
0x16: {  	s12 =	simm.s32 $0x200;
	s20 =	sadd.s32 $0xA100, s18;
	[dreg:$0xd] =	wrdreg s19  }
0x17: {  	s13 =	simm.s32 $0x1180;
	s21 =	sadd.s32 $0x200, s18;
	[dreg:$0xe] =	wrdreg s20  }
0x18: {  	s14 =	simm.s32 $0x280;
	s22 =	sadd.s32 $0xA200, s18;
	[dreg:$0xf] =	wrdreg s21  }
0x19: {  	s15 =	simm.s32 $0x1200;
	s23 =	sadd.s32 $0x300, s18;
	[dreg:$0x10] =	wrdreg s22  }
0x1a: {  	s16 =	simm.s32 $0x300;
	s24 =	sadd.s32 $0xA300, s18;
	[dreg:$0x11] =	wrdreg s23  }
0x1b: {  	s17 =	simm.s32 $0x1280;
	s25 =	sadd.s32 $0x400, s18;
	[dreg:$0x12] =	wrdreg s24  }
0x1c: {  	s2 =	sadd.s32 $0xA400, s18;
	s18 =	simm.s32 $0x380;
	[dreg:$0x13] =	wrdreg s25  }
0x1d: {  	[dreg:$0x14] =	wrdreg s2;
	s25 =	simm.s32 $0x2000;
	s6 =	simm.s32 $0x1  }
0x1e: {  	v0 =	vimm.f32 $0.0e+00;
	s19 =	simm.s32 $0x0;
	s23 =	simm.s32 $0x1380;
	s24 =	simm.s32 $0x480  }
.LBB2_1:
0x1f: {  	s20 =	simm.s32 $0x0;
	s21 =	simm.s32 $0x200  }
.LBB2_2:
0x20: {  	p0 =	sne.s32 s21, $0x9E00;
	[tilespmem:s20+$0x2070] =	vst v0  }
0x21: {  	[tilespmem:s20+$0x2000] =	vst v0  }
0x22: {  	[tilespmem:s20+$0x2010] =	vst v0  }
.Ltmp0:
0x23: {  	[tilespmem:s20+$0x2020] =	vst v0;
	(pc) =	sbr.rel @p0 .LBB2_2-.Ltmp0, $4  }
0x24: {  	[tilespmem:s20+$0x2030] =	vst v0  }
0x25: {  	[tilespmem:s20+$0x2040] =	vst v0  }
0x26: {  	[tilespmem:s20+$0x2050] =	vst v0  }
0x27: {  	[tilespmem:s20+$0x2060] =	vst v0;
	s20 =	sshra.s32 s21, $0x2;
	s21 =	sadd.s32 $0x200, s21  }
0x28: {  	[tilespmem:s20+$0x2070] =	vst v0  }
0x29: {  	[tilespmem:s20+$0x2000] =	vst v0  }
0x2a: {  	[tilespmem:s20+$0x2010] =	vst v0  }
0x2b: {  	[tilespmem:s20+$0x2020] =	vst v0  }
0x2c: {  	[tilespmem:s20+$0x2030] =	vst v0  }
0x2d: {  	[tilespmem:s20+$0x2040] =	vst v0  }
0x2e: {  	[tilespmem:s20+$0x2050] =	vst v0  }
0x2f: {  	[tilespmem:s20+$0x2060] =	vst v0;
	s0 =	rddreg [dreg:$0x17]  }
0x30: {  	[spmem:s0] =	stream.linear.scatter [tilespmem:s25], [sflag:$0x3], $0x2800, $0x38;
	[tilespmem:$0x1E000] =	vst v63  }
0x31: {  	_ =	swait.ge [sflag:s26], $0x2800  }
0x32: {  	[sflag:s26] =	ssyncset.done $0x0  }
0x33: {  	s22 =	rddreg [dreg:$0x4];
	[sflag:s26] =	ssyncadd.s32 $0xFFFFD800  }
0x34: {  	[spmem:s22] =	stream.linear.scatter [tilespmem:s25], [sflag:$0x3], $0x2800, $0x38;
	[tilespmem:$0x1E000] =	vst v63  }
0x35: {  	_ =	swait.ge [sflag:s26], $0x2800  }
0x36: {  	[sflag:s26] =	ssyncset.done $0x0  }
0x37: {  	s0 =	rddreg [dreg:$0x5];
	[sflag:s26] =	ssyncadd.s32 $0xFFFFD800  }
0x38: {  	[spmem:s0] =	stream.linear.scatter [tilespmem:s25], [sflag:$0x3], $0x2800, $0x38;
	[tilespmem:$0x1E000] =	vst v63  }
0x39: {  	_ =	swait.ge [sflag:s26], $0x2800  }
0x3a: {  	[sflag:s26] =	ssyncset.done $0x0  }
0x3b: {  	s2 =	rddreg [dreg:$0x6];
	[sflag:s26] =	ssyncadd.s32 $0xFFFFD800  }
0x3c: {  	[spmem:s2] =	stream.linear.scatter [tilespmem:s25], [sflag:$0x3], $0x2800, $0x38;
	[tilespmem:$0x1E000] =	vst v63  }
0x3d: {  	_ =	swait.ge [sflag:s26], $0x2800  }
0x3e: {  	[sflag:s26] =	ssyncset.done $0x0  }
0x3f: {  	s5 =	rddreg [dreg:$0x7];
	[sflag:s26] =	ssyncadd.s32 $0xFFFFD800  }
0x40: {  	[spmem:s5] =	stream.linear.scatter [tilespmem:s25], [sflag:$0x3], $0x2800, $0x38;
	[tilespmem:$0x1E000] =	vst v63  }
0x41: {  	_ =	swait.ge [sflag:s26], $0x2800  }
0x42: {  	[sflag:s26] =	ssyncset.done $0x0  }
0x43: {  	s7 =	rddreg [dreg:$0x8];
	[sflag:s26] =	ssyncadd.s32 $0xFFFFD800  }
0x44: {  	[spmem:s7] =	stream.linear.scatter [tilespmem:s25], [sflag:$0x3], $0x2800, $0x38;
	[tilespmem:$0x1E000] =	vst v63  }
0x45: {  	_ =	swait.ge [sflag:s26], $0x2800  }
0x46: {  	[sflag:s26] =	ssyncset.done $0x0  }
0x47: {  	s21 =	rddreg [dreg:$0x9];
	[sflag:s26] =	ssyncadd.s32 $0xFFFFD800  }
0x48: {  	[spmem:s21] =	stream.linear.scatter [tilespmem:s25], [sflag:$0x3], $0x2800, $0x38;
	[tilespmem:$0x1E000] =	vst v63  }
0x49: {  	_ =	swait.ge [sflag:s26], $0x2800  }
0x4a: {  	[sflag:s26] =	ssyncset.done $0x0  }
0x4b: {  	s22 =	rddreg [dreg:$0xa];
	[sflag:s26] =	ssyncadd.s32 $0xFFFFD800  }
0x4c: {  	[spmem:s22] =	stream.linear.scatter [tilespmem:s25], [sflag:$0x3], $0x2800, $0x38;
	[tilespmem:$0x1E000] =	vst v63  }
0x4d: {  	_ =	swait.ge [sflag:s26], $0x2800  }
0x4e: {  	[sflag:s26] =	ssyncset.done $0x0  }
0x4f: {  	s0 =	rddreg [dreg:$0xb];
	[sflag:s26] =	ssyncadd.s32 $0xFFFFD800  }
0x50: {  	[tilespmem:s4], [sflag:$0x3] =	stream.linear.gather [hbm4b:s0+s4], $0x800, $0x38;
	[tilespmem:$0x1E000] =	vst v63  }
0x51: {  	_ =	swait.ge [sflag:s26], $0x800  }
0x52: {  	[sflag:s26] =	ssyncset.done $0x0  }
0x53: {  	s0 =	simm.s32 $0x1000;
	s2 =	rddreg [dreg:$0xc];
	[sflag:s26] =	ssyncadd.s32 $0xFFFFF800  }
0x54: {  	[tilespmem:s0], [sflag:$0x3] =	stream.linear.gather [hbm4b:s2+s4], $0x800, $0x38;
	[tilespmem:$0x1E000] =	vst v63  }
0x55: {  	_ =	swait.ge [sflag:s26], $0x800  }
0x56: {  	[sflag:s26] =	ssyncset.done $0x0  }
0x57: {  	[sflag:s26] =	ssyncadd.s32 $0xFFFFF800  }
0x58: {  	[bflag:$0x0] =	sbarrier.arrive $0xFFFF  }
0x59: {  	[tilespmem:s25], [sflag:$0x1] =	stream.indirect.gather [hbm4b:s1+s29], $0x80, s4, s29, $0xb8;
	[tilespmem:$0x1E000] =	vst v63  }
0x5a: {  	s2 =	simm.s32 $0x80  }
0x5b: {  	[tilespmem:s31], [sflag:$0x2] =	stream.indirect.gather [hbm4b:s1+s29], $0x80, s2, s29, $0xb8;
	[tilespmem:$0x1E000] =	vst v63  }
0x5c: {  	s5 =	rddreg [dreg:$0xd];
	s2 =	simm.s32 $0x800  }
0x5d: {  	[tilespmem:s2], [sflag:$0x3] =	stream.linear.gather [hbm4b:s5+s4], $0x800, $0x38;
	[tilespmem:$0x1E000] =	vst v63  }
0x5e: {  	_ =	swait.ge [sflag:s26], $0x800  }
0x5f: {  	[sflag:s26] =	ssyncset.done $0x0  }
0x60: {  	s5 =	simm.s32 $0x1800;
	s7 =	rddreg [dreg:$0xe];
	[sflag:s26] =	ssyncadd.s32 $0xFFFFF800  }
0x61: {  	[tilespmem:s5], [sflag:$0x3] =	stream.linear.gather [hbm4b:s7+s4], $0x800, $0x38;
	[tilespmem:$0x1E000] =	vst v63  }
0x62: {  	_ =	swait.ge [sflag:s26], $0x800  }
0x63: {  	[sflag:s26] =	ssyncset.done $0x0  }
0x64: {  	[sflag:s26] =	ssyncadd.s32 $0xFFFFF800  }
0x65: {  	_ =	swait.ge [sflag:s6], $0x3E80  }
0x66: {  	[sflag:s6] =	ssyncset.done $0x0  }
0x67: {  	[sflag:s6] =	ssyncadd.s32 $0xFFFFC180  }
0x68: {  	[spmem:s3] =	stream.indirect.scatter.add.f32 [tilespmem:s25], [sflag:$0x3], $0x80, s0, s29, $0xb8;
	[tilespmem:$0x1E000] =	vst v63  }
0x69: {  	_ =	swait.ge [sflag:s26], $0x3E80  }
0x6a: {  	[sflag:s26] =	ssyncset.done $0x0  }
0x6b: {  	s7 =	simm.s32 $0x100;
	[sflag:s26] =	ssyncadd.s32 $0xFFFFC180  }
0x6c: {  	[tilespmem:s25], [sflag:$0x1] =	stream.indirect.gather [hbm4b:s1+s29], $0x80, s7, s29, $0xb8;
	[tilespmem:$0x1E000] =	vst v63  }
0x6d: {  	_ =	swait.ge [sflag:s8], $0x3E80  }
0x6e: {  	[sflag:s8] =	ssyncset.done $0x0  }
0x6f: {  	s21 =	simm.s32 $0x1080;
	[sflag:s8] =	ssyncadd.s32 $0xFFFFC180  }
0x70: {  	[spmem:s3] =	stream.indirect.scatter.add.f32 [tilespmem:s31], [sflag:$0x3], $0x80, s21, s29, $0xb8;
	[tilespmem:$0x1E000] =	vst v63  }
0x71: {  	_ =	swait.ge [sflag:s26], $0x3E80  }
0x72: {  	[sflag:s26] =	ssyncset.done $0x0  }
0x73: {  	s22 =	simm.s32 $0x180;
	[sflag:s26] =	ssyncadd.s32 $0xFFFFC180  }
0x74: {  	[tilespmem:s31], [sflag:$0x2] =	stream.indirect.gather [hbm4b:s1+s29], $0x80, s22, s29, $0xb8;
	[tilespmem:$0x1E000] =	vst v63  }
0x75: {  	_ =	swait.ge [sflag:s6], $0x3E80  }
0x76: {  	[sflag:s6] =	ssyncset.done $0x0  }
0x77: {  	s20 =	simm.s32 $0x1100;
	[sflag:s6] =	ssyncadd.s32 $0xFFFFC180  }
0x78: {  	[spmem:s3] =	stream.indirect.scatter.add.f32 [tilespmem:s25], [sflag:$0x3], $0x80, s20, s29, $0xb8;
	[tilespmem:$0x1E000] =	vst v63  }
0x79: {  	_ =	swait.ge [sflag:s26], $0x3E80  }
0x7a: {  	[sflag:s26] =	ssyncset.done $0x0  }
0x7b: {  	s21 =	simm.s32 $0x200;
	[sflag:s26] =	ssyncadd.s32 $0xFFFFC180  }
0x7c: {  	[tilespmem:s25], [sflag:$0x1] =	stream.indirect.gather [hbm4b:s1+s29], $0x80, s21, s29, $0xb8;
	[tilespmem:$0x1E000] =	vst v63  }
0x7d: {  	_ =	swait.ge [sflag:s8], $0x3E80  }
0x7e: {  	[sflag:s8] =	ssyncset.done $0x0  }
0x7f: {  	s22 =	simm.s32 $0x1180;
	[sflag:s8] =	ssyncadd.s32 $0xFFFFC180  }
0x80: {  	[spmem:s3] =	stream.indirect.scatter.add.f32 [tilespmem:s31], [sflag:$0x3], $0x80, s22, s29, $0xb8;
	[tilespmem:$0x1E000] =	vst v63  }
0x81: {  	_ =	swait.ge [sflag:s26], $0x3E80  }
0x82: {  	[sflag:s26] =	ssyncset.done $0x0  }
0x83: {  	s20 =	simm.s32 $0x280;
	[sflag:s26] =	ssyncadd.s32 $0xFFFFC180  }
0x84: {  	[tilespmem:s31], [sflag:$0x2] =	stream.indirect.gather [hbm4b:s1+s29], $0x80, s20, s29, $0xb8;
	[tilespmem:$0x1E000] =	vst v63  }
0x85: {  	_ =	swait.ge [sflag:s6], $0x3E80  }
0x86: {  	[sflag:s6] =	ssyncset.done $0x0  }
0x87: {  	s21 =	simm.s32 $0x1200;
	[sflag:s6] =	ssyncadd.s32 $0xFFFFC180  }
0x88: {  	[spmem:s3] =	stream.indirect.scatter.add.f32 [tilespmem:s25], [sflag:$0x3], $0x80, s21, s29, $0xb8;
	[tilespmem:$0x1E000] =	vst v63  }
0x89: {  	_ =	swait.ge [sflag:s26], $0x3E80  }
0x8a: {  	[sflag:s26] =	ssyncset.done $0x0  }
0x8b: {  	s22 =	simm.s32 $0x300;
	[sflag:s26] =	ssyncadd.s32 $0xFFFFC180  }
0x8c: {  	[tilespmem:s25], [sflag:$0x1] =	stream.indirect.gather [hbm4b:s1+s29], $0x80, s22, s29, $0xb8;
	[tilespmem:$0x1E000] =	vst v63  }
0x8d: {  	_ =	swait.ge [sflag:s8], $0x3E80  }
0x8e: {  	[sflag:s8] =	ssyncset.done $0x0  }
0x8f: {  	s20 =	simm.s32 $0x1280;
	[sflag:s8] =	ssyncadd.s32 $0xFFFFC180  }
0x90: {  	[spmem:s3] =	stream.indirect.scatter.add.f32 [tilespmem:s31], [sflag:$0x3], $0x80, s20, s29, $0xb8;
	[tilespmem:$0x1E000] =	vst v63  }
0x91: {  	_ =	swait.ge [sflag:s26], $0x3E80  }
0x92: {  	[sflag:s26] =	ssyncset.done $0x0  }
0x93: {  	s21 =	simm.s32 $0x380;
	[sflag:s26] =	ssyncadd.s32 $0xFFFFC180  }
0x94: {  	[tilespmem:s31], [sflag:$0x2] =	stream.indirect.gather [hbm4b:s1+s29], $0x80, s21, s29, $0xb8;
	[tilespmem:$0x1E000] =	vst v63  }
0x95: {  	_ =	swait.ge [sflag:s6], $0x3E80  }
0x96: {  	[sflag:s6] =	ssyncset.done $0x0  }
0x97: {  	s22 =	simm.s32 $0x1300;
	[sflag:s6] =	ssyncadd.s32 $0xFFFFC180  }
0x98: {  	[spmem:s3] =	stream.indirect.scatter.add.f32 [tilespmem:s25], [sflag:$0x3], $0x80, s22, s29, $0xb8;
	[tilespmem:$0x1E000] =	vst v63  }
0x99: {  	_ =	swait.ge [sflag:s26], $0x3E80  }
0x9a: {  	[sflag:s26] =	ssyncset.done $0x0  }
0x9b: {  	s20 =	simm.s32 $0x400;
	[sflag:s26] =	ssyncadd.s32 $0xFFFFC180  }
0x9c: {  	[tilespmem:s25], [sflag:$0x1] =	stream.indirect.gather [hbm4b:s1+s29], $0x80, s20, s29, $0xb8;
	[tilespmem:$0x1E000] =	vst v63  }
0x9d: {  	_ =	swait.ge [sflag:s8], $0x3E80  }
0x9e: {  	[sflag:s8] =	ssyncset.done $0x0  }
0x9f: {  	s21 =	simm.s32 $0x1380;
	[sflag:s8] =	ssyncadd.s32 $0xFFFFC180  }
0xa0: {  	[spmem:s3] =	stream.indirect.scatter.add.f32 [tilespmem:s31], [sflag:$0x3], $0x80, s21, s29, $0xb8;
	[tilespmem:$0x1E000] =	vst v63  }
0xa1: {  	_ =	swait.ge [sflag:s26], $0x3E80  }
0xa2: {  	[sflag:s26] =	ssyncset.done $0x0  }
0xa3: {  	s22 =	simm.s32 $0x480;
	[sflag:s26] =	ssyncadd.s32 $0xFFFFC180  }
0xa4: {  	[tilespmem:s31], [sflag:$0x2] =	stream.indirect.gather [hbm4b:s1+s29], $0x80, s22, s29, $0xb8;
	[tilespmem:$0x1E000] =	vst v63  }
0xa5: {  	_ =	swait.ge [sflag:s6], $0x3E80  }
0xa6: {  	[sflag:s6] =	ssyncset.done $0x0  }
0xa7: {  	s20 =	simm.s32 $0x1400;
	[sflag:s6] =	ssyncadd.s32 $0xFFFFC180  }
0xa8: {  	[spmem:s3] =	stream.indirect.scatter.add.f32 [tilespmem:s25], [sflag:$0x3], $0x80, s20, s29, $0xb8;
	[tilespmem:$0x1E000] =	vst v63  }
0xa9: {  	_ =	swait.ge [sflag:s26], $0x3E80  }
0xaa: {  	[sflag:s26] =	ssyncset.done $0x0  }
0xab: {  	s21 =	simm.s32 $0x500;
	[sflag:s26] =	ssyncadd.s32 $0xFFFFC180  }
0xac: {  	[tilespmem:s25], [sflag:$0x1] =	stream.indirect.gather [hbm4b:s1+s29], $0x80, s21, s29, $0xb8;
	[tilespmem:$0x1E000] =	vst v63  }
0xad: {  	_ =	swait.ge [sflag:s8], $0x3E80  }
0xae: {  	[sflag:s8] =	ssyncset.done $0x0  }
0xaf: {  	s22 =	simm.s32 $0x1480;
	[sflag:s8] =	ssyncadd.s32 $0xFFFFC180  }
0xb0: {  	[spmem:s3] =	stream.indirect.scatter.add.f32 [tilespmem:s31], [sflag:$0x3], $0x80, s22, s29, $0xb8;
	[tilespmem:$0x1E000] =	vst v63  }
0xb1: {  	_ =	swait.ge [sflag:s26], $0x3E80  }
0xb2: {  	[sflag:s26] =	ssyncset.done $0x0  }
0xb3: {  	s20 =	simm.s32 $0x580;
	[sflag:s26] =	ssyncadd.s32 $0xFFFFC180  }
0xb4: {  	[tilespmem:s31], [sflag:$0x2] =	stream.indirect.gather [hbm4b:s1+s29], $0x80, s20, s29, $0xb8;
	[tilespmem:$0x1E000] =	vst v63  }
0xb5: {  	_ =	swait.ge [sflag:s6], $0x3E80  }
0xb6: {  	[sflag:s6] =	ssyncset.done $0x0  }
0xb7: {  	s21 =	simm.s32 $0x1500;
	[sflag:s6] =	ssyncadd.s32 $0xFFFFC180  }
0xb8: {  	[spmem:s3] =	stream.indirect.scatter.add.f32 [tilespmem:s25], [sflag:$0x3], $0x80, s21, s29, $0xb8;
	[tilespmem:$0x1E000] =	vst v63  }
0xb9: {  	_ =	swait.ge [sflag:s26], $0x3E80  }
0xba: {  	[sflag:s26] =	ssyncset.done $0x0  }
0xbb: {  	s22 =	simm.s32 $0x600;
	[sflag:s26] =	ssyncadd.s32 $0xFFFFC180  }
0xbc: {  	[tilespmem:s25], [sflag:$0x1] =	stream.indirect.gather [hbm4b:s1+s29], $0x80, s22, s29, $0xb8;
	[tilespmem:$0x1E000] =	vst v63  }
0xbd: {  	_ =	swait.ge [sflag:s8], $0x3E80  }
0xbe: {  	[sflag:s8] =	ssyncset.done $0x0  }
0xbf: {  	s20 =	simm.s32 $0x1580;
	[sflag:s8] =	ssyncadd.s32 $0xFFFFC180  }
0xc0: {  	[spmem:s3] =	stream.indirect.scatter.add.f32 [tilespmem:s31], [sflag:$0x3], $0x80, s20, s29, $0xb8;
	[tilespmem:$0x1E000] =	vst v63  }
0xc1: {  	_ =	swait.ge [sflag:s26], $0x3E80  }
0xc2: {  	[sflag:s26] =	ssyncset.done $0x0  }
0xc3: {  	s21 =	simm.s32 $0x680;
	[sflag:s26] =	ssyncadd.s32 $0xFFFFC180  }
0xc4: {  	[tilespmem:s31], [sflag:$0x2] =	stream.indirect.gather [hbm4b:s1+s29], $0x80, s21, s29, $0xb8;
	[tilespmem:$0x1E000] =	vst v63  }
0xc5: {  	_ =	swait.ge [sflag:s6], $0x3E80  }
0xc6: {  	[sflag:s6] =	ssyncset.done $0x0  }
0xc7: {  	s22 =	simm.s32 $0x1600;
	[sflag:s6] =	ssyncadd.s32 $0xFFFFC180  }
0xc8: {  	[spmem:s3] =	stream.indirect.scatter.add.f32 [tilespmem:s25], [sflag:$0x3], $0x80, s22, s29, $0xb8;
	[tilespmem:$0x1E000] =	vst v63  }
0xc9: {  	_ =	swait.ge [sflag:s26], $0x3E80  }
0xca: {  	[sflag:s26] =	ssyncset.done $0x0  }
0xcb: {  	s20 =	simm.s32 $0x700;
	[sflag:s26] =	ssyncadd.s32 $0xFFFFC180  }
0xcc: {  	[tilespmem:s25], [sflag:$0x1] =	stream.indirect.gather [hbm4b:s1+s29], $0x80, s20, s29, $0xb8;
	[tilespmem:$0x1E000] =	vst v63  }
0xcd: {  	_ =	swait.ge [sflag:s8], $0x3E80  }
0xce: {  	[sflag:s8] =	ssyncset.done $0x0  }
0xcf: {  	s21 =	simm.s32 $0x1680;
	[sflag:s8] =	ssyncadd.s32 $0xFFFFC180  }
0xd0: {  	[spmem:s3] =	stream.indirect.scatter.add.f32 [tilespmem:s31], [sflag:$0x3], $0x80, s21, s29, $0xb8;
	[tilespmem:$0x1E000] =	vst v63  }
0xd1: {  	_ =	swait.ge [sflag:s26], $0x3E80  }
0xd2: {  	[sflag:s26] =	ssyncset.done $0x0  }
0xd3: {  	s22 =	simm.s32 $0x780;
	[sflag:s26] =	ssyncadd.s32 $0xFFFFC180  }
0xd4: {  	[tilespmem:s31], [sflag:$0x2] =	stream.indirect.gather [hbm4b:s1+s29], $0x80, s22, s29, $0xb8;
	[tilespmem:$0x1E000] =	vst v63  }
0xd5: {  	_ =	swait.ge [sflag:s6], $0x3E80  }
0xd6: {  	[sflag:s6] =	ssyncset.done $0x0  }
0xd7: {  	s20 =	simm.s32 $0x1700;
	[sflag:s6] =	ssyncadd.s32 $0xFFFFC180  }
0xd8: {  	[spmem:s3] =	stream.indirect.scatter.add.f32 [tilespmem:s25], [sflag:$0x3], $0x80, s20, s29, $0xb8;
	[tilespmem:$0x1E000] =	vst v63  }
0xd9: {  	_ =	swait.ge [sflag:s26], $0x3E80  }
0xda: {  	[sflag:s26] =	ssyncset.done $0x0  }
0xdb: {  	[sflag:s26] =	ssyncadd.s32 $0xFFFFC180  }
0xdc: {  	[tilespmem:s25], [sflag:$0x1] =	stream.indirect.gather [hbm4b:s1+s29], $0x80, s2, s29, $0xb8;
	[tilespmem:$0x1E000] =	vst v63  }
0xdd: {  	_ =	swait.ge [sflag:s8], $0x3E80  }
0xde: {  	[sflag:s8] =	ssyncset.done $0x0  }
0xdf: {  	s21 =	simm.s32 $0x1780;
	[sflag:s8] =	ssyncadd.s32 $0xFFFFC180  }
0xe0: {  	[spmem:s3] =	stream.indirect.scatter.add.f32 [tilespmem:s31], [sflag:$0x3], $0x80, s21, s29, $0xb8;
	[tilespmem:$0x1E000] =	vst v63  }
0xe1: {  	_ =	swait.ge [sflag:s26], $0x3E80  }
0xe2: {  	[sflag:s26] =	ssyncset.done $0x0  }
0xe3: {  	s22 =	simm.s32 $0x880;
	[sflag:s26] =	ssyncadd.s32 $0xFFFFC180  }
0xe4: {  	[tilespmem:s31], [sflag:$0x2] =	stream.indirect.gather [hbm4b:s1+s29], $0x80, s22, s29, $0xb8;
	[tilespmem:$0x1E000] =	vst v63  }
0xe5: {  	s7 =	rddreg [dreg:$0xf]  }
0xe6: {  	[tilespmem:s4], [sflag:$0x3] =	stream.linear.gather [hbm4b:s7+s4], $0x800, $0x38;
	[tilespmem:$0x1E000] =	vst v63  }
0xe7: {  	_ =	swait.ge [sflag:s26], $0x800  }
0xe8: {  	[sflag:s26] =	ssyncset.done $0x0  }
0xe9: {  	s21 =	rddreg [dreg:$0x10];
	[sflag:s26] =	ssyncadd.s32 $0xFFFFF800  }
0xea: {  	[tilespmem:s0], [sflag:$0x3] =	stream.linear.gather [hbm4b:s21+s4], $0x800, $0x38;
	[tilespmem:$0x1E000] =	vst v63  }
0xeb: {  	_ =	swait.ge [sflag:s26], $0x800  }
0xec: {  	[sflag:s26] =	ssyncset.done $0x0  }
0xed: {  	[sflag:s26] =	ssyncadd.s32 $0xFFFFF800  }
0xee: {  	_ =	swait.ge [sflag:s6], $0x3E80  }
0xef: {  	[sflag:s6] =	ssyncset.done $0x0  }
0xf0: {  	[sflag:s6] =	ssyncadd.s32 $0xFFFFC180  }
0xf1: {  	[spmem:s3] =	stream.indirect.scatter.add.f32 [tilespmem:s25], [sflag:$0x3], $0x80, s5, s29, $0xb8;
	[tilespmem:$0x1E000] =	vst v63  }
0xf2: {  	_ =	swait.ge [sflag:s26], $0x3E80  }
0xf3: {  	[sflag:s26] =	ssyncset.done $0x0  }
0xf4: {  	s22 =	simm.s32 $0x900;
	[sflag:s26] =	ssyncadd.s32 $0xFFFFC180  }
0xf5: {  	[tilespmem:s25], [sflag:$0x1] =	stream.indirect.gather [hbm4b:s1+s29], $0x80, s22, s29, $0xb8;
	[tilespmem:$0x1E000] =	vst v63  }
0xf6: {  	_ =	swait.ge [sflag:s8], $0x3E80  }
0xf7: {  	[sflag:s8] =	ssyncset.done $0x0  }
0xf8: {  	s20 =	simm.s32 $0x1880;
	[sflag:s8] =	ssyncadd.s32 $0xFFFFC180  }
0xf9: {  	[spmem:s3] =	stream.indirect.scatter.add.f32 [tilespmem:s31], [sflag:$0x3], $0x80, s20, s29, $0xb8;
	[tilespmem:$0x1E000] =	vst v63  }
0xfa: {  	_ =	swait.ge [sflag:s26], $0x3E80  }
0xfb: {  	[sflag:s26] =	ssyncset.done $0x0  }
0xfc: {  	s21 =	simm.s32 $0x980;
	[sflag:s26] =	ssyncadd.s32 $0xFFFFC180  }
0xfd: {  	[tilespmem:s31], [sflag:$0x2] =	stream.indirect.gather [hbm4b:s1+s29], $0x80, s21, s29, $0xb8;
	[tilespmem:$0x1E000] =	vst v63  }
0xfe: {  	_ =	swait.ge [sflag:s6], $0x3E80  }
0xff: {  	[sflag:s6] =	ssyncset.done $0x0  }
0x100: {  	s22 =	simm.s32 $0x1900;
	[sflag:s6] =	ssyncadd.s32 $0xFFFFC180  }
0x101: {  	[spmem:s3] =	stream.indirect.scatter.add.f32 [tilespmem:s25], [sflag:$0x3], $0x80, s22, s29, $0xb8;
	[tilespmem:$0x1E000] =	vst v63  }
0x102: {  	_ =	swait.ge [sflag:s26], $0x3E80  }
0x103: {  	[sflag:s26] =	ssyncset.done $0x0  }
0x104: {  	s20 =	simm.s32 $0xA00;
	[sflag:s26] =	ssyncadd.s32 $0xFFFFC180  }
0x105: {  	[tilespmem:s25], [sflag:$0x1] =	stream.indirect.gather [hbm4b:s1+s29], $0x80, s20, s29, $0xb8;
	[tilespmem:$0x1E000] =	vst v63  }
0x106: {  	_ =	swait.ge [sflag:s8], $0x3E80  }
0x107: {  	[sflag:s8] =	ssyncset.done $0x0  }
0x108: {  	s21 =	simm.s32 $0x1980;
	[sflag:s8] =	ssyncadd.s32 $0xFFFFC180  }
0x109: {  	[spmem:s3] =	stream.indirect.scatter.add.f32 [tilespmem:s31], [sflag:$0x3], $0x80, s21, s29, $0xb8;
	[tilespmem:$0x1E000] =	vst v63  }
0x10a: {  	_ =	swait.ge [sflag:s26], $0x3E80  }
0x10b: {  	[sflag:s26] =	ssyncset.done $0x0  }
0x10c: {  	s22 =	simm.s32 $0xA80;
	[sflag:s26] =	ssyncadd.s32 $0xFFFFC180  }
0x10d: {  	[tilespmem:s31], [sflag:$0x2] =	stream.indirect.gather [hbm4b:s1+s29], $0x80, s22, s29, $0xb8;
	[tilespmem:$0x1E000] =	vst v63  }
0x10e: {  	_ =	swait.ge [sflag:s6], $0x3E80  }
0x10f: {  	[sflag:s6] =	ssyncset.done $0x0  }
0x110: {  	s20 =	simm.s32 $0x1A00;
	[sflag:s6] =	ssyncadd.s32 $0xFFFFC180  }
0x111: {  	[spmem:s3] =	stream.indirect.scatter.add.f32 [tilespmem:s25], [sflag:$0x3], $0x80, s20, s29, $0xb8;
	[tilespmem:$0x1E000] =	vst v63  }
0x112: {  	_ =	swait.ge [sflag:s26], $0x3E80  }
0x113: {  	[sflag:s26] =	ssyncset.done $0x0  }
0x114: {  	s21 =	simm.s32 $0xB00;
	[sflag:s26] =	ssyncadd.s32 $0xFFFFC180  }
0x115: {  	[tilespmem:s25], [sflag:$0x1] =	stream.indirect.gather [hbm4b:s1+s29], $0x80, s21, s29, $0xb8;
	[tilespmem:$0x1E000] =	vst v63  }
0x116: {  	_ =	swait.ge [sflag:s8], $0x3E80  }
0x117: {  	[sflag:s8] =	ssyncset.done $0x0  }
0x118: {  	s22 =	simm.s32 $0x1A80;
	[sflag:s8] =	ssyncadd.s32 $0xFFFFC180  }
0x119: {  	[spmem:s3] =	stream.indirect.scatter.add.f32 [tilespmem:s31], [sflag:$0x3], $0x80, s22, s29, $0xb8;
	[tilespmem:$0x1E000] =	vst v63  }
0x11a: {  	_ =	swait.ge [sflag:s26], $0x3E80  }
0x11b: {  	[sflag:s26] =	ssyncset.done $0x0  }
0x11c: {  	s20 =	simm.s32 $0xB80;
	[sflag:s26] =	ssyncadd.s32 $0xFFFFC180  }
0x11d: {  	[tilespmem:s31], [sflag:$0x2] =	stream.indirect.gather [hbm4b:s1+s29], $0x80, s20, s29, $0xb8;
	[tilespmem:$0x1E000] =	vst v63  }
0x11e: {  	_ =	swait.ge [sflag:s6], $0x3E80  }
0x11f: {  	[sflag:s6] =	ssyncset.done $0x0  }
0x120: {  	s21 =	simm.s32 $0x1B00;
	[sflag:s6] =	ssyncadd.s32 $0xFFFFC180  }
0x121: {  	[spmem:s3] =	stream.indirect.scatter.add.f32 [tilespmem:s25], [sflag:$0x3], $0x80, s21, s29, $0xb8;
	[tilespmem:$0x1E000] =	vst v63  }
0x122: {  	_ =	swait.ge [sflag:s26], $0x3E80  }
0x123: {  	[sflag:s26] =	ssyncset.done $0x0  }
0x124: {  	s22 =	simm.s32 $0xC00;
	[sflag:s26] =	ssyncadd.s32 $0xFFFFC180  }
0x125: {  	[tilespmem:s25], [sflag:$0x1] =	stream.indirect.gather [hbm4b:s1+s29], $0x80, s22, s29, $0xb8;
	[tilespmem:$0x1E000] =	vst v63  }
0x126: {  	_ =	swait.ge [sflag:s8], $0x3E80  }
0x127: {  	[sflag:s8] =	ssyncset.done $0x0  }
0x128: {  	s20 =	simm.s32 $0x1B80;
	[sflag:s8] =	ssyncadd.s32 $0xFFFFC180  }
0x129: {  	[spmem:s3] =	stream.indirect.scatter.add.f32 [tilespmem:s31], [sflag:$0x3], $0x80, s20, s29, $0xb8;
	[tilespmem:$0x1E000] =	vst v63  }
0x12a: {  	_ =	swait.ge [sflag:s26], $0x3E80  }
0x12b: {  	[sflag:s26] =	ssyncset.done $0x0  }
0x12c: {  	s21 =	simm.s32 $0xC80;
	[sflag:s26] =	ssyncadd.s32 $0xFFFFC180  }
0x12d: {  	[tilespmem:s31], [sflag:$0x2] =	stream.indirect.gather [hbm4b:s1+s29], $0x80, s21, s29, $0xb8;
	[tilespmem:$0x1E000] =	vst v63  }
0x12e: {  	_ =	swait.ge [sflag:s6], $0x3E80  }
0x12f: {  	[sflag:s6] =	ssyncset.done $0x0  }
0x130: {  	s22 =	simm.s32 $0x1C00;
	[sflag:s6] =	ssyncadd.s32 $0xFFFFC180  }
0x131: {  	[spmem:s3] =	stream.indirect.scatter.add.f32 [tilespmem:s25], [sflag:$0x3], $0x80, s22, s29, $0xb8;
	[tilespmem:$0x1E000] =	vst v63  }
0x132: {  	_ =	swait.ge [sflag:s26], $0x3E80  }
0x133: {  	[sflag:s26] =	ssyncset.done $0x0  }
0x134: {  	s20 =	simm.s32 $0xD00;
	[sflag:s26] =	ssyncadd.s32 $0xFFFFC180  }
0x135: {  	[tilespmem:s25], [sflag:$0x1] =	stream.indirect.gather [hbm4b:s1+s29], $0x80, s20, s29, $0xb8;
	[tilespmem:$0x1E000] =	vst v63  }
0x136: {  	_ =	swait.ge [sflag:s8], $0x3E80  }
0x137: {  	[sflag:s8] =	ssyncset.done $0x0  }
0x138: {  	s21 =	simm.s32 $0x1C80;
	[sflag:s8] =	ssyncadd.s32 $0xFFFFC180  }
0x139: {  	[spmem:s3] =	stream.indirect.scatter.add.f32 [tilespmem:s31], [sflag:$0x3], $0x80, s21, s29, $0xb8;
	[tilespmem:$0x1E000] =	vst v63  }
0x13a: {  	_ =	swait.ge [sflag:s26], $0x3E80  }
0x13b: {  	[sflag:s26] =	ssyncset.done $0x0  }
0x13c: {  	s22 =	simm.s32 $0xD80;
	[sflag:s26] =	ssyncadd.s32 $0xFFFFC180  }
0x13d: {  	[tilespmem:s31], [sflag:$0x2] =	stream.indirect.gather [hbm4b:s1+s29], $0x80, s22, s29, $0xb8;
	[tilespmem:$0x1E000] =	vst v63  }
0x13e: {  	_ =	swait.ge [sflag:s6], $0x3E80  }
0x13f: {  	[sflag:s6] =	ssyncset.done $0x0  }
0x140: {  	s20 =	simm.s32 $0x1D00;
	[sflag:s6] =	ssyncadd.s32 $0xFFFFC180  }
0x141: {  	[spmem:s3] =	stream.indirect.scatter.add.f32 [tilespmem:s25], [sflag:$0x3], $0x80, s20, s29, $0xb8;
	[tilespmem:$0x1E000] =	vst v63  }
0x142: {  	_ =	swait.ge [sflag:s26], $0x3E80  }
0x143: {  	[sflag:s26] =	ssyncset.done $0x0  }
0x144: {  	s21 =	simm.s32 $0xE00;
	[sflag:s26] =	ssyncadd.s32 $0xFFFFC180  }
0x145: {  	[tilespmem:s25], [sflag:$0x1] =	stream.indirect.gather [hbm4b:s1+s29], $0x80, s21, s29, $0xb8;
	[tilespmem:$0x1E000] =	vst v63  }
0x146: {  	_ =	swait.ge [sflag:s8], $0x3E80  }
0x147: {  	[sflag:s8] =	ssyncset.done $0x0  }
0x148: {  	s22 =	simm.s32 $0x1D80;
	[sflag:s8] =	ssyncadd.s32 $0xFFFFC180  }
0x149: {  	[spmem:s3] =	stream.indirect.scatter.add.f32 [tilespmem:s31], [sflag:$0x3], $0x80, s22, s29, $0xb8;
	[tilespmem:$0x1E000] =	vst v63  }
0x14a: {  	_ =	swait.ge [sflag:s26], $0x3E80  }
0x14b: {  	[sflag:s26] =	ssyncset.done $0x0  }
0x14c: {  	s20 =	simm.s32 $0xE80;
	[sflag:s26] =	ssyncadd.s32 $0xFFFFC180  }
0x14d: {  	[tilespmem:s31], [sflag:$0x2] =	stream.indirect.gather [hbm4b:s1+s29], $0x80, s20, s29, $0xb8;
	[tilespmem:$0x1E000] =	vst v63  }
0x14e: {  	_ =	swait.ge [sflag:s6], $0x3E80  }
0x14f: {  	[sflag:s6] =	ssyncset.done $0x0  }
0x150: {  	s21 =	simm.s32 $0x1E00;
	[sflag:s6] =	ssyncadd.s32 $0xFFFFC180  }
0x151: {  	[spmem:s3] =	stream.indirect.scatter.add.f32 [tilespmem:s25], [sflag:$0x3], $0x80, s21, s29, $0xb8;
	[tilespmem:$0x1E000] =	vst v63  }
0x152: {  	_ =	swait.ge [sflag:s26], $0x3E80  }
0x153: {  	[sflag:s26] =	ssyncset.done $0x0  }
0x154: {  	s22 =	simm.s32 $0xF00;
	[sflag:s26] =	ssyncadd.s32 $0xFFFFC180  }
0x155: {  	[tilespmem:s25], [sflag:$0x1] =	stream.indirect.gather [hbm4b:s1+s29], $0x80, s22, s29, $0xb8;
	[tilespmem:$0x1E000] =	vst v63  }
0x156: {  	_ =	swait.ge [sflag:s8], $0x3E80  }
0x157: {  	[sflag:s8] =	ssyncset.done $0x0  }
0x158: {  	s20 =	simm.s32 $0x1E80;
	[sflag:s8] =	ssyncadd.s32 $0xFFFFC180  }
0x159: {  	[spmem:s3] =	stream.indirect.scatter.add.f32 [tilespmem:s31], [sflag:$0x3], $0x80, s20, s29, $0xb8;
	[tilespmem:$0x1E000] =	vst v63  }
0x15a: {  	_ =	swait.ge [sflag:s26], $0x3E80  }
0x15b: {  	[sflag:s26] =	ssyncset.done $0x0  }
0x15c: {  	s21 =	simm.s32 $0xF80;
	[sflag:s26] =	ssyncadd.s32 $0xFFFFC180  }
0x15d: {  	[tilespmem:s31], [sflag:$0x2] =	stream.indirect.gather [hbm4b:s1+s29], $0x80, s21, s29, $0xb8;
	[tilespmem:$0x1E000] =	vst v63  }
0x15e: {  	_ =	swait.ge [sflag:s6], $0x3E80  }
0x15f: {  	[sflag:s6] =	ssyncset.done $0x0  }
0x160: {  	s22 =	simm.s32 $0x1F00;
	[sflag:s6] =	ssyncadd.s32 $0xFFFFC180  }
0x161: {  	[spmem:s3] =	stream.indirect.scatter.add.f32 [tilespmem:s25], [sflag:$0x3], $0x80, s22, s29, $0xb8;
	[tilespmem:$0x1E000] =	vst v63  }
0x162: {  	_ =	swait.ge [sflag:s26], $0x3E80  }
0x163: {  	[sflag:s26] =	ssyncset.done $0x0  }
0x164: {  	[sflag:s26] =	ssyncadd.s32 $0xFFFFC180  }
0x165: {  	[tilespmem:s25], [sflag:$0x1] =	stream.indirect.gather [hbm4b:s1+s29], $0x80, s4, s29, $0xb8;
	[tilespmem:$0x1E000] =	vst v63  }
0x166: {  	_ =	swait.ge [sflag:s8], $0x3E80  }
0x167: {  	[sflag:s8] =	ssyncset.done $0x0  }
0x168: {  	s20 =	simm.s32 $0x1F80;
	[sflag:s8] =	ssyncadd.s32 $0xFFFFC180  }
0x169: {  	[spmem:s3] =	stream.indirect.scatter.add.f32 [tilespmem:s31], [sflag:$0x3], $0x80, s20, s29, $0xb8;
	[tilespmem:$0x1E000] =	vst v63  }
0x16a: {  	_ =	swait.ge [sflag:s26], $0x3E80  }
0x16b: {  	[sflag:s26] =	ssyncset.done $0x0  }
0x16c: {  	s21 =	simm.s32 $0x80;
	[sflag:s26] =	ssyncadd.s32 $0xFFFFC180  }
0x16d: {  	[tilespmem:s31], [sflag:$0x2] =	stream.indirect.gather [hbm4b:s1+s29], $0x80, s21, s29, $0xb8;
	[tilespmem:$0x1E000] =	vst v63  }
0x16e: {  	s22 =	rddreg [dreg:$0x11]  }
0x16f: {  	[tilespmem:s2], [sflag:$0x3] =	stream.linear.gather [hbm4b:s22+s4], $0x800, $0x38;
	[tilespmem:$0x1E000] =	vst v63  }
0x170: {  	_ =	swait.ge [sflag:s26], $0x800  }
0x171: {  	[sflag:s26] =	ssyncset.done $0x0  }
0x172: {  	s7 =	rddreg [dreg:$0x12];
	[sflag:s26] =	ssyncadd.s32 $0xFFFFF800  }
0x173: {  	[tilespmem:s5], [sflag:$0x3] =	stream.linear.gather [hbm4b:s7+s4], $0x800, $0x38;
	[tilespmem:$0x1E000] =	vst v63  }
0x174: {  	_ =	swait.ge [sflag:s26], $0x800  }
0x175: {  	[sflag:s26] =	ssyncset.done $0x0  }
0x176: {  	[sflag:s26] =	ssyncadd.s32 $0xFFFFF800  }
0x177: {  	_ =	swait.ge [sflag:s6], $0x3E80  }
0x178: {  	[sflag:s6] =	ssyncset.done $0x0  }
0x179: {  	[sflag:s6] =	ssyncadd.s32 $0xFFFFC180  }
0x17a: {  	[spmem:s3] =	stream.indirect.scatter.add.f32 [tilespmem:s25], [sflag:$0x3], $0x80, s0, s29, $0xb8;
	[tilespmem:$0x1E000] =	vst v63  }
0x17b: {  	_ =	swait.ge [sflag:s26], $0x3E80  }
0x17c: {  	[sflag:s26] =	ssyncset.done $0x0  }
0x17d: {  	s7 =	simm.s32 $0x100;
	[sflag:s26] =	ssyncadd.s32 $0xFFFFC180  }
0x17e: {  	[tilespmem:s25], [sflag:$0x1] =	stream.indirect.gather [hbm4b:s1+s29], $0x80, s7, s29, $0xb8;
	[tilespmem:$0x1E000] =	vst v63  }
0x17f: {  	_ =	swait.ge [sflag:s8], $0x3E80  }
0x180: {  	[sflag:s8] =	ssyncset.done $0x0  }
0x181: {  	[sflag:s8] =	ssyncadd.s32 $0xFFFFC180  }
0x182: {  	[spmem:s3] =	stream.indirect.scatter.add.f32 [tilespmem:s31], [sflag:$0x3], $0x80, s9, s29, $0xb8;
	[tilespmem:$0x1E000] =	vst v63  }
0x183: {  	_ =	swait.ge [sflag:s26], $0x3E80  }
0x184: {  	[sflag:s26] =	ssyncset.done $0x0  }
0x185: {  	[sflag:s26] =	ssyncadd.s32 $0xFFFFC180  }
0x186: {  	[tilespmem:s31], [sflag:$0x2] =	stream.indirect.gather [hbm4b:s1+s29], $0x80, s10, s29, $0xb8;
	[tilespmem:$0x1E000] =	vst v63  }
0x187: {  	_ =	swait.ge [sflag:s6], $0x3E80  }
0x188: {  	[sflag:s6] =	ssyncset.done $0x0  }
0x189: {  	[sflag:s6] =	ssyncadd.s32 $0xFFFFC180  }
0x18a: {  	[spmem:s3] =	stream.indirect.scatter.add.f32 [tilespmem:s25], [sflag:$0x3], $0x80, s11, s29, $0xb8;
	[tilespmem:$0x1E000] =	vst v63  }
0x18b: {  	_ =	swait.ge [sflag:s26], $0x3E80  }
0x18c: {  	[sflag:s26] =	ssyncset.done $0x0  }
0x18d: {  	[sflag:s26] =	ssyncadd.s32 $0xFFFFC180  }
0x18e: {  	[tilespmem:s25], [sflag:$0x1] =	stream.indirect.gather [hbm4b:s1+s29], $0x80, s12, s29, $0xb8;
	[tilespmem:$0x1E000] =	vst v63  }
0x18f: {  	_ =	swait.ge [sflag:s8], $0x3E80  }
0x190: {  	[sflag:s8] =	ssyncset.done $0x0  }
0x191: {  	[sflag:s8] =	ssyncadd.s32 $0xFFFFC180  }
0x192: {  	[spmem:s3] =	stream.indirect.scatter.add.f32 [tilespmem:s31], [sflag:$0x3], $0x80, s13, s29, $0xb8;
	[tilespmem:$0x1E000] =	vst v63  }
0x193: {  	_ =	swait.ge [sflag:s26], $0x3E80  }
0x194: {  	[sflag:s26] =	ssyncset.done $0x0  }
0x195: {  	[sflag:s26] =	ssyncadd.s32 $0xFFFFC180  }
0x196: {  	[tilespmem:s31], [sflag:$0x2] =	stream.indirect.gather [hbm4b:s1+s29], $0x80, s14, s29, $0xb8;
	[tilespmem:$0x1E000] =	vst v63  }
0x197: {  	_ =	swait.ge [sflag:s6], $0x3E80  }
0x198: {  	[sflag:s6] =	ssyncset.done $0x0  }
0x199: {  	[sflag:s6] =	ssyncadd.s32 $0xFFFFC180  }
0x19a: {  	[spmem:s3] =	stream.indirect.scatter.add.f32 [tilespmem:s25], [sflag:$0x3], $0x80, s15, s29, $0xb8;
	[tilespmem:$0x1E000] =	vst v63  }
0x19b: {  	_ =	swait.ge [sflag:s26], $0x3E80  }
0x19c: {  	[sflag:s26] =	ssyncset.done $0x0  }
0x19d: {  	[sflag:s26] =	ssyncadd.s32 $0xFFFFC180  }
0x19e: {  	[tilespmem:s25], [sflag:$0x1] =	stream.indirect.gather [hbm4b:s1+s29], $0x80, s16, s29, $0xb8;
	[tilespmem:$0x1E000] =	vst v63  }
0x19f: {  	_ =	swait.ge [sflag:s8], $0x3E80  }
0x1a0: {  	[sflag:s8] =	ssyncset.done $0x0  }
0x1a1: {  	[sflag:s8] =	ssyncadd.s32 $0xFFFFC180  }
0x1a2: {  	[spmem:s3] =	stream.indirect.scatter.add.f32 [tilespmem:s31], [sflag:$0x3], $0x80, s17, s29, $0xb8;
	[tilespmem:$0x1E000] =	vst v63  }
0x1a3: {  	_ =	swait.ge [sflag:s26], $0x3E80  }
0x1a4: {  	[sflag:s26] =	ssyncset.done $0x0  }
0x1a5: {  	[sflag:s26] =	ssyncadd.s32 $0xFFFFC180  }
0x1a6: {  	[tilespmem:s31], [sflag:$0x2] =	stream.indirect.gather [hbm4b:s1+s29], $0x80, s18, s29, $0xb8;
	[tilespmem:$0x1E000] =	vst v63  }
0x1a7: {  	_ =	swait.ge [sflag:s6], $0x3E80  }
0x1a8: {  	[sflag:s6] =	ssyncset.done $0x0  }
0x1a9: {  	s21 =	simm.s32 $0x1300;
	[sflag:s6] =	ssyncadd.s32 $0xFFFFC180  }
0x1aa: {  	[spmem:s3] =	stream.indirect.scatter.add.f32 [tilespmem:s25], [sflag:$0x3], $0x80, s21, s29, $0xb8;
	[tilespmem:$0x1E000] =	vst v63  }
0x1ab: {  	_ =	swait.ge [sflag:s26], $0x3E80  }
0x1ac: {  	[sflag:s26] =	ssyncset.done $0x0  }
0x1ad: {  	s22 =	simm.s32 $0x400;
	[sflag:s26] =	ssyncadd.s32 $0xFFFFC180  }
0x1ae: {  	[tilespmem:s25], [sflag:$0x1] =	stream.indirect.gather [hbm4b:s1+s29], $0x80, s22, s29, $0xb8;
	[tilespmem:$0x1E000] =	vst v63  }
0x1af: {  	_ =	swait.ge [sflag:s8], $0x3E80  }
0x1b0: {  	[sflag:s8] =	ssyncset.done $0x0  }
0x1b1: {  	[sflag:s8] =	ssyncadd.s32 $0xFFFFC180  }
0x1b2: {  	[spmem:s3] =	stream.indirect.scatter.add.f32 [tilespmem:s31], [sflag:$0x3], $0x80, s23, s29, $0xb8;
	[tilespmem:$0x1E000] =	vst v63  }
0x1b3: {  	_ =	swait.ge [sflag:s26], $0x3E80  }
0x1b4: {  	[sflag:s26] =	ssyncset.done $0x0  }
0x1b5: {  	[sflag:s26] =	ssyncadd.s32 $0xFFFFC180  }
0x1b6: {  	[tilespmem:s31], [sflag:$0x2] =	stream.indirect.gather [hbm4b:s1+s29], $0x80, s24, s29, $0xb8;
	[tilespmem:$0x1E000] =	vst v63  }
0x1b7: {  	_ =	swait.ge [sflag:s6], $0x3E80  }
0x1b8: {  	[sflag:s6] =	ssyncset.done $0x0  }
0x1b9: {  	[sflag:s6] =	ssyncadd.s32 $0xFFFFC180  }
0x1ba: {  	[spmem:s3] =	stream.indirect.scatter.add.f32 [tilespmem:s25], [sflag:$0x3], $0x80, s28, s29, $0xb8;
	[tilespmem:$0x1E000] =	vst v63  }
0x1bb: {  	_ =	swait.ge [sflag:s26], $0x3E80  }
0x1bc: {  	[sflag:s26] =	ssyncset.done $0x0  }
0x1bd: {  	[sflag:s26] =	ssyncadd.s32 $0xFFFFC180  }
0x1be: {  	[tilespmem:s25], [sflag:$0x1] =	stream.indirect.gather [hbm4b:s1+s29], $0x80, s30, s29, $0xb8;
	[tilespmem:$0x1E000] =	vst v63  }
0x1bf: {  	_ =	swait.ge [sflag:s8], $0x3E80  }
0x1c0: {  	[sflag:s8] =	ssyncset.done $0x0  }
0x1c1: {  	s20 =	simm.s32 $0x1480;
	[sflag:s8] =	ssyncadd.s32 $0xFFFFC180  }
0x1c2: {  	[spmem:s3] =	stream.indirect.scatter.add.f32 [tilespmem:s31], [sflag:$0x3], $0x80, s20, s29, $0xb8;
	[tilespmem:$0x1E000] =	vst v63  }
0x1c3: {  	_ =	swait.ge [sflag:s26], $0x3E80  }
0x1c4: {  	[sflag:s26] =	ssyncset.done $0x0  }
0x1c5: {  	s20 =	simm.s32 $0x580;
	[sflag:s26] =	ssyncadd.s32 $0xFFFFC180  }
0x1c6: {  	[tilespmem:s31], [sflag:$0x2] =	stream.indirect.gather [hbm4b:s1+s29], $0x80, s20, s29, $0xb8;
	[tilespmem:$0x1E000] =	vst v63  }
0x1c7: {  	_ =	swait.ge [sflag:s6], $0x3E80  }
0x1c8: {  	[sflag:s6] =	ssyncset.done $0x0  }
0x1c9: {  	s20 =	simm.s32 $0x1500;
	[sflag:s6] =	ssyncadd.s32 $0xFFFFC180  }
0x1ca: {  	[spmem:s3] =	stream.indirect.scatter.add.f32 [tilespmem:s25], [sflag:$0x3], $0x80, s20, s29, $0xb8;
	[tilespmem:$0x1E000] =	vst v63  }
0x1cb: {  	_ =	swait.ge [sflag:s26], $0x3E80  }
0x1cc: {  	[sflag:s26] =	ssyncset.done $0x0  }
0x1cd: {  	s20 =	simm.s32 $0x600;
	[sflag:s26] =	ssyncadd.s32 $0xFFFFC180  }
0x1ce: {  	[tilespmem:s25], [sflag:$0x1] =	stream.indirect.gather [hbm4b:s1+s29], $0x80, s20, s29, $0xb8;
	[tilespmem:$0x1E000] =	vst v63  }
0x1cf: {  	_ =	swait.ge [sflag:s8], $0x3E80  }
0x1d0: {  	[sflag:s8] =	ssyncset.done $0x0  }
0x1d1: {  	s20 =	simm.s32 $0x1580;
	[sflag:s8] =	ssyncadd.s32 $0xFFFFC180  }
0x1d2: {  	[spmem:s3] =	stream.indirect.scatter.add.f32 [tilespmem:s31], [sflag:$0x3], $0x80, s20, s29, $0xb8;
	[tilespmem:$0x1E000] =	vst v63  }
0x1d3: {  	_ =	swait.ge [sflag:s26], $0x3E80  }
0x1d4: {  	[sflag:s26] =	ssyncset.done $0x0  }
0x1d5: {  	s20 =	simm.s32 $0x680;
	[sflag:s26] =	ssyncadd.s32 $0xFFFFC180  }
0x1d6: {  	[tilespmem:s31], [sflag:$0x2] =	stream.indirect.gather [hbm4b:s1+s29], $0x80, s20, s29, $0xb8;
	[tilespmem:$0x1E000] =	vst v63  }
0x1d7: {  	_ =	swait.ge [sflag:s6], $0x3E80  }
0x1d8: {  	[sflag:s6] =	ssyncset.done $0x0  }
0x1d9: {  	s20 =	simm.s32 $0x1600;
	[sflag:s6] =	ssyncadd.s32 $0xFFFFC180  }
0x1da: {  	[spmem:s3] =	stream.indirect.scatter.add.f32 [tilespmem:s25], [sflag:$0x3], $0x80, s20, s29, $0xb8;
	[tilespmem:$0x1E000] =	vst v63  }
0x1db: {  	_ =	swait.ge [sflag:s26], $0x3E80  }
0x1dc: {  	[sflag:s26] =	ssyncset.done $0x0  }
0x1dd: {  	s20 =	simm.s32 $0x700;
	[sflag:s26] =	ssyncadd.s32 $0xFFFFC180  }
0x1de: {  	[tilespmem:s25], [sflag:$0x1] =	stream.indirect.gather [hbm4b:s1+s29], $0x80, s20, s29, $0xb8;
	[tilespmem:$0x1E000] =	vst v63  }
0x1df: {  	_ =	swait.ge [sflag:s8], $0x3E80  }
0x1e0: {  	[sflag:s8] =	ssyncset.done $0x0  }
0x1e1: {  	s20 =	simm.s32 $0x1680;
	[sflag:s8] =	ssyncadd.s32 $0xFFFFC180  }
0x1e2: {  	[spmem:s3] =	stream.indirect.scatter.add.f32 [tilespmem:s31], [sflag:$0x3], $0x80, s20, s29, $0xb8;
	[tilespmem:$0x1E000] =	vst v63  }
0x1e3: {  	_ =	swait.ge [sflag:s26], $0x3E80  }
0x1e4: {  	[sflag:s26] =	ssyncset.done $0x0  }
0x1e5: {  	s20 =	simm.s32 $0x780;
	[sflag:s26] =	ssyncadd.s32 $0xFFFFC180  }
0x1e6: {  	[tilespmem:s31], [sflag:$0x2] =	stream.indirect.gather [hbm4b:s1+s29], $0x80, s20, s29, $0xb8;
	[tilespmem:$0x1E000] =	vst v63  }
0x1e7: {  	_ =	swait.ge [sflag:s6], $0x3E80  }
0x1e8: {  	[sflag:s6] =	ssyncset.done $0x0  }
0x1e9: {  	s20 =	simm.s32 $0x1700;
	[sflag:s6] =	ssyncadd.s32 $0xFFFFC180  }
0x1ea: {  	[spmem:s3] =	stream.indirect.scatter.add.f32 [tilespmem:s25], [sflag:$0x3], $0x80, s20, s29, $0xb8;
	[tilespmem:$0x1E000] =	vst v63  }
0x1eb: {  	_ =	swait.ge [sflag:s26], $0x3E80  }
0x1ec: {  	[sflag:s26] =	ssyncset.done $0x0  }
0x1ed: {  	[sflag:s26] =	ssyncadd.s32 $0xFFFFC180  }
0x1ee: {  	[tilespmem:s25], [sflag:$0x1] =	stream.indirect.gather [hbm4b:s1+s29], $0x80, s2, s29, $0xb8;
	[tilespmem:$0x1E000] =	vst v63  }
0x1ef: {  	_ =	swait.ge [sflag:s8], $0x3E80  }
0x1f0: {  	[sflag:s8] =	ssyncset.done $0x0  }
0x1f1: {  	s20 =	simm.s32 $0x1780;
	[sflag:s8] =	ssyncadd.s32 $0xFFFFC180  }
0x1f2: {  	[spmem:s3] =	stream.indirect.scatter.add.f32 [tilespmem:s31], [sflag:$0x3], $0x80, s20, s29, $0xb8;
	[tilespmem:$0x1E000] =	vst v63  }
0x1f3: {  	_ =	swait.ge [sflag:s26], $0x3E80  }
0x1f4: {  	[sflag:s26] =	ssyncset.done $0x0  }
0x1f5: {  	s20 =	simm.s32 $0x880;
	[sflag:s26] =	ssyncadd.s32 $0xFFFFC180  }
0x1f6: {  	[tilespmem:s31], [sflag:$0x2] =	stream.indirect.gather [hbm4b:s1+s29], $0x80, s20, s29, $0xb8;
	[tilespmem:$0x1E000] =	vst v63  }
0x1f7: {  	s20 =	rddreg [dreg:$0x13]  }
0x1f8: {  	[tilespmem:s4], [sflag:$0x3] =	stream.linear.gather [hbm4b:s20+s4], $0x800, $0x38;
	[tilespmem:$0x1E000] =	vst v63  }
0x1f9: {  	_ =	swait.ge [sflag:s26], $0x800  }
0x1fa: {  	[sflag:s26] =	ssyncset.done $0x0  }
0x1fb: {  	s20 =	rddreg [dreg:$0x14];
	[sflag:s26] =	ssyncadd.s32 $0xFFFFF800  }
0x1fc: {  	[tilespmem:s0], [sflag:$0x3] =	stream.linear.gather [hbm4b:s20+s4], $0x800, $0x38;
	[tilespmem:$0x1E000] =	vst v63  }
0x1fd: {  	_ =	swait.ge [sflag:s26], $0x800  }
0x1fe: {  	[sflag:s26] =	ssyncset.done $0x0  }
0x1ff: {  	[sflag:s26] =	ssyncadd.s32 $0xFFFFF800  }
0x200: {  	_ =	swait.ge [sflag:s6], $0x3E80  }
0x201: {  	[sflag:s6] =	ssyncset.done $0x0  }
0x202: {  	[sflag:s6] =	ssyncadd.s32 $0xFFFFC180  }
0x203: {  	[spmem:s3] =	stream.indirect.scatter.add.f32 [tilespmem:s25], [sflag:$0x3], $0x80, s5, s29, $0xb8;
	[tilespmem:$0x1E000] =	vst v63  }
0x204: {  	_ =	swait.ge [sflag:s26], $0x3E80  }
0x205: {  	[sflag:s26] =	ssyncset.done $0x0  }
0x206: {  	s20 =	simm.s32 $0x900;
	[sflag:s26] =	ssyncadd.s32 $0xFFFFC180  }
0x207: {  	[tilespmem:s25], [sflag:$0x1] =	stream.indirect.gather [hbm4b:s1+s29], $0x80, s20, s29, $0xb8;
	[tilespmem:$0x1E000] =	vst v63  }
0x208: {  	_ =	swait.ge [sflag:s8], $0x3E80  }
0x209: {  	[sflag:s8] =	ssyncset.done $0x0  }
0x20a: {  	s20 =	simm.s32 $0x1880;
	[sflag:s8] =	ssyncadd.s32 $0xFFFFC180  }
0x20b: {  	[spmem:s3] =	stream.indirect.scatter.add.f32 [tilespmem:s31], [sflag:$0x3], $0x80, s20, s29, $0xb8;
	[tilespmem:$0x1E000] =	vst v63  }
0x20c: {  	_ =	swait.ge [sflag:s26], $0x3E80  }
0x20d: {  	[sflag:s26] =	ssyncset.done $0x0  }
0x20e: {  	s20 =	simm.s32 $0x980;
	[sflag:s26] =	ssyncadd.s32 $0xFFFFC180  }
0x20f: {  	[tilespmem:s31], [sflag:$0x2] =	stream.indirect.gather [hbm4b:s1+s29], $0x80, s20, s29, $0xb8;
	[tilespmem:$0x1E000] =	vst v63  }
0x210: {  	_ =	swait.ge [sflag:s6], $0x3E80  }
0x211: {  	[sflag:s6] =	ssyncset.done $0x0  }
0x212: {  	s20 =	simm.s32 $0x1900;
	[sflag:s6] =	ssyncadd.s32 $0xFFFFC180  }
0x213: {  	[spmem:s3] =	stream.indirect.scatter.add.f32 [tilespmem:s25], [sflag:$0x3], $0x80, s20, s29, $0xb8;
	[tilespmem:$0x1E000] =	vst v63  }
0x214: {  	_ =	swait.ge [sflag:s26], $0x3E80  }
0x215: {  	[sflag:s26] =	ssyncset.done $0x0  }
0x216: {  	s20 =	simm.s32 $0xA00;
	[sflag:s26] =	ssyncadd.s32 $0xFFFFC180  }
0x217: {  	[tilespmem:s25], [sflag:$0x1] =	stream.indirect.gather [hbm4b:s1+s29], $0x80, s20, s29, $0xb8;
	[tilespmem:$0x1E000] =	vst v63  }
0x218: {  	_ =	swait.ge [sflag:s8], $0x3E80  }
0x219: {  	[sflag:s8] =	ssyncset.done $0x0  }
0x21a: {  	s20 =	simm.s32 $0x1980;
	[sflag:s8] =	ssyncadd.s32 $0xFFFFC180  }
0x21b: {  	[spmem:s3] =	stream.indirect.scatter.add.f32 [tilespmem:s31], [sflag:$0x3], $0x80, s20, s29, $0xb8;
	[tilespmem:$0x1E000] =	vst v63  }
0x21c: {  	_ =	swait.ge [sflag:s26], $0x3E80  }
0x21d: {  	[sflag:s26] =	ssyncset.done $0x0  }
0x21e: {  	s20 =	simm.s32 $0xA80;
	[sflag:s26] =	ssyncadd.s32 $0xFFFFC180  }
0x21f: {  	[tilespmem:s31], [sflag:$0x2] =	stream.indirect.gather [hbm4b:s1+s29], $0x80, s20, s29, $0xb8;
	[tilespmem:$0x1E000] =	vst v63  }
0x220: {  	_ =	swait.ge [sflag:s6], $0x3E80  }
0x221: {  	[sflag:s6] =	ssyncset.done $0x0  }
0x222: {  	s20 =	simm.s32 $0x1A00;
	[sflag:s6] =	ssyncadd.s32 $0xFFFFC180  }
0x223: {  	[spmem:s3] =	stream.indirect.scatter.add.f32 [tilespmem:s25], [sflag:$0x3], $0x80, s20, s29, $0xb8;
	[tilespmem:$0x1E000] =	vst v63  }
0x224: {  	_ =	swait.ge [sflag:s26], $0x3E80  }
0x225: {  	[sflag:s26] =	ssyncset.done $0x0  }
0x226: {  	s20 =	simm.s32 $0xB00;
	[sflag:s26] =	ssyncadd.s32 $0xFFFFC180  }
0x227: {  	[tilespmem:s25], [sflag:$0x1] =	stream.indirect.gather [hbm4b:s1+s29], $0x80, s20, s29, $0xb8;
	[tilespmem:$0x1E000] =	vst v63  }
0x228: {  	_ =	swait.ge [sflag:s8], $0x3E80  }
0x229: {  	[sflag:s8] =	ssyncset.done $0x0  }
0x22a: {  	s20 =	simm.s32 $0x1A80;
	[sflag:s8] =	ssyncadd.s32 $0xFFFFC180  }
0x22b: {  	[spmem:s3] =	stream.indirect.scatter.add.f32 [tilespmem:s31], [sflag:$0x3], $0x80, s20, s29, $0xb8;
	[tilespmem:$0x1E000] =	vst v63  }
0x22c: {  	_ =	swait.ge [sflag:s26], $0x3E80  }
0x22d: {  	[sflag:s26] =	ssyncset.done $0x0  }
0x22e: {  	s20 =	simm.s32 $0xB80;
	[sflag:s26] =	ssyncadd.s32 $0xFFFFC180  }
0x22f: {  	[tilespmem:s31], [sflag:$0x2] =	stream.indirect.gather [hbm4b:s1+s29], $0x80, s20, s29, $0xb8;
	[tilespmem:$0x1E000] =	vst v63  }
0x230: {  	_ =	swait.ge [sflag:s6], $0x3E80  }
0x231: {  	[sflag:s6] =	ssyncset.done $0x0  }
0x232: {  	s20 =	simm.s32 $0x1B00;
	[sflag:s6] =	ssyncadd.s32 $0xFFFFC180  }
0x233: {  	[spmem:s3] =	stream.indirect.scatter.add.f32 [tilespmem:s25], [sflag:$0x3], $0x80, s20, s29, $0xb8;
	[tilespmem:$0x1E000] =	vst v63  }
0x234: {  	_ =	swait.ge [sflag:s26], $0x3E80  }
0x235: {  	[sflag:s26] =	ssyncset.done $0x0  }
0x236: {  	s20 =	simm.s32 $0xC00;
	[sflag:s26] =	ssyncadd.s32 $0xFFFFC180  }
0x237: {  	[tilespmem:s25], [sflag:$0x1] =	stream.indirect.gather [hbm4b:s1+s29], $0x80, s20, s29, $0xb8;
	[tilespmem:$0x1E000] =	vst v63  }
0x238: {  	_ =	swait.ge [sflag:s8], $0x3E80  }
0x239: {  	[sflag:s8] =	ssyncset.done $0x0  }
0x23a: {  	s20 =	simm.s32 $0x1B80;
	[sflag:s8] =	ssyncadd.s32 $0xFFFFC180  }
0x23b: {  	[spmem:s3] =	stream.indirect.scatter.add.f32 [tilespmem:s31], [sflag:$0x3], $0x80, s20, s29, $0xb8;
	[tilespmem:$0x1E000] =	vst v63  }
0x23c: {  	_ =	swait.ge [sflag:s26], $0x3E80  }
0x23d: {  	[sflag:s26] =	ssyncset.done $0x0  }
0x23e: {  	s20 =	simm.s32 $0xC80;
	[sflag:s26] =	ssyncadd.s32 $0xFFFFC180  }
0x23f: {  	[tilespmem:s31], [sflag:$0x2] =	stream.indirect.gather [hbm4b:s1+s29], $0x80, s20, s29, $0xb8;
	[tilespmem:$0x1E000] =	vst v63  }
0x240: {  	_ =	swait.ge [sflag:s6], $0x3E80  }
0x241: {  	[sflag:s6] =	ssyncset.done $0x0  }
0x242: {  	s20 =	simm.s32 $0x1C00;
	[sflag:s6] =	ssyncadd.s32 $0xFFFFC180  }
0x243: {  	[spmem:s3] =	stream.indirect.scatter.add.f32 [tilespmem:s25], [sflag:$0x3], $0x80, s20, s29, $0xb8;
	[tilespmem:$0x1E000] =	vst v63  }
0x244: {  	_ =	swait.ge [sflag:s26], $0x3E80  }
0x245: {  	[sflag:s26] =	ssyncset.done $0x0  }
0x246: {  	s20 =	simm.s32 $0xD00;
	[sflag:s26] =	ssyncadd.s32 $0xFFFFC180  }
0x247: {  	[tilespmem:s25], [sflag:$0x1] =	stream.indirect.gather [hbm4b:s1+s29], $0x80, s20, s29, $0xb8;
	[tilespmem:$0x1E000] =	vst v63  }
0x248: {  	_ =	swait.ge [sflag:s8], $0x3E80  }
0x249: {  	[sflag:s8] =	ssyncset.done $0x0  }
0x24a: {  	s20 =	simm.s32 $0x1C80;
	[sflag:s8] =	ssyncadd.s32 $0xFFFFC180  }
0x24b: {  	[spmem:s3] =	stream.indirect.scatter.add.f32 [tilespmem:s31], [sflag:$0x3], $0x80, s20, s29, $0xb8;
	[tilespmem:$0x1E000] =	vst v63  }
0x24c: {  	_ =	swait.ge [sflag:s26], $0x3E80  }
0x24d: {  	[sflag:s26] =	ssyncset.done $0x0  }
0x24e: {  	s20 =	simm.s32 $0xD80;
	[sflag:s26] =	ssyncadd.s32 $0xFFFFC180  }
0x24f: {  	[tilespmem:s31], [sflag:$0x2] =	stream.indirect.gather [hbm4b:s1+s29], $0x80, s20, s29, $0xb8;
	[tilespmem:$0x1E000] =	vst v63  }
0x250: {  	_ =	swait.ge [sflag:s6], $0x3E80  }
0x251: {  	[sflag:s6] =	ssyncset.done $0x0  }
0x252: {  	s20 =	simm.s32 $0x1D00;
	[sflag:s6] =	ssyncadd.s32 $0xFFFFC180  }
0x253: {  	[spmem:s3] =	stream.indirect.scatter.add.f32 [tilespmem:s25], [sflag:$0x3], $0x80, s20, s29, $0xb8;
	[tilespmem:$0x1E000] =	vst v63  }
0x254: {  	_ =	swait.ge [sflag:s26], $0x3E80  }
0x255: {  	[sflag:s26] =	ssyncset.done $0x0  }
0x256: {  	s20 =	simm.s32 $0xE00;
	[sflag:s26] =	ssyncadd.s32 $0xFFFFC180  }
0x257: {  	[tilespmem:s25], [sflag:$0x1] =	stream.indirect.gather [hbm4b:s1+s29], $0x80, s20, s29, $0xb8;
	[tilespmem:$0x1E000] =	vst v63  }
0x258: {  	_ =	swait.ge [sflag:s8], $0x3E80  }
0x259: {  	[sflag:s8] =	ssyncset.done $0x0  }
0x25a: {  	s20 =	simm.s32 $0x1D80;
	[sflag:s8] =	ssyncadd.s32 $0xFFFFC180  }
0x25b: {  	[spmem:s3] =	stream.indirect.scatter.add.f32 [tilespmem:s31], [sflag:$0x3], $0x80, s20, s29, $0xb8;
	[tilespmem:$0x1E000] =	vst v63  }
0x25c: {  	_ =	swait.ge [sflag:s26], $0x3E80  }
0x25d: {  	[sflag:s26] =	ssyncset.done $0x0  }
0x25e: {  	s20 =	simm.s32 $0xE80;
	[sflag:s26] =	ssyncadd.s32 $0xFFFFC180  }
0x25f: {  	[tilespmem:s31], [sflag:$0x2] =	stream.indirect.gather [hbm4b:s1+s29], $0x80, s20, s29, $0xb8;
	[tilespmem:$0x1E000] =	vst v63  }
0x260: {  	_ =	swait.ge [sflag:s6], $0x3E80  }
0x261: {  	[sflag:s6] =	ssyncset.done $0x0  }
0x262: {  	s20 =	simm.s32 $0x1E00;
	[sflag:s6] =	ssyncadd.s32 $0xFFFFC180  }
0x263: {  	[spmem:s3] =	stream.indirect.scatter.add.f32 [tilespmem:s25], [sflag:$0x3], $0x80, s20, s29, $0xb8;
	[tilespmem:$0x1E000] =	vst v63  }
0x264: {  	_ =	swait.ge [sflag:s26], $0x3E80  }
0x265: {  	[sflag:s26] =	ssyncset.done $0x0  }
0x266: {  	s20 =	simm.s32 $0xF00;
	[sflag:s26] =	ssyncadd.s32 $0xFFFFC180  }
0x267: {  	[tilespmem:s25], [sflag:$0x1] =	stream.indirect.gather [hbm4b:s1+s29], $0x80, s20, s29, $0xb8;
	[tilespmem:$0x1E000] =	vst v63  }
0x268: {  	_ =	swait.ge [sflag:s8], $0x3E80  }
0x269: {  	[sflag:s8] =	ssyncset.done $0x0  }
0x26a: {  	s20 =	simm.s32 $0x1E80;
	[sflag:s8] =	ssyncadd.s32 $0xFFFFC180  }
0x26b: {  	[spmem:s3] =	stream.indirect.scatter.add.f32 [tilespmem:s31], [sflag:$0x3], $0x80, s20, s29, $0xb8;
	[tilespmem:$0x1E000] =	vst v63  }
0x26c: {  	_ =	swait.ge [sflag:s26], $0x3E80  }
0x26d: {  	[sflag:s26] =	ssyncset.done $0x0  }
0x26e: {  	s20 =	simm.s32 $0xF80;
	[sflag:s26] =	ssyncadd.s32 $0xFFFFC180  }
0x26f: {  	[tilespmem:s31], [sflag:$0x2] =	stream.indirect.gather [hbm4b:s1+s29], $0x80, s20, s29, $0xb8;
	[tilespmem:$0x1E000] =	vst v63  }
0x270: {  	_ =	swait.ge [sflag:s6], $0x3E80  }
0x271: {  	[sflag:s6] =	ssyncset.done $0x0  }
0x272: {  	s20 =	simm.s32 $0x1F00;
	[sflag:s6] =	ssyncadd.s32 $0xFFFFC180  }
0x273: {  	[spmem:s3] =	stream.indirect.scatter.add.f32 [tilespmem:s25], [sflag:$0x3], $0x80, s20, s29, $0xb8;
	[tilespmem:$0x1E000] =	vst v63  }
0x274: {  	_ =	swait.ge [sflag:s26], $0x3E80  }
0x275: {  	[sflag:s26] =	ssyncset.done $0x0  }
0x276: {  	[sflag:s26] =	ssyncadd.s32 $0xFFFFC180  }
0x277: {  	[tilespmem:s25], [sflag:$0x1] =	stream.indirect.gather [hbm4b:s1+s29], $0x80, s4, s29, $0xb8;
	[tilespmem:$0x1E000] =	vst v63  }
0x278: {  	_ =	swait.ge [sflag:s8], $0x3E80  }
0x279: {  	[sflag:s8] =	ssyncset.done $0x0  }
0x27a: {  	s20 =	simm.s32 $0x1F80;
	[sflag:s8] =	ssyncadd.s32 $0xFFFFC180  }
0x27b: {  	[spmem:s3] =	stream.indirect.scatter.add.f32 [tilespmem:s31], [sflag:$0x3], $0x80, s20, s29, $0xb8;
	[tilespmem:$0x1E000] =	vst v63  }
0x27c: {  	_ =	swait.ge [sflag:s26], $0x3E80  }
0x27d: {  	[sflag:s26] =	ssyncset.done $0x0  }
0x27e: {  	s20 =	simm.s32 $0x80;
	[sflag:s26] =	ssyncadd.s32 $0xFFFFC180  }
0x27f: {  	[tilespmem:s31], [sflag:$0x2] =	stream.indirect.gather [hbm4b:s1+s29], $0x80, s20, s29, $0xb8;
	[tilespmem:$0x1E000] =	vst v63  }
0x280: {  	_ =	swait.ge [sflag:s6], $0x3E80  }
0x281: {  	[sflag:s6] =	ssyncset.done $0x0  }
0x282: {  	[sflag:s6] =	ssyncadd.s32 $0xFFFFC180  }
0x283: {  	[spmem:s3] =	stream.indirect.scatter.add.f32 [tilespmem:s25], [sflag:$0x3], $0x80, s0, s29, $0xb8;
	[tilespmem:$0x1E000] =	vst v63  }
0x284: {  	_ =	swait.ge [sflag:s26], $0x3E80  }
0x285: {  	[sflag:s26] =	ssyncset.done $0x0  }
0x286: {  	[sflag:s26] =	ssyncadd.s32 $0xFFFFC180  }
0x287: {  	[tilespmem:s25], [sflag:$0x1] =	stream.indirect.gather [hbm4b:s1+s29], $0x80, s7, s29, $0xb8;
	[tilespmem:$0x1E000] =	vst v63  }
0x288: {  	_ =	swait.ge [sflag:s8], $0x3E80  }
0x289: {  	[sflag:s8] =	ssyncset.done $0x0  }
0x28a: {  	[sflag:s8] =	ssyncadd.s32 $0xFFFFC180  }
0x28b: {  	[spmem:s3] =	stream.indirect.scatter.add.f32 [tilespmem:s31], [sflag:$0x3], $0x80, s9, s29, $0xb8;
	[tilespmem:$0x1E000] =	vst v63  }
0x28c: {  	_ =	swait.ge [sflag:s26], $0x3E80  }
0x28d: {  	[sflag:s26] =	ssyncset.done $0x0  }
0x28e: {  	[sflag:s26] =	ssyncadd.s32 $0xFFFFC180  }
0x28f: {  	[tilespmem:s31], [sflag:$0x2] =	stream.indirect.gather [hbm4b:s1+s29], $0x80, s10, s29, $0xb8;
	[tilespmem:$0x1E000] =	vst v63  }
0x290: {  	_ =	swait.ge [sflag:s6], $0x3E80  }
0x291: {  	[sflag:s6] =	ssyncset.done $0x0  }
0x292: {  	[sflag:s6] =	ssyncadd.s32 $0xFFFFC180  }
0x293: {  	[spmem:s3] =	stream.indirect.scatter.add.f32 [tilespmem:s25], [sflag:$0x3], $0x80, s11, s29, $0xb8;
	[tilespmem:$0x1E000] =	vst v63  }
0x294: {  	_ =	swait.ge [sflag:s26], $0x3E80  }
0x295: {  	[sflag:s26] =	ssyncset.done $0x0  }
0x296: {  	[sflag:s26] =	ssyncadd.s32 $0xFFFFC180  }
0x297: {  	[tilespmem:s25], [sflag:$0x1] =	stream.indirect.gather [hbm4b:s1+s29], $0x80, s12, s29, $0xb8;
	[tilespmem:$0x1E000] =	vst v63  }
0x298: {  	_ =	swait.ge [sflag:s8], $0x3E80  }
0x299: {  	[sflag:s8] =	ssyncset.done $0x0  }
0x29a: {  	[sflag:s8] =	ssyncadd.s32 $0xFFFFC180  }
0x29b: {  	[spmem:s3] =	stream.indirect.scatter.add.f32 [tilespmem:s31], [sflag:$0x3], $0x80, s13, s29, $0xb8;
	[tilespmem:$0x1E000] =	vst v63  }
0x29c: {  	_ =	swait.ge [sflag:s26], $0x3E80  }
0x29d: {  	[sflag:s26] =	ssyncset.done $0x0  }
0x29e: {  	[sflag:s26] =	ssyncadd.s32 $0xFFFFC180  }
0x29f: {  	[tilespmem:s31], [sflag:$0x2] =	stream.indirect.gather [hbm4b:s1+s29], $0x80, s14, s29, $0xb8;
	[tilespmem:$0x1E000] =	vst v63  }
0x2a0: {  	_ =	swait.ge [sflag:s6], $0x3E80  }
0x2a1: {  	[sflag:s6] =	ssyncset.done $0x0  }
0x2a2: {  	[sflag:s6] =	ssyncadd.s32 $0xFFFFC180  }
0x2a3: {  	[spmem:s3] =	stream.indirect.scatter.add.f32 [tilespmem:s25], [sflag:$0x3], $0x80, s15, s29, $0xb8;
	[tilespmem:$0x1E000] =	vst v63  }
0x2a4: {  	_ =	swait.ge [sflag:s26], $0x3E80  }
0x2a5: {  	[sflag:s26] =	ssyncset.done $0x0  }
0x2a6: {  	[sflag:s26] =	ssyncadd.s32 $0xFFFFC180  }
0x2a7: {  	[tilespmem:s25], [sflag:$0x1] =	stream.indirect.gather [hbm4b:s1+s29], $0x80, s16, s29, $0xb8;
	[tilespmem:$0x1E000] =	vst v63  }
0x2a8: {  	_ =	swait.ge [sflag:s8], $0x3E80  }
0x2a9: {  	[sflag:s8] =	ssyncset.done $0x0  }
0x2aa: {  	[sflag:s8] =	ssyncadd.s32 $0xFFFFC180  }
0x2ab: {  	[spmem:s3] =	stream.indirect.scatter.add.f32 [tilespmem:s31], [sflag:$0x3], $0x80, s17, s29, $0xb8;
	[tilespmem:$0x1E000] =	vst v63  }
0x2ac: {  	_ =	swait.ge [sflag:s26], $0x3E80  }
0x2ad: {  	[sflag:s26] =	ssyncset.done $0x0  }
0x2ae: {  	[sflag:s26] =	ssyncadd.s32 $0xFFFFC180  }
0x2af: {  	[tilespmem:s31], [sflag:$0x2] =	stream.indirect.gather [hbm4b:s1+s29], $0x80, s18, s29, $0xb8;
	[tilespmem:$0x1E000] =	vst v63  }
0x2b0: {  	_ =	swait.ge [sflag:s6], $0x3E80  }
0x2b1: {  	[sflag:s6] =	ssyncset.done $0x0  }
0x2b2: {  	[sflag:s6] =	ssyncadd.s32 $0xFFFFC180  }
0x2b3: {  	[spmem:s3] =	stream.indirect.scatter.add.f32 [tilespmem:s25], [sflag:$0x3], $0x80, s21, s29, $0xb8;
	[tilespmem:$0x1E000] =	vst v63  }
0x2b4: {  	_ =	swait.ge [sflag:s26], $0x3E80  }
0x2b5: {  	[sflag:s26] =	ssyncset.done $0x0  }
0x2b6: {  	[sflag:s26] =	ssyncadd.s32 $0xFFFFC180  }
0x2b7: {  	[tilespmem:s25], [sflag:$0x1] =	stream.indirect.gather [hbm4b:s1+s29], $0x80, s22, s29, $0xb8;
	[tilespmem:$0x1E000] =	vst v63  }
0x2b8: {  	_ =	swait.ge [sflag:s8], $0x3E80  }
0x2b9: {  	[sflag:s8] =	ssyncset.done $0x0  }
0x2ba: {  	[sflag:s8] =	ssyncadd.s32 $0xFFFFC180  }
0x2bb: {  	[spmem:s3] =	stream.indirect.scatter.add.f32 [tilespmem:s31], [sflag:$0x3], $0x80, s23, s29, $0xb8;
	[tilespmem:$0x1E000] =	vst v63  }
0x2bc: {  	_ =	swait.ge [sflag:s26], $0x3E80  }
0x2bd: {  	[sflag:s26] =	ssyncset.done $0x0  }
0x2be: {  	[sflag:s26] =	ssyncadd.s32 $0xFFFFC180  }
0x2bf: {  	[tilespmem:s31], [sflag:$0x2] =	stream.indirect.gather [hbm4b:s1+s29], $0x80, s24, s29, $0xb8;
	[tilespmem:$0x1E000] =	vst v63  }
0x2c0: {  	_ =	swait.ge [sflag:s6], $0x3E80  }
0x2c1: {  	[sflag:s6] =	ssyncset.done $0x0  }
0x2c2: {  	[sflag:s6] =	ssyncadd.s32 $0xFFFFC180  }
0x2c3: {  	[spmem:s3] =	stream.indirect.scatter.add.f32 [tilespmem:s25], [sflag:$0x3], $0x80, s28, s29, $0xb8;
	[tilespmem:$0x1E000] =	vst v63  }
0x2c4: {  	_ =	swait.ge [sflag:s26], $0x3E80  }
0x2c5: {  	[sflag:s26] =	ssyncset.done $0x0  }
0x2c6: {  	[sflag:s26] =	ssyncadd.s32 $0xFFFFC180  }
0x2c7: {  	[tilespmem:s25], [sflag:$0x1] =	stream.indirect.gather [hbm4b:s1+s29], $0x80, s30, s29, $0xb8;
	[tilespmem:$0x1E000] =	vst v63  }
0x2c8: {  	_ =	swait.ge [sflag:s8], $0x3E80  }
0x2c9: {  	[sflag:s8] =	ssyncset.done $0x0  }
0x2ca: {  	s22 =	simm.s32 $0x1480;
	[sflag:s8] =	ssyncadd.s32 $0xFFFFC180  }
0x2cb: {  	[spmem:s3] =	stream.indirect.scatter.add.f32 [tilespmem:s31], [sflag:$0x3], $0x80, s22, s29, $0xb8;
	[tilespmem:$0x1E000] =	vst v63  }
0x2cc: {  	_ =	swait.ge [sflag:s26], $0x3E80  }
0x2cd: {  	[sflag:s26] =	ssyncset.done $0x0  }
0x2ce: {  	s5 =	simm.s32 $0x580;
	[sflag:s26] =	ssyncadd.s32 $0xFFFFC180  }
0x2cf: {  	[tilespmem:s31], [sflag:$0x2] =	stream.indirect.gather [hbm4b:s1+s29], $0x80, s5, s29, $0xb8;
	[tilespmem:$0x1E000] =	vst v63  }
0x2d0: {  	_ =	swait.ge [sflag:s6], $0x3E80  }
0x2d1: {  	[sflag:s6] =	ssyncset.done $0x0  }
0x2d2: {  	s7 =	simm.s32 $0x1500;
	[sflag:s6] =	ssyncadd.s32 $0xFFFFC180  }
0x2d3: {  	[spmem:s3] =	stream.indirect.scatter.add.f32 [tilespmem:s25], [sflag:$0x3], $0x80, s7, s29, $0xb8;
	[tilespmem:$0x1E000] =	vst v63  }
0x2d4: {  	_ =	swait.ge [sflag:s26], $0x3E80  }
0x2d5: {  	[sflag:s26] =	ssyncset.done $0x0  }
0x2d6: {  	s20 =	simm.s32 $0x600;
	[sflag:s26] =	ssyncadd.s32 $0xFFFFC180  }
0x2d7: {  	[tilespmem:s25], [sflag:$0x1] =	stream.indirect.gather [hbm4b:s1+s29], $0x80, s20, s29, $0xb8;
	[tilespmem:$0x1E000] =	vst v63  }
0x2d8: {  	_ =	swait.ge [sflag:s8], $0x3E80  }
0x2d9: {  	[sflag:s8] =	ssyncset.done $0x0  }
0x2da: {  	s21 =	simm.s32 $0x1580;
	[sflag:s8] =	ssyncadd.s32 $0xFFFFC180  }
0x2db: {  	[spmem:s3] =	stream.indirect.scatter.add.f32 [tilespmem:s31], [sflag:$0x3], $0x80, s21, s29, $0xb8;
	[tilespmem:$0x1E000] =	vst v63  }
0x2dc: {  	_ =	swait.ge [sflag:s26], $0x3E80  }
0x2dd: {  	[sflag:s26] =	ssyncset.done $0x0  }
0x2de: {  	s22 =	simm.s32 $0x680;
	[sflag:s26] =	ssyncadd.s32 $0xFFFFC180  }
0x2df: {  	[tilespmem:s31], [sflag:$0x2] =	stream.indirect.gather [hbm4b:s1+s29], $0x80, s22, s29, $0xb8;
	[tilespmem:$0x1E000] =	vst v63  }
0x2e0: {  	_ =	swait.ge [sflag:s6], $0x3E80  }
0x2e1: {  	[sflag:s6] =	ssyncset.done $0x0  }
0x2e2: {  	s5 =	simm.s32 $0x1600;
	[sflag:s6] =	ssyncadd.s32 $0xFFFFC180  }
0x2e3: {  	[spmem:s3] =	stream.indirect.scatter.add.f32 [tilespmem:s25], [sflag:$0x3], $0x80, s5, s29, $0xb8;
	[tilespmem:$0x1E000] =	vst v63  }
0x2e4: {  	_ =	swait.ge [sflag:s26], $0x3E80  }
0x2e5: {  	[sflag:s26] =	ssyncset.done $0x0  }
0x2e6: {  	s7 =	simm.s32 $0x700;
	[sflag:s26] =	ssyncadd.s32 $0xFFFFC180  }
0x2e7: {  	[tilespmem:s25], [sflag:$0x1] =	stream.indirect.gather [hbm4b:s1+s29], $0x80, s7, s29, $0xb8;
	[tilespmem:$0x1E000] =	vst v63  }
0x2e8: {  	_ =	swait.ge [sflag:s8], $0x3E80  }
0x2e9: {  	[sflag:s8] =	ssyncset.done $0x0  }
0x2ea: {  	s20 =	simm.s32 $0x1680;
	[sflag:s8] =	ssyncadd.s32 $0xFFFFC180  }
0x2eb: {  	[spmem:s3] =	stream.indirect.scatter.add.f32 [tilespmem:s31], [sflag:$0x3], $0x80, s20, s29, $0xb8;
	[tilespmem:$0x1E000] =	vst v63  }
0x2ec: {  	_ =	swait.ge [sflag:s26], $0x3E80  }
0x2ed: {  	[sflag:s26] =	ssyncset.done $0x0  }
0x2ee: {  	s21 =	simm.s32 $0x780;
	[sflag:s26] =	ssyncadd.s32 $0xFFFFC180  }
0x2ef: {  	[tilespmem:s31], [sflag:$0x2] =	stream.indirect.gather [hbm4b:s1+s29], $0x80, s21, s29, $0xb8;
	[tilespmem:$0x1E000] =	vst v63  }
0x2f0: {  	_ =	swait.ge [sflag:s6], $0x3E80  }
0x2f1: {  	[sflag:s6] =	ssyncset.done $0x0  }
0x2f2: {  	s22 =	simm.s32 $0x1700;
	[sflag:s6] =	ssyncadd.s32 $0xFFFFC180  }
0x2f3: {  	[spmem:s3] =	stream.indirect.scatter.add.f32 [tilespmem:s25], [sflag:$0x3], $0x80, s22, s29, $0xb8;
	[tilespmem:$0x1E000] =	vst v63  }
0x2f4: {  	_ =	swait.ge [sflag:s26], $0x3E80  }
0x2f5: {  	[sflag:s26] =	ssyncset.done $0x0  }
0x2f6: {  	[sflag:s26] =	ssyncadd.s32 $0xFFFFC180  }
0x2f7: {  	_ =	swait.ge [sflag:s8], $0x3E80  }
0x2f8: {  	[sflag:s8] =	ssyncset.done $0x0  }
0x2f9: {  	s2 =	simm.s32 $0x1780;
	[sflag:s8] =	ssyncadd.s32 $0xFFFFC180  }
0x2fa: {  	[spmem:s3] =	stream.indirect.scatter.add.f32 [tilespmem:s31], [sflag:$0x3], $0x80, s2, s29, $0xb8;
	[tilespmem:$0x1E000] =	vst v63  }
0x2fb: {  	_ =	swait.ge [sflag:s26], $0x3E80  }
0x2fc: {  	[sflag:s26] =	ssyncset.done $0x0  }
0x2fd: {  	[sflag:s26] =	ssyncadd.s32 $0xFFFFC180  }
0x2fe: {  	s0 =	stileid.u32;
	[bflag:$0x0] =	sbarrier.arrive $0xFFFF  }
0x2ff: {  	s20 =	sshll.u32 s0, $0x6;
	s2 =	rddreg [dreg:$0x17]  }
0x300: {  	s20 =	sor.u32 $0x1C03, s20;
	s7 =	rddreg [dreg:$0x15];
	s5 =	sshrl.u32 s2, $0x3  }
0x301: {  	[hbm:s7], [sflag:s20] =	dma.local [spmem:s5], $0x2800  }
0x302: {  	_ =	swait.ge [sflag:s26], $0x2800  }
0x303: {  	s19 =	sadd.s32 $0x1, s19;
	s22 =	rddreg [dreg:$0x16]  }
0x304: {  	p0 =	sne.s32 s19, s22  }
.Ltmp1:
0x305: {  	_ = 	snop;
	(pc) =	sbr.rel @p0 .LBB2_1-.Ltmp1, $3  }
0x306: {  	_ =	sdelay $0x1  }
0x307: {  	[sflag:s26] =	ssyncset.done $0x0  }
0x308: {  	[sflag:s26] =	ssyncadd.s32 $0xFFFFD800  }
0x309: {  	_ =	sfence.sel $0x180000  }
0x30a: {  	[bflag:$0x0] =	sbarrier.arrive $0xFFFF  }
0x30b: {  	_ =	strace $0x9000004D  }
0x30c: {  	s0 =	stileid.u32;
	[bflag:$0x2] =	sbarrier.arrive $0xFFFF  }
0x30d: {  	p0 =	sne.s32 s0, $0x0;
	s0 =	rddreg [dreg:$0x3]  }
0x30e: {  	s0 =	sadd.s32 @!p0 $0x100000, s0  }
0x30f: {  	[sflag:s0] =	ssyncadd.tile.s32 @!p0 $0x1;
	_ =	shalt  }
.Lfunc_end2:
_tile_overlayer_lowered:
.L_overlay_start_2:
0x310: {  	(tag) =	ssettag $0x2  }
0x311: {  	s0 =	rddreg [dreg:$0x0];
	s2 =	stileid.u32  }
0x312: {  	s1 =	rddreg [dreg:$0x1];
	p0 =	sne.s32 s2, $0x0  }
0x313: {  	s3 =	rddreg [dreg:$0x2];
	[bflag:$0x3] =	sbarrier.arrive $0xFFFF;
	s2 =	simm.s32 @!p0 $0x1C03  }
0x314: {  	[timem:s3], [sflag:s2] =	dma.local @!p0 [hbm:s0], s1  }
0x315: {  	s0 =	simm.s32 @!p0 $0x3  }
0x316: {  	_ =	swait.ge @!p0 [sflag:s0], s1  }
0x317: {  	s1 =	ssub.s32 @!p0 $0x0, s1;
	[sflag:s0] =	ssyncset.done @!p0 $0x0  }
0x318: {  	[sflag:s0] =	ssyncadd.s32 @!p0 s1  }
0x319: {  	[bflag:$0x3] =	sbarrier.arrive $0xFFFF  }
0x31a: {  	_ =	shalt  }

// kernel: kernel.8.cloned.1.call-start
scs
__scs_entry_jumppad:
0x0: {  	(pc) =	sbr.rel $0x88, $3  }
0x1: {  	(tag) =	ssettag $0x0;
	lr =	simm.s32 $0x1  }
0x2: {  	[smem:$0x3F9B] =	sst lr;
	_ =	strace $0xD0000000  }
0x3: {  	_ = 	snop  }
0x4: {  	_ = 	snop  }
0x5: {  	_ = 	snop  }
0x6: {  	_ = 	snop  }
0x7: {  	_ = 	snop  }
__scs_overlays_trampoline_lowered:
0x8: {  	[smem:$0x3FAA] =	sst s0  }
0x9: {  	[smem:$0x3FAB] =	sst s1  }
0xa: {  	[smem:$0x3FAC] =	sst s2  }
0xb: {  	[smem:$0x3FAD] =	sst s3  }
0xc: {  	[smem:$0x3FAE] =	sst s4  }
0xd: {  	[smem:$0x3FAF] =	sst s5  }
0xe: {  	[smem:$0x3FB0] =	sst s6  }
0xf: {  	[smem:$0x3FB1] =	sst s7  }
0x10: {  	[smem:$0x3FB2] =	sst s8  }
0x11: {  	[smem:$0x3FB3] =	sst s9;
	s0 =	simm.s32 @!p0 $0x0  }
0x12: {  	s1 =	sld [smem:$0x3F99];
	s0 =	simm.s32 @p0 $0x1  }
0x13: {  	[smem:$0x3FB4] =	sst s0;
	s0 =	simm.s32 @!p1 $0x0  }
0x14: {  	s2 =	sld [smem:$0x3F98];
	s0 =	simm.s32 @p1 $0x1  }
0x15: {  	[smem:$0x3FB5] =	sst s0;
	s0 =	simm.s32 @!p2 $0x0  }
0x16: {  	s3 =	sld [smem:$0x3FDB];
	s0 =	simm.s32 @p2 $0x1  }
0x17: {  	s4 =	simm.s32 $0x1BF5;
	[smem:$0x3FB7] =	sst s0  }
0x18: {  	s0 =	sld [smem:$0x3F9A];
	_ =	swait.ge [sflag:s4], $0x0  }
0x19: {  	s7 =	sld [smem:$0x3F9B]  }
0x1a: {  	s8 =	sadd.s32 $0xFFFFE003, lr  }
0x1b: {  	s9 =	sadd.s32 $0xFFFFFEF7, lr;
	s5 =	simm.s32 $0xFFFFFFFF;
	p2 =	slt.u32 s8, $0xFFFFF086  }
0x1c: {  	p1 =	slt.u32 s9, $0xF7A;
	s5 =	simm.s32 @!p2 $0x0  }
0x1d: {  	s5 =	simm.s32 @p1 $0x1;
	p0 =	seq.s32 s7, s2  }
0x1e: {  	s7 =	smul.u32 @!p0 $0xF7A, s2;
	p2 =	seq.s32 @!p0 s5, $0x0  }
0x1f: {  	s9 =	smul.u32 $0xF7A, s1;
	s8 =	simm.s32 @!p0 $0x1BF5;
	p2 =	por !p2, p0  }
0x20: {  	[sflag:s8] =	ssyncset.s32 @!p0 $0xFFFFF086;
	s6 =	sadd.s32 @!p0 s3, s7;
	s7 =	simm.s32 @!p0 $0x108  }
0x21: {  	s3 =	sadd.s32 s3, s9;
	s6 =	sadd.s32 @!p0 $0x88, s6;
	s7 =	simm.s32 @p2 $0x1082  }
0x22: {  	[simem:s7], [sflag:s8] =	dma.local @!p0 [hbm:s6], $0xF7A  }
0x23: {  	s9 =	sor.u32 $0xD0000000, s2;
	s6 =	simm.s32 $0x108;
	_ =	swait.ge @!p0 [sflag:s8], $0x0  }
0x24: {  	s3 =	sadd.s32 $0x88, s3;
	s6 =	simm.s32 @!p1 $0x1082;
	[sflag:s4] =	ssyncset.s32 $0xFFFFF086  }
0x25: {  	[simem:s6], [sflag:s4] =	dma.local [hbm:s3], $0xF7A  }
0x26: {  	[smem:$0x3F9B] =	sst s1;
	(tag) =	ssettag s2;
	_ =	strace s9  }
0x27: {  	s1 =	sld [smem:$0x3FAB]  }
0x28: {  	s2 =	sld [smem:$0x3FAC]  }
0x29: {  	s4 =	sld [smem:$0x3FAE]  }
0x2a: {  	p0 =	seq.s32 s5, $0x0;
	s5 =	sld [smem:$0x3FAF]  }
0x2b: {  	s6 =	sld [smem:$0x3FB0]  }
0x2c: {  	s7 =	sld [smem:$0x3FB1]  }
0x2d: {  	s3 =	simm.s32 $0x108;
	s8 =	sld [smem:$0x3FB2]  }
0x2e: {  	s3 =	simm.s32 @!p0 $0x1082;
	s9 =	sld [smem:$0x3FB3]  }
0x2f: {  	lr =	sadd.s32 s0, s3;
	s0 =	sld [smem:$0x3FAA]  }
0x30: {  	s3 =	sld [smem:$0x3FAD]  }
0x31: {  	[smem:$0x3FB6] =	sst s10  }
0x32: {  	s10 =	sld [smem:$0x3FB4];
	_ =	sdelay $0x3  }
0x33: {  	p0 =	seq.s32 s10, $0x1;
	s10 =	sld [smem:$0x3FB6];
	_ =	sdelay $0x3  }
0x34: {  	[smem:$0x3FB6] =	sst s10  }
0x35: {  	s10 =	sld [smem:$0x3FB5];
	_ =	sdelay $0x3  }
0x36: {  	p1 =	seq.s32 s10, $0x1;
	s10 =	sld [smem:$0x3FB6];
	_ =	sdelay $0x3  }
0x37: {  	[smem:$0x3FB6] =	sst s10  }
0x38: {  	s10 =	sld [smem:$0x3FB7]  }
0x39: {  	_ = 	snop;
	(pc) =	sbr.ind lr, $3  }
0x3a: {  	_ = 	snop  }
0x3b: {  	_ = 	snop  }
0x3c: {  	p2 =	seq.s32 s10, $0x1;
	s10 =	sld [smem:$0x3FB6]  }
0x3d: {  	_ =	shalt  }
0x3e: {  	_ =	shalt  }
0x3f: {  	_ =	shalt  }
0x40: {  	_ =	shalt  }
0x41: {  	_ =	shalt  }
0x42: {  	_ =	shalt  }
0x43: {  	_ =	shalt  }
0x44: {  	_ =	shalt  }
0x45: {  	_ =	shalt  }
0x46: {  	_ =	shalt  }
0x47: {  	_ =	shalt  }
0x48: {  	_ =	shalt  }
0x49: {  	_ =	shalt  }
0x4a: {  	_ =	shalt  }
0x4b: {  	_ =	shalt  }
0x4c: {  	_ =	shalt  }
0x4d: {  	_ =	shalt  }
0x4e: {  	_ =	shalt  }
0x4f: {  	_ =	shalt  }
0x50: {  	_ =	shalt  }
0x51: {  	_ =	shalt  }
0x52: {  	_ =	shalt  }
0x53: {  	_ =	shalt  }
0x54: {  	_ =	shalt  }
0x55: {  	_ =	shalt  }
0x56: {  	_ =	shalt  }
0x57: {  	_ =	shalt  }
0x58: {  	_ =	shalt  }
0x59: {  	_ =	shalt  }
0x5a: {  	_ =	shalt  }
0x5b: {  	_ =	shalt  }
0x5c: {  	_ =	shalt  }
0x5d: {  	_ =	shalt  }
0x5e: {  	_ =	shalt  }
0x5f: {  	_ =	shalt  }
0x60: {  	_ =	shalt  }
0x61: {  	_ =	shalt  }
0x62: {  	_ =	shalt  }
0x63: {  	_ =	shalt  }
0x64: {  	_ =	shalt  }
0x65: {  	_ =	shalt  }
0x66: {  	_ =	shalt  }
0x67: {  	_ =	shalt  }
0x68: {  	_ =	shalt  }
0x69: {  	_ =	shalt  }
0x6a: {  	_ =	shalt  }
0x6b: {  	_ =	shalt  }
0x6c: {  	_ =	shalt  }
0x6d: {  	_ =	shalt  }
0x6e: {  	_ =	shalt  }
0x6f: {  	_ =	shalt  }
0x70: {  	_ =	shalt  }
0x71: {  	_ =	shalt  }
0x72: {  	_ =	shalt  }
0x73: {  	_ =	shalt  }
0x74: {  	_ =	shalt  }
0x75: {  	_ =	shalt  }
0x76: {  	_ =	shalt  }
0x77: {  	_ =	shalt  }
0x78: {  	_ =	shalt  }
0x79: {  	_ =	shalt  }
0x7a: {  	_ =	shalt  }
0x7b: {  	_ =	shalt  }
0x7c: {  	_ =	shalt  }
0x7d: {  	_ =	shalt  }
0x7e: {  	_ =	shalt  }
0x7f: {  	_ =	shalt  }
0x80: {  	_ =	shalt  }
0x81: {  	_ =	shalt  }
0x82: {  	_ =	shalt  }
0x83: {  	_ =	shalt  }
0x84: {  	_ =	shalt  }
0x85: {  	_ =	shalt  }
0x86: {  	_ =	shalt  }
0x87: {  	_ =	shalt  }
.Lfunc_end0:
.L_simem_size_0:
called_computation_lowered:
.L_overlay_start_0:
0x88: {  	s2 =	sld [smem:$0x3FD9]  }
0x89: {  	s3 =	sld [smem:$0x3FFE];
	_ =	sdelay $0x1  }
0x8a: {  	s1 =	srdreg.scid  }
0x8b: {  	s0 =	sand.u32 $0x1, s1  }
0x8c: {  	s17 =	sshll.u32 s0, $0xA;
	s2 =	sadd.s32 s3, s2  }
0x8d: {  	s2 =	sadd.s32 s2, s17  }
0x8e: {  	[smem:$0x3FC2] =	sst s2  }
0x8f: {  	_ = 	snop  }
0x90: {  	s2 =	sld [smem:$0x3FD0];
	(tm) =	ssettm $0x1  }
0x91: {  	s18 =	sld [smem:$0x3FFB];
	_ =	sdelay $0x3  }
0x92: {  	_ =	strace s18  }
0x93: {  	s3 =	sld [smem:$0x3FFC];
	_ =	sdelay $0x3  }
0x94: {  	_ =	strace s3  }
0x95: {  	s3 =	sld [smem:$0x3FFD];
	_ =	sdelay $0x3  }
0x96: {  	_ =	strace s3  }
0x97: {  	_ =	strace $0x8FFFFFFF  }
0x98: {  	s19 =	sld [smem:$0x3FDB];
	_ =	sdelay $0x1  }
0x99: {  	s4 =	simm.s32 $_scs_section_size  }
0x9a: {  	s5 =	simm.s32 $_size__tile_overlayer_lowered;
	s6 =	simm.s32 $_tile_overlayer_lowered  }
0x9b: {  	s22 =	simm.s32 $0x1BFF;
	s21 =	sshll.u32 s6, $0x1;
	s3 =	sadd.s32 s4, s19  }
0x9c: {  	s7 =	simm.s32 $0x0;
	s20 =	sshll.u32 s5, $0x1;
	s5 =	sadd.s32 s21, s3  }
0x9d: {  	[timem:s7], [sflag:s22] =	dma.local [hbm:s5], s20  }
0x9e: {  	_ =	swait.ge [sflag:s22], s20  }
0x9f: {  	s4 =	ssub.s32 $0x0, s20;
	[sflag:s22] =	ssyncset.done $0x0  }
0xa0: {  	[sflag:s22] =	ssyncadd.s32 s4;
	_ =	sdelay $0x1  }
0xa1: {  	s23 =	simm.s32 $0x1B8B  }
0xa2: {  	_ =	swait.ge [sflag:s23], $0x1  }
0xa3: {  	[sflag:s23] =	ssyncset.done $0x0  }
0xa4: {  	s25 =	simm.s32 $0x1B8E;
	s24 =	sld [smem:$0x3FFE];
	[sflag:s23] =	ssyncadd.s32 $0xFFFFFFFF  }
0xa5: {  	s26 =	simm.s32 $execute0_lowered;
	[smem:$0x3FD2] =	sst s25  }
0xa6: {  	s5 =	sshll.u32 s26, $0x1;
	_ =	strace $0x80000046;
	[dreg:$0x1] =	wrdreg $0xFFFFFFFF  }
0xa7: {  	s28 =	simm.s32 $_size_execute0_lowered;
	s3 =	sadd.s32 s3, s5;
	[dreg:$0x0] =	wrdreg $0x0  }
0xa8: {  	s5 =	sshll.u32 s28, $0x1;
	[dreg:$0x2] =	wrdreg s3  }
0xa9: {  	[dreg:$0x3] =	wrdreg s5  }
0xaa: {  	[dreg:$0x4] =	wrdreg $0xC0  }
0xab: {  	_ =	task [dreg:s7], $0x5FFFF  }
0xac: {  	[dreg:$0x1] =	wrdreg $0xFFFFFFFF  }
0xad: {  	[dreg:$0x0] =	wrdreg $0x60  }
0xae: {  	[dreg:$0x2] =	wrdreg s24  }
0xaf: {  	[dreg:$0x3] =	wrdreg s2  }
0xb0: {  	[dreg:$0x4] =	wrdreg $0x7A800  }
0xb1: {  	[dreg:$0x5] =	wrdreg $0x9  }
0xb2: {  	_ =	task.clear_ibuf [dreg:s7], $0x6FFFF;
	_ =	strace $0x90000046  }
0xb3: {  	s29 =	simm.s32 $0x9;
	_ =	strace $0x80000048  }
0xb4: {  	_ =	swait.ge [sflag:s29], $0x1  }
0xb5: {  	[sflag:s29] =	ssyncadd.s32 $0xFFFFFFFF  }
0xb6: {  	_ =	strace $0x90000048  }
0xb7: {  	_ =	sfence  }
0xb8: {  	s30 =	sld [smem:$0x0];
	_ =	sdelay $0x2  }
0xb9: {  	s31 =	sshll.u32 s1, $0xD;
	s1 =	sshrl.u32 s1, $0x2  }
0xba: {  	s3 =	sand.u32 $0x4000, s31;
	s1 =	sadd.s32 s1, s30  }
0xbb: {  	s0 =	sor.u32 s3, s0;
	s1 =	sshll.u32 s1, $0x11  }
0xbc: {  	s0 =	sor.u32 s1, s0  }
0xbd: {  	s0 =	sadd.s32 $0x8F2B, s0  }
0xbe: {  	[sflag:s0] =	ssyncadd.remote.s32 $0x1  }
0xbf: {  	_ =	sfence.sel $0xFFFF  }
0xc0: {  	[dreg:$0x0] =	wrdreg $0xFFFFFFFF;
	(pc) =	sbr.abs _section_cstart, $3  }
0xc1: {  	[dreg:$0x1] =	wrdreg $0xFFFFFFFF  }
0xc2: {  	_ =	task.clear_ibuf [dreg:s7], $0x2FFFF;
	_ =	strace $0x9FFFFFFF  }
0xc3: {  	(tm) =	ssettm $0x7FFFFFFF  }
tec
execute0_lowered:
.L_overlay_start_1:
0x0: {  	(tag) =	ssettag $0x1  }
0x1: {  	s3 =	rddreg [dreg:$0x0]  }
0x2: {  	s0 =	srdreg.scid;
	s6 =	rddreg [dreg:$0x1]  }
0x3: {  	s5 =	rddreg [dreg:$0x2];
	s1 =	stileid.u32  }
0x4: {  	s2 =	simm.s32 $0x0;
	s12 =	simm.s32 $0x1400;
	s13 =	simm.s32 $0x14000  }
0x5: {  	s14 =	simm.s32 $0x5000;
	s15 =	simm.s32 $0x7800;
	s16 =	simm.s32 $0x0  }
0x6: {  	s4 =	sand.u32 $0x1, s0;
	s0 =	rddreg [dreg:$0x3];
	s29 =	smul.u32 $0x280, s1  }
0x7: {  	[smem:$0x7FF] =	sst s2;
	s8 =	sshrl.u32 s1, $0x3;
	s11 =	smul.u32 $0x5000, s1  }
0x8: {  	s30 =	sshll.u32 s1, $0x7;
	s7 =	sshll.u32 s4, $0x4;
	s8 =	smul.u32 $0x50000, s8  }
0x9: {  	s9 =	ssub.s32 $0x2, s4;
	s4 =	smul.u32 $0x2800, s4;
	s7 =	sor.u32 s1, s7  }
0xa: {  	_ =	strace $0x80000047;
	s10 =	sshrl.u32 s9, $0x1;
	s7 =	smul.u32 $0x2800, s7  }
0xb: {  	s31 =	sshrl.u32 s11, $0x2;
	s11 =	simm.s32 $0x400;
	s9 =	ssub.s32 s9, s10  }
0xc: {  	s8 =	sshrl.u32 s8, $0x2;
	s10 =	sand.u32 $0x380, s30;
	s7 =	sshrl.u32 s7, $0x3  }
0xd: {  	s8 =	sadd.s32 s8, s5;
	s5 =	sadd.s32 s31, s5;
	s3 =	sadd.s32 s3, s7  }
0xe: {  	s7 =	sadd.s32 s29, s4;
	s4 =	sadd.s32 s10, s8;
	s8 =	simm.s32 $0x1  }
0xf: {  	s10 =	simm.s32 $0x80;
	s3 =	sadd.s32 $0xD800, s3;
	s7 =	sshrl.u32 s7, $0x3  }
0x10: {  	v0 =	vimm.f32 $0.0e+00;
	v1 =	vimm.f32 $1.000000000e+00;
	vm0 =	vcmask $0x3F0C;
	s6 =	sadd.s32 s6, s7;
	s7 =	smax.u32 s9, $0x1;
	s9 =	simm.s32 $0x2800  }
.LBB2_1:
0x11: {  	[tilespmem:s2], [sflag:$0x1] =	stream.linear.gather [hbm4b:s3+s2], $0x2800, $0x38;
	[tilespmem:$0xA280] =	vst v63  }
0x12: {  	_ =	swait.ge [sflag:s8], $0x2800  }
0x13: {  	[sflag:s8] =	ssyncset.done $0x0  }
0x14: {  	s17 =	simm.s32 $0x0;
	[sflag:s8] =	ssyncadd.s32 $0xFFFFD800  }
.LBB2_2:
0x15: {  	p0 =	sne.s32 s17, $0x9FC0  }
.Ltmp0:
0x16: {  	_ = 	snop;
	(pc) =	sbr.rel @p0 .LBB2_2-.Ltmp0, $3  }
0x17: {  	_ =	sdelay $0x1  }
0x18: {  	s18 =	sshra.s32 s17, $0x2  }
0x19: {  	s17 =	sadd.s32 $0x40, s17;
	[tilespmem:s18+$0x2800] =	vst v0  }
0x1a: {  	s17 =	simm.s32 $0x0  }
.LBB2_4:
0x1b: {  	s18 =	sshra.s32 s17, $0x2  }
0x1c: {  	v2 =	vld [tilespmem:s18+$0x0];
	_ =	sdelay $0x7  }
0x1d: {  	[tilespmem:v2+s9+$0x0] =	vst.idx.add.f32.msk $0xffff, v1  }
0x1e: {  	v2 =	vld [tilespmem:s18+$0x10];
	_ =	sdelay $0x7  }
0x1f: {  	[tilespmem:v2+s9+$0x0] =	vst.idx.add.f32.msk $0xffff, v1  }
0x20: {  	v2 =	vld [tilespmem:s18+$0x20];
	_ =	sdelay $0x7  }
0x21: {  	[tilespmem:v2+s9+$0x0] =	vst.idx.add.f32.msk $0xffff, v1  }
0x22: {  	v2 =	vld [tilespmem:s18+$0x30];
	_ =	sdelay $0x7  }
0x23: {  	[tilespmem:v2+s9+$0x0] =	vst.idx.add.f32.msk $0xffff, v1  }
0x24: {  	v2 =	vld [tilespmem:s18+$0x40];
	_ =	sdelay $0x7  }
0x25: {  	[tilespmem:v2+s9+$0x0] =	vst.idx.add.f32.msk $0xffff, v1  }
0x26: {  	v2 =	vld [tilespmem:s18+$0x50];
	_ =	sdelay $0x7  }
0x27: {  	[tilespmem:v2+s9+$0x0] =	vst.idx.add.f32.msk $0xffff, v1  }
0x28: {  	v2 =	vld [tilespmem:s18+$0x60];
	_ =	sdelay $0x7  }
0x29: {  	[tilespmem:v2+s9+$0x0] =	vst.idx.add.f32.msk $0xffff, v1  }
0x2a: {  	v2 =	vld [tilespmem:s18+$0x6D];
	_ =	sdelay $0x2  }
0x2b: {  	p0 =	sne.s32 s17, $0x9E00  }
.Ltmp1:
0x2c: {  	_ = 	snop;
	(pc) =	sbr.rel @p0 .LBB2_4-.Ltmp1, $2  }
0x2d: {  	_ =	sdelay $0x2  }
0x2e: {  	s17 =	sadd.s32 $0x200, s17;
	[tilespmem:v2+s9+$0x0] =	vst.idx.add.f32.msk vm0, v1  }
0x2f: {  	[spmem:s4] =	stream.strided.scatter [tilespmem:s9], [sflag:$0x1], $0x2800, s11, s10, $0x38;
	[tilespmem:$0xA280] =	vst v63  }
0x30: {  	_ =	swait.ge [sflag:s8], $0x2800  }
0x31: {  	[sflag:s8] =	ssyncset.done $0x0  }
0x32: {  	[sflag:s8] =	ssyncadd.s32 $0xFFFFD800  }
0x33: {  	[bflag:$0x0] =	sbarrier.arrive $0xFFFF  }
0x34: {  	[tilespmem:s14], [sflag:$0x1] =	stream.strided.gather [spmem:s5], $0x2800, s13, s12, $0x38;
	[tilespmem:$0xA280] =	vst v63  }
0x35: {  	s17 =	simm.s32 $0x0;
	_ =	swait.ge [sflag:s8], $0x2800  }
0x36: {  	s18 =	sand.u32 $0x70, s17;
	s17 =	sand.u32 $0x1C00, s17;
	[sflag:s8] =	ssyncset.done $0x0  }
0x37: {  	s17 =	sor.u32 s18, s17;
	[sflag:s8] =	ssyncadd.s32 $0xFFFFD800  }
0x38: {  	v2 =	vld [tilespmem:s17+$0x5080]  }
0x39: {  	v3 =	vld [tilespmem:s17+$0x5000];
	_ =	sdelay $0x1  }
0x3a: {  	v4 =	vld [tilespmem:s17+$0x5100];
	_ =	sdelay $0x1  }
0x3b: {  	v5 =	vld [tilespmem:s17+$0x5180]  }
0x3c: {  	v2 =	vadd.f32 v2, v3  }
0x3d: {  	v3 =	vld [tilespmem:s17+$0x5200]  }
0x3e: {  	v2 =	vadd.f32 v4, v2  }
0x3f: {  	v56 =	vld [tilespmem:s17+$0x5280]  }
0x40: {  	v2 =	vadd.f32 v5, v2  }
0x41: {  	v57 =	vld [tilespmem:s17+$0x5300]  }
0x42: {  	v2 =	vadd.f32 v3, v2  }
0x43: {  	v3 =	vld [tilespmem:s17+$0x5380]  }
0x44: {  	v2 =	vadd.f32 v56, v2  }
0x45: {  	v58 =	vld [tilespmem:s17+$0x6400]  }
0x46: {  	v2 =	vadd.f32 v57, v2  }
0x47: {  	v59 =	vld [tilespmem:s17+$0x6480]  }
0x48: {  	v2 =	vadd.f32 v3, v2  }
0x49: {  	v3 =	vld [tilespmem:s17+$0x6500]  }
0x4a: {  	v2 =	vadd.f32 v58, v2  }
0x4b: {  	v60 =	vld [tilespmem:s17+$0x6580]  }
0x4c: {  	v2 =	vadd.f32 v59, v2  }
0x4d: {  	v61 =	vld [tilespmem:s17+$0x6600]  }
0x4e: {  	v2 =	vadd.f32 v3, v2  }
0x4f: {  	v3 =	vld [tilespmem:s17+$0x6680]  }
0x50: {  	v2 =	vadd.f32 v60, v2  }
0x51: {  	v62 =	vld [tilespmem:s17+$0x6700]  }
0x52: {  	v2 =	vadd.f32 v61, v2  }
0x53: {  	v63 =	vld [tilespmem:s17+$0x6780]  }
0x54: {  	v2 =	vadd.f32 v3, v2;
	_ =	sdelay $0x1  }
0x55: {  	v2 =	vadd.f32 v62, v2;
	_ =	sdelay $0x1  }
0x56: {  	s31 =	simm.s32 $0x10;
	s19 =	simm.s32 $0x80;
	v2 =	vadd.f32 v63, v2  }
0x57: {  	s20 =	sand.u32 $0x1C00, s19;
	s18 =	sand.u32 $0x70, s31;
	s17 =	simm.s32 $0x7800  }
0x58: {  	s18 =	sor.u32 s18, s20;
	s20 =	simm.s32 $0x20;
	[tilespmem:s17+$0x0] =	vst v2  }
.LBB2_6:
0x59: {  	p0 =	sne.s32 s20, $0x270;
	v2 =	vld [tilespmem:s18+$0x5080]  }
0x5a: {  	v3 =	vld [tilespmem:s18+$0x5000];
	_ =	sdelay $0x1  }
0x5b: {  	v4 =	vld [tilespmem:s18+$0x5100];
	_ =	sdelay $0x1  }
0x5c: {  	v5 =	vld [tilespmem:s18+$0x5180]  }
0x5d: {  	v2 =	vadd.f32 v2, v3  }
0x5e: {  	v3 =	vld [tilespmem:s18+$0x5200]  }
0x5f: {  	v2 =	vadd.f32 v4, v2  }
0x60: {  	v4 =	vld [tilespmem:s18+$0x5280]  }
0x61: {  	v2 =	vadd.f32 v5, v2  }
0x62: {  	v5 =	vld [tilespmem:s18+$0x5300]  }
0x63: {  	v2 =	vadd.f32 v3, v2  }
0x64: {  	v3 =	vld [tilespmem:s18+$0x5380]  }
0x65: {  	v2 =	vadd.f32 v4, v2  }
0x66: {  	v4 =	vld [tilespmem:s18+$0x6400]  }
0x67: {  	v2 =	vadd.f32 v5, v2  }
0x68: {  	v5 =	vld [tilespmem:s18+$0x6480]  }
0x69: {  	v2 =	vadd.f32 v3, v2  }
0x6a: {  	v3 =	vld [tilespmem:s18+$0x6500]  }
0x6b: {  	v2 =	vadd.f32 v4, v2  }
0x6c: {  	v4 =	vld [tilespmem:s18+$0x6580]  }
0x6d: {  	v2 =	vadd.f32 v5, v2  }
0x6e: {  	v5 =	vld [tilespmem:s18+$0x6600]  }
0x6f: {  	v2 =	vadd.f32 v3, v2  }
0x70: {  	v3 =	vld [tilespmem:s18+$0x6680]  }
0x71: {  	v2 =	vadd.f32 v4, v2  }
0x72: {  	v4 =	vld [tilespmem:s18+$0x6700]  }
0x73: {  	v2 =	vadd.f32 v5, v2  }
0x74: {  	v5 =	vld [tilespmem:s18+$0x6780]  }
0x75: {  	v2 =	vadd.f32 v3, v2;
	_ =	sdelay $0x1  }
.Ltmp2:
0x76: {  	v2 =	vadd.f32 v4, v2;
	(pc) =	sbr.rel @p0 .LBB2_6-.Ltmp2, $4  }
0x77: {  	_ = 	snop  }
0x78: {  	s19 =	sadd.s32 $0x80, s19;
	v2 =	vadd.f32 v5, v2  }
0x79: {  	s17 =	sadd.s32 $0x10, s17;
	s21 =	sand.u32 $0x1C00, s19;
	s18 =	sand.u32 $0x70, s20  }
0x7a: {  	s20 =	sadd.s32 $0x10, s20;
	s18 =	sor.u32 s18, s21;
	[tilespmem:s17+$0x0] =	vst v2  }
0x7b: {  	v2 =	vld [tilespmem:s18+$0x5080]  }
0x7c: {  	v3 =	vld [tilespmem:s18+$0x5000];
	_ =	sdelay $0x1  }
0x7d: {  	v4 =	vld [tilespmem:s18+$0x5100];
	_ =	sdelay $0x1  }
0x7e: {  	v5 =	vld [tilespmem:s18+$0x5180]  }
0x7f: {  	v2 =	vadd.f32 v2, v3  }
0x80: {  	v3 =	vld [tilespmem:s18+$0x5200]  }
0x81: {  	v2 =	vadd.f32 v4, v2  }
0x82: {  	v56 =	vld [tilespmem:s18+$0x5280]  }
0x83: {  	v2 =	vadd.f32 v5, v2  }
0x84: {  	v57 =	vld [tilespmem:s18+$0x5300]  }
0x85: {  	v2 =	vadd.f32 v3, v2  }
0x86: {  	v3 =	vld [tilespmem:s18+$0x5380]  }
0x87: {  	v2 =	vadd.f32 v56, v2  }
0x88: {  	v58 =	vld [tilespmem:s18+$0x6400]  }
0x89: {  	v2 =	vadd.f32 v57, v2  }
0x8a: {  	v59 =	vld [tilespmem:s18+$0x6480]  }
0x8b: {  	v2 =	vadd.f32 v3, v2  }
0x8c: {  	v3 =	vld [tilespmem:s18+$0x6500]  }
0x8d: {  	v2 =	vadd.f32 v58, v2  }
0x8e: {  	v60 =	vld [tilespmem:s18+$0x6580]  }
0x8f: {  	v2 =	vadd.f32 v59, v2  }
0x90: {  	v61 =	vld [tilespmem:s18+$0x6600]  }
0x91: {  	v2 =	vadd.f32 v3, v2  }
0x92: {  	v3 =	vld [tilespmem:s18+$0x6680]  }
0x93: {  	v2 =	vadd.f32 v60, v2  }
0x94: {  	v62 =	vld [tilespmem:s18+$0x6700]  }
0x95: {  	v2 =	vadd.f32 v61, v2  }
0x96: {  	v63 =	vld [tilespmem:s18+$0x6780]  }
0x97: {  	v2 =	vadd.f32 v3, v2;
	_ =	sdelay $0x1  }
0x98: {  	v2 =	vadd.f32 v62, v2;
	_ =	sdelay $0x1  }
0x99: {  	s16 =	sadd.s32 $0x1, s16;
	v2 =	vadd.f32 v63, v2  }
0x9a: {  	s17 =	sadd.s32 $0x10, s17;
	p0 =	sne.s32 s16, s7  }
.Ltmp3:
0x9b: {  	[tilespmem:s17+$0x0] =	vst v2;
	(pc) =	sbr.rel @p0 .LBB2_1-.Ltmp3, $4  }
0x9c: {  	[hbm4b:s6+s2] =	stream.linear.scatter [tilespmem:s15], [sflag:$0x1], $0x280, $0x38;
	[tilespmem:$0xA280] =	vst v63  }
0x9d: {  	_ =	swait.ge [sflag:s8], $0x280  }
0x9e: {  	[sflag:s8] =	ssyncset.done $0x0  }
0x9f: {  	[sflag:s8] =	ssyncadd.s32 $0xFFFFFD80  }
0xa0: {  	_ =	sfence.sel $0x180000  }
0xa1: {  	[bflag:$0x0] =	sbarrier.arrive $0xFFFF  }
0xa2: {  	p0 =	sne.s32 s1, $0x0;
	_ =	strace $0x90000047  }
0xa3: {  	s0 =	sadd.s32 @!p0 $0x100000, s0;
	[bflag:$0x2] =	sbarrier.arrive $0xFFFF  }
0xa4: {  	[sflag:s0] =	ssyncadd.tile.s32 @!p0 $0x1;
	_ =	shalt  }
.Lfunc_end2:
_tile_overlayer_lowered:
.L_overlay_start_2:
0xa5: {  	(tag) =	ssettag $0x2  }
0xa6: {  	s0 =	rddreg [dreg:$0x0];
	s2 =	stileid.u32  }
0xa7: {  	s1 =	rddreg [dreg:$0x1];
	p0 =	sne.s32 s2, $0x0  }
0xa8: {  	s3 =	rddreg [dreg:$0x2];
	[bflag:$0x3] =	sbarrier.arrive $0xFFFF;
	s2 =	simm.s32 @!p0 $0x1C01  }
0xa9: {  	[timem:s3], [sflag:s2] =	dma.local @!p0 [hbm:s0], s1  }
0xaa: {  	s0 =	simm.s32 @!p0 $0x1  }
0xab: {  	_ =	swait.ge @!p0 [sflag:s0], s1  }
0xac: {  	s1 =	ssub.s32 @!p0 $0x0, s1;
	[sflag:s0] =	ssyncset.done @!p0 $0x0  }
0xad: {  	[sflag:s0] =	ssyncadd.s32 @!p0 s1  }
0xae: {  	[bflag:$0x3] =	sbarrier.arrive $0xFFFF  }
0xaf: {  	_ =	shalt  }

</sc_bundles>
